<compile_context>
chip_gen: v7x
topology: tpu7x:2x2x1
jax: 0.10.2.dev20260603
libtpu: 0.0.44.dev20260713+nightly
codegen_flags: <defaults>
</compile_context>

<pallas_src>
import functools

import jax
import jax.numpy as jnp
from jax import lax
from jax.experimental import pallas as pl
from jax.experimental.pallas import tpu as pltpu
from jax.experimental.pallas import tpu_sc as plsc

_N_ITEMS = 4096
_D = 64
_EPS = 1e-12

_NC = 2
_NS = 16
_L = 16
_NW = _NC * _NS
_BPW = _N_ITEMS // _NW
_GROUPS = _BPW // _L
_HALF = _GROUPS // 2
_UNROLL = 8


def _fast_rsqrt(x):
    i = plsc.bitcast(x, jnp.int32)
    i = jnp.int32(0x5F3759DF) - lax.shift_right_arithmetic(i, 1)
    y = plsc.bitcast(i, jnp.float32)
    for _ in range(3):
        y = y * (jnp.float32(1.5) - jnp.float32(0.5) * x * y * y)
    return y


@functools.partial(
    pl.kernel,
    out_type=jax.ShapeDtypeStruct((_N_ITEMS,), jnp.float32),
    mesh=plsc.VectorSubcoreMesh(core_axis_name="c", subcore_axis_name="s"),
    compiler_params=pltpu.CompilerParams(needs_layout_passes=False),
    scratch_types=[
        pltpu.VMEM((_BPW + _L,), jnp.int32),
        pltpu.VMEM((_L,), jnp.int32),
        pltpu.VMEM((_BPW, _D), jnp.float32),
        pltpu.VMEM((1, _D), jnp.float32),
        pltpu.VMEM((_D,), jnp.float32),
        pltpu.VMEM((_BPW,), jnp.float32),
        pltpu.SemaphoreType.DMA,
        pltpu.SemaphoreType.DMA,
        pltpu.SemaphoreType.DMA,
    ],
)
def _match_sc(ids, user_table, item_table, out,
              idx_v, uid_v, rows_v, u_row, u_ref, out_v, sem_a, sem_b, sem_u):
    wid = lax.axis_index("s") * _NC + lax.axis_index("c")
    base = wid * _BPW

    pltpu.async_copy(ids.at[pl.ds(base, _BPW)], idx_v.at[pl.ds(0, _BPW)],
                     sem_u)
    pltpu.async_copy(ids.at[pl.ds(base + _BPW, 1)], idx_v.at[pl.ds(_BPW, 1)],
                     sem_u)
    pltpu.async_copy(ids.at[pl.ds(0, _L)], uid_v, sem_u)
    pltpu.make_async_copy(ids.at[pl.ds(0, _BPW)], idx_v.at[pl.ds(0, _BPW)],
                          sem_u).wait()
    pltpu.make_async_copy(ids.at[pl.ds(0, 1)], idx_v.at[pl.ds(_BPW, 1)],
                          sem_u).wait()
    pltpu.make_async_copy(ids.at[pl.ds(0, _L)], uid_v, sem_u).wait()

    uid_vec = uid_v[pl.ds(0, _L)]
    pltpu.async_copy(user_table.at[pl.ds(uid_vec[0], 1), :], u_row, sem_u)

    iota = lax.iota(jnp.int32, _L)
    for k in range(_GROUPS):
        vec = plsc.load_gather(idx_v, [iota + jnp.int32(1 + k * _L)])
        sem = sem_a if k < _HALF else sem_b
        for lane in range(_L):
            j = k * _L + lane
            pltpu.async_copy(
                item_table.at[pl.ds(vec[lane], 1), :],
                rows_v.at[pl.ds(j, 1), :], sem)

    pltpu.make_async_copy(user_table.at[pl.ds(0, 1), :], u_row, sem_u).wait()
    uk = [u_row[0, pl.ds(k * _L, _L)] for k in range(_D // _L)]
    s = uk[0] * uk[0] + uk[1] * uk[1] + uk[2] * uk[2] + uk[3] * uk[3]
    for shift in (8, 4, 2, 1):
        u_ref[pl.ds(0, _L)] = s
        s = s + plsc.load_gather(u_ref, [lax.bitwise_xor(iota, jnp.int32(shift))])
    inv_u = _fast_rsqrt(jnp.maximum(s, jnp.float32(_EPS)))
    for k in range(_D // _L):
        u_ref[pl.ds(k * _L, _L)] = uk[k] * inv_u

    zero = jnp.zeros((_L,), jnp.float32)
    nrows_half = _HALF * _L
    nsteps = _D // _UNROLL

    for h, sem in ((0, sem_a), (1, sem_b)):
        pltpu.make_async_copy(
            item_table.at[pl.ds(0, nrows_half), :],
            rows_v.at[pl.ds(h * nrows_half, nrows_half), :],
            sem).wait()

        lanes = [iota + jnp.int32((h * _HALF + i) * _L) for i in range(_HALF)]
        dsplat0 = jnp.zeros((_L,), jnp.int32)

        def body(t, carry, lanes=lanes):
            accs = list(carry[:2 * _HALF])
            dsplat = carry[-1]
            for c in range(_UNROLL):
                d_c = dsplat + jnp.int32(c)
                u_d = plsc.load_gather(u_ref, [d_c])
                for i in range(_HALF):
                    v = plsc.load_gather(rows_v, [lanes[i], d_c])
                    accs[i] = accs[i] + v * u_d
                    accs[_HALF + i] = accs[_HALF + i] + v * v
            return tuple(accs) + (dsplat + jnp.int32(_UNROLL),)

        init = tuple([zero] * (2 * _HALF)) + (dsplat0,)
        carry = lax.fori_loop(0, nsteps, body, init)

        for i in range(_HALF):
            g = h * _HALF + i
            dot, ssq = carry[i], carry[_HALF + i]
            sim = dot * _fast_rsqrt(jnp.maximum(ssq, jnp.float32(_EPS)))
            out_v[pl.ds(g * _L, _L)] = sim

    pltpu.sync_copy(out_v, out.at[pl.ds(base, _BPW)])


def kernel(inputs, user_table, item_table):
    sim = _match_sc(inputs.astype(jnp.int32), user_table, item_table)
    return sim.reshape(_N_ITEMS, 1)

# --- scband reference (transcript-rebuilt; emitter-appended) ---
"""Pipeline reference for scband-match-model-12043088298442 (READ-ONLY COPY).

The authoritative reference and input builder live on the scoring server;
editing this copy changes nothing except your own understanding.
"""

import jax, jax.numpy as jnp
import numpy as np

VOCAB = 100000
EMBED_DIM = 64
N_ITEMS = 4096


def _l2_normalize(x, axis=-1, eps=1e-12):
    # matches tf.nn.l2_normalize used by keras Dot(normalize=True)
    sq = jnp.sum(jnp.square(x), axis=axis, keepdims=True)
    return x * jax.lax.rsqrt(jnp.maximum(sq, eps))


def setup_inputs(seed: int = 0) -> dict:
    key = jax.random.key(seed)
    k1, k2, k3 = jax.random.split(key, 3)
    inputs = jax.random.randint(k1, (N_ITEMS + 1,), 0, VOCAB, dtype=jnp.int64 if jax.config.jax_enable_x64 else jnp.int32)
    user_table = jax.random.normal(k2, (VOCAB, EMBED_DIM), dtype=jnp.float32) * 0.05
    item_table = jax.random.normal(k3, (VOCAB, EMBED_DIM), dtype=jnp.float32) * 0.05
    return {"inputs": inputs, "user_table": user_table, "item_table": item_table}


def reference(inputs, user_table, item_table):
    n = inputs.shape[0] - 1
    # tmp_user_input = [inputs[0]] * n ; reshape to [n]
    user_ids = jnp.broadcast_to(inputs[0], (n,))
    item_ids = inputs[1:]
    # embedding lookups (gather) + flatten
    user_emb = jnp.take(user_table, user_ids, axis=0)          # [n, d]
    item_emb = jnp.take(item_table, item_ids, axis=0)          # [n, d]
    # Dot(axes=1, normalize=True): cosine similarity per row -> [n, 1]
    u = _l2_normalize(user_emb, axis=1)
    v = _l2_normalize(item_emb, axis=1)
    sim = jnp.sum(u * v, axis=1, keepdims=True)
    return sim

if __name__ == "__main__":
    import jax
    _d = setup_inputs()
    print(jax.jit(kernel)(*tuple(_d.values())))

</pallas_src>

<mosaic_0001>
#map = affine_map<(d0, d1) -> (0)>
#map1 = affine_map<(d0, d1) -> (0, 0)>
module attributes {stable_mosaic.version = 14 : i64} {
  func.func @_match_sc(%arg0: i32, %arg1: i32, %arg2: memref<4097xi32, #tpu.memory_space<hbm>>, %arg3: memref<100000x64xf32, #tpu.memory_space<hbm>>, %arg4: memref<100000x64xf32, #tpu.memory_space<hbm>>, %arg5: memref<4096xf32, #tpu.memory_space<hbm>>, %arg6: memref<144xi32, #tpu.memory_space<vmem>>, %arg7: memref<16xi32, #tpu.memory_space<vmem>>, %arg8: memref<128x64xf32, #tpu.memory_space<vmem>>, %arg9: memref<1x64xf32, #tpu.memory_space<vmem>>, %arg10: memref<64xf32, #tpu.memory_space<vmem>>, %arg11: memref<128xf32, #tpu.memory_space<vmem>>, %arg12: memref<!tpu.dma_semaphore, #tpu.memory_space<semaphore_mem>>, %arg13: memref<!tpu.dma_semaphore, #tpu.memory_space<semaphore_mem>>, %arg14: memref<!tpu.dma_semaphore, #tpu.memory_space<semaphore_mem>>) attributes {dimension_semantics = [#tpu.dimension_semantics<core_parallel>, #tpu.dimension_semantics<subcore_parallel>], iteration_bounds = array<i64: 2, 16>, scalar_prefetch = 0 : i64, scratch_operands = 9 : i64, tpu.core_type = #tpu.core_type<sc_vector_subcore>, window_params = [{transform_indices = #map}, {transform_indices = #map1}, {transform_indices = #map1}, {transform_indices = #map}]} {
    %mul3A = arith.constant 2 : i32
    %mul3A_0 = arith.muli %arg1, %mul3A : i32
    %add3A = arith.addi %mul3A_0, %arg0 : i32
    %mul3A_1 = arith.constant 128 : i32
    %mul3A_2 = arith.muli %add3A, %mul3A_1 : i32
    %dma_start3A = arith.constant 0 : i32
    %dma_start3A_3 = tpu.memref_slice %arg6[%dma_start3A] : memref<144xi32, #tpu.memory_space<vmem>> -> memref<128xi32, #tpu.memory_space<vmem>>
    %dma_start3A_4 = tpu.memref_slice %arg2[%mul3A_2] : memref<4097xi32, #tpu.memory_space<hbm>> -> memref<128xi32, #tpu.memory_space<hbm>>
    %dma_start3A_5 = arith.constant 0 : i32
    %dma_start3A_6 = tpu.memref_slice %arg6[%dma_start3A_5] : memref<144xi32, #tpu.memory_space<vmem>> -> memref<128xi32, #tpu.memory_space<vmem>>
    %dma_start3A_7 = tpu.memref_slice %arg2[%mul3A_2] : memref<4097xi32, #tpu.memory_space<hbm>> -> memref<128xi32, #tpu.memory_space<hbm>>
    tpu.enqueue_dma source(%dma_start3A_7 : memref<128xi32, #tpu.memory_space<hbm>>) target(%dma_start3A_6 : memref<128xi32, #tpu.memory_space<vmem>>) target_semaphore(%arg14 : memref<!tpu.dma_semaphore, #tpu.memory_space<semaphore_mem>>)
    %add3A_8 = arith.constant 128 : i32
    %add3A_9 = arith.addi %mul3A_2, %add3A_8 : i32
    %dma_start3A_10 = arith.constant 128 : i32
    %dma_start3A_11 = tpu.memref_slice %arg6[%dma_start3A_10] : memref<144xi32, #tpu.memory_space<vmem>> -> memref<1xi32, #tpu.memory_space<vmem>>
    %dma_start3A_12 = tpu.memref_slice %arg2[%add3A_9] : memref<4097xi32, #tpu.memory_space<hbm>> -> memref<1xi32, #tpu.memory_space<hbm>>
    %dma_start3A_13 = arith.constant 128 : i32
    %dma_start3A_14 = tpu.memref_slice %arg6[%dma_start3A_13] : memref<144xi32, #tpu.memory_space<vmem>> -> memref<1xi32, #tpu.memory_space<vmem>>
    %dma_start3A_15 = tpu.memref_slice %arg2[%add3A_9] : memref<4097xi32, #tpu.memory_space<hbm>> -> memref<1xi32, #tpu.memory_space<hbm>>
    tpu.enqueue_dma source(%dma_start3A_15 : memref<1xi32, #tpu.memory_space<hbm>>) target(%dma_start3A_14 : memref<1xi32, #tpu.memory_space<vmem>>) target_semaphore(%arg14 : memref<!tpu.dma_semaphore, #tpu.memory_space<semaphore_mem>>)
    %dma_start3A_16 = arith.constant 0 : i32
    %dma_start3A_17 = tpu.memref_slice %arg2[%dma_start3A_16] : memref<4097xi32, #tpu.memory_space<hbm>> -> memref<16xi32, #tpu.memory_space<hbm>>
    %dma_start3A_18 = arith.constant 0 : i32
    %dma_start3A_19 = tpu.memref_slice %arg2[%dma_start3A_18] : memref<4097xi32, #tpu.memory_space<hbm>> -> memref<16xi32, #tpu.memory_space<hbm>>
    tpu.enqueue_dma source(%dma_start3A_19 : memref<16xi32, #tpu.memory_space<hbm>>) target(%arg7 : memref<16xi32, #tpu.memory_space<vmem>>) target_semaphore(%arg14 : memref<!tpu.dma_semaphore, #tpu.memory_space<semaphore_mem>>)
    %dma_wait3A = arith.constant 0 : i32
    %dma_wait3A_20 = tpu.memref_slice %arg6[%dma_wait3A] : memref<144xi32, #tpu.memory_space<vmem>> -> memref<128xi32, #tpu.memory_space<vmem>>
    %dma_wait3A_21 = arith.constant 0 : i32
    %dma_wait3A_22 = tpu.memref_slice %arg2[%dma_wait3A_21] : memref<4097xi32, #tpu.memory_space<hbm>> -> memref<128xi32, #tpu.memory_space<hbm>>
    %dma_wait3A_23 = arith.constant 0 : i32
    %dma_wait3A_24 = tpu.memref_slice %arg6[%dma_wait3A_23] : memref<144xi32, #tpu.memory_space<vmem>> -> memref<128xi32, #tpu.memory_space<vmem>>
    %dma_wait3A_25 = arith.constant 0 : i32
    %dma_wait3A_26 = tpu.memref_slice %arg2[%dma_wait3A_25] : memref<4097xi32, #tpu.memory_space<hbm>> -> memref<128xi32, #tpu.memory_space<hbm>>
    tpu.wait_dma2 semaphore(%arg14 : memref<!tpu.dma_semaphore, #tpu.memory_space<semaphore_mem>>) src(%dma_wait3A_26 : memref<128xi32, #tpu.memory_space<hbm>>) dst(%dma_wait3A_24 : memref<128xi32, #tpu.memory_space<vmem>>)
    %dma_wait3A_27 = arith.constant 128 : i32
    %dma_wait3A_28 = tpu.memref_slice %arg6[%dma_wait3A_27] : memref<144xi32, #tpu.memory_space<vmem>> -> memref<1xi32, #tpu.memory_space<vmem>>
    %dma_wait3A_29 = arith.constant 0 : i32
    %dma_wait3A_30 = tpu.memref_slice %arg2[%dma_wait3A_29] : memref<4097xi32, #tpu.memory_space<hbm>> -> memref<1xi32, #tpu.memory_space<hbm>>
    %dma_wait3A_31 = arith.constant 128 : i32
    %dma_wait3A_32 = tpu.memref_slice %arg6[%dma_wait3A_31] : memref<144xi32, #tpu.memory_space<vmem>> -> memref<1xi32, #tpu.memory_space<vmem>>
    %dma_wait3A_33 = arith.constant 0 : i32
    %dma_wait3A_34 = tpu.memref_slice %arg2[%dma_wait3A_33] : memref<4097xi32, #tpu.memory_space<hbm>> -> memref<1xi32, #tpu.memory_space<hbm>>
    tpu.wait_dma2 semaphore(%arg14 : memref<!tpu.dma_semaphore, #tpu.memory_space<semaphore_mem>>) src(%dma_wait3A_34 : memref<1xi32, #tpu.memory_space<hbm>>) dst(%dma_wait3A_32 : memref<1xi32, #tpu.memory_space<vmem>>)
    %dma_wait3A_35 = arith.constant 0 : i32
    %dma_wait3A_36 = tpu.memref_slice %arg2[%dma_wait3A_35] : memref<4097xi32, #tpu.memory_space<hbm>> -> memref<16xi32, #tpu.memory_space<hbm>>
    %dma_wait3A_37 = arith.constant 0 : i32
    %dma_wait3A_38 = tpu.memref_slice %arg2[%dma_wait3A_37] : memref<4097xi32, #tpu.memory_space<hbm>> -> memref<16xi32, #tpu.memory_space<hbm>>
    tpu.wait_dma2 semaphore(%arg14 : memref<!tpu.dma_semaphore, #tpu.memory_space<semaphore_mem>>) src(%dma_wait3A_38 : memref<16xi32, #tpu.memory_space<hbm>>) dst(%arg7 : memref<16xi32, #tpu.memory_space<vmem>>)
    %get3A = arith.constant 0 : index
    %get3A_39 = tpu.vector_load %arg7[%get3A] {strides = array<i32>} : memref<16xi32, #tpu.memory_space<vmem>>, vector<16xi32>,
    %slice3A = vector.extract_strided_slice %get3A_39 {offsets = [0], sizes = [1], strides = [1]} : vector<16xi32> to vector<1xi32>
    %squeeze3A = vector.extract %slice3A[0] : i32 from vector<1xi32>
    %dma_start3A_40 = arith.constant 0 : i32
    %dma_start3A_41 = tpu.memref_slice %arg3[%squeeze3A, %dma_start3A_40] : memref<100000x64xf32, #tpu.memory_space<hbm>> -> memref<1x64xf32, #tpu.memory_space<hbm>>
    %dma_start3A_42 = arith.constant 0 : i32
    %dma_start3A_43 = tpu.memref_slice %arg3[%squeeze3A, %dma_start3A_42] : memref<100000x64xf32, #tpu.memory_space<hbm>> -> memref<1x64xf32, #tpu.memory_space<hbm>>
    tpu.enqueue_dma source(%dma_start3A_43 : memref<1x64xf32, #tpu.memory_space<hbm>>) target(%arg9 : memref<1x64xf32, #tpu.memory_space<vmem>>) target_semaphore(%arg14 : memref<!tpu.dma_semaphore, #tpu.memory_space<semaphore_mem>>)
    %iota3A = tpu.iota {dimensions = array<i32: 0>} : vector<16xi32>
    %add3A_44 = arith.constant 1 : i32
    %add3A_45 = vector.broadcast %add3A_44 : i32 to vector<16xi32>
    %add3A_46 = arith.addi %iota3A, %add3A_45 : vector<16xi32>
    %gather3A = tpu.vector_load_idx %arg6[%add3A_46] : memref<144xi32, #tpu.memory_space<vmem>>[vector<16xi32>], vector<16xi32>,
    %slice3A_47 = vector.extract_strided_slice %gather3A {offsets = [0], sizes = [1], strides = [1]} : vector<16xi32> to vector<1xi32>
    %squeeze3A_48 = vector.extract %slice3A_47[0] : i32 from vector<1xi32>
    %dma_start3A_49 = arith.constant 0 : i32
    %dma_start3A_50 = arith.constant 0 : i32
    %dma_start3A_51 = tpu.memref_slice %arg8[%dma_start3A_49, %dma_start3A_50] : memref<128x64xf32, #tpu.memory_space<vmem>> -> memref<1x64xf32, #tpu.memory_space<vmem>>
    %dma_start3A_52 = arith.constant 0 : i32
    %dma_start3A_53 = tpu.memref_slice %arg4[%squeeze3A_48, %dma_start3A_52] : memref<100000x64xf32, #tpu.memory_space<hbm>> -> memref<1x64xf32, #tpu.memory_space<hbm>>
    %dma_start3A_54 = arith.constant 0 : i32
    %dma_start3A_55 = arith.constant 0 : i32
    %dma_start3A_56 = tpu.memref_slice %arg8[%dma_start3A_54, %dma_start3A_55] : memref<128x64xf32, #tpu.memory_space<vmem>> -> memref<1x64xf32, #tpu.memory_space<vmem>>
    %dma_start3A_57 = arith.constant 0 : i32
    %dma_start3A_58 = tpu.memref_slice %arg4[%squeeze3A_48, %dma_start3A_57] : memref<100000x64xf32, #tpu.memory_space<hbm>> -> memref<1x64xf32, #tpu.memory_space<hbm>>
    tpu.enqueue_dma source(%dma_start3A_58 : memref<1x64xf32, #tpu.memory_space<hbm>>) target(%dma_start3A_56 : memref<1x64xf32, #tpu.memory_space<vmem>>) target_semaphore(%arg12 : memref<!tpu.dma_semaphore, #tpu.memory_space<semaphore_mem>>)
    %slice3A_59 = vector.extract_strided_slice %gather3A {offsets = [1], sizes = [1], strides = [1]} : vector<16xi32> to vector<1xi32>
    %squeeze3A_60 = vector.extract %slice3A_59[0] : i32 from vector<1xi32>
    %dma_start3A_61 = arith.constant 1 : i32
    %dma_start3A_62 = arith.constant 0 : i32
    %dma_start3A_63 = tpu.memref_slice %arg8[%dma_start3A_61, %dma_start3A_62] : memref<128x64xf32, #tpu.memory_space<vmem>> -> memref<1x64xf32, #tpu.memory_space<vmem>>
    %dma_start3A_64 = arith.constant 0 : i32
    %dma_start3A_65 = tpu.memref_slice %arg4[%squeeze3A_60, %dma_start3A_64] : memref<100000x64xf32, #tpu.memory_space<hbm>> -> memref<1x64xf32, #tpu.memory_space<hbm>>
    %dma_start3A_66 = arith.constant 1 : i32
    %dma_start3A_67 = arith.constant 0 : i32
    %dma_start3A_68 = tpu.memref_slice %arg8[%dma_start3A_66, %dma_start3A_67] : memref<128x64xf32, #tpu.memory_space<vmem>> -> memref<1x64xf32, #tpu.memory_space<vmem>>
    %dma_start3A_69 = arith.constant 0 : i32
    %dma_start3A_70 = tpu.memref_slice %arg4[%squeeze3A_60, %dma_start3A_69] : memref<100000x64xf32, #tpu.memory_space<hbm>> -> memref<1x64xf32, #tpu.memory_space<hbm>>
    tpu.enqueue_dma source(%dma_start3A_70 : memref<1x64xf32, #tpu.memory_space<hbm>>) target(%dma_start3A_68 : memref<1x64xf32, #tpu.memory_space<vmem>>) target_semaphore(%arg12 : memref<!tpu.dma_semaphore, #tpu.memory_space<semaphore_mem>>)
    %slice3A_71 = vector.extract_strided_slice %gather3A {offsets = [2], sizes = [1], strides = [1]} : vector<16xi32> to vector<1xi32>
    %squeeze3A_72 = vector.extract %slice3A_71[0] : i32 from vector<1xi32>
    %dma_start3A_73 = arith.constant 2 : i32
    %dma_start3A_74 = arith.constant 0 : i32
    %dma_start3A_75 = tpu.memref_slice %arg8[%dma_start3A_73, %dma_start3A_74] : memref<128x64xf32, #tpu.memory_space<vmem>> -> memref<1x64xf32, #tpu.memory_space<vmem>>
    %dma_start3A_76 = arith.constant 0 : i32
    %dma_start3A_77 = tpu.memref_slice %arg4[%squeeze3A_72, %dma_start3A_76] : memref<100000x64xf32, #tpu.memory_space<hbm>> -> memref<1x64xf32, #tpu.memory_space<hbm>>
    %dma_start3A_78 = arith.constant 2 : i32
    %dma_start3A_79 = arith.constant 0 : i32
    %dma_start3A_80 = tpu.memref_slice %arg8[%dma_start3A_78, %dma_start3A_79] : memref<128x64xf32, #tpu.memory_space<vmem>> -> memref<1x64xf32, #tpu.memory_space<vmem>>
    %dma_start3A_81 = arith.constant 0 : i32
    %dma_start3A_82 = tpu.memref_slice %arg4[%squeeze3A_72, %dma_start3A_81] : memref<100000x64xf32, #tpu.memory_space<hbm>> -> memref<1x64xf32, #tpu.memory_space<hbm>>
    tpu.enqueue_dma source(%dma_start3A_82 : memref<1x64xf32, #tpu.memory_space<hbm>>) target(%dma_start3A_80 : memref<1x64xf32, #tpu.memory_space<vmem>>) target_semaphore(%arg12 : memref<!tpu.dma_semaphore, #tpu.memory_space<semaphore_mem>>)
    %slice3A_83 = vector.extract_strided_slice %gather3A {offsets = [3], sizes = [1], strides = [1]} : vector<16xi32> to vector<1xi32>
    %squeeze3A_84 = vector.extract %slice3A_83[0] : i32 from vector<1xi32>
    %dma_start3A_85 = arith.constant 3 : i32
    %dma_start3A_86 = arith.constant 0 : i32
    %dma_start3A_87 = tpu.memref_slice %arg8[%dma_start3A_85, %dma_start3A_86] : memref<128x64xf32, #tpu.memory_space<vmem>> -> memref<1x64xf32, #tpu.memory_space<vmem>>
    %dma_start3A_88 = arith.constant 0 : i32
    %dma_start3A_89 = tpu.memref_slice %arg4[%squeeze3A_84, %dma_start3A_88] : memref<100000x64xf32, #tpu.memory_space<hbm>> -> memref<1x64xf32, #tpu.memory_space<hbm>>
    %dma_start3A_90 = arith.constant 3 : i32
    %dma_start3A_91 = arith.constant 0 : i32
    %dma_start3A_92 = tpu.memref_slice %arg8[%dma_start3A_90, %dma_start3A_91] : memref<128x64xf32, #tpu.memory_space<vmem>> -> memref<1x64xf32, #tpu.memory_space<vmem>>
    %dma_start3A_93 = arith.constant 0 : i32
    %dma_start3A_94 = tpu.memref_slice %arg4[%squeeze3A_84, %dma_start3A_93] : memref<100000x64xf32, #tpu.memory_space<hbm>> -> memref<1x64xf32, #tpu.memory_space<hbm>>
    tpu.enqueue_dma source(%dma_start3A_94 : memref<1x64xf32, #tpu.memory_space<hbm>>) target(%dma_start3A_92 : memref<1x64xf32, #tpu.memory_space<vmem>>) target_semaphore(%arg12 : memref<!tpu.dma_semaphore, #tpu.memory_space<semaphore_mem>>)
    %slice3A_95 = vector.extract_strided_slice %gather3A {offsets = [4], sizes = [1], strides = [1]} : vector<16xi32> to vector<1xi32>
    %squeeze3A_96 = vector.extract %slice3A_95[0] : i32 from vector<1xi32>
    %dma_start3A_97 = arith.constant 4 : i32
    %dma_start3A_98 = arith.constant 0 : i32
    %dma_start3A_99 = tpu.memref_slice %arg8[%dma_start3A_97, %dma_start3A_98] : memref<128x64xf32, #tpu.memory_space<vmem>> -> memref<1x64xf32, #tpu.memory_space<vmem>>
    %dma_start3A_100 = arith.constant 0 : i32
    %dma_start3A_101 = tpu.memref_slice %arg4[%squeeze3A_96, %dma_start3A_100] : memref<100000x64xf32, #tpu.memory_space<hbm>> -> memref<1x64xf32, #tpu.memory_space<hbm>>
    %dma_start3A_102 = arith.constant 4 : i32
    %dma_start3A_103 = arith.constant 0 : i32
    %dma_start3A_104 = tpu.memref_slice %arg8[%dma_start3A_102, %dma_start3A_103] : memref<128x64xf32, #tpu.memory_space<vmem>> -> memref<1x64xf32, #tpu.memory_space<vmem>>
    %dma_start3A_105 = arith.constant 0 : i32
    %dma_start3A_106 = tpu.memref_slice %arg4[%squeeze3A_96, %dma_start3A_105] : memref<100000x64xf32, #tpu.memory_space<hbm>> -> memref<1x64xf32, #tpu.memory_space<hbm>>
    tpu.enqueue_dma source(%dma_start3A_106 : memref<1x64xf32, #tpu.memory_space<hbm>>) target(%dma_start3A_104 : memref<1x64xf32, #tpu.memory_space<vmem>>) target_semaphore(%arg12 : memref<!tpu.dma_semaphore, #tpu.memory_space<semaphore_mem>>)
    %slice3A_107 = vector.extract_strided_slice %gather3A {offsets = [5], sizes = [1], strides = [1]} : vector<16xi32> to vector<1xi32>
    %squeeze3A_108 = vector.extract %slice3A_107[0] : i32 from vector<1xi32>
    %dma_start3A_109 = arith.constant 5 : i32
    %dma_start3A_110 = arith.constant 0 : i32
    %dma_start3A_111 = tpu.memref_slice %arg8[%dma_start3A_109, %dma_start3A_110] : memref<128x64xf32, #tpu.memory_space<vmem>> -> memref<1x64xf32, #tpu.memory_space<vmem>>
    %dma_start3A_112 = arith.constant 0 : i32
    %dma_start3A_113 = tpu.memref_slice %arg4[%squeeze3A_108, %dma_start3A_112] : memref<100000x64xf32, #tpu.memory_space<hbm>> -> memref<1x64xf32, #tpu.memory_space<hbm>>
    %dma_start3A_114 = arith.constant 5 : i32
    %dma_start3A_115 = arith.constant 0 : i32
    %dma_start3A_116 = tpu.memref_slice %arg8[%dma_start3A_114, %dma_start3A_115] : memref<128x64xf32, #tpu.memory_space<vmem>> -> memref<1x64xf32, #tpu.memory_space<vmem>>
    %dma_start3A_117 = arith.constant 0 : i32
    %dma_start3A_118 = tpu.memref_slice %arg4[%squeeze3A_108, %dma_start3A_117] : memref<100000x64xf32, #tpu.memory_space<hbm>> -> memref<1x64xf32, #tpu.memory_space<hbm>>
    tpu.enqueue_dma source(%dma_start3A_118 : memref<1x64xf32, #tpu.memory_space<hbm>>) target(%dma_start3A_116 : memref<1x64xf32, #tpu.memory_space<vmem>>) target_semaphore(%arg12 : memref<!tpu.dma_semaphore, #tpu.memory_space<semaphore_mem>>)
    %slice3A_119 = vector.extract_strided_slice %gather3A {offsets = [6], sizes = [1], strides = [1]} : vector<16xi32> to vector<1xi32>
    %squeeze3A_120 = vector.extract %slice3A_119[0] : i32 from vector<1xi32>
    %dma_start3A_121 = arith.constant 6 : i32
    %dma_start3A_122 = arith.constant 0 : i32
    %dma_start3A_123 = tpu.memref_slice %arg8[%dma_start3A_121, %dma_start3A_122] : memref<128x64xf32, #tpu.memory_space<vmem>> -> memref<1x64xf32, #tpu.memory_space<vmem>>
    %dma_start3A_124 = arith.constant 0 : i32
    %dma_start3A_125 = tpu.memref_slice %arg4[%squeeze3A_120, %dma_start3A_124] : memref<100000x64xf32, #tpu.memory_space<hbm>> -> memref<1x64xf32, #tpu.memory_space<hbm>>
    %dma_start3A_126 = arith.constant 6 : i32
    %dma_start3A_127 = arith.constant 0 : i32
    %dma_start3A_128 = tpu.memref_slice %arg8[%dma_start3A_126, %dma_start3A_127] : memref<128x64xf32, #tpu.memory_space<vmem>> -> memref<1x64xf32, #tpu.memory_space<vmem>>
    %dma_start3A_129 = arith.constant 0 : i32
    %dma_start3A_130 = tpu.memref_slice %arg4[%squeeze3A_120, %dma_start3A_129] : memref<100000x64xf32, #tpu.memory_space<hbm>> -> memref<1x64xf32, #tpu.memory_space<hbm>>
    tpu.enqueue_dma source(%dma_start3A_130 : memref<1x64xf32, #tpu.memory_space<hbm>>) target(%dma_start3A_128 : memref<1x64xf32, #tpu.memory_space<vmem>>) target_semaphore(%arg12 : memref<!tpu.dma_semaphore, #tpu.memory_space<semaphore_mem>>)
    %slice3A_131 = vector.extract_strided_slice %gather3A {offsets = [7], sizes = [1], strides = [1]} : vector<16xi32> to vector<1xi32>
    %squeeze3A_132 = vector.extract %slice3A_131[0] : i32 from vector<1xi32>
    %dma_start3A_133 = arith.constant 7 : i32
    %dma_start3A_134 = arith.constant 0 : i32
    %dma_start3A_135 = tpu.memref_slice %arg8[%dma_start3A_133, %dma_start3A_134] : memref<128x64xf32, #tpu.memory_space<vmem>> -> memref<1x64xf32, #tpu.memory_space<vmem>>
    %dma_start3A_136 = arith.constant 0 : i32
    %dma_start3A_137 = tpu.memref_slice %arg4[%squeeze3A_132, %dma_start3A_136] : memref<100000x64xf32, #tpu.memory_space<hbm>> -> memref<1x64xf32, #tpu.memory_space<hbm>>
    %dma_start3A_138 = arith.constant 7 : i32
    %dma_start3A_139 = arith.constant 0 : i32
    %dma_start3A_140 = tpu.memref_slice %arg8[%dma_start3A_138, %dma_start3A_139] : memref<128x64xf32, #tpu.memory_space<vmem>> -> memref<1x64xf32, #tpu.memory_space<vmem>>
    %dma_start3A_141 = arith.constant 0 : i32
    %dma_start3A_142 = tpu.memref_slice %arg4[%squeeze3A_132, %dma_start3A_141] : memref<100000x64xf32, #tpu.memory_space<hbm>> -> memref<1x64xf32, #tpu.memory_space<hbm>>
    tpu.enqueue_dma source(%dma_start3A_142 : memref<1x64xf32, #tpu.memory_space<hbm>>) target(%dma_start3A_140 : memref<1x64xf32, #tpu.memory_space<vmem>>) target_semaphore(%arg12 : memref<!tpu.dma_semaphore, #tpu.memory_space<semaphore_mem>>)
    %slice3A_143 = vector.extract_strided_slice %gather3A {offsets = [8], sizes = [1], strides = [1]} : vector<16xi32> to vector<1xi32>
    %squeeze3A_144 = vector.extract %slice3A_143[0] : i32 from vector<1xi32>
    %dma_start3A_145 = arith.constant 8 : i32
    %dma_start3A_146 = arith.constant 0 : i32
    %dma_start3A_147 = tpu.memref_slice %arg8[%dma_start3A_145, %dma_start3A_146] : memref<128x64xf32, #tpu.memory_space<vmem>> -> memref<1x64xf32, #tpu.memory_space<vmem>>
    %dma_start3A_148 = arith.constant 0 : i32
    %dma_start3A_149 = tpu.memref_slice %arg4[%squeeze3A_144, %dma_start3A_148] : memref<100000x64xf32, #tpu.memory_space<hbm>> -> memref<1x64xf32, #tpu.memory_space<hbm>>
    %dma_start3A_150 = arith.constant 8 : i32
    %dma_start3A_151 = arith.constant 0 : i32
    %dma_start3A_152 = tpu.memref_slice %arg8[%dma_start3A_150, %dma_start3A_151] : memref<128x64xf32, #tpu.memory_space<vmem>> -> memref<1x64xf32, #tpu.memory_space<vmem>>
    %dma_start3A_153 = arith.constant 0 : i32
    %dma_start3A_154 = tpu.memref_slice %arg4[%squeeze3A_144, %dma_start3A_153] : memref<100000x64xf32, #tpu.memory_space<hbm>> -> memref<1x64xf32, #tpu.memory_space<hbm>>
    tpu.enqueue_dma source(%dma_start3A_154 : memref<1x64xf32, #tpu.memory_space<hbm>>) target(%dma_start3A_152 : memref<1x64xf32, #tpu.memory_space<vmem>>) target_semaphore(%arg12 : memref<!tpu.dma_semaphore, #tpu.memory_space<semaphore_mem>>)
    %slice3A_155 = vector.extract_strided_slice %gather3A {offsets = [9], sizes = [1], strides = [1]} : vector<16xi32> to vector<1xi32>
    %squeeze3A_156 = vector.extract %slice3A_155[0] : i32 from vector<1xi32>
    %dma_start3A_157 = arith.constant 9 : i32
    %dma_start3A_158 = arith.constant 0 : i32
    %dma_start3A_159 = tpu.memref_slice %arg8[%dma_start3A_157, %dma_start3A_158] : memref<128x64xf32, #tpu.memory_space<vmem>> -> memref<1x64xf32, #tpu.memory_space<vmem>>
    %dma_start3A_160 = arith.constant 0 : i32
    %dma_start3A_161 = tpu.memref_slice %arg4[%squeeze3A_156, %dma_start3A_160] : memref<100000x64xf32, #tpu.memory_space<hbm>> -> memref<1x64xf32, #tpu.memory_space<hbm>>
    %dma_start3A_162 = arith.constant 9 : i32
    %dma_start3A_163 = arith.constant 0 : i32
    %dma_start3A_164 = tpu.memref_slice %arg8[%dma_start3A_162, %dma_start3A_163] : memref<128x64xf32, #tpu.memory_space<vmem>> -> memref<1x64xf32, #tpu.memory_space<vmem>>
    %dma_start3A_165 = arith.constant 0 : i32
    %dma_start3A_166 = tpu.memref_slice %arg4[%squeeze3A_156, %dma_start3A_165] : memref<100000x64xf32, #tpu.memory_space<hbm>> -> memref<1x64xf32, #tpu.memory_space<hbm>>
    tpu.enqueue_dma source(%dma_start3A_166 : memref<1x64xf32, #tpu.memory_space<hbm>>) target(%dma_start3A_164 : memref<1x64xf32, #tpu.memory_space<vmem>>) target_semaphore(%arg12 : memref<!tpu.dma_semaphore, #tpu.memory_space<semaphore_mem>>)
    %slice3A_167 = vector.extract_strided_slice %gather3A {offsets = [10], sizes = [1], strides = [1]} : vector<16xi32> to vector<1xi32>
    %squeeze3A_168 = vector.extract %slice3A_167[0] : i32 from vector<1xi32>
    %dma_start3A_169 = arith.constant 10 : i32
    %dma_start3A_170 = arith.constant 0 : i32
    %dma_start3A_171 = tpu.memref_slice %arg8[%dma_start3A_169, %dma_start3A_170] : memref<128x64xf32, #tpu.memory_space<vmem>> -> memref<1x64xf32, #tpu.memory_space<vmem>>
    %dma_start3A_172 = arith.constant 0 : i32
    %dma_start3A_173 = tpu.memref_slice %arg4[%squeeze3A_168, %dma_start3A_172] : memref<100000x64xf32, #tpu.memory_space<hbm>> -> memref<1x64xf32, #tpu.memory_space<hbm>>
    %dma_start3A_174 = arith.constant 10 : i32
    %dma_start3A_175 = arith.constant 0 : i32
    %dma_start3A_176 = tpu.memref_slice %arg8[%dma_start3A_174, %dma_start3A_175] : memref<128x64xf32, #tpu.memory_space<vmem>> -> memref<1x64xf32, #tpu.memory_space<vmem>>
    %dma_start3A_177 = arith.constant 0 : i32
    %dma_start3A_178 = tpu.memref_slice %arg4[%squeeze3A_168, %dma_start3A_177] : memref<100000x64xf32, #tpu.memory_space<hbm>> -> memref<1x64xf32, #tpu.memory_space<hbm>>
    tpu.enqueue_dma source(%dma_start3A_178 : memref<1x64xf32, #tpu.memory_space<hbm>>) target(%dma_start3A_176 : memref<1x64xf32, #tpu.memory_space<vmem>>) target_semaphore(%arg12 : memref<!tpu.dma_semaphore, #tpu.memory_space<semaphore_mem>>)
    %slice3A_179 = vector.extract_strided_slice %gather3A {offsets = [11], sizes = [1], strides = [1]} : vector<16xi32> to vector<1xi32>
    %squeeze3A_180 = vector.extract %slice3A_179[0] : i32 from vector<1xi32>
    %dma_start3A_181 = arith.constant 11 : i32
    %dma_start3A_182 = arith.constant 0 : i32
    %dma_start3A_183 = tpu.memref_slice %arg8[%dma_start3A_181, %dma_start3A_182] : memref<128x64xf32, #tpu.memory_space<vmem>> -> memref<1x64xf32, #tpu.memory_space<vmem>>
    %dma_start3A_184 = arith.constant 0 : i32
    %dma_start3A_185 = tpu.memref_slice %arg4[%squeeze3A_180, %dma_start3A_184] : memref<100000x64xf32, #tpu.memory_space<hbm>> -> memref<1x64xf32, #tpu.memory_space<hbm>>
    %dma_start3A_186 = arith.constant 11 : i32
    %dma_start3A_187 = arith.constant 0 : i32
    %dma_start3A_188 = tpu.memref_slice %arg8[%dma_start3A_186, %dma_start3A_187] : memref<128x64xf32, #tpu.memory_space<vmem>> -> memref<1x64xf32, #tpu.memory_space<vmem>>
    %dma_start3A_189 = arith.constant 0 : i32
    %dma_start3A_190 = tpu.memref_slice %arg4[%squeeze3A_180, %dma_start3A_189] : memref<100000x64xf32, #tpu.memory_space<hbm>> -> memref<1x64xf32, #tpu.memory_space<hbm>>
    tpu.enqueue_dma source(%dma_start3A_190 : memref<1x64xf32, #tpu.memory_space<hbm>>) target(%dma_start3A_188 : memref<1x64xf32, #tpu.memory_space<vmem>>) target_semaphore(%arg12 : memref<!tpu.dma_semaphore, #tpu.memory_space<semaphore_mem>>)
    %slice3A_191 = vector.extract_strided_slice %gather3A {offsets = [12], sizes = [1], strides = [1]} : vector<16xi32> to vector<1xi32>
    %squeeze3A_192 = vector.extract %slice3A_191[0] : i32 from vector<1xi32>
    %dma_start3A_193 = arith.constant 12 : i32
    %dma_start3A_194 = arith.constant 0 : i32
    %dma_start3A_195 = tpu.memref_slice %arg8[%dma_start3A_193, %dma_start3A_194] : memref<128x64xf32, #tpu.memory_space<vmem>> -> memref<1x64xf32, #tpu.memory_space<vmem>>
    %dma_start3A_196 = arith.constant 0 : i32
    %dma_start3A_197 = tpu.memref_slice %arg4[%squeeze3A_192, %dma_start3A_196] : memref<100000x64xf32, #tpu.memory_space<hbm>> -> memref<1x64xf32, #tpu.memory_space<hbm>>
    %dma_start3A_198 = arith.constant 12 : i32
    %dma_start3A_199 = arith.constant 0 : i32
    %dma_start3A_200 = tpu.memref_slice %arg8[%dma_start3A_198, %dma_start3A_199] : memref<128x64xf32, #tpu.memory_space<vmem>> -> memref<1x64xf32, #tpu.memory_space<vmem>>
    %dma_start3A_201 = arith.constant 0 : i32
    %dma_start3A_202 = tpu.memref_slice %arg4[%squeeze3A_192, %dma_start3A_201] : memref<100000x64xf32, #tpu.memory_space<hbm>> -> memref<1x64xf32, #tpu.memory_space<hbm>>
    tpu.enqueue_dma source(%dma_start3A_202 : memref<1x64xf32, #tpu.memory_space<hbm>>) target(%dma_start3A_200 : memref<1x64xf32, #tpu.memory_space<vmem>>) target_semaphore(%arg12 : memref<!tpu.dma_semaphore, #tpu.memory_space<semaphore_mem>>)
    %slice3A_203 = vector.extract_strided_slice %gather3A {offsets = [13], sizes = [1], strides = [1]} : vector<16xi32> to vector<1xi32>
    %squeeze3A_204 = vector.extract %slice3A_203[0] : i32 from vector<1xi32>
    %dma_start3A_205 = arith.constant 13 : i32
    %dma_start3A_206 = arith.constant 0 : i32
    %dma_start3A_207 = tpu.memref_slice %arg8[%dma_start3A_205, %dma_start3A_206] : memref<128x64xf32, #tpu.memory_space<vmem>> -> memref<1x64xf32, #tpu.memory_space<vmem>>
    %dma_start3A_208 = arith.constant 0 : i32
    %dma_start3A_209 = tpu.memref_slice %arg4[%squeeze3A_204, %dma_start3A_208] : memref<100000x64xf32, #tpu.memory_space<hbm>> -> memref<1x64xf32, #tpu.memory_space<hbm>>
    %dma_start3A_210 = arith.constant 13 : i32
    %dma_start3A_211 = arith.constant 0 : i32
    %dma_start3A_212 = tpu.memref_slice %arg8[%dma_start3A_210, %dma_start3A_211] : memref<128x64xf32, #tpu.memory_space<vmem>> -> memref<1x64xf32, #tpu.memory_space<vmem>>
    %dma_start3A_213 = arith.constant 0 : i32
    %dma_start3A_214 = tpu.memref_slice %arg4[%squeeze3A_204, %dma_start3A_213] : memref<100000x64xf32, #tpu.memory_space<hbm>> -> memref<1x64xf32, #tpu.memory_space<hbm>>
    tpu.enqueue_dma source(%dma_start3A_214 : memref<1x64xf32, #tpu.memory_space<hbm>>) target(%dma_start3A_212 : memref<1x64xf32, #tpu.memory_space<vmem>>) target_semaphore(%arg12 : memref<!tpu.dma_semaphore, #tpu.memory_space<semaphore_mem>>)
    %slice3A_215 = vector.extract_strided_slice %gather3A {offsets = [14], sizes = [1], strides = [1]} : vector<16xi32> to vector<1xi32>
    %squeeze3A_216 = vector.extract %slice3A_215[0] : i32 from vector<1xi32>
    %dma_start3A_217 = arith.constant 14 : i32
    %dma_start3A_218 = arith.constant 0 : i32
    %dma_start3A_219 = tpu.memref_slice %arg8[%dma_start3A_217, %dma_start3A_218] : memref<128x64xf32, #tpu.memory_space<vmem>> -> memref<1x64xf32, #tpu.memory_space<vmem>>
    %dma_start3A_220 = arith.constant 0 : i32
    %dma_start3A_221 = tpu.memref_slice %arg4[%squeeze3A_216, %dma_start3A_220] : memref<100000x64xf32, #tpu.memory_space<hbm>> -> memref<1x64xf32, #tpu.memory_space<hbm>>
    %dma_start3A_222 = arith.constant 14 : i32
    %dma_start3A_223 = arith.constant 0 : i32
    %dma_start3A_224 = tpu.memref_slice %arg8[%dma_start3A_222, %dma_start3A_223] : memref<128x64xf32, #tpu.memory_space<vmem>> -> memref<1x64xf32, #tpu.memory_space<vmem>>
    %dma_start3A_225 = arith.constant 0 : i32
    %dma_start3A_226 = tpu.memref_slice %arg4[%squeeze3A_216, %dma_start3A_225] : memref<100000x64xf32, #tpu.memory_space<hbm>> -> memref<1x64xf32, #tpu.memory_space<hbm>>
    tpu.enqueue_dma source(%dma_start3A_226 : memref<1x64xf32, #tpu.memory_space<hbm>>) target(%dma_start3A_224 : memref<1x64xf32, #tpu.memory_space<vmem>>) target_semaphore(%arg12 : memref<!tpu.dma_semaphore, #tpu.memory_space<semaphore_mem>>)
    %slice3A_227 = vector.extract_strided_slice %gather3A {offsets = [15], sizes = [1], strides = [1]} : vector<16xi32> to vector<1xi32>
    %squeeze3A_228 = vector.extract %slice3A_227[0] : i32 from vector<1xi32>
    %dma_start3A_229 = arith.constant 15 : i32
    %dma_start3A_230 = arith.constant 0 : i32
    %dma_start3A_231 = tpu.memref_slice %arg8[%dma_start3A_229, %dma_start3A_230] : memref<128x64xf32, #tpu.memory_space<vmem>> -> memref<1x64xf32, #tpu.memory_space<vmem>>
    %dma_start3A_232 = arith.constant 0 : i32
    %dma_start3A_233 = tpu.memref_slice %arg4[%squeeze3A_228, %dma_start3A_232] : memref<100000x64xf32, #tpu.memory_space<hbm>> -> memref<1x64xf32, #tpu.memory_space<hbm>>
    %dma_start3A_234 = arith.constant 15 : i32
    %dma_start3A_235 = arith.constant 0 : i32
    %dma_start3A_236 = tpu.memref_slice %arg8[%dma_start3A_234, %dma_start3A_235] : memref<128x64xf32, #tpu.memory_space<vmem>> -> memref<1x64xf32, #tpu.memory_space<vmem>>
    %dma_start3A_237 = arith.constant 0 : i32
    %dma_start3A_238 = tpu.memref_slice %arg4[%squeeze3A_228, %dma_start3A_237] : memref<100000x64xf32, #tpu.memory_space<hbm>> -> memref<1x64xf32, #tpu.memory_space<hbm>>
    tpu.enqueue_dma source(%dma_start3A_238 : memref<1x64xf32, #tpu.memory_space<hbm>>) target(%dma_start3A_236 : memref<1x64xf32, #tpu.memory_space<vmem>>) target_semaphore(%arg12 : memref<!tpu.dma_semaphore, #tpu.memory_space<semaphore_mem>>)
    %add3A_239 = arith.constant 17 : i32
    %add3A_240 = vector.broadcast %add3A_239 : i32 to vector<16xi32>
    %add3A_241 = arith.addi %iota3A, %add3A_240 : vector<16xi32>
    %gather3A_242 = tpu.vector_load_idx %arg6[%add3A_241] : memref<144xi32, #tpu.memory_space<vmem>>[vector<16xi32>], vector<16xi32>,
    %slice3A_243 = vector.extract_strided_slice %gather3A_242 {offsets = [0], sizes = [1], strides = [1]} : vector<16xi32> to vector<1xi32>
    %squeeze3A_244 = vector.extract %slice3A_243[0] : i32 from vector<1xi32>
    %dma_start3A_245 = arith.constant 16 : i32
    %dma_start3A_246 = arith.constant 0 : i32
    %dma_start3A_247 = tpu.memref_slice %arg8[%dma_start3A_245, %dma_start3A_246] : memref<128x64xf32, #tpu.memory_space<vmem>> -> memref<1x64xf32, #tpu.memory_space<vmem>>
    %dma_start3A_248 = arith.constant 0 : i32
    %dma_start3A_249 = tpu.memref_slice %arg4[%squeeze3A_244, %dma_start3A_248] : memref<100000x64xf32, #tpu.memory_space<hbm>> -> memref<1x64xf32, #tpu.memory_space<hbm>>
    %dma_start3A_250 = arith.constant 16 : i32
    %dma_start3A_251 = arith.constant 0 : i32
    %dma_start3A_252 = tpu.memref_slice %arg8[%dma_start3A_250, %dma_start3A_251] : memref<128x64xf32, #tpu.memory_space<vmem>> -> memref<1x64xf32, #tpu.memory_space<vmem>>
    %dma_start3A_253 = arith.constant 0 : i32
    %dma_start3A_254 = tpu.memref_slice %arg4[%squeeze3A_244, %dma_start3A_253] : memref<100000x64xf32, #tpu.memory_space<hbm>> -> memref<1x64xf32, #tpu.memory_space<hbm>>
    tpu.enqueue_dma source(%dma_start3A_254 : memref<1x64xf32, #tpu.memory_space<hbm>>) target(%dma_start3A_252 : memref<1x64xf32, #tpu.memory_space<vmem>>) target_semaphore(%arg12 : memref<!tpu.dma_semaphore, #tpu.memory_space<semaphore_mem>>)
    %slice3A_255 = vector.extract_strided_slice %gather3A_242 {offsets = [1], sizes = [1], strides = [1]} : vector<16xi32> to vector<1xi32>
    %squeeze3A_256 = vector.extract %slice3A_255[0] : i32 from vector<1xi32>
    %dma_start3A_257 = arith.constant 17 : i32
    %dma_start3A_258 = arith.constant 0 : i32
    %dma_start3A_259 = tpu.memref_slice %arg8[%dma_start3A_257, %dma_start3A_258] : memref<128x64xf32, #tpu.memory_space<vmem>> -> memref<1x64xf32, #tpu.memory_space<vmem>>
    %dma_start3A_260 = arith.constant 0 : i32
    %dma_start3A_261 = tpu.memref_slice %arg4[%squeeze3A_256, %dma_start3A_260] : memref<100000x64xf32, #tpu.memory_space<hbm>> -> memref<1x64xf32, #tpu.memory_space<hbm>>
    %dma_start3A_262 = arith.constant 17 : i32
    %dma_start3A_263 = arith.constant 0 : i32
    %dma_start3A_264 = tpu.memref_slice %arg8[%dma_start3A_262, %dma_start3A_263] : memref<128x64xf32, #tpu.memory_space<vmem>> -> memref<1x64xf32, #tpu.memory_space<vmem>>
    %dma_start3A_265 = arith.constant 0 : i32
    %dma_start3A_266 = tpu.memref_slice %arg4[%squeeze3A_256, %dma_start3A_265] : memref<100000x64xf32, #tpu.memory_space<hbm>> -> memref<1x64xf32, #tpu.memory_space<hbm>>
    tpu.enqueue_dma source(%dma_start3A_266 : memref<1x64xf32, #tpu.memory_space<hbm>>) target(%dma_start3A_264 : memref<1x64xf32, #tpu.memory_space<vmem>>) target_semaphore(%arg12 : memref<!tpu.dma_semaphore, #tpu.memory_space<semaphore_mem>>)
    %slice3A_267 = vector.extract_strided_slice %gather3A_242 {offsets = [2], sizes = [1], strides = [1]} : vector<16xi32> to vector<1xi32>
    %squeeze3A_268 = vector.extract %slice3A_267[0] : i32 from vector<1xi32>
    %dma_start3A_269 = arith.constant 18 : i32
    %dma_start3A_270 = arith.constant 0 : i32
    %dma_start3A_271 = tpu.memref_slice %arg8[%dma_start3A_269, %dma_start3A_270] : memref<128x64xf32, #tpu.memory_space<vmem>> -> memref<1x64xf32, #tpu.memory_space<vmem>>
    %dma_start3A_272 = arith.constant 0 : i32
    %dma_start3A_273 = tpu.memref_slice %arg4[%squeeze3A_268, %dma_start3A_272] : memref<100000x64xf32, #tpu.memory_space<hbm>> -> memref<1x64xf32, #tpu.memory_space<hbm>>
    %dma_start3A_274 = arith.constant 18 : i32
    %dma_start3A_275 = arith.constant 0 : i32
    %dma_start3A_276 = tpu.memref_slice %arg8[%dma_start3A_274, %dma_start3A_275] : memref<128x64xf32, #tpu.memory_space<vmem>> -> memref<1x64xf32, #tpu.memory_space<vmem>>
    %dma_start3A_277 = arith.constant 0 : i32
    %dma_start3A_278 = tpu.memref_slice %arg4[%squeeze3A_268, %dma_start3A_277] : memref<100000x64xf32, #tpu.memory_space<hbm>> -> memref<1x64xf32, #tpu.memory_space<hbm>>
    tpu.enqueue_dma source(%dma_start3A_278 : memref<1x64xf32, #tpu.memory_space<hbm>>) target(%dma_start3A_276 : memref<1x64xf32, #tpu.memory_space<vmem>>) target_semaphore(%arg12 : memref<!tpu.dma_semaphore, #tpu.memory_space<semaphore_mem>>)
    %slice3A_279 = vector.extract_strided_slice %gather3A_242 {offsets = [3], sizes = [1], strides = [1]} : vector<16xi32> to vector<1xi32>
    %squeeze3A_280 = vector.extract %slice3A_279[0] : i32 from vector<1xi32>
    %dma_start3A_281 = arith.constant 19 : i32
    %dma_start3A_282 = arith.constant 0 : i32
    %dma_start3A_283 = tpu.memref_slice %arg8[%dma_start3A_281, %dma_start3A_282] : memref<128x64xf32, #tpu.memory_space<vmem>> -> memref<1x64xf32, #tpu.memory_space<vmem>>
    %dma_start3A_284 = arith.constant 0 : i32
    %dma_start3A_285 = tpu.memref_slice %arg4[%squeeze3A_280, %dma_start3A_284] : memref<100000x64xf32, #tpu.memory_space<hbm>> -> memref<1x64xf32, #tpu.memory_space<hbm>>
    %dma_start3A_286 = arith.constant 19 : i32
    %dma_start3A_287 = arith.constant 0 : i32
    %dma_start3A_288 = tpu.memref_slice %arg8[%dma_start3A_286, %dma_start3A_287] : memref<128x64xf32, #tpu.memory_space<vmem>> -> memref<1x64xf32, #tpu.memory_space<vmem>>
    %dma_start3A_289 = arith.constant 0 : i32
    %dma_start3A_290 = tpu.memref_slice %arg4[%squeeze3A_280, %dma_start3A_289] : memref<100000x64xf32, #tpu.memory_space<hbm>> -> memref<1x64xf32, #tpu.memory_space<hbm>>
    tpu.enqueue_dma source(%dma_start3A_290 : memref<1x64xf32, #tpu.memory_space<hbm>>) target(%dma_start3A_288 : memref<1x64xf32, #tpu.memory_space<vmem>>) target_semaphore(%arg12 : memref<!tpu.dma_semaphore, #tpu.memory_space<semaphore_mem>>)
    %slice3A_291 = vector.extract_strided_slice %gather3A_242 {offsets = [4], sizes = [1], strides = [1]} : vector<16xi32> to vector<1xi32>
    %squeeze3A_292 = vector.extract %slice3A_291[0] : i32 from vector<1xi32>
    %dma_start3A_293 = arith.constant 20 : i32
    %dma_start3A_294 = arith.constant 0 : i32
    %dma_start3A_295 = tpu.memref_slice %arg8[%dma_start3A_293, %dma_start3A_294] : memref<128x64xf32, #tpu.memory_space<vmem>> -> memref<1x64xf32, #tpu.memory_space<vmem>>
    %dma_start3A_296 = arith.constant 0 : i32
    %dma_start3A_297 = tpu.memref_slice %arg4[%squeeze3A_292, %dma_start3A_296] : memref<100000x64xf32, #tpu.memory_space<hbm>> -> memref<1x64xf32, #tpu.memory_space<hbm>>
    %dma_start3A_298 = arith.constant 20 : i32
    %dma_start3A_299 = arith.constant 0 : i32
    %dma_start3A_300 = tpu.memref_slice %arg8[%dma_start3A_298, %dma_start3A_299] : memref<128x64xf32, #tpu.memory_space<vmem>> -> memref<1x64xf32, #tpu.memory_space<vmem>>
    %dma_start3A_301 = arith.constant 0 : i32
    %dma_start3A_302 = tpu.memref_slice %arg4[%squeeze3A_292, %dma_start3A_301] : memref<100000x64xf32, #tpu.memory_space<hbm>> -> memref<1x64xf32, #tpu.memory_space<hbm>>
    tpu.enqueue_dma source(%dma_start3A_302 : memref<1x64xf32, #tpu.memory_space<hbm>>) target(%dma_start3A_300 : memref<1x64xf32, #tpu.memory_space<vmem>>) target_semaphore(%arg12 : memref<!tpu.dma_semaphore, #tpu.memory_space<semaphore_mem>>)
    %slice3A_303 = vector.extract_strided_slice %gather3A_242 {offsets = [5], sizes = [1], strides = [1]} : vector<16xi32> to vector<1xi32>
    %squeeze3A_304 = vector.extract %slice3A_303[0] : i32 from vector<1xi32>
    %dma_start3A_305 = arith.constant 21 : i32
    %dma_start3A_306 = arith.constant 0 : i32
    %dma_start3A_307 = tpu.memref_slice %arg8[%dma_start3A_305, %dma_start3A_306] : memref<128x64xf32, #tpu.memory_space<vmem>> -> memref<1x64xf32, #tpu.memory_space<vmem>>
    %dma_start3A_308 = arith.constant 0 : i32
    %dma_start3A_309 = tpu.memref_slice %arg4[%squeeze3A_304, %dma_start3A_308] : memref<100000x64xf32, #tpu.memory_space<hbm>> -> memref<1x64xf32, #tpu.memory_space<hbm>>
    %dma_start3A_310 = arith.constant 21 : i32
    %dma_start3A_311 = arith.constant 0 : i32
    %dma_start3A_312 = tpu.memref_slice %arg8[%dma_start3A_310, %dma_start3A_311] : memref<128x64xf32, #tpu.memory_space<vmem>> -> memref<1x64xf32, #tpu.memory_space<vmem>>
    %dma_start3A_313 = arith.constant 0 : i32
    %dma_start3A_314 = tpu.memref_slice %arg4[%squeeze3A_304, %dma_start3A_313] : memref<100000x64xf32, #tpu.memory_space<hbm>> -> memref<1x64xf32, #tpu.memory_space<hbm>>
    tpu.enqueue_dma source(%dma_start3A_314 : memref<1x64xf32, #tpu.memory_space<hbm>>) target(%dma_start3A_312 : memref<1x64xf32, #tpu.memory_space<vmem>>) target_semaphore(%arg12 : memref<!tpu.dma_semaphore, #tpu.memory_space<semaphore_mem>>)
    %slice3A_315 = vector.extract_strided_slice %gather3A_242 {offsets = [6], sizes = [1], strides = [1]} : vector<16xi32> to vector<1xi32>
    %squeeze3A_316 = vector.extract %slice3A_315[0] : i32 from vector<1xi32>
    %dma_start3A_317 = arith.constant 22 : i32
    %dma_start3A_318 = arith.constant 0 : i32
    %dma_start3A_319 = tpu.memref_slice %arg8[%dma_start3A_317, %dma_start3A_318] : memref<128x64xf32, #tpu.memory_space<vmem>> -> memref<1x64xf32, #tpu.memory_space<vmem>>
    %dma_start3A_320 = arith.constant 0 : i32
    %dma_start3A_321 = tpu.memref_slice %arg4[%squeeze3A_316, %dma_start3A_320] : memref<100000x64xf32, #tpu.memory_space<hbm>> -> memref<1x64xf32, #tpu.memory_space<hbm>>
    %dma_start3A_322 = arith.constant 22 : i32
    %dma_start3A_323 = arith.constant 0 : i32
    %dma_start3A_324 = tpu.memref_slice %arg8[%dma_start3A_322, %dma_start3A_323] : memref<128x64xf32, #tpu.memory_space<vmem>> -> memref<1x64xf32, #tpu.memory_space<vmem>>
    %dma_start3A_325 = arith.constant 0 : i32
    %dma_start3A_326 = tpu.memref_slice %arg4[%squeeze3A_316, %dma_start3A_325] : memref<100000x64xf32, #tpu.memory_space<hbm>> -> memref<1x64xf32, #tpu.memory_space<hbm>>
    tpu.enqueue_dma source(%dma_start3A_326 : memref<1x64xf32, #tpu.memory_space<hbm>>) target(%dma_start3A_324 : memref<1x64xf32, #tpu.memory_space<vmem>>) target_semaphore(%arg12 : memref<!tpu.dma_semaphore, #tpu.memory_space<semaphore_mem>>)
    %slice3A_327 = vector.extract_strided_slice %gather3A_242 {offsets = [7], sizes = [1], strides = [1]} : vector<16xi32> to vector<1xi32>
    %squeeze3A_328 = vector.extract %slice3A_327[0] : i32 from vector<1xi32>
    %dma_start3A_329 = arith.constant 23 : i32
    %dma_start3A_330 = arith.constant 0 : i32
    %dma_start3A_331 = tpu.memref_slice %arg8[%dma_start3A_329, %dma_start3A_330] : memref<128x64xf32, #tpu.memory_space<vmem>> -> memref<1x64xf32, #tpu.memory_space<vmem>>
    %dma_start3A_332 = arith.constant 0 : i32
    %dma_start3A_333 = tpu.memref_slice %arg4[%squeeze3A_328, %dma_start3A_332] : memref<100000x64xf32, #tpu.memory_space<hbm>> -> memref<1x64xf32, #tpu.memory_space<hbm>>
    %dma_start3A_334 = arith.constant 23 : i32
    %dma_start3A_335 = arith.constant 0 : i32
    %dma_start3A_336 = tpu.memref_slice %arg8[%dma_start3A_334, %dma_start3A_335] : memref<128x64xf32, #tpu.memory_space<vmem>> -> memref<1x64xf32, #tpu.memory_space<vmem>>
    %dma_start3A_337 = arith.constant 0 : i32
    %dma_start3A_338 = tpu.memref_slice %arg4[%squeeze3A_328, %dma_start3A_337] : memref<100000x64xf32, #tpu.memory_space<hbm>> -> memref<1x64xf32, #tpu.memory_space<hbm>>
    tpu.enqueue_dma source(%dma_start3A_338 : memref<1x64xf32, #tpu.memory_space<hbm>>) target(%dma_start3A_336 : memref<1x64xf32, #tpu.memory_space<vmem>>) target_semaphore(%arg12 : memref<!tpu.dma_semaphore, #tpu.memory_space<semaphore_mem>>)
    %slice3A_339 = vector.extract_strided_slice %gather3A_242 {offsets = [8], sizes = [1], strides = [1]} : vector<16xi32> to vector<1xi32>
    %squeeze3A_340 = vector.extract %slice3A_339[0] : i32 from vector<1xi32>
    %dma_start3A_341 = arith.constant 24 : i32
    %dma_start3A_342 = arith.constant 0 : i32
    %dma_start3A_343 = tpu.memref_slice %arg8[%dma_start3A_341, %dma_start3A_342] : memref<128x64xf32, #tpu.memory_space<vmem>> -> memref<1x64xf32, #tpu.memory_space<vmem>>
    %dma_start3A_344 = arith.constant 0 : i32
    %dma_start3A_345 = tpu.memref_slice %arg4[%squeeze3A_340, %dma_start3A_344] : memref<100000x64xf32, #tpu.memory_space<hbm>> -> memref<1x64xf32, #tpu.memory_space<hbm>>
    %dma_start3A_346 = arith.constant 24 : i32
    %dma_start3A_347 = arith.constant 0 : i32
    %dma_start3A_348 = tpu.memref_slice %arg8[%dma_start3A_346, %dma_start3A_347] : memref<128x64xf32, #tpu.memory_space<vmem>> -> memref<1x64xf32, #tpu.memory_space<vmem>>
    %dma_start3A_349 = arith.constant 0 : i32
    %dma_start3A_350 = tpu.memref_slice %arg4[%squeeze3A_340, %dma_start3A_349] : memref<100000x64xf32, #tpu.memory_space<hbm>> -> memref<1x64xf32, #tpu.memory_space<hbm>>
    tpu.enqueue_dma source(%dma_start3A_350 : memref<1x64xf32, #tpu.memory_space<hbm>>) target(%dma_start3A_348 : memref<1x64xf32, #tpu.memory_space<vmem>>) target_semaphore(%arg12 : memref<!tpu.dma_semaphore, #tpu.memory_space<semaphore_mem>>)
    %slice3A_351 = vector.extract_strided_slice %gather3A_242 {offsets = [9], sizes = [1], strides = [1]} : vector<16xi32> to vector<1xi32>
    %squeeze3A_352 = vector.extract %slice3A_351[0] : i32 from vector<1xi32>
    %dma_start3A_353 = arith.constant 25 : i32
    %dma_start3A_354 = arith.constant 0 : i32
    %dma_start3A_355 = tpu.memref_slice %arg8[%dma_start3A_353, %dma_start3A_354] : memref<128x64xf32, #tpu.memory_space<vmem>> -> memref<1x64xf32, #tpu.memory_space<vmem>>
    %dma_start3A_356 = arith.constant 0 : i32
    %dma_start3A_357 = tpu.memref_slice %arg4[%squeeze3A_352, %dma_start3A_356] : memref<100000x64xf32, #tpu.memory_space<hbm>> -> memref<1x64xf32, #tpu.memory_space<hbm>>
    %dma_start3A_358 = arith.constant 25 : i32
    %dma_start3A_359 = arith.constant 0 : i32
    %dma_start3A_360 = tpu.memref_slice %arg8[%dma_start3A_358, %dma_start3A_359] : memref<128x64xf32, #tpu.memory_space<vmem>> -> memref<1x64xf32, #tpu.memory_space<vmem>>
    %dma_start3A_361 = arith.constant 0 : i32
    %dma_start3A_362 = tpu.memref_slice %arg4[%squeeze3A_352, %dma_start3A_361] : memref<100000x64xf32, #tpu.memory_space<hbm>> -> memref<1x64xf32, #tpu.memory_space<hbm>>
    tpu.enqueue_dma source(%dma_start3A_362 : memref<1x64xf32, #tpu.memory_space<hbm>>) target(%dma_start3A_360 : memref<1x64xf32, #tpu.memory_space<vmem>>) target_semaphore(%arg12 : memref<!tpu.dma_semaphore, #tpu.memory_space<semaphore_mem>>)
    %slice3A_363 = vector.extract_strided_slice %gather3A_242 {offsets = [10], sizes = [1], strides = [1]} : vector<16xi32> to vector<1xi32>
    %squeeze3A_364 = vector.extract %slice3A_363[0] : i32 from vector<1xi32>
    %dma_start3A_365 = arith.constant 26 : i32
    %dma_start3A_366 = arith.constant 0 : i32
    %dma_start3A_367 = tpu.memref_slice %arg8[%dma_start3A_365, %dma_start3A_366] : memref<128x64xf32, #tpu.memory_space<vmem>> -> memref<1x64xf32, #tpu.memory_space<vmem>>
    %dma_start3A_368 = arith.constant 0 : i32
    %dma_start3A_369 = tpu.memref_slice %arg4[%squeeze3A_364, %dma_start3A_368] : memref<100000x64xf32, #tpu.memory_space<hbm>> -> memref<1x64xf32, #tpu.memory_space<hbm>>
    %dma_start3A_370 = arith.constant 26 : i32
    %dma_start3A_371 = arith.constant 0 : i32
    %dma_start3A_372 = tpu.memref_slice %arg8[%dma_start3A_370, %dma_start3A_371] : memref<128x64xf32, #tpu.memory_space<vmem>> -> memref<1x64xf32, #tpu.memory_space<vmem>>
    %dma_start3A_373 = arith.constant 0 : i32
    %dma_start3A_374 = tpu.memref_slice %arg4[%squeeze3A_364, %dma_start3A_373] : memref<100000x64xf32, #tpu.memory_space<hbm>> -> memref<1x64xf32, #tpu.memory_space<hbm>>
    tpu.enqueue_dma source(%dma_start3A_374 : memref<1x64xf32, #tpu.memory_space<hbm>>) target(%dma_start3A_372 : memref<1x64xf32, #tpu.memory_space<vmem>>) target_semaphore(%arg12 : memref<!tpu.dma_semaphore, #tpu.memory_space<semaphore_mem>>)
    %slice3A_375 = vector.extract_strided_slice %gather3A_242 {offsets = [11], sizes = [1], strides = [1]} : vector<16xi32> to vector<1xi32>
    %squeeze3A_376 = vector.extract %slice3A_375[0] : i32 from vector<1xi32>
    %dma_start3A_377 = arith.constant 27 : i32
    %dma_start3A_378 = arith.constant 0 : i32
    %dma_start3A_379 = tpu.memref_slice %arg8[%dma_start3A_377, %dma_start3A_378] : memref<128x64xf32, #tpu.memory_space<vmem>> -> memref<1x64xf32, #tpu.memory_space<vmem>>
    %dma_start3A_380 = arith.constant 0 : i32
    %dma_start3A_381 = tpu.memref_slice %arg4[%squeeze3A_376, %dma_start3A_380] : memref<100000x64xf32, #tpu.memory_space<hbm>> -> memref<1x64xf32, #tpu.memory_space<hbm>>
    %dma_start3A_382 = arith.constant 27 : i32
    %dma_start3A_383 = arith.constant 0 : i32
    %dma_start3A_384 = tpu.memref_slice %arg8[%dma_start3A_382, %dma_start3A_383] : memref<128x64xf32, #tpu.memory_space<vmem>> -> memref<1x64xf32, #tpu.memory_space<vmem>>
    %dma_start3A_385 = arith.constant 0 : i32
    %dma_start3A_386 = tpu.memref_slice %arg4[%squeeze3A_376, %dma_start3A_385] : memref<100000x64xf32, #tpu.memory_space<hbm>> -> memref<1x64xf32, #tpu.memory_space<hbm>>
    tpu.enqueue_dma source(%dma_start3A_386 : memref<1x64xf32, #tpu.memory_space<hbm>>) target(%dma_start3A_384 : memref<1x64xf32, #tpu.memory_space<vmem>>) target_semaphore(%arg12 : memref<!tpu.dma_semaphore, #tpu.memory_space<semaphore_mem>>)
    %slice3A_387 = vector.extract_strided_slice %gather3A_242 {offsets = [12], sizes = [1], strides = [1]} : vector<16xi32> to vector<1xi32>
    %squeeze3A_388 = vector.extract %slice3A_387[0] : i32 from vector<1xi32>
    %dma_start3A_389 = arith.constant 28 : i32
    %dma_start3A_390 = arith.constant 0 : i32
    %dma_start3A_391 = tpu.memref_slice %arg8[%dma_start3A_389, %dma_start3A_390] : memref<128x64xf32, #tpu.memory_space<vmem>> -> memref<1x64xf32, #tpu.memory_space<vmem>>
    %dma_start3A_392 = arith.constant 0 : i32
    %dma_start3A_393 = tpu.memref_slice %arg4[%squeeze3A_388, %dma_start3A_392] : memref<100000x64xf32, #tpu.memory_space<hbm>> -> memref<1x64xf32, #tpu.memory_space<hbm>>
    %dma_start3A_394 = arith.constant 28 : i32
    %dma_start3A_395 = arith.constant 0 : i32
    %dma_start3A_396 = tpu.memref_slice %arg8[%dma_start3A_394, %dma_start3A_395] : memref<128x64xf32, #tpu.memory_space<vmem>> -> memref<1x64xf32, #tpu.memory_space<vmem>>
    %dma_start3A_397 = arith.constant 0 : i32
    %dma_start3A_398 = tpu.memref_slice %arg4[%squeeze3A_388, %dma_start3A_397] : memref<100000x64xf32, #tpu.memory_space<hbm>> -> memref<1x64xf32, #tpu.memory_space<hbm>>
    tpu.enqueue_dma source(%dma_start3A_398 : memref<1x64xf32, #tpu.memory_space<hbm>>) target(%dma_start3A_396 : memref<1x64xf32, #tpu.memory_space<vmem>>) target_semaphore(%arg12 : memref<!tpu.dma_semaphore, #tpu.memory_space<semaphore_mem>>)
    %slice3A_399 = vector.extract_strided_slice %gather3A_242 {offsets = [13], sizes = [1], strides = [1]} : vector<16xi32> to vector<1xi32>
    %squeeze3A_400 = vector.extract %slice3A_399[0] : i32 from vector<1xi32>
    %dma_start3A_401 = arith.constant 29 : i32
    %dma_start3A_402 = arith.constant 0 : i32
    %dma_start3A_403 = tpu.memref_slice %arg8[%dma_start3A_401, %dma_start3A_402] : memref<128x64xf32, #tpu.memory_space<vmem>> -> memref<1x64xf32, #tpu.memory_space<vmem>>
    %dma_start3A_404 = arith.constant 0 : i32
    %dma_start3A_405 = tpu.memref_slice %arg4[%squeeze3A_400, %dma_start3A_404] : memref<100000x64xf32, #tpu.memory_space<hbm>> -> memref<1x64xf32, #tpu.memory_space<hbm>>
    %dma_start3A_406 = arith.constant 29 : i32
    %dma_start3A_407 = arith.constant 0 : i32
    %dma_start3A_408 = tpu.memref_slice %arg8[%dma_start3A_406, %dma_start3A_407] : memref<128x64xf32, #tpu.memory_space<vmem>> -> memref<1x64xf32, #tpu.memory_space<vmem>>
    %dma_start3A_409 = arith.constant 0 : i32
    %dma_start3A_410 = tpu.memref_slice %arg4[%squeeze3A_400, %dma_start3A_409] : memref<100000x64xf32, #tpu.memory_space<hbm>> -> memref<1x64xf32, #tpu.memory_space<hbm>>
    tpu.enqueue_dma source(%dma_start3A_410 : memref<1x64xf32, #tpu.memory_space<hbm>>) target(%dma_start3A_408 : memref<1x64xf32, #tpu.memory_space<vmem>>) target_semaphore(%arg12 : memref<!tpu.dma_semaphore, #tpu.memory_space<semaphore_mem>>)
    %slice3A_411 = vector.extract_strided_slice %gather3A_242 {offsets = [14], sizes = [1], strides = [1]} : vector<16xi32> to vector<1xi32>
    %squeeze3A_412 = vector.extract %slice3A_411[0] : i32 from vector<1xi32>
    %dma_start3A_413 = arith.constant 30 : i32
    %dma_start3A_414 = arith.constant 0 : i32
    %dma_start3A_415 = tpu.memref_slice %arg8[%dma_start3A_413, %dma_start3A_414] : memref<128x64xf32, #tpu.memory_space<vmem>> -> memref<1x64xf32, #tpu.memory_space<vmem>>
    %dma_start3A_416 = arith.constant 0 : i32
    %dma_start3A_417 = tpu.memref_slice %arg4[%squeeze3A_412, %dma_start3A_416] : memref<100000x64xf32, #tpu.memory_space<hbm>> -> memref<1x64xf32, #tpu.memory_space<hbm>>
    %dma_start3A_418 = arith.constant 30 : i32
    %dma_start3A_419 = arith.constant 0 : i32
    %dma_start3A_420 = tpu.memref_slice %arg8[%dma_start3A_418, %dma_start3A_419] : memref<128x64xf32, #tpu.memory_space<vmem>> -> memref<1x64xf32, #tpu.memory_space<vmem>>
    %dma_start3A_421 = arith.constant 0 : i32
    %dma_start3A_422 = tpu.memref_slice %arg4[%squeeze3A_412, %dma_start3A_421] : memref<100000x64xf32, #tpu.memory_space<hbm>> -> memref<1x64xf32, #tpu.memory_space<hbm>>
    tpu.enqueue_dma source(%dma_start3A_422 : memref<1x64xf32, #tpu.memory_space<hbm>>) target(%dma_start3A_420 : memref<1x64xf32, #tpu.memory_space<vmem>>) target_semaphore(%arg12 : memref<!tpu.dma_semaphore, #tpu.memory_space<semaphore_mem>>)
    %slice3A_423 = vector.extract_strided_slice %gather3A_242 {offsets = [15], sizes = [1], strides = [1]} : vector<16xi32> to vector<1xi32>
    %squeeze3A_424 = vector.extract %slice3A_423[0] : i32 from vector<1xi32>
    %dma_start3A_425 = arith.constant 31 : i32
    %dma_start3A_426 = arith.constant 0 : i32
    %dma_start3A_427 = tpu.memref_slice %arg8[%dma_start3A_425, %dma_start3A_426] : memref<128x64xf32, #tpu.memory_space<vmem>> -> memref<1x64xf32, #tpu.memory_space<vmem>>
    %dma_start3A_428 = arith.constant 0 : i32
    %dma_start3A_429 = tpu.memref_slice %arg4[%squeeze3A_424, %dma_start3A_428] : memref<100000x64xf32, #tpu.memory_space<hbm>> -> memref<1x64xf32, #tpu.memory_space<hbm>>
    %dma_start3A_430 = arith.constant 31 : i32
    %dma_start3A_431 = arith.constant 0 : i32
    %dma_start3A_432 = tpu.memref_slice %arg8[%dma_start3A_430, %dma_start3A_431] : memref<128x64xf32, #tpu.memory_space<vmem>> -> memref<1x64xf32, #tpu.memory_space<vmem>>
    %dma_start3A_433 = arith.constant 0 : i32
    %dma_start3A_434 = tpu.memref_slice %arg4[%squeeze3A_424, %dma_start3A_433] : memref<100000x64xf32, #tpu.memory_space<hbm>> -> memref<1x64xf32, #tpu.memory_space<hbm>>
    tpu.enqueue_dma source(%dma_start3A_434 : memref<1x64xf32, #tpu.memory_space<hbm>>) target(%dma_start3A_432 : memref<1x64xf32, #tpu.memory_space<vmem>>) target_semaphore(%arg12 : memref<!tpu.dma_semaphore, #tpu.memory_space<semaphore_mem>>)
    %add3A_435 = arith.constant 33 : i32
    %add3A_436 = vector.broadcast %add3A_435 : i32 to vector<16xi32>
    %add3A_437 = arith.addi %iota3A, %add3A_436 : vector<16xi32>
    %gather3A_438 = tpu.vector_load_idx %arg6[%add3A_437] : memref<144xi32, #tpu.memory_space<vmem>>[vector<16xi32>], vector<16xi32>,
    %slice3A_439 = vector.extract_strided_slice %gather3A_438 {offsets = [0], sizes = [1], strides = [1]} : vector<16xi32> to vector<1xi32>
    %squeeze3A_440 = vector.extract %slice3A_439[0] : i32 from vector<1xi32>
    %dma_start3A_441 = arith.constant 32 : i32
    %dma_start3A_442 = arith.constant 0 : i32
    %dma_start3A_443 = tpu.memref_slice %arg8[%dma_start3A_441, %dma_start3A_442] : memref<128x64xf32, #tpu.memory_space<vmem>> -> memref<1x64xf32, #tpu.memory_space<vmem>>
    %dma_start3A_444 = arith.constant 0 : i32
    %dma_start3A_445 = tpu.memref_slice %arg4[%squeeze3A_440, %dma_start3A_444] : memref<100000x64xf32, #tpu.memory_space<hbm>> -> memref<1x64xf32, #tpu.memory_space<hbm>>
    %dma_start3A_446 = arith.constant 32 : i32
    %dma_start3A_447 = arith.constant 0 : i32
    %dma_start3A_448 = tpu.memref_slice %arg8[%dma_start3A_446, %dma_start3A_447] : memref<128x64xf32, #tpu.memory_space<vmem>> -> memref<1x64xf32, #tpu.memory_space<vmem>>
    %dma_start3A_449 = arith.constant 0 : i32
    %dma_start3A_450 = tpu.memref_slice %arg4[%squeeze3A_440, %dma_start3A_449] : memref<100000x64xf32, #tpu.memory_space<hbm>> -> memref<1x64xf32, #tpu.memory_space<hbm>>
    tpu.enqueue_dma source(%dma_start3A_450 : memref<1x64xf32, #tpu.memory_space<hbm>>) target(%dma_start3A_448 : memref<1x64xf32, #tpu.memory_space<vmem>>) target_semaphore(%arg12 : memref<!tpu.dma_semaphore, #tpu.memory_space<semaphore_mem>>)
    %slice3A_451 = vector.extract_strided_slice %gather3A_438 {offsets = [1], sizes = [1], strides = [1]} : vector<16xi32> to vector<1xi32>
    %squeeze3A_452 = vector.extract %slice3A_451[0] : i32 from vector<1xi32>
    %dma_start3A_453 = arith.constant 33 : i32
    %dma_start3A_454 = arith.constant 0 : i32
    %dma_start3A_455 = tpu.memref_slice %arg8[%dma_start3A_453, %dma_start3A_454] : memref<128x64xf32, #tpu.memory_space<vmem>> -> memref<1x64xf32, #tpu.memory_space<vmem>>
    %dma_start3A_456 = arith.constant 0 : i32
    %dma_start3A_457 = tpu.memref_slice %arg4[%squeeze3A_452, %dma_start3A_456] : memref<100000x64xf32, #tpu.memory_space<hbm>> -> memref<1x64xf32, #tpu.memory_space<hbm>>
    %dma_start3A_458 = arith.constant 33 : i32
    %dma_start3A_459 = arith.constant 0 : i32
    %dma_start3A_460 = tpu.memref_slice %arg8[%dma_start3A_458, %dma_start3A_459] : memref<128x64xf32, #tpu.memory_space<vmem>> -> memref<1x64xf32, #tpu.memory_space<vmem>>
    %dma_start3A_461 = arith.constant 0 : i32
    %dma_start3A_462 = tpu.memref_slice %arg4[%squeeze3A_452, %dma_start3A_461] : memref<100000x64xf32, #tpu.memory_space<hbm>> -> memref<1x64xf32, #tpu.memory_space<hbm>>
    tpu.enqueue_dma source(%dma_start3A_462 : memref<1x64xf32, #tpu.memory_space<hbm>>) target(%dma_start3A_460 : memref<1x64xf32, #tpu.memory_space<vmem>>) target_semaphore(%arg12 : memref<!tpu.dma_semaphore, #tpu.memory_space<semaphore_mem>>)
    %slice3A_463 = vector.extract_strided_slice %gather3A_438 {offsets = [2], sizes = [1], strides = [1]} : vector<16xi32> to vector<1xi32>
    %squeeze3A_464 = vector.extract %slice3A_463[0] : i32 from vector<1xi32>
    %dma_start3A_465 = arith.constant 34 : i32
    %dma_start3A_466 = arith.constant 0 : i32
    %dma_start3A_467 = tpu.memref_slice %arg8[%dma_start3A_465, %dma_start3A_466] : memref<128x64xf32, #tpu.memory_space<vmem>> -> memref<1x64xf32, #tpu.memory_space<vmem>>
    %dma_start3A_468 = arith.constant 0 : i32
    %dma_start3A_469 = tpu.memref_slice %arg4[%squeeze3A_464, %dma_start3A_468] : memref<100000x64xf32, #tpu.memory_space<hbm>> -> memref<1x64xf32, #tpu.memory_space<hbm>>
    %dma_start3A_470 = arith.constant 34 : i32
    %dma_start3A_471 = arith.constant 0 : i32
    %dma_start3A_472 = tpu.memref_slice %arg8[%dma_start3A_470, %dma_start3A_471] : memref<128x64xf32, #tpu.memory_space<vmem>> -> memref<1x64xf32, #tpu.memory_space<vmem>>
    %dma_start3A_473 = arith.constant 0 : i32
    %dma_start3A_474 = tpu.memref_slice %arg4[%squeeze3A_464, %dma_start3A_473] : memref<100000x64xf32, #tpu.memory_space<hbm>> -> memref<1x64xf32, #tpu.memory_space<hbm>>
    tpu.enqueue_dma source(%dma_start3A_474 : memref<1x64xf32, #tpu.memory_space<hbm>>) target(%dma_start3A_472 : memref<1x64xf32, #tpu.memory_space<vmem>>) target_semaphore(%arg12 : memref<!tpu.dma_semaphore, #tpu.memory_space<semaphore_mem>>)
    %slice3A_475 = vector.extract_strided_slice %gather3A_438 {offsets = [3], sizes = [1], strides = [1]} : vector<16xi32> to vector<1xi32>
    %squeeze3A_476 = vector.extract %slice3A_475[0] : i32 from vector<1xi32>
    %dma_start3A_477 = arith.constant 35 : i32
    %dma_start3A_478 = arith.constant 0 : i32
    %dma_start3A_479 = tpu.memref_slice %arg8[%dma_start3A_477, %dma_start3A_478] : memref<128x64xf32, #tpu.memory_space<vmem>> -> memref<1x64xf32, #tpu.memory_space<vmem>>
    %dma_start3A_480 = arith.constant 0 : i32
    %dma_start3A_481 = tpu.memref_slice %arg4[%squeeze3A_476, %dma_start3A_480] : memref<100000x64xf32, #tpu.memory_space<hbm>> -> memref<1x64xf32, #tpu.memory_space<hbm>>
    %dma_start3A_482 = arith.constant 35 : i32
    %dma_start3A_483 = arith.constant 0 : i32
    %dma_start3A_484 = tpu.memref_slice %arg8[%dma_start3A_482, %dma_start3A_483] : memref<128x64xf32, #tpu.memory_space<vmem>> -> memref<1x64xf32, #tpu.memory_space<vmem>>
    %dma_start3A_485 = arith.constant 0 : i32
    %dma_start3A_486 = tpu.memref_slice %arg4[%squeeze3A_476, %dma_start3A_485] : memref<100000x64xf32, #tpu.memory_space<hbm>> -> memref<1x64xf32, #tpu.memory_space<hbm>>
    tpu.enqueue_dma source(%dma_start3A_486 : memref<1x64xf32, #tpu.memory_space<hbm>>) target(%dma_start3A_484 : memref<1x64xf32, #tpu.memory_space<vmem>>) target_semaphore(%arg12 : memref<!tpu.dma_semaphore, #tpu.memory_space<semaphore_mem>>)
    %slice3A_487 = vector.extract_strided_slice %gather3A_438 {offsets = [4], sizes = [1], strides = [1]} : vector<16xi32> to vector<1xi32>
    %squeeze3A_488 = vector.extract %slice3A_487[0] : i32 from vector<1xi32>
    %dma_start3A_489 = arith.constant 36 : i32
    %dma_start3A_490 = arith.constant 0 : i32
    %dma_start3A_491 = tpu.memref_slice %arg8[%dma_start3A_489, %dma_start3A_490] : memref<128x64xf32, #tpu.memory_space<vmem>> -> memref<1x64xf32, #tpu.memory_space<vmem>>
    %dma_start3A_492 = arith.constant 0 : i32
    %dma_start3A_493 = tpu.memref_slice %arg4[%squeeze3A_488, %dma_start3A_492] : memref<100000x64xf32, #tpu.memory_space<hbm>> -> memref<1x64xf32, #tpu.memory_space<hbm>>
    %dma_start3A_494 = arith.constant 36 : i32
    %dma_start3A_495 = arith.constant 0 : i32
    %dma_start3A_496 = tpu.memref_slice %arg8[%dma_start3A_494, %dma_start3A_495] : memref<128x64xf32, #tpu.memory_space<vmem>> -> memref<1x64xf32, #tpu.memory_space<vmem>>
    %dma_start3A_497 = arith.constant 0 : i32
    %dma_start3A_498 = tpu.memref_slice %arg4[%squeeze3A_488, %dma_start3A_497] : memref<100000x64xf32, #tpu.memory_space<hbm>> -> memref<1x64xf32, #tpu.memory_space<hbm>>
    tpu.enqueue_dma source(%dma_start3A_498 : memref<1x64xf32, #tpu.memory_space<hbm>>) target(%dma_start3A_496 : memref<1x64xf32, #tpu.memory_space<vmem>>) target_semaphore(%arg12 : memref<!tpu.dma_semaphore, #tpu.memory_space<semaphore_mem>>)
    %slice3A_499 = vector.extract_strided_slice %gather3A_438 {offsets = [5], sizes = [1], strides = [1]} : vector<16xi32> to vector<1xi32>
    %squeeze3A_500 = vector.extract %slice3A_499[0] : i32 from vector<1xi32>
    %dma_start3A_501 = arith.constant 37 : i32
    %dma_start3A_502 = arith.constant 0 : i32
    %dma_start3A_503 = tpu.memref_slice %arg8[%dma_start3A_501, %dma_start3A_502] : memref<128x64xf32, #tpu.memory_space<vmem>> -> memref<1x64xf32, #tpu.memory_space<vmem>>
    %dma_start3A_504 = arith.constant 0 : i32
    %dma_start3A_505 = tpu.memref_slice %arg4[%squeeze3A_500, %dma_start3A_504] : memref<100000x64xf32, #tpu.memory_space<hbm>> -> memref<1x64xf32, #tpu.memory_space<hbm>>
    %dma_start3A_506 = arith.constant 37 : i32
    %dma_start3A_507 = arith.constant 0 : i32
    %dma_start3A_508 = tpu.memref_slice %arg8[%dma_start3A_506, %dma_start3A_507] : memref<128x64xf32, #tpu.memory_space<vmem>> -> memref<1x64xf32, #tpu.memory_space<vmem>>
    %dma_start3A_509 = arith.constant 0 : i32
    %dma_start3A_510 = tpu.memref_slice %arg4[%squeeze3A_500, %dma_start3A_509] : memref<100000x64xf32, #tpu.memory_space<hbm>> -> memref<1x64xf32, #tpu.memory_space<hbm>>
    tpu.enqueue_dma source(%dma_start3A_510 : memref<1x64xf32, #tpu.memory_space<hbm>>) target(%dma_start3A_508 : memref<1x64xf32, #tpu.memory_space<vmem>>) target_semaphore(%arg12 : memref<!tpu.dma_semaphore, #tpu.memory_space<semaphore_mem>>)
    %slice3A_511 = vector.extract_strided_slice %gather3A_438 {offsets = [6], sizes = [1], strides = [1]} : vector<16xi32> to vector<1xi32>
    %squeeze3A_512 = vector.extract %slice3A_511[0] : i32 from vector<1xi32>
    %dma_start3A_513 = arith.constant 38 : i32
    %dma_start3A_514 = arith.constant 0 : i32
    %dma_start3A_515 = tpu.memref_slice %arg8[%dma_start3A_513, %dma_start3A_514] : memref<128x64xf32, #tpu.memory_space<vmem>> -> memref<1x64xf32, #tpu.memory_space<vmem>>
    %dma_start3A_516 = arith.constant 0 : i32
    %dma_start3A_517 = tpu.memref_slice %arg4[%squeeze3A_512, %dma_start3A_516] : memref<100000x64xf32, #tpu.memory_space<hbm>> -> memref<1x64xf32, #tpu.memory_space<hbm>>
    %dma_start3A_518 = arith.constant 38 : i32
    %dma_start3A_519 = arith.constant 0 : i32
    %dma_start3A_520 = tpu.memref_slice %arg8[%dma_start3A_518, %dma_start3A_519] : memref<128x64xf32, #tpu.memory_space<vmem>> -> memref<1x64xf32, #tpu.memory_space<vmem>>
    %dma_start3A_521 = arith.constant 0 : i32
    %dma_start3A_522 = tpu.memref_slice %arg4[%squeeze3A_512, %dma_start3A_521] : memref<100000x64xf32, #tpu.memory_space<hbm>> -> memref<1x64xf32, #tpu.memory_space<hbm>>
    tpu.enqueue_dma source(%dma_start3A_522 : memref<1x64xf32, #tpu.memory_space<hbm>>) target(%dma_start3A_520 : memref<1x64xf32, #tpu.memory_space<vmem>>) target_semaphore(%arg12 : memref<!tpu.dma_semaphore, #tpu.memory_space<semaphore_mem>>)
    %slice3A_523 = vector.extract_strided_slice %gather3A_438 {offsets = [7], sizes = [1], strides = [1]} : vector<16xi32> to vector<1xi32>
    %squeeze3A_524 = vector.extract %slice3A_523[0] : i32 from vector<1xi32>
    %dma_start3A_525 = arith.constant 39 : i32
    %dma_start3A_526 = arith.constant 0 : i32
    %dma_start3A_527 = tpu.memref_slice %arg8[%dma_start3A_525, %dma_start3A_526] : memref<128x64xf32, #tpu.memory_space<vmem>> -> memref<1x64xf32, #tpu.memory_space<vmem>>
    %dma_start3A_528 = arith.constant 0 : i32
    %dma_start3A_529 = tpu.memref_slice %arg4[%squeeze3A_524, %dma_start3A_528] : memref<100000x64xf32, #tpu.memory_space<hbm>> -> memref<1x64xf32, #tpu.memory_space<hbm>>
    %dma_start3A_530 = arith.constant 39 : i32
    %dma_start3A_531 = arith.constant 0 : i32
    %dma_start3A_532 = tpu.memref_slice %arg8[%dma_start3A_530, %dma_start3A_531] : memref<128x64xf32, #tpu.memory_space<vmem>> -> memref<1x64xf32, #tpu.memory_space<vmem>>
    %dma_start3A_533 = arith.constant 0 : i32
    %dma_start3A_534 = tpu.memref_slice %arg4[%squeeze3A_524, %dma_start3A_533] : memref<100000x64xf32, #tpu.memory_space<hbm>> -> memref<1x64xf32, #tpu.memory_space<hbm>>
    tpu.enqueue_dma source(%dma_start3A_534 : memref<1x64xf32, #tpu.memory_space<hbm>>) target(%dma_start3A_532 : memref<1x64xf32, #tpu.memory_space<vmem>>) target_semaphore(%arg12 : memref<!tpu.dma_semaphore, #tpu.memory_space<semaphore_mem>>)
    %slice3A_535 = vector.extract_strided_slice %gather3A_438 {offsets = [8], sizes = [1], strides = [1]} : vector<16xi32> to vector<1xi32>
    %squeeze3A_536 = vector.extract %slice3A_535[0] : i32 from vector<1xi32>
    %dma_start3A_537 = arith.constant 40 : i32
    %dma_start3A_538 = arith.constant 0 : i32
    %dma_start3A_539 = tpu.memref_slice %arg8[%dma_start3A_537, %dma_start3A_538] : memref<128x64xf32, #tpu.memory_space<vmem>> -> memref<1x64xf32, #tpu.memory_space<vmem>>
    %dma_start3A_540 = arith.constant 0 : i32
    %dma_start3A_541 = tpu.memref_slice %arg4[%squeeze3A_536, %dma_start3A_540] : memref<100000x64xf32, #tpu.memory_space<hbm>> -> memref<1x64xf32, #tpu.memory_space<hbm>>
    %dma_start3A_542 = arith.constant 40 : i32
    %dma_start3A_543 = arith.constant 0 : i32
    %dma_start3A_544 = tpu.memref_slice %arg8[%dma_start3A_542, %dma_start3A_543] : memref<128x64xf32, #tpu.memory_space<vmem>> -> memref<1x64xf32, #tpu.memory_space<vmem>>
    %dma_start3A_545 = arith.constant 0 : i32
    %dma_start3A_546 = tpu.memref_slice %arg4[%squeeze3A_536, %dma_start3A_545] : memref<100000x64xf32, #tpu.memory_space<hbm>> -> memref<1x64xf32, #tpu.memory_space<hbm>>
    tpu.enqueue_dma source(%dma_start3A_546 : memref<1x64xf32, #tpu.memory_space<hbm>>) target(%dma_start3A_544 : memref<1x64xf32, #tpu.memory_space<vmem>>) target_semaphore(%arg12 : memref<!tpu.dma_semaphore, #tpu.memory_space<semaphore_mem>>)
    %slice3A_547 = vector.extract_strided_slice %gather3A_438 {offsets = [9], sizes = [1], strides = [1]} : vector<16xi32> to vector<1xi32>
    %squeeze3A_548 = vector.extract %slice3A_547[0] : i32 from vector<1xi32>
    %dma_start3A_549 = arith.constant 41 : i32
    %dma_start3A_550 = arith.constant 0 : i32
    %dma_start3A_551 = tpu.memref_slice %arg8[%dma_start3A_549, %dma_start3A_550] : memref<128x64xf32, #tpu.memory_space<vmem>> -> memref<1x64xf32, #tpu.memory_space<vmem>>
    %dma_start3A_552 = arith.constant 0 : i32
    %dma_start3A_553 = tpu.memref_slice %arg4[%squeeze3A_548, %dma_start3A_552] : memref<100000x64xf32, #tpu.memory_space<hbm>> -> memref<1x64xf32, #tpu.memory_space<hbm>>
    %dma_start3A_554 = arith.constant 41 : i32
    %dma_start3A_555 = arith.constant 0 : i32
    %dma_start3A_556 = tpu.memref_slice %arg8[%dma_start3A_554, %dma_start3A_555] : memref<128x64xf32, #tpu.memory_space<vmem>> -> memref<1x64xf32, #tpu.memory_space<vmem>>
    %dma_start3A_557 = arith.constant 0 : i32
    %dma_start3A_558 = tpu.memref_slice %arg4[%squeeze3A_548, %dma_start3A_557] : memref<100000x64xf32, #tpu.memory_space<hbm>> -> memref<1x64xf32, #tpu.memory_space<hbm>>
    tpu.enqueue_dma source(%dma_start3A_558 : memref<1x64xf32, #tpu.memory_space<hbm>>) target(%dma_start3A_556 : memref<1x64xf32, #tpu.memory_space<vmem>>) target_semaphore(%arg12 : memref<!tpu.dma_semaphore, #tpu.memory_space<semaphore_mem>>)
    %slice3A_559 = vector.extract_strided_slice %gather3A_438 {offsets = [10], sizes = [1], strides = [1]} : vector<16xi32> to vector<1xi32>
    %squeeze3A_560 = vector.extract %slice3A_559[0] : i32 from vector<1xi32>
    %dma_start3A_561 = arith.constant 42 : i32
    %dma_start3A_562 = arith.constant 0 : i32
    %dma_start3A_563 = tpu.memref_slice %arg8[%dma_start3A_561, %dma_start3A_562] : memref<128x64xf32, #tpu.memory_space<vmem>> -> memref<1x64xf32, #tpu.memory_space<vmem>>
    %dma_start3A_564 = arith.constant 0 : i32
    %dma_start3A_565 = tpu.memref_slice %arg4[%squeeze3A_560, %dma_start3A_564] : memref<100000x64xf32, #tpu.memory_space<hbm>> -> memref<1x64xf32, #tpu.memory_space<hbm>>
    %dma_start3A_566 = arith.constant 42 : i32
    %dma_start3A_567 = arith.constant 0 : i32
    %dma_start3A_568 = tpu.memref_slice %arg8[%dma_start3A_566, %dma_start3A_567] : memref<128x64xf32, #tpu.memory_space<vmem>> -> memref<1x64xf32, #tpu.memory_space<vmem>>
    %dma_start3A_569 = arith.constant 0 : i32
    %dma_start3A_570 = tpu.memref_slice %arg4[%squeeze3A_560, %dma_start3A_569] : memref<100000x64xf32, #tpu.memory_space<hbm>> -> memref<1x64xf32, #tpu.memory_space<hbm>>
    tpu.enqueue_dma source(%dma_start3A_570 : memref<1x64xf32, #tpu.memory_space<hbm>>) target(%dma_start3A_568 : memref<1x64xf32, #tpu.memory_space<vmem>>) target_semaphore(%arg12 : memref<!tpu.dma_semaphore, #tpu.memory_space<semaphore_mem>>)
    %slice3A_571 = vector.extract_strided_slice %gather3A_438 {offsets = [11], sizes = [1], strides = [1]} : vector<16xi32> to vector<1xi32>
    %squeeze3A_572 = vector.extract %slice3A_571[0] : i32 from vector<1xi32>
    %dma_start3A_573 = arith.constant 43 : i32
    %dma_start3A_574 = arith.constant 0 : i32
    %dma_start3A_575 = tpu.memref_slice %arg8[%dma_start3A_573, %dma_start3A_574] : memref<128x64xf32, #tpu.memory_space<vmem>> -> memref<1x64xf32, #tpu.memory_space<vmem>>
    %dma_start3A_576 = arith.constant 0 : i32
    %dma_start3A_577 = tpu.memref_slice %arg4[%squeeze3A_572, %dma_start3A_576] : memref<100000x64xf32, #tpu.memory_space<hbm>> -> memref<1x64xf32, #tpu.memory_space<hbm>>
    %dma_start3A_578 = arith.constant 43 : i32
    %dma_start3A_579 = arith.constant 0 : i32
    %dma_start3A_580 = tpu.memref_slice %arg8[%dma_start3A_578, %dma_start3A_579] : memref<128x64xf32, #tpu.memory_space<vmem>> -> memref<1x64xf32, #tpu.memory_space<vmem>>
    %dma_start3A_581 = arith.constant 0 : i32
    %dma_start3A_582 = tpu.memref_slice %arg4[%squeeze3A_572, %dma_start3A_581] : memref<100000x64xf32, #tpu.memory_space<hbm>> -> memref<1x64xf32, #tpu.memory_space<hbm>>
    tpu.enqueue_dma source(%dma_start3A_582 : memref<1x64xf32, #tpu.memory_space<hbm>>) target(%dma_start3A_580 : memref<1x64xf32, #tpu.memory_space<vmem>>) target_semaphore(%arg12 : memref<!tpu.dma_semaphore, #tpu.memory_space<semaphore_mem>>)
    %slice3A_583 = vector.extract_strided_slice %gather3A_438 {offsets = [12], sizes = [1], strides = [1]} : vector<16xi32> to vector<1xi32>
    %squeeze3A_584 = vector.extract %slice3A_583[0] : i32 from vector<1xi32>
    %dma_start3A_585 = arith.constant 44 : i32
    %dma_start3A_586 = arith.constant 0 : i32
    %dma_start3A_587 = tpu.memref_slice %arg8[%dma_start3A_585, %dma_start3A_586] : memref<128x64xf32, #tpu.memory_space<vmem>> -> memref<1x64xf32, #tpu.memory_space<vmem>>
    %dma_start3A_588 = arith.constant 0 : i32
    %dma_start3A_589 = tpu.memref_slice %arg4[%squeeze3A_584, %dma_start3A_588] : memref<100000x64xf32, #tpu.memory_space<hbm>> -> memref<1x64xf32, #tpu.memory_space<hbm>>
    %dma_start3A_590 = arith.constant 44 : i32
    %dma_start3A_591 = arith.constant 0 : i32
    %dma_start3A_592 = tpu.memref_slice %arg8[%dma_start3A_590, %dma_start3A_591] : memref<128x64xf32, #tpu.memory_space<vmem>> -> memref<1x64xf32, #tpu.memory_space<vmem>>
    %dma_start3A_593 = arith.constant 0 : i32
    %dma_start3A_594 = tpu.memref_slice %arg4[%squeeze3A_584, %dma_start3A_593] : memref<100000x64xf32, #tpu.memory_space<hbm>> -> memref<1x64xf32, #tpu.memory_space<hbm>>
    tpu.enqueue_dma source(%dma_start3A_594 : memref<1x64xf32, #tpu.memory_space<hbm>>) target(%dma_start3A_592 : memref<1x64xf32, #tpu.memory_space<vmem>>) target_semaphore(%arg12 : memref<!tpu.dma_semaphore, #tpu.memory_space<semaphore_mem>>)
    %slice3A_595 = vector.extract_strided_slice %gather3A_438 {offsets = [13], sizes = [1], strides = [1]} : vector<16xi32> to vector<1xi32>
    %squeeze3A_596 = vector.extract %slice3A_595[0] : i32 from vector<1xi32>
    %dma_start3A_597 = arith.constant 45 : i32
    %dma_start3A_598 = arith.constant 0 : i32
    %dma_start3A_599 = tpu.memref_slice %arg8[%dma_start3A_597, %dma_start3A_598] : memref<128x64xf32, #tpu.memory_space<vmem>> -> memref<1x64xf32, #tpu.memory_space<vmem>>
    %dma_start3A_600 = arith.constant 0 : i32
    %dma_start3A_601 = tpu.memref_slice %arg4[%squeeze3A_596, %dma_start3A_600] : memref<100000x64xf32, #tpu.memory_space<hbm>> -> memref<1x64xf32, #tpu.memory_space<hbm>>
    %dma_start3A_602 = arith.constant 45 : i32
    %dma_start3A_603 = arith.constant 0 : i32
    %dma_start3A_604 = tpu.memref_slice %arg8[%dma_start3A_602, %dma_start3A_603] : memref<128x64xf32, #tpu.memory_space<vmem>> -> memref<1x64xf32, #tpu.memory_space<vmem>>
    %dma_start3A_605 = arith.constant 0 : i32
    %dma_start3A_606 = tpu.memref_slice %arg4[%squeeze3A_596, %dma_start3A_605] : memref<100000x64xf32, #tpu.memory_space<hbm>> -> memref<1x64xf32, #tpu.memory_space<hbm>>
    tpu.enqueue_dma source(%dma_start3A_606 : memref<1x64xf32, #tpu.memory_space<hbm>>) target(%dma_start3A_604 : memref<1x64xf32, #tpu.memory_space<vmem>>) target_semaphore(%arg12 : memref<!tpu.dma_semaphore, #tpu.memory_space<semaphore_mem>>)
    %slice3A_607 = vector.extract_strided_slice %gather3A_438 {offsets = [14], sizes = [1], strides = [1]} : vector<16xi32> to vector<1xi32>
    %squeeze3A_608 = vector.extract %slice3A_607[0] : i32 from vector<1xi32>
    %dma_start3A_609 = arith.constant 46 : i32
    %dma_start3A_610 = arith.constant 0 : i32
    %dma_start3A_611 = tpu.memref_slice %arg8[%dma_start3A_609, %dma_start3A_610] : memref<128x64xf32, #tpu.memory_space<vmem>> -> memref<1x64xf32, #tpu.memory_space<vmem>>
    %dma_start3A_612 = arith.constant 0 : i32
    %dma_start3A_613 = tpu.memref_slice %arg4[%squeeze3A_608, %dma_start3A_612] : memref<100000x64xf32, #tpu.memory_space<hbm>> -> memref<1x64xf32, #tpu.memory_space<hbm>>
    %dma_start3A_614 = arith.constant 46 : i32
    %dma_start3A_615 = arith.constant 0 : i32
    %dma_start3A_616 = tpu.memref_slice %arg8[%dma_start3A_614, %dma_start3A_615] : memref<128x64xf32, #tpu.memory_space<vmem>> -> memref<1x64xf32, #tpu.memory_space<vmem>>
    %dma_start3A_617 = arith.constant 0 : i32
    %dma_start3A_618 = tpu.memref_slice %arg4[%squeeze3A_608, %dma_start3A_617] : memref<100000x64xf32, #tpu.memory_space<hbm>> -> memref<1x64xf32, #tpu.memory_space<hbm>>
    tpu.enqueue_dma source(%dma_start3A_618 : memref<1x64xf32, #tpu.memory_space<hbm>>) target(%dma_start3A_616 : memref<1x64xf32, #tpu.memory_space<vmem>>) target_semaphore(%arg12 : memref<!tpu.dma_semaphore, #tpu.memory_space<semaphore_mem>>)
    %slice3A_619 = vector.extract_strided_slice %gather3A_438 {offsets = [15], sizes = [1], strides = [1]} : vector<16xi32> to vector<1xi32>
    %squeeze3A_620 = vector.extract %slice3A_619[0] : i32 from vector<1xi32>
    %dma_start3A_621 = arith.constant 47 : i32
    %dma_start3A_622 = arith.constant 0 : i32
    %dma_start3A_623 = tpu.memref_slice %arg8[%dma_start3A_621, %dma_start3A_622] : memref<128x64xf32, #tpu.memory_space<vmem>> -> memref<1x64xf32, #tpu.memory_space<vmem>>
    %dma_start3A_624 = arith.constant 0 : i32
    %dma_start3A_625 = tpu.memref_slice %arg4[%squeeze3A_620, %dma_start3A_624] : memref<100000x64xf32, #tpu.memory_space<hbm>> -> memref<1x64xf32, #tpu.memory_space<hbm>>
    %dma_start3A_626 = arith.constant 47 : i32
    %dma_start3A_627 = arith.constant 0 : i32
    %dma_start3A_628 = tpu.memref_slice %arg8[%dma_start3A_626, %dma_start3A_627] : memref<128x64xf32, #tpu.memory_space<vmem>> -> memref<1x64xf32, #tpu.memory_space<vmem>>
    %dma_start3A_629 = arith.constant 0 : i32
    %dma_start3A_630 = tpu.memref_slice %arg4[%squeeze3A_620, %dma_start3A_629] : memref<100000x64xf32, #tpu.memory_space<hbm>> -> memref<1x64xf32, #tpu.memory_space<hbm>>
    tpu.enqueue_dma source(%dma_start3A_630 : memref<1x64xf32, #tpu.memory_space<hbm>>) target(%dma_start3A_628 : memref<1x64xf32, #tpu.memory_space<vmem>>) target_semaphore(%arg12 : memref<!tpu.dma_semaphore, #tpu.memory_space<semaphore_mem>>)
    %add3A_631 = arith.constant 49 : i32
    %add3A_632 = vector.broadcast %add3A_631 : i32 to vector<16xi32>
    %add3A_633 = arith.addi %iota3A, %add3A_632 : vector<16xi32>
    %gather3A_634 = tpu.vector_load_idx %arg6[%add3A_633] : memref<144xi32, #tpu.memory_space<vmem>>[vector<16xi32>], vector<16xi32>,
    %slice3A_635 = vector.extract_strided_slice %gather3A_634 {offsets = [0], sizes = [1], strides = [1]} : vector<16xi32> to vector<1xi32>
    %squeeze3A_636 = vector.extract %slice3A_635[0] : i32 from vector<1xi32>
    %dma_start3A_637 = arith.constant 48 : i32
    %dma_start3A_638 = arith.constant 0 : i32
    %dma_start3A_639 = tpu.memref_slice %arg8[%dma_start3A_637, %dma_start3A_638] : memref<128x64xf32, #tpu.memory_space<vmem>> -> memref<1x64xf32, #tpu.memory_space<vmem>>
    %dma_start3A_640 = arith.constant 0 : i32
    %dma_start3A_641 = tpu.memref_slice %arg4[%squeeze3A_636, %dma_start3A_640] : memref<100000x64xf32, #tpu.memory_space<hbm>> -> memref<1x64xf32, #tpu.memory_space<hbm>>
    %dma_start3A_642 = arith.constant 48 : i32
    %dma_start3A_643 = arith.constant 0 : i32
    %dma_start3A_644 = tpu.memref_slice %arg8[%dma_start3A_642, %dma_start3A_643] : memref<128x64xf32, #tpu.memory_space<vmem>> -> memref<1x64xf32, #tpu.memory_space<vmem>>
    %dma_start3A_645 = arith.constant 0 : i32
    %dma_start3A_646 = tpu.memref_slice %arg4[%squeeze3A_636, %dma_start3A_645] : memref<100000x64xf32, #tpu.memory_space<hbm>> -> memref<1x64xf32, #tpu.memory_space<hbm>>
    tpu.enqueue_dma source(%dma_start3A_646 : memref<1x64xf32, #tpu.memory_space<hbm>>) target(%dma_start3A_644 : memref<1x64xf32, #tpu.memory_space<vmem>>) target_semaphore(%arg12 : memref<!tpu.dma_semaphore, #tpu.memory_space<semaphore_mem>>)
    %slice3A_647 = vector.extract_strided_slice %gather3A_634 {offsets = [1], sizes = [1], strides = [1]} : vector<16xi32> to vector<1xi32>
    %squeeze3A_648 = vector.extract %slice3A_647[0] : i32 from vector<1xi32>
    %dma_start3A_649 = arith.constant 49 : i32
    %dma_start3A_650 = arith.constant 0 : i32
    %dma_start3A_651 = tpu.memref_slice %arg8[%dma_start3A_649, %dma_start3A_650] : memref<128x64xf32, #tpu.memory_space<vmem>> -> memref<1x64xf32, #tpu.memory_space<vmem>>
    %dma_start3A_652 = arith.constant 0 : i32
    %dma_start3A_653 = tpu.memref_slice %arg4[%squeeze3A_648, %dma_start3A_652] : memref<100000x64xf32, #tpu.memory_space<hbm>> -> memref<1x64xf32, #tpu.memory_space<hbm>>
    %dma_start3A_654 = arith.constant 49 : i32
    %dma_start3A_655 = arith.constant 0 : i32
    %dma_start3A_656 = tpu.memref_slice %arg8[%dma_start3A_654, %dma_start3A_655] : memref<128x64xf32, #tpu.memory_space<vmem>> -> memref<1x64xf32, #tpu.memory_space<vmem>>
    %dma_start3A_657 = arith.constant 0 : i32
    %dma_start3A_658 = tpu.memref_slice %arg4[%squeeze3A_648, %dma_start3A_657] : memref<100000x64xf32, #tpu.memory_space<hbm>> -> memref<1x64xf32, #tpu.memory_space<hbm>>
    tpu.enqueue_dma source(%dma_start3A_658 : memref<1x64xf32, #tpu.memory_space<hbm>>) target(%dma_start3A_656 : memref<1x64xf32, #tpu.memory_space<vmem>>) target_semaphore(%arg12 : memref<!tpu.dma_semaphore, #tpu.memory_space<semaphore_mem>>)
    %slice3A_659 = vector.extract_strided_slice %gather3A_634 {offsets = [2], sizes = [1], strides = [1]} : vector<16xi32> to vector<1xi32>
    %squeeze3A_660 = vector.extract %slice3A_659[0] : i32 from vector<1xi32>
    %dma_start3A_661 = arith.constant 50 : i32
    %dma_start3A_662 = arith.constant 0 : i32
    %dma_start3A_663 = tpu.memref_slice %arg8[%dma_start3A_661, %dma_start3A_662] : memref<128x64xf32, #tpu.memory_space<vmem>> -> memref<1x64xf32, #tpu.memory_space<vmem>>
    %dma_start3A_664 = arith.constant 0 : i32
    %dma_start3A_665 = tpu.memref_slice %arg4[%squeeze3A_660, %dma_start3A_664] : memref<100000x64xf32, #tpu.memory_space<hbm>> -> memref<1x64xf32, #tpu.memory_space<hbm>>
    %dma_start3A_666 = arith.constant 50 : i32
    %dma_start3A_667 = arith.constant 0 : i32
    %dma_start3A_668 = tpu.memref_slice %arg8[%dma_start3A_666, %dma_start3A_667] : memref<128x64xf32, #tpu.memory_space<vmem>> -> memref<1x64xf32, #tpu.memory_space<vmem>>
    %dma_start3A_669 = arith.constant 0 : i32
    %dma_start3A_670 = tpu.memref_slice %arg4[%squeeze3A_660, %dma_start3A_669] : memref<100000x64xf32, #tpu.memory_space<hbm>> -> memref<1x64xf32, #tpu.memory_space<hbm>>
    tpu.enqueue_dma source(%dma_start3A_670 : memref<1x64xf32, #tpu.memory_space<hbm>>) target(%dma_start3A_668 : memref<1x64xf32, #tpu.memory_space<vmem>>) target_semaphore(%arg12 : memref<!tpu.dma_semaphore, #tpu.memory_space<semaphore_mem>>)
    %slice3A_671 = vector.extract_strided_slice %gather3A_634 {offsets = [3], sizes = [1], strides = [1]} : vector<16xi32> to vector<1xi32>
    %squeeze3A_672 = vector.extract %slice3A_671[0] : i32 from vector<1xi32>
    %dma_start3A_673 = arith.constant 51 : i32
    %dma_start3A_674 = arith.constant 0 : i32
    %dma_start3A_675 = tpu.memref_slice %arg8[%dma_start3A_673, %dma_start3A_674] : memref<128x64xf32, #tpu.memory_space<vmem>> -> memref<1x64xf32, #tpu.memory_space<vmem>>
    %dma_start3A_676 = arith.constant 0 : i32
    %dma_start3A_677 = tpu.memref_slice %arg4[%squeeze3A_672, %dma_start3A_676] : memref<100000x64xf32, #tpu.memory_space<hbm>> -> memref<1x64xf32, #tpu.memory_space<hbm>>
    %dma_start3A_678 = arith.constant 51 : i32
    %dma_start3A_679 = arith.constant 0 : i32
    %dma_start3A_680 = tpu.memref_slice %arg8[%dma_start3A_678, %dma_start3A_679] : memref<128x64xf32, #tpu.memory_space<vmem>> -> memref<1x64xf32, #tpu.memory_space<vmem>>
    %dma_start3A_681 = arith.constant 0 : i32
    %dma_start3A_682 = tpu.memref_slice %arg4[%squeeze3A_672, %dma_start3A_681] : memref<100000x64xf32, #tpu.memory_space<hbm>> -> memref<1x64xf32, #tpu.memory_space<hbm>>
    tpu.enqueue_dma source(%dma_start3A_682 : memref<1x64xf32, #tpu.memory_space<hbm>>) target(%dma_start3A_680 : memref<1x64xf32, #tpu.memory_space<vmem>>) target_semaphore(%arg12 : memref<!tpu.dma_semaphore, #tpu.memory_space<semaphore_mem>>)
    %slice3A_683 = vector.extract_strided_slice %gather3A_634 {offsets = [4], sizes = [1], strides = [1]} : vector<16xi32> to vector<1xi32>
    %squeeze3A_684 = vector.extract %slice3A_683[0] : i32 from vector<1xi32>
    %dma_start3A_685 = arith.constant 52 : i32
    %dma_start3A_686 = arith.constant 0 : i32
    %dma_start3A_687 = tpu.memref_slice %arg8[%dma_start3A_685, %dma_start3A_686] : memref<128x64xf32, #tpu.memory_space<vmem>> -> memref<1x64xf32, #tpu.memory_space<vmem>>
    %dma_start3A_688 = arith.constant 0 : i32
    %dma_start3A_689 = tpu.memref_slice %arg4[%squeeze3A_684, %dma_start3A_688] : memref<100000x64xf32, #tpu.memory_space<hbm>> -> memref<1x64xf32, #tpu.memory_space<hbm>>
    %dma_start3A_690 = arith.constant 52 : i32
    %dma_start3A_691 = arith.constant 0 : i32
    %dma_start3A_692 = tpu.memref_slice %arg8[%dma_start3A_690, %dma_start3A_691] : memref<128x64xf32, #tpu.memory_space<vmem>> -> memref<1x64xf32, #tpu.memory_space<vmem>>
    %dma_start3A_693 = arith.constant 0 : i32
    %dma_start3A_694 = tpu.memref_slice %arg4[%squeeze3A_684, %dma_start3A_693] : memref<100000x64xf32, #tpu.memory_space<hbm>> -> memref<1x64xf32, #tpu.memory_space<hbm>>
    tpu.enqueue_dma source(%dma_start3A_694 : memref<1x64xf32, #tpu.memory_space<hbm>>) target(%dma_start3A_692 : memref<1x64xf32, #tpu.memory_space<vmem>>) target_semaphore(%arg12 : memref<!tpu.dma_semaphore, #tpu.memory_space<semaphore_mem>>)
    %slice3A_695 = vector.extract_strided_slice %gather3A_634 {offsets = [5], sizes = [1], strides = [1]} : vector<16xi32> to vector<1xi32>
    %squeeze3A_696 = vector.extract %slice3A_695[0] : i32 from vector<1xi32>
    %dma_start3A_697 = arith.constant 53 : i32
    %dma_start3A_698 = arith.constant 0 : i32
    %dma_start3A_699 = tpu.memref_slice %arg8[%dma_start3A_697, %dma_start3A_698] : memref<128x64xf32, #tpu.memory_space<vmem>> -> memref<1x64xf32, #tpu.memory_space<vmem>>
    %dma_start3A_700 = arith.constant 0 : i32
    %dma_start3A_701 = tpu.memref_slice %arg4[%squeeze3A_696, %dma_start3A_700] : memref<100000x64xf32, #tpu.memory_space<hbm>> -> memref<1x64xf32, #tpu.memory_space<hbm>>
    %dma_start3A_702 = arith.constant 53 : i32
    %dma_start3A_703 = arith.constant 0 : i32
    %dma_start3A_704 = tpu.memref_slice %arg8[%dma_start3A_702, %dma_start3A_703] : memref<128x64xf32, #tpu.memory_space<vmem>> -> memref<1x64xf32, #tpu.memory_space<vmem>>
    %dma_start3A_705 = arith.constant 0 : i32
    %dma_start3A_706 = tpu.memref_slice %arg4[%squeeze3A_696, %dma_start3A_705] : memref<100000x64xf32, #tpu.memory_space<hbm>> -> memref<1x64xf32, #tpu.memory_space<hbm>>
    tpu.enqueue_dma source(%dma_start3A_706 : memref<1x64xf32, #tpu.memory_space<hbm>>) target(%dma_start3A_704 : memref<1x64xf32, #tpu.memory_space<vmem>>) target_semaphore(%arg12 : memref<!tpu.dma_semaphore, #tpu.memory_space<semaphore_mem>>)
    %slice3A_707 = vector.extract_strided_slice %gather3A_634 {offsets = [6], sizes = [1], strides = [1]} : vector<16xi32> to vector<1xi32>
    %squeeze3A_708 = vector.extract %slice3A_707[0] : i32 from vector<1xi32>
    %dma_start3A_709 = arith.constant 54 : i32
    %dma_start3A_710 = arith.constant 0 : i32
    %dma_start3A_711 = tpu.memref_slice %arg8[%dma_start3A_709, %dma_start3A_710] : memref<128x64xf32, #tpu.memory_space<vmem>> -> memref<1x64xf32, #tpu.memory_space<vmem>>
    %dma_start3A_712 = arith.constant 0 : i32
    %dma_start3A_713 = tpu.memref_slice %arg4[%squeeze3A_708, %dma_start3A_712] : memref<100000x64xf32, #tpu.memory_space<hbm>> -> memref<1x64xf32, #tpu.memory_space<hbm>>
    %dma_start3A_714 = arith.constant 54 : i32
    %dma_start3A_715 = arith.constant 0 : i32
    %dma_start3A_716 = tpu.memref_slice %arg8[%dma_start3A_714, %dma_start3A_715] : memref<128x64xf32, #tpu.memory_space<vmem>> -> memref<1x64xf32, #tpu.memory_space<vmem>>
    %dma_start3A_717 = arith.constant 0 : i32
    %dma_start3A_718 = tpu.memref_slice %arg4[%squeeze3A_708, %dma_start3A_717] : memref<100000x64xf32, #tpu.memory_space<hbm>> -> memref<1x64xf32, #tpu.memory_space<hbm>>
    tpu.enqueue_dma source(%dma_start3A_718 : memref<1x64xf32, #tpu.memory_space<hbm>>) target(%dma_start3A_716 : memref<1x64xf32, #tpu.memory_space<vmem>>) target_semaphore(%arg12 : memref<!tpu.dma_semaphore, #tpu.memory_space<semaphore_mem>>)
    %slice3A_719 = vector.extract_strided_slice %gather3A_634 {offsets = [7], sizes = [1], strides = [1]} : vector<16xi32> to vector<1xi32>
    %squeeze3A_720 = vector.extract %slice3A_719[0] : i32 from vector<1xi32>
    %dma_start3A_721 = arith.constant 55 : i32
    %dma_start3A_722 = arith.constant 0 : i32
    %dma_start3A_723 = tpu.memref_slice %arg8[%dma_start3A_721, %dma_start3A_722] : memref<128x64xf32, #tpu.memory_space<vmem>> -> memref<1x64xf32, #tpu.memory_space<vmem>>
    %dma_start3A_724 = arith.constant 0 : i32
    %dma_start3A_725 = tpu.memref_slice %arg4[%squeeze3A_720, %dma_start3A_724] : memref<100000x64xf32, #tpu.memory_space<hbm>> -> memref<1x64xf32, #tpu.memory_space<hbm>>
    %dma_start3A_726 = arith.constant 55 : i32
    %dma_start3A_727 = arith.constant 0 : i32
    %dma_start3A_728 = tpu.memref_slice %arg8[%dma_start3A_726, %dma_start3A_727] : memref<128x64xf32, #tpu.memory_space<vmem>> -> memref<1x64xf32, #tpu.memory_space<vmem>>
    %dma_start3A_729 = arith.constant 0 : i32
    %dma_start3A_730 = tpu.memref_slice %arg4[%squeeze3A_720, %dma_start3A_729] : memref<100000x64xf32, #tpu.memory_space<hbm>> -> memref<1x64xf32, #tpu.memory_space<hbm>>
    tpu.enqueue_dma source(%dma_start3A_730 : memref<1x64xf32, #tpu.memory_space<hbm>>) target(%dma_start3A_728 : memref<1x64xf32, #tpu.memory_space<vmem>>) target_semaphore(%arg12 : memref<!tpu.dma_semaphore, #tpu.memory_space<semaphore_mem>>)
    %slice3A_731 = vector.extract_strided_slice %gather3A_634 {offsets = [8], sizes = [1], strides = [1]} : vector<16xi32> to vector<1xi32>
    %squeeze3A_732 = vector.extract %slice3A_731[0] : i32 from vector<1xi32>
    %dma_start3A_733 = arith.constant 56 : i32
    %dma_start3A_734 = arith.constant 0 : i32
    %dma_start3A_735 = tpu.memref_slice %arg8[%dma_start3A_733, %dma_start3A_734] : memref<128x64xf32, #tpu.memory_space<vmem>> -> memref<1x64xf32, #tpu.memory_space<vmem>>
    %dma_start3A_736 = arith.constant 0 : i32
    %dma_start3A_737 = tpu.memref_slice %arg4[%squeeze3A_732, %dma_start3A_736] : memref<100000x64xf32, #tpu.memory_space<hbm>> -> memref<1x64xf32, #tpu.memory_space<hbm>>
    %dma_start3A_738 = arith.constant 56 : i32
    %dma_start3A_739 = arith.constant 0 : i32
    %dma_start3A_740 = tpu.memref_slice %arg8[%dma_start3A_738, %dma_start3A_739] : memref<128x64xf32, #tpu.memory_space<vmem>> -> memref<1x64xf32, #tpu.memory_space<vmem>>
    %dma_start3A_741 = arith.constant 0 : i32
    %dma_start3A_742 = tpu.memref_slice %arg4[%squeeze3A_732, %dma_start3A_741] : memref<100000x64xf32, #tpu.memory_space<hbm>> -> memref<1x64xf32, #tpu.memory_space<hbm>>
    tpu.enqueue_dma source(%dma_start3A_742 : memref<1x64xf32, #tpu.memory_space<hbm>>) target(%dma_start3A_740 : memref<1x64xf32, #tpu.memory_space<vmem>>) target_semaphore(%arg12 : memref<!tpu.dma_semaphore, #tpu.memory_space<semaphore_mem>>)
    %slice3A_743 = vector.extract_strided_slice %gather3A_634 {offsets = [9], sizes = [1], strides = [1]} : vector<16xi32> to vector<1xi32>
    %squeeze3A_744 = vector.extract %slice3A_743[0] : i32 from vector<1xi32>
    %dma_start3A_745 = arith.constant 57 : i32
    %dma_start3A_746 = arith.constant 0 : i32
    %dma_start3A_747 = tpu.memref_slice %arg8[%dma_start3A_745, %dma_start3A_746] : memref<128x64xf32, #tpu.memory_space<vmem>> -> memref<1x64xf32, #tpu.memory_space<vmem>>
    %dma_start3A_748 = arith.constant 0 : i32
    %dma_start3A_749 = tpu.memref_slice %arg4[%squeeze3A_744, %dma_start3A_748] : memref<100000x64xf32, #tpu.memory_space<hbm>> -> memref<1x64xf32, #tpu.memory_space<hbm>>
    %dma_start3A_750 = arith.constant 57 : i32
    %dma_start3A_751 = arith.constant 0 : i32
    %dma_start3A_752 = tpu.memref_slice %arg8[%dma_start3A_750, %dma_start3A_751] : memref<128x64xf32, #tpu.memory_space<vmem>> -> memref<1x64xf32, #tpu.memory_space<vmem>>
    %dma_start3A_753 = arith.constant 0 : i32
    %dma_start3A_754 = tpu.memref_slice %arg4[%squeeze3A_744, %dma_start3A_753] : memref<100000x64xf32, #tpu.memory_space<hbm>> -> memref<1x64xf32, #tpu.memory_space<hbm>>
    tpu.enqueue_dma source(%dma_start3A_754 : memref<1x64xf32, #tpu.memory_space<hbm>>) target(%dma_start3A_752 : memref<1x64xf32, #tpu.memory_space<vmem>>) target_semaphore(%arg12 : memref<!tpu.dma_semaphore, #tpu.memory_space<semaphore_mem>>)
    %slice3A_755 = vector.extract_strided_slice %gather3A_634 {offsets = [10], sizes = [1], strides = [1]} : vector<16xi32> to vector<1xi32>
    %squeeze3A_756 = vector.extract %slice3A_755[0] : i32 from vector<1xi32>
    %dma_start3A_757 = arith.constant 58 : i32
    %dma_start3A_758 = arith.constant 0 : i32
    %dma_start3A_759 = tpu.memref_slice %arg8[%dma_start3A_757, %dma_start3A_758] : memref<128x64xf32, #tpu.memory_space<vmem>> -> memref<1x64xf32, #tpu.memory_space<vmem>>
    %dma_start3A_760 = arith.constant 0 : i32
    %dma_start3A_761 = tpu.memref_slice %arg4[%squeeze3A_756, %dma_start3A_760] : memref<100000x64xf32, #tpu.memory_space<hbm>> -> memref<1x64xf32, #tpu.memory_space<hbm>>
    %dma_start3A_762 = arith.constant 58 : i32
    %dma_start3A_763 = arith.constant 0 : i32
    %dma_start3A_764 = tpu.memref_slice %arg8[%dma_start3A_762, %dma_start3A_763] : memref<128x64xf32, #tpu.memory_space<vmem>> -> memref<1x64xf32, #tpu.memory_space<vmem>>
    %dma_start3A_765 = arith.constant 0 : i32
    %dma_start3A_766 = tpu.memref_slice %arg4[%squeeze3A_756, %dma_start3A_765] : memref<100000x64xf32, #tpu.memory_space<hbm>> -> memref<1x64xf32, #tpu.memory_space<hbm>>
    tpu.enqueue_dma source(%dma_start3A_766 : memref<1x64xf32, #tpu.memory_space<hbm>>) target(%dma_start3A_764 : memref<1x64xf32, #tpu.memory_space<vmem>>) target_semaphore(%arg12 : memref<!tpu.dma_semaphore, #tpu.memory_space<semaphore_mem>>)
    %slice3A_767 = vector.extract_strided_slice %gather3A_634 {offsets = [11], sizes = [1], strides = [1]} : vector<16xi32> to vector<1xi32>
    %squeeze3A_768 = vector.extract %slice3A_767[0] : i32 from vector<1xi32>
    %dma_start3A_769 = arith.constant 59 : i32
    %dma_start3A_770 = arith.constant 0 : i32
    %dma_start3A_771 = tpu.memref_slice %arg8[%dma_start3A_769, %dma_start3A_770] : memref<128x64xf32, #tpu.memory_space<vmem>> -> memref<1x64xf32, #tpu.memory_space<vmem>>
    %dma_start3A_772 = arith.constant 0 : i32
    %dma_start3A_773 = tpu.memref_slice %arg4[%squeeze3A_768, %dma_start3A_772] : memref<100000x64xf32, #tpu.memory_space<hbm>> -> memref<1x64xf32, #tpu.memory_space<hbm>>
    %dma_start3A_774 = arith.constant 59 : i32
    %dma_start3A_775 = arith.constant 0 : i32
    %dma_start3A_776 = tpu.memref_slice %arg8[%dma_start3A_774, %dma_start3A_775] : memref<128x64xf32, #tpu.memory_space<vmem>> -> memref<1x64xf32, #tpu.memory_space<vmem>>
    %dma_start3A_777 = arith.constant 0 : i32
    %dma_start3A_778 = tpu.memref_slice %arg4[%squeeze3A_768, %dma_start3A_777] : memref<100000x64xf32, #tpu.memory_space<hbm>> -> memref<1x64xf32, #tpu.memory_space<hbm>>
    tpu.enqueue_dma source(%dma_start3A_778 : memref<1x64xf32, #tpu.memory_space<hbm>>) target(%dma_start3A_776 : memref<1x64xf32, #tpu.memory_space<vmem>>) target_semaphore(%arg12 : memref<!tpu.dma_semaphore, #tpu.memory_space<semaphore_mem>>)
    %slice3A_779 = vector.extract_strided_slice %gather3A_634 {offsets = [12], sizes = [1], strides = [1]} : vector<16xi32> to vector<1xi32>
    %squeeze3A_780 = vector.extract %slice3A_779[0] : i32 from vector<1xi32>
    %dma_start3A_781 = arith.constant 60 : i32
    %dma_start3A_782 = arith.constant 0 : i32
    %dma_start3A_783 = tpu.memref_slice %arg8[%dma_start3A_781, %dma_start3A_782] : memref<128x64xf32, #tpu.memory_space<vmem>> -> memref<1x64xf32, #tpu.memory_space<vmem>>
    %dma_start3A_784 = arith.constant 0 : i32
    %dma_start3A_785 = tpu.memref_slice %arg4[%squeeze3A_780, %dma_start3A_784] : memref<100000x64xf32, #tpu.memory_space<hbm>> -> memref<1x64xf32, #tpu.memory_space<hbm>>
    %dma_start3A_786 = arith.constant 60 : i32
    %dma_start3A_787 = arith.constant 0 : i32
    %dma_start3A_788 = tpu.memref_slice %arg8[%dma_start3A_786, %dma_start3A_787] : memref<128x64xf32, #tpu.memory_space<vmem>> -> memref<1x64xf32, #tpu.memory_space<vmem>>
    %dma_start3A_789 = arith.constant 0 : i32
    %dma_start3A_790 = tpu.memref_slice %arg4[%squeeze3A_780, %dma_start3A_789] : memref<100000x64xf32, #tpu.memory_space<hbm>> -> memref<1x64xf32, #tpu.memory_space<hbm>>
    tpu.enqueue_dma source(%dma_start3A_790 : memref<1x64xf32, #tpu.memory_space<hbm>>) target(%dma_start3A_788 : memref<1x64xf32, #tpu.memory_space<vmem>>) target_semaphore(%arg12 : memref<!tpu.dma_semaphore, #tpu.memory_space<semaphore_mem>>)
    %slice3A_791 = vector.extract_strided_slice %gather3A_634 {offsets = [13], sizes = [1], strides = [1]} : vector<16xi32> to vector<1xi32>
    %squeeze3A_792 = vector.extract %slice3A_791[0] : i32 from vector<1xi32>
    %dma_start3A_793 = arith.constant 61 : i32
    %dma_start3A_794 = arith.constant 0 : i32
    %dma_start3A_795 = tpu.memref_slice %arg8[%dma_start3A_793, %dma_start3A_794] : memref<128x64xf32, #tpu.memory_space<vmem>> -> memref<1x64xf32, #tpu.memory_space<vmem>>
    %dma_start3A_796 = arith.constant 0 : i32
    %dma_start3A_797 = tpu.memref_slice %arg4[%squeeze3A_792, %dma_start3A_796] : memref<100000x64xf32, #tpu.memory_space<hbm>> -> memref<1x64xf32, #tpu.memory_space<hbm>>
    %dma_start3A_798 = arith.constant 61 : i32
    %dma_start3A_799 = arith.constant 0 : i32
    %dma_start3A_800 = tpu.memref_slice %arg8[%dma_start3A_798, %dma_start3A_799] : memref<128x64xf32, #tpu.memory_space<vmem>> -> memref<1x64xf32, #tpu.memory_space<vmem>>
    %dma_start3A_801 = arith.constant 0 : i32
    %dma_start3A_802 = tpu.memref_slice %arg4[%squeeze3A_792, %dma_start3A_801] : memref<100000x64xf32, #tpu.memory_space<hbm>> -> memref<1x64xf32, #tpu.memory_space<hbm>>
    tpu.enqueue_dma source(%dma_start3A_802 : memref<1x64xf32, #tpu.memory_space<hbm>>) target(%dma_start3A_800 : memref<1x64xf32, #tpu.memory_space<vmem>>) target_semaphore(%arg12 : memref<!tpu.dma_semaphore, #tpu.memory_space<semaphore_mem>>)
    %slice3A_803 = vector.extract_strided_slice %gather3A_634 {offsets = [14], sizes = [1], strides = [1]} : vector<16xi32> to vector<1xi32>
    %squeeze3A_804 = vector.extract %slice3A_803[0] : i32 from vector<1xi32>
    %dma_start3A_805 = arith.constant 62 : i32
    %dma_start3A_806 = arith.constant 0 : i32
    %dma_start3A_807 = tpu.memref_slice %arg8[%dma_start3A_805, %dma_start3A_806] : memref<128x64xf32, #tpu.memory_space<vmem>> -> memref<1x64xf32, #tpu.memory_space<vmem>>
    %dma_start3A_808 = arith.constant 0 : i32
    %dma_start3A_809 = tpu.memref_slice %arg4[%squeeze3A_804, %dma_start3A_808] : memref<100000x64xf32, #tpu.memory_space<hbm>> -> memref<1x64xf32, #tpu.memory_space<hbm>>
    %dma_start3A_810 = arith.constant 62 : i32
    %dma_start3A_811 = arith.constant 0 : i32
    %dma_start3A_812 = tpu.memref_slice %arg8[%dma_start3A_810, %dma_start3A_811] : memref<128x64xf32, #tpu.memory_space<vmem>> -> memref<1x64xf32, #tpu.memory_space<vmem>>
    %dma_start3A_813 = arith.constant 0 : i32
    %dma_start3A_814 = tpu.memref_slice %arg4[%squeeze3A_804, %dma_start3A_813] : memref<100000x64xf32, #tpu.memory_space<hbm>> -> memref<1x64xf32, #tpu.memory_space<hbm>>
    tpu.enqueue_dma source(%dma_start3A_814 : memref<1x64xf32, #tpu.memory_space<hbm>>) target(%dma_start3A_812 : memref<1x64xf32, #tpu.memory_space<vmem>>) target_semaphore(%arg12 : memref<!tpu.dma_semaphore, #tpu.memory_space<semaphore_mem>>)
    %slice3A_815 = vector.extract_strided_slice %gather3A_634 {offsets = [15], sizes = [1], strides = [1]} : vector<16xi32> to vector<1xi32>
    %squeeze3A_816 = vector.extract %slice3A_815[0] : i32 from vector<1xi32>
    %dma_start3A_817 = arith.constant 63 : i32
    %dma_start3A_818 = arith.constant 0 : i32
    %dma_start3A_819 = tpu.memref_slice %arg8[%dma_start3A_817, %dma_start3A_818] : memref<128x64xf32, #tpu.memory_space<vmem>> -> memref<1x64xf32, #tpu.memory_space<vmem>>
    %dma_start3A_820 = arith.constant 0 : i32
    %dma_start3A_821 = tpu.memref_slice %arg4[%squeeze3A_816, %dma_start3A_820] : memref<100000x64xf32, #tpu.memory_space<hbm>> -> memref<1x64xf32, #tpu.memory_space<hbm>>
    %dma_start3A_822 = arith.constant 63 : i32
    %dma_start3A_823 = arith.constant 0 : i32
    %dma_start3A_824 = tpu.memref_slice %arg8[%dma_start3A_822, %dma_start3A_823] : memref<128x64xf32, #tpu.memory_space<vmem>> -> memref<1x64xf32, #tpu.memory_space<vmem>>
    %dma_start3A_825 = arith.constant 0 : i32
    %dma_start3A_826 = tpu.memref_slice %arg4[%squeeze3A_816, %dma_start3A_825] : memref<100000x64xf32, #tpu.memory_space<hbm>> -> memref<1x64xf32, #tpu.memory_space<hbm>>
    tpu.enqueue_dma source(%dma_start3A_826 : memref<1x64xf32, #tpu.memory_space<hbm>>) target(%dma_start3A_824 : memref<1x64xf32, #tpu.memory_space<vmem>>) target_semaphore(%arg12 : memref<!tpu.dma_semaphore, #tpu.memory_space<semaphore_mem>>)
    %add3A_827 = arith.constant 65 : i32
    %add3A_828 = vector.broadcast %add3A_827 : i32 to vector<16xi32>
    %add3A_829 = arith.addi %iota3A, %add3A_828 : vector<16xi32>
    %gather3A_830 = tpu.vector_load_idx %arg6[%add3A_829] : memref<144xi32, #tpu.memory_space<vmem>>[vector<16xi32>], vector<16xi32>,
    %slice3A_831 = vector.extract_strided_slice %gather3A_830 {offsets = [0], sizes = [1], strides = [1]} : vector<16xi32> to vector<1xi32>
    %squeeze3A_832 = vector.extract %slice3A_831[0] : i32 from vector<1xi32>
    %dma_start3A_833 = arith.constant 64 : i32
    %dma_start3A_834 = arith.constant 0 : i32
    %dma_start3A_835 = tpu.memref_slice %arg8[%dma_start3A_833, %dma_start3A_834] : memref<128x64xf32, #tpu.memory_space<vmem>> -> memref<1x64xf32, #tpu.memory_space<vmem>>
    %dma_start3A_836 = arith.constant 0 : i32
    %dma_start3A_837 = tpu.memref_slice %arg4[%squeeze3A_832, %dma_start3A_836] : memref<100000x64xf32, #tpu.memory_space<hbm>> -> memref<1x64xf32, #tpu.memory_space<hbm>>
    %dma_start3A_838 = arith.constant 64 : i32
    %dma_start3A_839 = arith.constant 0 : i32
    %dma_start3A_840 = tpu.memref_slice %arg8[%dma_start3A_838, %dma_start3A_839] : memref<128x64xf32, #tpu.memory_space<vmem>> -> memref<1x64xf32, #tpu.memory_space<vmem>>
    %dma_start3A_841 = arith.constant 0 : i32
    %dma_start3A_842 = tpu.memref_slice %arg4[%squeeze3A_832, %dma_start3A_841] : memref<100000x64xf32, #tpu.memory_space<hbm>> -> memref<1x64xf32, #tpu.memory_space<hbm>>
    tpu.enqueue_dma source(%dma_start3A_842 : memref<1x64xf32, #tpu.memory_space<hbm>>) target(%dma_start3A_840 : memref<1x64xf32, #tpu.memory_space<vmem>>) target_semaphore(%arg13 : memref<!tpu.dma_semaphore, #tpu.memory_space<semaphore_mem>>)
    %slice3A_843 = vector.extract_strided_slice %gather3A_830 {offsets = [1], sizes = [1], strides = [1]} : vector<16xi32> to vector<1xi32>
    %squeeze3A_844 = vector.extract %slice3A_843[0] : i32 from vector<1xi32>
    %dma_start3A_845 = arith.constant 65 : i32
    %dma_start3A_846 = arith.constant 0 : i32
    %dma_start3A_847 = tpu.memref_slice %arg8[%dma_start3A_845, %dma_start3A_846] : memref<128x64xf32, #tpu.memory_space<vmem>> -> memref<1x64xf32, #tpu.memory_space<vmem>>
    %dma_start3A_848 = arith.constant 0 : i32
    %dma_start3A_849 = tpu.memref_slice %arg4[%squeeze3A_844, %dma_start3A_848] : memref<100000x64xf32, #tpu.memory_space<hbm>> -> memref<1x64xf32, #tpu.memory_space<hbm>>
    %dma_start3A_850 = arith.constant 65 : i32
    %dma_start3A_851 = arith.constant 0 : i32
    %dma_start3A_852 = tpu.memref_slice %arg8[%dma_start3A_850, %dma_start3A_851] : memref<128x64xf32, #tpu.memory_space<vmem>> -> memref<1x64xf32, #tpu.memory_space<vmem>>
    %dma_start3A_853 = arith.constant 0 : i32
    %dma_start3A_854 = tpu.memref_slice %arg4[%squeeze3A_844, %dma_start3A_853] : memref<100000x64xf32, #tpu.memory_space<hbm>> -> memref<1x64xf32, #tpu.memory_space<hbm>>
    tpu.enqueue_dma source(%dma_start3A_854 : memref<1x64xf32, #tpu.memory_space<hbm>>) target(%dma_start3A_852 : memref<1x64xf32, #tpu.memory_space<vmem>>) target_semaphore(%arg13 : memref<!tpu.dma_semaphore, #tpu.memory_space<semaphore_mem>>)
    %slice3A_855 = vector.extract_strided_slice %gather3A_830 {offsets = [2], sizes = [1], strides = [1]} : vector<16xi32> to vector<1xi32>
    %squeeze3A_856 = vector.extract %slice3A_855[0] : i32 from vector<1xi32>
    %dma_start3A_857 = arith.constant 66 : i32
    %dma_start3A_858 = arith.constant 0 : i32
    %dma_start3A_859 = tpu.memref_slice %arg8[%dma_start3A_857, %dma_start3A_858] : memref<128x64xf32, #tpu.memory_space<vmem>> -> memref<1x64xf32, #tpu.memory_space<vmem>>
    %dma_start3A_860 = arith.constant 0 : i32
    %dma_start3A_861 = tpu.memref_slice %arg4[%squeeze3A_856, %dma_start3A_860] : memref<100000x64xf32, #tpu.memory_space<hbm>> -> memref<1x64xf32, #tpu.memory_space<hbm>>
    %dma_start3A_862 = arith.constant 66 : i32
    %dma_start3A_863 = arith.constant 0 : i32
    %dma_start3A_864 = tpu.memref_slice %arg8[%dma_start3A_862, %dma_start3A_863] : memref<128x64xf32, #tpu.memory_space<vmem>> -> memref<1x64xf32, #tpu.memory_space<vmem>>
    %dma_start3A_865 = arith.constant 0 : i32
    %dma_start3A_866 = tpu.memref_slice %arg4[%squeeze3A_856, %dma_start3A_865] : memref<100000x64xf32, #tpu.memory_space<hbm>> -> memref<1x64xf32, #tpu.memory_space<hbm>>
    tpu.enqueue_dma source(%dma_start3A_866 : memref<1x64xf32, #tpu.memory_space<hbm>>) target(%dma_start3A_864 : memref<1x64xf32, #tpu.memory_space<vmem>>) target_semaphore(%arg13 : memref<!tpu.dma_semaphore, #tpu.memory_space<semaphore_mem>>)
    %slice3A_867 = vector.extract_strided_slice %gather3A_830 {offsets = [3], sizes = [1], strides = [1]} : vector<16xi32> to vector<1xi32>
    %squeeze3A_868 = vector.extract %slice3A_867[0] : i32 from vector<1xi32>
    %dma_start3A_869 = arith.constant 67 : i32
    %dma_start3A_870 = arith.constant 0 : i32
    %dma_start3A_871 = tpu.memref_slice %arg8[%dma_start3A_869, %dma_start3A_870] : memref<128x64xf32, #tpu.memory_space<vmem>> -> memref<1x64xf32, #tpu.memory_space<vmem>>
    %dma_start3A_872 = arith.constant 0 : i32
    %dma_start3A_873 = tpu.memref_slice %arg4[%squeeze3A_868, %dma_start3A_872] : memref<100000x64xf32, #tpu.memory_space<hbm>> -> memref<1x64xf32, #tpu.memory_space<hbm>>
    %dma_start3A_874 = arith.constant 67 : i32
    %dma_start3A_875 = arith.constant 0 : i32
    %dma_start3A_876 = tpu.memref_slice %arg8[%dma_start3A_874, %dma_start3A_875] : memref<128x64xf32, #tpu.memory_space<vmem>> -> memref<1x64xf32, #tpu.memory_space<vmem>>
    %dma_start3A_877 = arith.constant 0 : i32
    %dma_start3A_878 = tpu.memref_slice %arg4[%squeeze3A_868, %dma_start3A_877] : memref<100000x64xf32, #tpu.memory_space<hbm>> -> memref<1x64xf32, #tpu.memory_space<hbm>>
    tpu.enqueue_dma source(%dma_start3A_878 : memref<1x64xf32, #tpu.memory_space<hbm>>) target(%dma_start3A_876 : memref<1x64xf32, #tpu.memory_space<vmem>>) target_semaphore(%arg13 : memref<!tpu.dma_semaphore, #tpu.memory_space<semaphore_mem>>)
    %slice3A_879 = vector.extract_strided_slice %gather3A_830 {offsets = [4], sizes = [1], strides = [1]} : vector<16xi32> to vector<1xi32>
    %squeeze3A_880 = vector.extract %slice3A_879[0] : i32 from vector<1xi32>
    %dma_start3A_881 = arith.constant 68 : i32
    %dma_start3A_882 = arith.constant 0 : i32
    %dma_start3A_883 = tpu.memref_slice %arg8[%dma_start3A_881, %dma_start3A_882] : memref<128x64xf32, #tpu.memory_space<vmem>> -> memref<1x64xf32, #tpu.memory_space<vmem>>
    %dma_start3A_884 = arith.constant 0 : i32
    %dma_start3A_885 = tpu.memref_slice %arg4[%squeeze3A_880, %dma_start3A_884] : memref<100000x64xf32, #tpu.memory_space<hbm>> -> memref<1x64xf32, #tpu.memory_space<hbm>>
    %dma_start3A_886 = arith.constant 68 : i32
    %dma_start3A_887 = arith.constant 0 : i32
    %dma_start3A_888 = tpu.memref_slice %arg8[%dma_start3A_886, %dma_start3A_887] : memref<128x64xf32, #tpu.memory_space<vmem>> -> memref<1x64xf32, #tpu.memory_space<vmem>>
    %dma_start3A_889 = arith.constant 0 : i32
    %dma_start3A_890 = tpu.memref_slice %arg4[%squeeze3A_880, %dma_start3A_889] : memref<100000x64xf32, #tpu.memory_space<hbm>> -> memref<1x64xf32, #tpu.memory_space<hbm>>
    tpu.enqueue_dma source(%dma_start3A_890 : memref<1x64xf32, #tpu.memory_space<hbm>>) target(%dma_start3A_888 : memref<1x64xf32, #tpu.memory_space<vmem>>) target_semaphore(%arg13 : memref<!tpu.dma_semaphore, #tpu.memory_space<semaphore_mem>>)
    %slice3A_891 = vector.extract_strided_slice %gather3A_830 {offsets = [5], sizes = [1], strides = [1]} : vector<16xi32> to vector<1xi32>
    %squeeze3A_892 = vector.extract %slice3A_891[0] : i32 from vector<1xi32>
    %dma_start3A_893 = arith.constant 69 : i32
    %dma_start3A_894 = arith.constant 0 : i32
    %dma_start3A_895 = tpu.memref_slice %arg8[%dma_start3A_893, %dma_start3A_894] : memref<128x64xf32, #tpu.memory_space<vmem>> -> memref<1x64xf32, #tpu.memory_space<vmem>>
    %dma_start3A_896 = arith.constant 0 : i32
    %dma_start3A_897 = tpu.memref_slice %arg4[%squeeze3A_892, %dma_start3A_896] : memref<100000x64xf32, #tpu.memory_space<hbm>> -> memref<1x64xf32, #tpu.memory_space<hbm>>
    %dma_start3A_898 = arith.constant 69 : i32
    %dma_start3A_899 = arith.constant 0 : i32
    %dma_start3A_900 = tpu.memref_slice %arg8[%dma_start3A_898, %dma_start3A_899] : memref<128x64xf32, #tpu.memory_space<vmem>> -> memref<1x64xf32, #tpu.memory_space<vmem>>
    %dma_start3A_901 = arith.constant 0 : i32
    %dma_start3A_902 = tpu.memref_slice %arg4[%squeeze3A_892, %dma_start3A_901] : memref<100000x64xf32, #tpu.memory_space<hbm>> -> memref<1x64xf32, #tpu.memory_space<hbm>>
    tpu.enqueue_dma source(%dma_start3A_902 : memref<1x64xf32, #tpu.memory_space<hbm>>) target(%dma_start3A_900 : memref<1x64xf32, #tpu.memory_space<vmem>>) target_semaphore(%arg13 : memref<!tpu.dma_semaphore, #tpu.memory_space<semaphore_mem>>)
    %slice3A_903 = vector.extract_strided_slice %gather3A_830 {offsets = [6], sizes = [1], strides = [1]} : vector<16xi32> to vector<1xi32>
    %squeeze3A_904 = vector.extract %slice3A_903[0] : i32 from vector<1xi32>
    %dma_start3A_905 = arith.constant 70 : i32
    %dma_start3A_906 = arith.constant 0 : i32
    %dma_start3A_907 = tpu.memref_slice %arg8[%dma_start3A_905, %dma_start3A_906] : memref<128x64xf32, #tpu.memory_space<vmem>> -> memref<1x64xf32, #tpu.memory_space<vmem>>
    %dma_start3A_908 = arith.constant 0 : i32
    %dma_start3A_909 = tpu.memref_slice %arg4[%squeeze3A_904, %dma_start3A_908] : memref<100000x64xf32, #tpu.memory_space<hbm>> -> memref<1x64xf32, #tpu.memory_space<hbm>>
    %dma_start3A_910 = arith.constant 70 : i32
    %dma_start3A_911 = arith.constant 0 : i32
    %dma_start3A_912 = tpu.memref_slice %arg8[%dma_start3A_910, %dma_start3A_911] : memref<128x64xf32, #tpu.memory_space<vmem>> -> memref<1x64xf32, #tpu.memory_space<vmem>>
    %dma_start3A_913 = arith.constant 0 : i32
    %dma_start3A_914 = tpu.memref_slice %arg4[%squeeze3A_904, %dma_start3A_913] : memref<100000x64xf32, #tpu.memory_space<hbm>> -> memref<1x64xf32, #tpu.memory_space<hbm>>
    tpu.enqueue_dma source(%dma_start3A_914 : memref<1x64xf32, #tpu.memory_space<hbm>>) target(%dma_start3A_912 : memref<1x64xf32, #tpu.memory_space<vmem>>) target_semaphore(%arg13 : memref<!tpu.dma_semaphore, #tpu.memory_space<semaphore_mem>>)
    %slice3A_915 = vector.extract_strided_slice %gather3A_830 {offsets = [7], sizes = [1], strides = [1]} : vector<16xi32> to vector<1xi32>
    %squeeze3A_916 = vector.extract %slice3A_915[0] : i32 from vector<1xi32>
    %dma_start3A_917 = arith.constant 71 : i32
    %dma_start3A_918 = arith.constant 0 : i32
    %dma_start3A_919 = tpu.memref_slice %arg8[%dma_start3A_917, %dma_start3A_918] : memref<128x64xf32, #tpu.memory_space<vmem>> -> memref<1x64xf32, #tpu.memory_space<vmem>>
    %dma_start3A_920 = arith.constant 0 : i32
    %dma_start3A_921 = tpu.memref_slice %arg4[%squeeze3A_916, %dma_start3A_920] : memref<100000x64xf32, #tpu.memory_space<hbm>> -> memref<1x64xf32, #tpu.memory_space<hbm>>
    %dma_start3A_922 = arith.constant 71 : i32
    %dma_start3A_923 = arith.constant 0 : i32
    %dma_start3A_924 = tpu.memref_slice %arg8[%dma_start3A_922, %dma_start3A_923] : memref<128x64xf32, #tpu.memory_space<vmem>> -> memref<1x64xf32, #tpu.memory_space<vmem>>
    %dma_start3A_925 = arith.constant 0 : i32
    %dma_start3A_926 = tpu.memref_slice %arg4[%squeeze3A_916, %dma_start3A_925] : memref<100000x64xf32, #tpu.memory_space<hbm>> -> memref<1x64xf32, #tpu.memory_space<hbm>>
    tpu.enqueue_dma source(%dma_start3A_926 : memref<1x64xf32, #tpu.memory_space<hbm>>) target(%dma_start3A_924 : memref<1x64xf32, #tpu.memory_space<vmem>>) target_semaphore(%arg13 : memref<!tpu.dma_semaphore, #tpu.memory_space<semaphore_mem>>)
    %slice3A_927 = vector.extract_strided_slice %gather3A_830 {offsets = [8], sizes = [1], strides = [1]} : vector<16xi32> to vector<1xi32>
    %squeeze3A_928 = vector.extract %slice3A_927[0] : i32 from vector<1xi32>
    %dma_start3A_929 = arith.constant 72 : i32
    %dma_start3A_930 = arith.constant 0 : i32
    %dma_start3A_931 = tpu.memref_slice %arg8[%dma_start3A_929, %dma_start3A_930] : memref<128x64xf32, #tpu.memory_space<vmem>> -> memref<1x64xf32, #tpu.memory_space<vmem>>
    %dma_start3A_932 = arith.constant 0 : i32
    %dma_start3A_933 = tpu.memref_slice %arg4[%squeeze3A_928, %dma_start3A_932] : memref<100000x64xf32, #tpu.memory_space<hbm>> -> memref<1x64xf32, #tpu.memory_space<hbm>>
    %dma_start3A_934 = arith.constant 72 : i32
    %dma_start3A_935 = arith.constant 0 : i32
    %dma_start3A_936 = tpu.memref_slice %arg8[%dma_start3A_934, %dma_start3A_935] : memref<128x64xf32, #tpu.memory_space<vmem>> -> memref<1x64xf32, #tpu.memory_space<vmem>>
    %dma_start3A_937 = arith.constant 0 : i32
    %dma_start3A_938 = tpu.memref_slice %arg4[%squeeze3A_928, %dma_start3A_937] : memref<100000x64xf32, #tpu.memory_space<hbm>> -> memref<1x64xf32, #tpu.memory_space<hbm>>
    tpu.enqueue_dma source(%dma_start3A_938 : memref<1x64xf32, #tpu.memory_space<hbm>>) target(%dma_start3A_936 : memref<1x64xf32, #tpu.memory_space<vmem>>) target_semaphore(%arg13 : memref<!tpu.dma_semaphore, #tpu.memory_space<semaphore_mem>>)
    %slice3A_939 = vector.extract_strided_slice %gather3A_830 {offsets = [9], sizes = [1], strides = [1]} : vector<16xi32> to vector<1xi32>
    %squeeze3A_940 = vector.extract %slice3A_939[0] : i32 from vector<1xi32>
    %dma_start3A_941 = arith.constant 73 : i32
    %dma_start3A_942 = arith.constant 0 : i32
    %dma_start3A_943 = tpu.memref_slice %arg8[%dma_start3A_941, %dma_start3A_942] : memref<128x64xf32, #tpu.memory_space<vmem>> -> memref<1x64xf32, #tpu.memory_space<vmem>>
    %dma_start3A_944 = arith.constant 0 : i32
    %dma_start3A_945 = tpu.memref_slice %arg4[%squeeze3A_940, %dma_start3A_944] : memref<100000x64xf32, #tpu.memory_space<hbm>> -> memref<1x64xf32, #tpu.memory_space<hbm>>
    %dma_start3A_946 = arith.constant 73 : i32
    %dma_start3A_947 = arith.constant 0 : i32
    %dma_start3A_948 = tpu.memref_slice %arg8[%dma_start3A_946, %dma_start3A_947] : memref<128x64xf32, #tpu.memory_space<vmem>> -> memref<1x64xf32, #tpu.memory_space<vmem>>
    %dma_start3A_949 = arith.constant 0 : i32
    %dma_start3A_950 = tpu.memref_slice %arg4[%squeeze3A_940, %dma_start3A_949] : memref<100000x64xf32, #tpu.memory_space<hbm>> -> memref<1x64xf32, #tpu.memory_space<hbm>>
    tpu.enqueue_dma source(%dma_start3A_950 : memref<1x64xf32, #tpu.memory_space<hbm>>) target(%dma_start3A_948 : memref<1x64xf32, #tpu.memory_space<vmem>>) target_semaphore(%arg13 : memref<!tpu.dma_semaphore, #tpu.memory_space<semaphore_mem>>)
    %slice3A_951 = vector.extract_strided_slice %gather3A_830 {offsets = [10], sizes = [1], strides = [1]} : vector<16xi32> to vector<1xi32>
    %squeeze3A_952 = vector.extract %slice3A_951[0] : i32 from vector<1xi32>
    %dma_start3A_953 = arith.constant 74 : i32
    %dma_start3A_954 = arith.constant 0 : i32
    %dma_start3A_955 = tpu.memref_slice %arg8[%dma_start3A_953, %dma_start3A_954] : memref<128x64xf32, #tpu.memory_space<vmem>> -> memref<1x64xf32, #tpu.memory_space<vmem>>
    %dma_start3A_956 = arith.constant 0 : i32
    %dma_start3A_957 = tpu.memref_slice %arg4[%squeeze3A_952, %dma_start3A_956] : memref<100000x64xf32, #tpu.memory_space<hbm>> -> memref<1x64xf32, #tpu.memory_space<hbm>>
    %dma_start3A_958 = arith.constant 74 : i32
    %dma_start3A_959 = arith.constant 0 : i32
    %dma_start3A_960 = tpu.memref_slice %arg8[%dma_start3A_958, %dma_start3A_959] : memref<128x64xf32, #tpu.memory_space<vmem>> -> memref<1x64xf32, #tpu.memory_space<vmem>>
    %dma_start3A_961 = arith.constant 0 : i32
    %dma_start3A_962 = tpu.memref_slice %arg4[%squeeze3A_952, %dma_start3A_961] : memref<100000x64xf32, #tpu.memory_space<hbm>> -> memref<1x64xf32, #tpu.memory_space<hbm>>
    tpu.enqueue_dma source(%dma_start3A_962 : memref<1x64xf32, #tpu.memory_space<hbm>>) target(%dma_start3A_960 : memref<1x64xf32, #tpu.memory_space<vmem>>) target_semaphore(%arg13 : memref<!tpu.dma_semaphore, #tpu.memory_space<semaphore_mem>>)
    %slice3A_963 = vector.extract_strided_slice %gather3A_830 {offsets = [11], sizes = [1], strides = [1]} : vector<16xi32> to vector<1xi32>
    %squeeze3A_964 = vector.extract %slice3A_963[0] : i32 from vector<1xi32>
    %dma_start3A_965 = arith.constant 75 : i32
    %dma_start3A_966 = arith.constant 0 : i32
    %dma_start3A_967 = tpu.memref_slice %arg8[%dma_start3A_965, %dma_start3A_966] : memref<128x64xf32, #tpu.memory_space<vmem>> -> memref<1x64xf32, #tpu.memory_space<vmem>>
    %dma_start3A_968 = arith.constant 0 : i32
    %dma_start3A_969 = tpu.memref_slice %arg4[%squeeze3A_964, %dma_start3A_968] : memref<100000x64xf32, #tpu.memory_space<hbm>> -> memref<1x64xf32, #tpu.memory_space<hbm>>
    %dma_start3A_970 = arith.constant 75 : i32
    %dma_start3A_971 = arith.constant 0 : i32
    %dma_start3A_972 = tpu.memref_slice %arg8[%dma_start3A_970, %dma_start3A_971] : memref<128x64xf32, #tpu.memory_space<vmem>> -> memref<1x64xf32, #tpu.memory_space<vmem>>
    %dma_start3A_973 = arith.constant 0 : i32
    %dma_start3A_974 = tpu.memref_slice %arg4[%squeeze3A_964, %dma_start3A_973] : memref<100000x64xf32, #tpu.memory_space<hbm>> -> memref<1x64xf32, #tpu.memory_space<hbm>>
    tpu.enqueue_dma source(%dma_start3A_974 : memref<1x64xf32, #tpu.memory_space<hbm>>) target(%dma_start3A_972 : memref<1x64xf32, #tpu.memory_space<vmem>>) target_semaphore(%arg13 : memref<!tpu.dma_semaphore, #tpu.memory_space<semaphore_mem>>)
    %slice3A_975 = vector.extract_strided_slice %gather3A_830 {offsets = [12], sizes = [1], strides = [1]} : vector<16xi32> to vector<1xi32>
    %squeeze3A_976 = vector.extract %slice3A_975[0] : i32 from vector<1xi32>
    %dma_start3A_977 = arith.constant 76 : i32
    %dma_start3A_978 = arith.constant 0 : i32
    %dma_start3A_979 = tpu.memref_slice %arg8[%dma_start3A_977, %dma_start3A_978] : memref<128x64xf32, #tpu.memory_space<vmem>> -> memref<1x64xf32, #tpu.memory_space<vmem>>
    %dma_start3A_980 = arith.constant 0 : i32
    %dma_start3A_981 = tpu.memref_slice %arg4[%squeeze3A_976, %dma_start3A_980] : memref<100000x64xf32, #tpu.memory_space<hbm>> -> memref<1x64xf32, #tpu.memory_space<hbm>>
    %dma_start3A_982 = arith.constant 76 : i32
    %dma_start3A_983 = arith.constant 0 : i32
    %dma_start3A_984 = tpu.memref_slice %arg8[%dma_start3A_982, %dma_start3A_983] : memref<128x64xf32, #tpu.memory_space<vmem>> -> memref<1x64xf32, #tpu.memory_space<vmem>>
    %dma_start3A_985 = arith.constant 0 : i32
    %dma_start3A_986 = tpu.memref_slice %arg4[%squeeze3A_976, %dma_start3A_985] : memref<100000x64xf32, #tpu.memory_space<hbm>> -> memref<1x64xf32, #tpu.memory_space<hbm>>
    tpu.enqueue_dma source(%dma_start3A_986 : memref<1x64xf32, #tpu.memory_space<hbm>>) target(%dma_start3A_984 : memref<1x64xf32, #tpu.memory_space<vmem>>) target_semaphore(%arg13 : memref<!tpu.dma_semaphore, #tpu.memory_space<semaphore_mem>>)
    %slice3A_987 = vector.extract_strided_slice %gather3A_830 {offsets = [13], sizes = [1], strides = [1]} : vector<16xi32> to vector<1xi32>
    %squeeze3A_988 = vector.extract %slice3A_987[0] : i32 from vector<1xi32>
    %dma_start3A_989 = arith.constant 77 : i32
    %dma_start3A_990 = arith.constant 0 : i32
    %dma_start3A_991 = tpu.memref_slice %arg8[%dma_start3A_989, %dma_start3A_990] : memref<128x64xf32, #tpu.memory_space<vmem>> -> memref<1x64xf32, #tpu.memory_space<vmem>>
    %dma_start3A_992 = arith.constant 0 : i32
    %dma_start3A_993 = tpu.memref_slice %arg4[%squeeze3A_988, %dma_start3A_992] : memref<100000x64xf32, #tpu.memory_space<hbm>> -> memref<1x64xf32, #tpu.memory_space<hbm>>
    %dma_start3A_994 = arith.constant 77 : i32
    %dma_start3A_995 = arith.constant 0 : i32
    %dma_start3A_996 = tpu.memref_slice %arg8[%dma_start3A_994, %dma_start3A_995] : memref<128x64xf32, #tpu.memory_space<vmem>> -> memref<1x64xf32, #tpu.memory_space<vmem>>
    %dma_start3A_997 = arith.constant 0 : i32
    %dma_start3A_998 = tpu.memref_slice %arg4[%squeeze3A_988, %dma_start3A_997] : memref<100000x64xf32, #tpu.memory_space<hbm>> -> memref<1x64xf32, #tpu.memory_space<hbm>>
    tpu.enqueue_dma source(%dma_start3A_998 : memref<1x64xf32, #tpu.memory_space<hbm>>) target(%dma_start3A_996 : memref<1x64xf32, #tpu.memory_space<vmem>>) target_semaphore(%arg13 : memref<!tpu.dma_semaphore, #tpu.memory_space<semaphore_mem>>)
    %slice3A_999 = vector.extract_strided_slice %gather3A_830 {offsets = [14], sizes = [1], strides = [1]} : vector<16xi32> to vector<1xi32>
    %squeeze3A_1000 = vector.extract %slice3A_999[0] : i32 from vector<1xi32>
    %dma_start3A_1001 = arith.constant 78 : i32
    %dma_start3A_1002 = arith.constant 0 : i32
    %dma_start3A_1003 = tpu.memref_slice %arg8[%dma_start3A_1001, %dma_start3A_1002] : memref<128x64xf32, #tpu.memory_space<vmem>> -> memref<1x64xf32, #tpu.memory_space<vmem>>
    %dma_start3A_1004 = arith.constant 0 : i32
    %dma_start3A_1005 = tpu.memref_slice %arg4[%squeeze3A_1000, %dma_start3A_1004] : memref<100000x64xf32, #tpu.memory_space<hbm>> -> memref<1x64xf32, #tpu.memory_space<hbm>>
    %dma_start3A_1006 = arith.constant 78 : i32
    %dma_start3A_1007 = arith.constant 0 : i32
    %dma_start3A_1008 = tpu.memref_slice %arg8[%dma_start3A_1006, %dma_start3A_1007] : memref<128x64xf32, #tpu.memory_space<vmem>> -> memref<1x64xf32, #tpu.memory_space<vmem>>
    %dma_start3A_1009 = arith.constant 0 : i32
    %dma_start3A_1010 = tpu.memref_slice %arg4[%squeeze3A_1000, %dma_start3A_1009] : memref<100000x64xf32, #tpu.memory_space<hbm>> -> memref<1x64xf32, #tpu.memory_space<hbm>>
    tpu.enqueue_dma source(%dma_start3A_1010 : memref<1x64xf32, #tpu.memory_space<hbm>>) target(%dma_start3A_1008 : memref<1x64xf32, #tpu.memory_space<vmem>>) target_semaphore(%arg13 : memref<!tpu.dma_semaphore, #tpu.memory_space<semaphore_mem>>)
    %slice3A_1011 = vector.extract_strided_slice %gather3A_830 {offsets = [15], sizes = [1], strides = [1]} : vector<16xi32> to vector<1xi32>
    %squeeze3A_1012 = vector.extract %slice3A_1011[0] : i32 from vector<1xi32>
    %dma_start3A_1013 = arith.constant 79 : i32
    %dma_start3A_1014 = arith.constant 0 : i32
    %dma_start3A_1015 = tpu.memref_slice %arg8[%dma_start3A_1013, %dma_start3A_1014] : memref<128x64xf32, #tpu.memory_space<vmem>> -> memref<1x64xf32, #tpu.memory_space<vmem>>
    %dma_start3A_1016 = arith.constant 0 : i32
    %dma_start3A_1017 = tpu.memref_slice %arg4[%squeeze3A_1012, %dma_start3A_1016] : memref<100000x64xf32, #tpu.memory_space<hbm>> -> memref<1x64xf32, #tpu.memory_space<hbm>>
    %dma_start3A_1018 = arith.constant 79 : i32
    %dma_start3A_1019 = arith.constant 0 : i32
    %dma_start3A_1020 = tpu.memref_slice %arg8[%dma_start3A_1018, %dma_start3A_1019] : memref<128x64xf32, #tpu.memory_space<vmem>> -> memref<1x64xf32, #tpu.memory_space<vmem>>
    %dma_start3A_1021 = arith.constant 0 : i32
    %dma_start3A_1022 = tpu.memref_slice %arg4[%squeeze3A_1012, %dma_start3A_1021] : memref<100000x64xf32, #tpu.memory_space<hbm>> -> memref<1x64xf32, #tpu.memory_space<hbm>>
    tpu.enqueue_dma source(%dma_start3A_1022 : memref<1x64xf32, #tpu.memory_space<hbm>>) target(%dma_start3A_1020 : memref<1x64xf32, #tpu.memory_space<vmem>>) target_semaphore(%arg13 : memref<!tpu.dma_semaphore, #tpu.memory_space<semaphore_mem>>)
    %add3A_1023 = arith.constant 81 : i32
    %add3A_1024 = vector.broadcast %add3A_1023 : i32 to vector<16xi32>
    %add3A_1025 = arith.addi %iota3A, %add3A_1024 : vector<16xi32>
    %gather3A_1026 = tpu.vector_load_idx %arg6[%add3A_1025] : memref<144xi32, #tpu.memory_space<vmem>>[vector<16xi32>], vector<16xi32>,
    %slice3A_1027 = vector.extract_strided_slice %gather3A_1026 {offsets = [0], sizes = [1], strides = [1]} : vector<16xi32> to vector<1xi32>
    %squeeze3A_1028 = vector.extract %slice3A_1027[0] : i32 from vector<1xi32>
    %dma_start3A_1029 = arith.constant 80 : i32
    %dma_start3A_1030 = arith.constant 0 : i32
    %dma_start3A_1031 = tpu.memref_slice %arg8[%dma_start3A_1029, %dma_start3A_1030] : memref<128x64xf32, #tpu.memory_space<vmem>> -> memref<1x64xf32, #tpu.memory_space<vmem>>
    %dma_start3A_1032 = arith.constant 0 : i32
    %dma_start3A_1033 = tpu.memref_slice %arg4[%squeeze3A_1028, %dma_start3A_1032] : memref<100000x64xf32, #tpu.memory_space<hbm>> -> memref<1x64xf32, #tpu.memory_space<hbm>>
    %dma_start3A_1034 = arith.constant 80 : i32
    %dma_start3A_1035 = arith.constant 0 : i32
    %dma_start3A_1036 = tpu.memref_slice %arg8[%dma_start3A_1034, %dma_start3A_1035] : memref<128x64xf32, #tpu.memory_space<vmem>> -> memref<1x64xf32, #tpu.memory_space<vmem>>
    %dma_start3A_1037 = arith.constant 0 : i32
    %dma_start3A_1038 = tpu.memref_slice %arg4[%squeeze3A_1028, %dma_start3A_1037] : memref<100000x64xf32, #tpu.memory_space<hbm>> -> memref<1x64xf32, #tpu.memory_space<hbm>>
    tpu.enqueue_dma source(%dma_start3A_1038 : memref<1x64xf32, #tpu.memory_space<hbm>>) target(%dma_start3A_1036 : memref<1x64xf32, #tpu.memory_space<vmem>>) target_semaphore(%arg13 : memref<!tpu.dma_semaphore, #tpu.memory_space<semaphore_mem>>)
    %slice3A_1039 = vector.extract_strided_slice %gather3A_1026 {offsets = [1], sizes = [1], strides = [1]} : vector<16xi32> to vector<1xi32>
    %squeeze3A_1040 = vector.extract %slice3A_1039[0] : i32 from vector<1xi32>
    %dma_start3A_1041 = arith.constant 81 : i32
    %dma_start3A_1042 = arith.constant 0 : i32
    %dma_start3A_1043 = tpu.memref_slice %arg8[%dma_start3A_1041, %dma_start3A_1042] : memref<128x64xf32, #tpu.memory_space<vmem>> -> memref<1x64xf32, #tpu.memory_space<vmem>>
    %dma_start3A_1044 = arith.constant 0 : i32
    %dma_start3A_1045 = tpu.memref_slice %arg4[%squeeze3A_1040, %dma_start3A_1044] : memref<100000x64xf32, #tpu.memory_space<hbm>> -> memref<1x64xf32, #tpu.memory_space<hbm>>
    %dma_start3A_1046 = arith.constant 81 : i32
    %dma_start3A_1047 = arith.constant 0 : i32
    %dma_start3A_1048 = tpu.memref_slice %arg8[%dma_start3A_1046, %dma_start3A_1047] : memref<128x64xf32, #tpu.memory_space<vmem>> -> memref<1x64xf32, #tpu.memory_space<vmem>>
    %dma_start3A_1049 = arith.constant 0 : i32
    %dma_start3A_1050 = tpu.memref_slice %arg4[%squeeze3A_1040, %dma_start3A_1049] : memref<100000x64xf32, #tpu.memory_space<hbm>> -> memref<1x64xf32, #tpu.memory_space<hbm>>
    tpu.enqueue_dma source(%dma_start3A_1050 : memref<1x64xf32, #tpu.memory_space<hbm>>) target(%dma_start3A_1048 : memref<1x64xf32, #tpu.memory_space<vmem>>) target_semaphore(%arg13 : memref<!tpu.dma_semaphore, #tpu.memory_space<semaphore_mem>>)
    %slice3A_1051 = vector.extract_strided_slice %gather3A_1026 {offsets = [2], sizes = [1], strides = [1]} : vector<16xi32> to vector<1xi32>
    %squeeze3A_1052 = vector.extract %slice3A_1051[0] : i32 from vector<1xi32>
    %dma_start3A_1053 = arith.constant 82 : i32
    %dma_start3A_1054 = arith.constant 0 : i32
    %dma_start3A_1055 = tpu.memref_slice %arg8[%dma_start3A_1053, %dma_start3A_1054] : memref<128x64xf32, #tpu.memory_space<vmem>> -> memref<1x64xf32, #tpu.memory_space<vmem>>
    %dma_start3A_1056 = arith.constant 0 : i32
    %dma_start3A_1057 = tpu.memref_slice %arg4[%squeeze3A_1052, %dma_start3A_1056] : memref<100000x64xf32, #tpu.memory_space<hbm>> -> memref<1x64xf32, #tpu.memory_space<hbm>>
    %dma_start3A_1058 = arith.constant 82 : i32
    %dma_start3A_1059 = arith.constant 0 : i32
    %dma_start3A_1060 = tpu.memref_slice %arg8[%dma_start3A_1058, %dma_start3A_1059] : memref<128x64xf32, #tpu.memory_space<vmem>> -> memref<1x64xf32, #tpu.memory_space<vmem>>
    %dma_start3A_1061 = arith.constant 0 : i32
    %dma_start3A_1062 = tpu.memref_slice %arg4[%squeeze3A_1052, %dma_start3A_1061] : memref<100000x64xf32, #tpu.memory_space<hbm>> -> memref<1x64xf32, #tpu.memory_space<hbm>>
    tpu.enqueue_dma source(%dma_start3A_1062 : memref<1x64xf32, #tpu.memory_space<hbm>>) target(%dma_start3A_1060 : memref<1x64xf32, #tpu.memory_space<vmem>>) target_semaphore(%arg13 : memref<!tpu.dma_semaphore, #tpu.memory_space<semaphore_mem>>)
    %slice3A_1063 = vector.extract_strided_slice %gather3A_1026 {offsets = [3], sizes = [1], strides = [1]} : vector<16xi32> to vector<1xi32>
    %squeeze3A_1064 = vector.extract %slice3A_1063[0] : i32 from vector<1xi32>
    %dma_start3A_1065 = arith.constant 83 : i32
    %dma_start3A_1066 = arith.constant 0 : i32
    %dma_start3A_1067 = tpu.memref_slice %arg8[%dma_start3A_1065, %dma_start3A_1066] : memref<128x64xf32, #tpu.memory_space<vmem>> -> memref<1x64xf32, #tpu.memory_space<vmem>>
    %dma_start3A_1068 = arith.constant 0 : i32
    %dma_start3A_1069 = tpu.memref_slice %arg4[%squeeze3A_1064, %dma_start3A_1068] : memref<100000x64xf32, #tpu.memory_space<hbm>> -> memref<1x64xf32, #tpu.memory_space<hbm>>
    %dma_start3A_1070 = arith.constant 83 : i32
    %dma_start3A_1071 = arith.constant 0 : i32
    %dma_start3A_1072 = tpu.memref_slice %arg8[%dma_start3A_1070, %dma_start3A_1071] : memref<128x64xf32, #tpu.memory_space<vmem>> -> memref<1x64xf32, #tpu.memory_space<vmem>>
    %dma_start3A_1073 = arith.constant 0 : i32
    %dma_start3A_1074 = tpu.memref_slice %arg4[%squeeze3A_1064, %dma_start3A_1073] : memref<100000x64xf32, #tpu.memory_space<hbm>> -> memref<1x64xf32, #tpu.memory_space<hbm>>
    tpu.enqueue_dma source(%dma_start3A_1074 : memref<1x64xf32, #tpu.memory_space<hbm>>) target(%dma_start3A_1072 : memref<1x64xf32, #tpu.memory_space<vmem>>) target_semaphore(%arg13 : memref<!tpu.dma_semaphore, #tpu.memory_space<semaphore_mem>>)
    %slice3A_1075 = vector.extract_strided_slice %gather3A_1026 {offsets = [4], sizes = [1], strides = [1]} : vector<16xi32> to vector<1xi32>
    %squeeze3A_1076 = vector.extract %slice3A_1075[0] : i32 from vector<1xi32>
    %dma_start3A_1077 = arith.constant 84 : i32
    %dma_start3A_1078 = arith.constant 0 : i32
    %dma_start3A_1079 = tpu.memref_slice %arg8[%dma_start3A_1077, %dma_start3A_1078] : memref<128x64xf32, #tpu.memory_space<vmem>> -> memref<1x64xf32, #tpu.memory_space<vmem>>
    %dma_start3A_1080 = arith.constant 0 : i32
    %dma_start3A_1081 = tpu.memref_slice %arg4[%squeeze3A_1076, %dma_start3A_1080] : memref<100000x64xf32, #tpu.memory_space<hbm>> -> memref<1x64xf32, #tpu.memory_space<hbm>>
    %dma_start3A_1082 = arith.constant 84 : i32
    %dma_start3A_1083 = arith.constant 0 : i32
    %dma_start3A_1084 = tpu.memref_slice %arg8[%dma_start3A_1082, %dma_start3A_1083] : memref<128x64xf32, #tpu.memory_space<vmem>> -> memref<1x64xf32, #tpu.memory_space<vmem>>
    %dma_start3A_1085 = arith.constant 0 : i32
    %dma_start3A_1086 = tpu.memref_slice %arg4[%squeeze3A_1076, %dma_start3A_1085] : memref<100000x64xf32, #tpu.memory_space<hbm>> -> memref<1x64xf32, #tpu.memory_space<hbm>>
    tpu.enqueue_dma source(%dma_start3A_1086 : memref<1x64xf32, #tpu.memory_space<hbm>>) target(%dma_start3A_1084 : memref<1x64xf32, #tpu.memory_space<vmem>>) target_semaphore(%arg13 : memref<!tpu.dma_semaphore, #tpu.memory_space<semaphore_mem>>)
    %slice3A_1087 = vector.extract_strided_slice %gather3A_1026 {offsets = [5], sizes = [1], strides = [1]} : vector<16xi32> to vector<1xi32>
    %squeeze3A_1088 = vector.extract %slice3A_1087[0] : i32 from vector<1xi32>
    %dma_start3A_1089 = arith.constant 85 : i32
    %dma_start3A_1090 = arith.constant 0 : i32
    %dma_start3A_1091 = tpu.memref_slice %arg8[%dma_start3A_1089, %dma_start3A_1090] : memref<128x64xf32, #tpu.memory_space<vmem>> -> memref<1x64xf32, #tpu.memory_space<vmem>>
    %dma_start3A_1092 = arith.constant 0 : i32
    %dma_start3A_1093 = tpu.memref_slice %arg4[%squeeze3A_1088, %dma_start3A_1092] : memref<100000x64xf32, #tpu.memory_space<hbm>> -> memref<1x64xf32, #tpu.memory_space<hbm>>
    %dma_start3A_1094 = arith.constant 85 : i32
    %dma_start3A_1095 = arith.constant 0 : i32
    %dma_start3A_1096 = tpu.memref_slice %arg8[%dma_start3A_1094, %dma_start3A_1095] : memref<128x64xf32, #tpu.memory_space<vmem>> -> memref<1x64xf32, #tpu.memory_space<vmem>>
    %dma_start3A_1097 = arith.constant 0 : i32
    %dma_start3A_1098 = tpu.memref_slice %arg4[%squeeze3A_1088, %dma_start3A_1097] : memref<100000x64xf32, #tpu.memory_space<hbm>> -> memref<1x64xf32, #tpu.memory_space<hbm>>
    tpu.enqueue_dma source(%dma_start3A_1098 : memref<1x64xf32, #tpu.memory_space<hbm>>) target(%dma_start3A_1096 : memref<1x64xf32, #tpu.memory_space<vmem>>) target_semaphore(%arg13 : memref<!tpu.dma_semaphore, #tpu.memory_space<semaphore_mem>>)
    %slice3A_1099 = vector.extract_strided_slice %gather3A_1026 {offsets = [6], sizes = [1], strides = [1]} : vector<16xi32> to vector<1xi32>
    %squeeze3A_1100 = vector.extract %slice3A_1099[0] : i32 from vector<1xi32>
    %dma_start3A_1101 = arith.constant 86 : i32
    %dma_start3A_1102 = arith.constant 0 : i32
    %dma_start3A_1103 = tpu.memref_slice %arg8[%dma_start3A_1101, %dma_start3A_1102] : memref<128x64xf32, #tpu.memory_space<vmem>> -> memref<1x64xf32, #tpu.memory_space<vmem>>
    %dma_start3A_1104 = arith.constant 0 : i32
    %dma_start3A_1105 = tpu.memref_slice %arg4[%squeeze3A_1100, %dma_start3A_1104] : memref<100000x64xf32, #tpu.memory_space<hbm>> -> memref<1x64xf32, #tpu.memory_space<hbm>>
    %dma_start3A_1106 = arith.constant 86 : i32
    %dma_start3A_1107 = arith.constant 0 : i32
    %dma_start3A_1108 = tpu.memref_slice %arg8[%dma_start3A_1106, %dma_start3A_1107] : memref<128x64xf32, #tpu.memory_space<vmem>> -> memref<1x64xf32, #tpu.memory_space<vmem>>
    %dma_start3A_1109 = arith.constant 0 : i32
    %dma_start3A_1110 = tpu.memref_slice %arg4[%squeeze3A_1100, %dma_start3A_1109] : memref<100000x64xf32, #tpu.memory_space<hbm>> -> memref<1x64xf32, #tpu.memory_space<hbm>>
    tpu.enqueue_dma source(%dma_start3A_1110 : memref<1x64xf32, #tpu.memory_space<hbm>>) target(%dma_start3A_1108 : memref<1x64xf32, #tpu.memory_space<vmem>>) target_semaphore(%arg13 : memref<!tpu.dma_semaphore, #tpu.memory_space<semaphore_mem>>)
    %slice3A_1111 = vector.extract_strided_slice %gather3A_1026 {offsets = [7], sizes = [1], strides = [1]} : vector<16xi32> to vector<1xi32>
    %squeeze3A_1112 = vector.extract %slice3A_1111[0] : i32 from vector<1xi32>
    %dma_start3A_1113 = arith.constant 87 : i32
    %dma_start3A_1114 = arith.constant 0 : i32
    %dma_start3A_1115 = tpu.memref_slice %arg8[%dma_start3A_1113, %dma_start3A_1114] : memref<128x64xf32, #tpu.memory_space<vmem>> -> memref<1x64xf32, #tpu.memory_space<vmem>>
    %dma_start3A_1116 = arith.constant 0 : i32
    %dma_start3A_1117 = tpu.memref_slice %arg4[%squeeze3A_1112, %dma_start3A_1116] : memref<100000x64xf32, #tpu.memory_space<hbm>> -> memref<1x64xf32, #tpu.memory_space<hbm>>
    %dma_start3A_1118 = arith.constant 87 : i32
    %dma_start3A_1119 = arith.constant 0 : i32
    %dma_start3A_1120 = tpu.memref_slice %arg8[%dma_start3A_1118, %dma_start3A_1119] : memref<128x64xf32, #tpu.memory_space<vmem>> -> memref<1x64xf32, #tpu.memory_space<vmem>>
    %dma_start3A_1121 = arith.constant 0 : i32
    %dma_start3A_1122 = tpu.memref_slice %arg4[%squeeze3A_1112, %dma_start3A_1121] : memref<100000x64xf32, #tpu.memory_space<hbm>> -> memref<1x64xf32, #tpu.memory_space<hbm>>
    tpu.enqueue_dma source(%dma_start3A_1122 : memref<1x64xf32, #tpu.memory_space<hbm>>) target(%dma_start3A_1120 : memref<1x64xf32, #tpu.memory_space<vmem>>) target_semaphore(%arg13 : memref<!tpu.dma_semaphore, #tpu.memory_space<semaphore_mem>>)
    %slice3A_1123 = vector.extract_strided_slice %gather3A_1026 {offsets = [8], sizes = [1], strides = [1]} : vector<16xi32> to vector<1xi32>
    %squeeze3A_1124 = vector.extract %slice3A_1123[0] : i32 from vector<1xi32>
    %dma_start3A_1125 = arith.constant 88 : i32
    %dma_start3A_1126 = arith.constant 0 : i32
    %dma_start3A_1127 = tpu.memref_slice %arg8[%dma_start3A_1125, %dma_start3A_1126] : memref<128x64xf32, #tpu.memory_space<vmem>> -> memref<1x64xf32, #tpu.memory_space<vmem>>
    %dma_start3A_1128 = arith.constant 0 : i32
    %dma_start3A_1129 = tpu.memref_slice %arg4[%squeeze3A_1124, %dma_start3A_1128] : memref<100000x64xf32, #tpu.memory_space<hbm>> -> memref<1x64xf32, #tpu.memory_space<hbm>>
    %dma_start3A_1130 = arith.constant 88 : i32
    %dma_start3A_1131 = arith.constant 0 : i32
    %dma_start3A_1132 = tpu.memref_slice %arg8[%dma_start3A_1130, %dma_start3A_1131] : memref<128x64xf32, #tpu.memory_space<vmem>> -> memref<1x64xf32, #tpu.memory_space<vmem>>
    %dma_start3A_1133 = arith.constant 0 : i32
    %dma_start3A_1134 = tpu.memref_slice %arg4[%squeeze3A_1124, %dma_start3A_1133] : memref<100000x64xf32, #tpu.memory_space<hbm>> -> memref<1x64xf32, #tpu.memory_space<hbm>>
    tpu.enqueue_dma source(%dma_start3A_1134 : memref<1x64xf32, #tpu.memory_space<hbm>>) target(%dma_start3A_1132 : memref<1x64xf32, #tpu.memory_space<vmem>>) target_semaphore(%arg13 : memref<!tpu.dma_semaphore, #tpu.memory_space<semaphore_mem>>)
    %slice3A_1135 = vector.extract_strided_slice %gather3A_1026 {offsets = [9], sizes = [1], strides = [1]} : vector<16xi32> to vector<1xi32>
    %squeeze3A_1136 = vector.extract %slice3A_1135[0] : i32 from vector<1xi32>
    %dma_start3A_1137 = arith.constant 89 : i32
    %dma_start3A_1138 = arith.constant 0 : i32
    %dma_start3A_1139 = tpu.memref_slice %arg8[%dma_start3A_1137, %dma_start3A_1138] : memref<128x64xf32, #tpu.memory_space<vmem>> -> memref<1x64xf32, #tpu.memory_space<vmem>>
    %dma_start3A_1140 = arith.constant 0 : i32
    %dma_start3A_1141 = tpu.memref_slice %arg4[%squeeze3A_1136, %dma_start3A_1140] : memref<100000x64xf32, #tpu.memory_space<hbm>> -> memref<1x64xf32, #tpu.memory_space<hbm>>
    %dma_start3A_1142 = arith.constant 89 : i32
    %dma_start3A_1143 = arith.constant 0 : i32
    %dma_start3A_1144 = tpu.memref_slice %arg8[%dma_start3A_1142, %dma_start3A_1143] : memref<128x64xf32, #tpu.memory_space<vmem>> -> memref<1x64xf32, #tpu.memory_space<vmem>>
    %dma_start3A_1145 = arith.constant 0 : i32
    %dma_start3A_1146 = tpu.memref_slice %arg4[%squeeze3A_1136, %dma_start3A_1145] : memref<100000x64xf32, #tpu.memory_space<hbm>> -> memref<1x64xf32, #tpu.memory_space<hbm>>
    tpu.enqueue_dma source(%dma_start3A_1146 : memref<1x64xf32, #tpu.memory_space<hbm>>) target(%dma_start3A_1144 : memref<1x64xf32, #tpu.memory_space<vmem>>) target_semaphore(%arg13 : memref<!tpu.dma_semaphore, #tpu.memory_space<semaphore_mem>>)
    %slice3A_1147 = vector.extract_strided_slice %gather3A_1026 {offsets = [10], sizes = [1], strides = [1]} : vector<16xi32> to vector<1xi32>
    %squeeze3A_1148 = vector.extract %slice3A_1147[0] : i32 from vector<1xi32>
    %dma_start3A_1149 = arith.constant 90 : i32
    %dma_start3A_1150 = arith.constant 0 : i32
    %dma_start3A_1151 = tpu.memref_slice %arg8[%dma_start3A_1149, %dma_start3A_1150] : memref<128x64xf32, #tpu.memory_space<vmem>> -> memref<1x64xf32, #tpu.memory_space<vmem>>
    %dma_start3A_1152 = arith.constant 0 : i32
    %dma_start3A_1153 = tpu.memref_slice %arg4[%squeeze3A_1148, %dma_start3A_1152] : memref<100000x64xf32, #tpu.memory_space<hbm>> -> memref<1x64xf32, #tpu.memory_space<hbm>>
    %dma_start3A_1154 = arith.constant 90 : i32
    %dma_start3A_1155 = arith.constant 0 : i32
    %dma_start3A_1156 = tpu.memref_slice %arg8[%dma_start3A_1154, %dma_start3A_1155] : memref<128x64xf32, #tpu.memory_space<vmem>> -> memref<1x64xf32, #tpu.memory_space<vmem>>
    %dma_start3A_1157 = arith.constant 0 : i32
    %dma_start3A_1158 = tpu.memref_slice %arg4[%squeeze3A_1148, %dma_start3A_1157] : memref<100000x64xf32, #tpu.memory_space<hbm>> -> memref<1x64xf32, #tpu.memory_space<hbm>>
    tpu.enqueue_dma source(%dma_start3A_1158 : memref<1x64xf32, #tpu.memory_space<hbm>>) target(%dma_start3A_1156 : memref<1x64xf32, #tpu.memory_space<vmem>>) target_semaphore(%arg13 : memref<!tpu.dma_semaphore, #tpu.memory_space<semaphore_mem>>)
    %slice3A_1159 = vector.extract_strided_slice %gather3A_1026 {offsets = [11], sizes = [1], strides = [1]} : vector<16xi32> to vector<1xi32>
    %squeeze3A_1160 = vector.extract %slice3A_1159[0] : i32 from vector<1xi32>
    %dma_start3A_1161 = arith.constant 91 : i32
    %dma_start3A_1162 = arith.constant 0 : i32
    %dma_start3A_1163 = tpu.memref_slice %arg8[%dma_start3A_1161, %dma_start3A_1162] : memref<128x64xf32, #tpu.memory_space<vmem>> -> memref<1x64xf32, #tpu.memory_space<vmem>>
    %dma_start3A_1164 = arith.constant 0 : i32
    %dma_start3A_1165 = tpu.memref_slice %arg4[%squeeze3A_1160, %dma_start3A_1164] : memref<100000x64xf32, #tpu.memory_space<hbm>> -> memref<1x64xf32, #tpu.memory_space<hbm>>
    %dma_start3A_1166 = arith.constant 91 : i32
    %dma_start3A_1167 = arith.constant 0 : i32
    %dma_start3A_1168 = tpu.memref_slice %arg8[%dma_start3A_1166, %dma_start3A_1167] : memref<128x64xf32, #tpu.memory_space<vmem>> -> memref<1x64xf32, #tpu.memory_space<vmem>>
    %dma_start3A_1169 = arith.constant 0 : i32
    %dma_start3A_1170 = tpu.memref_slice %arg4[%squeeze3A_1160, %dma_start3A_1169] : memref<100000x64xf32, #tpu.memory_space<hbm>> -> memref<1x64xf32, #tpu.memory_space<hbm>>
    tpu.enqueue_dma source(%dma_start3A_1170 : memref<1x64xf32, #tpu.memory_space<hbm>>) target(%dma_start3A_1168 : memref<1x64xf32, #tpu.memory_space<vmem>>) target_semaphore(%arg13 : memref<!tpu.dma_semaphore, #tpu.memory_space<semaphore_mem>>)
    %slice3A_1171 = vector.extract_strided_slice %gather3A_1026 {offsets = [12], sizes = [1], strides = [1]} : vector<16xi32> to vector<1xi32>
    %squeeze3A_1172 = vector.extract %slice3A_1171[0] : i32 from vector<1xi32>
    %dma_start3A_1173 = arith.constant 92 : i32
    %dma_start3A_1174 = arith.constant 0 : i32
    %dma_start3A_1175 = tpu.memref_slice %arg8[%dma_start3A_1173, %dma_start3A_1174] : memref<128x64xf32, #tpu.memory_space<vmem>> -> memref<1x64xf32, #tpu.memory_space<vmem>>
    %dma_start3A_1176 = arith.constant 0 : i32
    %dma_start3A_1177 = tpu.memref_slice %arg4[%squeeze3A_1172, %dma_start3A_1176] : memref<100000x64xf32, #tpu.memory_space<hbm>> -> memref<1x64xf32, #tpu.memory_space<hbm>>
    %dma_start3A_1178 = arith.constant 92 : i32
    %dma_start3A_1179 = arith.constant 0 : i32
    %dma_start3A_1180 = tpu.memref_slice %arg8[%dma_start3A_1178, %dma_start3A_1179] : memref<128x64xf32, #tpu.memory_space<vmem>> -> memref<1x64xf32, #tpu.memory_space<vmem>>
    %dma_start3A_1181 = arith.constant 0 : i32
    %dma_start3A_1182 = tpu.memref_slice %arg4[%squeeze3A_1172, %dma_start3A_1181] : memref<100000x64xf32, #tpu.memory_space<hbm>> -> memref<1x64xf32, #tpu.memory_space<hbm>>
    tpu.enqueue_dma source(%dma_start3A_1182 : memref<1x64xf32, #tpu.memory_space<hbm>>) target(%dma_start3A_1180 : memref<1x64xf32, #tpu.memory_space<vmem>>) target_semaphore(%arg13 : memref<!tpu.dma_semaphore, #tpu.memory_space<semaphore_mem>>)
    %slice3A_1183 = vector.extract_strided_slice %gather3A_1026 {offsets = [13], sizes = [1], strides = [1]} : vector<16xi32> to vector<1xi32>
    %squeeze3A_1184 = vector.extract %slice3A_1183[0] : i32 from vector<1xi32>
    %dma_start3A_1185 = arith.constant 93 : i32
    %dma_start3A_1186 = arith.constant 0 : i32
    %dma_start3A_1187 = tpu.memref_slice %arg8[%dma_start3A_1185, %dma_start3A_1186] : memref<128x64xf32, #tpu.memory_space<vmem>> -> memref<1x64xf32, #tpu.memory_space<vmem>>
    %dma_start3A_1188 = arith.constant 0 : i32
    %dma_start3A_1189 = tpu.memref_slice %arg4[%squeeze3A_1184, %dma_start3A_1188] : memref<100000x64xf32, #tpu.memory_space<hbm>> -> memref<1x64xf32, #tpu.memory_space<hbm>>
    %dma_start3A_1190 = arith.constant 93 : i32
    %dma_start3A_1191 = arith.constant 0 : i32
    %dma_start3A_1192 = tpu.memref_slice %arg8[%dma_start3A_1190, %dma_start3A_1191] : memref<128x64xf32, #tpu.memory_space<vmem>> -> memref<1x64xf32, #tpu.memory_space<vmem>>
    %dma_start3A_1193 = arith.constant 0 : i32
    %dma_start3A_1194 = tpu.memref_slice %arg4[%squeeze3A_1184, %dma_start3A_1193] : memref<100000x64xf32, #tpu.memory_space<hbm>> -> memref<1x64xf32, #tpu.memory_space<hbm>>
    tpu.enqueue_dma source(%dma_start3A_1194 : memref<1x64xf32, #tpu.memory_space<hbm>>) target(%dma_start3A_1192 : memref<1x64xf32, #tpu.memory_space<vmem>>) target_semaphore(%arg13 : memref<!tpu.dma_semaphore, #tpu.memory_space<semaphore_mem>>)
    %slice3A_1195 = vector.extract_strided_slice %gather3A_1026 {offsets = [14], sizes = [1], strides = [1]} : vector<16xi32> to vector<1xi32>
    %squeeze3A_1196 = vector.extract %slice3A_1195[0] : i32 from vector<1xi32>
    %dma_start3A_1197 = arith.constant 94 : i32
    %dma_start3A_1198 = arith.constant 0 : i32
    %dma_start3A_1199 = tpu.memref_slice %arg8[%dma_start3A_1197, %dma_start3A_1198] : memref<128x64xf32, #tpu.memory_space<vmem>> -> memref<1x64xf32, #tpu.memory_space<vmem>>
    %dma_start3A_1200 = arith.constant 0 : i32
    %dma_start3A_1201 = tpu.memref_slice %arg4[%squeeze3A_1196, %dma_start3A_1200] : memref<100000x64xf32, #tpu.memory_space<hbm>> -> memref<1x64xf32, #tpu.memory_space<hbm>>
    %dma_start3A_1202 = arith.constant 94 : i32
    %dma_start3A_1203 = arith.constant 0 : i32
    %dma_start3A_1204 = tpu.memref_slice %arg8[%dma_start3A_1202, %dma_start3A_1203] : memref<128x64xf32, #tpu.memory_space<vmem>> -> memref<1x64xf32, #tpu.memory_space<vmem>>
    %dma_start3A_1205 = arith.constant 0 : i32
    %dma_start3A_1206 = tpu.memref_slice %arg4[%squeeze3A_1196, %dma_start3A_1205] : memref<100000x64xf32, #tpu.memory_space<hbm>> -> memref<1x64xf32, #tpu.memory_space<hbm>>
    tpu.enqueue_dma source(%dma_start3A_1206 : memref<1x64xf32, #tpu.memory_space<hbm>>) target(%dma_start3A_1204 : memref<1x64xf32, #tpu.memory_space<vmem>>) target_semaphore(%arg13 : memref<!tpu.dma_semaphore, #tpu.memory_space<semaphore_mem>>)
    %slice3A_1207 = vector.extract_strided_slice %gather3A_1026 {offsets = [15], sizes = [1], strides = [1]} : vector<16xi32> to vector<1xi32>
    %squeeze3A_1208 = vector.extract %slice3A_1207[0] : i32 from vector<1xi32>
    %dma_start3A_1209 = arith.constant 95 : i32
    %dma_start3A_1210 = arith.constant 0 : i32
    %dma_start3A_1211 = tpu.memref_slice %arg8[%dma_start3A_1209, %dma_start3A_1210] : memref<128x64xf32, #tpu.memory_space<vmem>> -> memref<1x64xf32, #tpu.memory_space<vmem>>
    %dma_start3A_1212 = arith.constant 0 : i32
    %dma_start3A_1213 = tpu.memref_slice %arg4[%squeeze3A_1208, %dma_start3A_1212] : memref<100000x64xf32, #tpu.memory_space<hbm>> -> memref<1x64xf32, #tpu.memory_space<hbm>>
    %dma_start3A_1214 = arith.constant 95 : i32
    %dma_start3A_1215 = arith.constant 0 : i32
    %dma_start3A_1216 = tpu.memref_slice %arg8[%dma_start3A_1214, %dma_start3A_1215] : memref<128x64xf32, #tpu.memory_space<vmem>> -> memref<1x64xf32, #tpu.memory_space<vmem>>
    %dma_start3A_1217 = arith.constant 0 : i32
    %dma_start3A_1218 = tpu.memref_slice %arg4[%squeeze3A_1208, %dma_start3A_1217] : memref<100000x64xf32, #tpu.memory_space<hbm>> -> memref<1x64xf32, #tpu.memory_space<hbm>>
    tpu.enqueue_dma source(%dma_start3A_1218 : memref<1x64xf32, #tpu.memory_space<hbm>>) target(%dma_start3A_1216 : memref<1x64xf32, #tpu.memory_space<vmem>>) target_semaphore(%arg13 : memref<!tpu.dma_semaphore, #tpu.memory_space<semaphore_mem>>)
    %add3A_1219 = arith.constant 97 : i32
    %add3A_1220 = vector.broadcast %add3A_1219 : i32 to vector<16xi32>
    %add3A_1221 = arith.addi %iota3A, %add3A_1220 : vector<16xi32>
    %gather3A_1222 = tpu.vector_load_idx %arg6[%add3A_1221] : memref<144xi32, #tpu.memory_space<vmem>>[vector<16xi32>], vector<16xi32>,
    %slice3A_1223 = vector.extract_strided_slice %gather3A_1222 {offsets = [0], sizes = [1], strides = [1]} : vector<16xi32> to vector<1xi32>
    %squeeze3A_1224 = vector.extract %slice3A_1223[0] : i32 from vector<1xi32>
    %dma_start3A_1225 = arith.constant 96 : i32
    %dma_start3A_1226 = arith.constant 0 : i32
    %dma_start3A_1227 = tpu.memref_slice %arg8[%dma_start3A_1225, %dma_start3A_1226] : memref<128x64xf32, #tpu.memory_space<vmem>> -> memref<1x64xf32, #tpu.memory_space<vmem>>
    %dma_start3A_1228 = arith.constant 0 : i32
    %dma_start3A_1229 = tpu.memref_slice %arg4[%squeeze3A_1224, %dma_start3A_1228] : memref<100000x64xf32, #tpu.memory_space<hbm>> -> memref<1x64xf32, #tpu.memory_space<hbm>>
    %dma_start3A_1230 = arith.constant 96 : i32
    %dma_start3A_1231 = arith.constant 0 : i32
    %dma_start3A_1232 = tpu.memref_slice %arg8[%dma_start3A_1230, %dma_start3A_1231] : memref<128x64xf32, #tpu.memory_space<vmem>> -> memref<1x64xf32, #tpu.memory_space<vmem>>
    %dma_start3A_1233 = arith.constant 0 : i32
    %dma_start3A_1234 = tpu.memref_slice %arg4[%squeeze3A_1224, %dma_start3A_1233] : memref<100000x64xf32, #tpu.memory_space<hbm>> -> memref<1x64xf32, #tpu.memory_space<hbm>>
    tpu.enqueue_dma source(%dma_start3A_1234 : memref<1x64xf32, #tpu.memory_space<hbm>>) target(%dma_start3A_1232 : memref<1x64xf32, #tpu.memory_space<vmem>>) target_semaphore(%arg13 : memref<!tpu.dma_semaphore, #tpu.memory_space<semaphore_mem>>)
    %slice3A_1235 = vector.extract_strided_slice %gather3A_1222 {offsets = [1], sizes = [1], strides = [1]} : vector<16xi32> to vector<1xi32>
    %squeeze3A_1236 = vector.extract %slice3A_1235[0] : i32 from vector<1xi32>
    %dma_start3A_1237 = arith.constant 97 : i32
    %dma_start3A_1238 = arith.constant 0 : i32
    %dma_start3A_1239 = tpu.memref_slice %arg8[%dma_start3A_1237, %dma_start3A_1238] : memref<128x64xf32, #tpu.memory_space<vmem>> -> memref<1x64xf32, #tpu.memory_space<vmem>>
    %dma_start3A_1240 = arith.constant 0 : i32
    %dma_start3A_1241 = tpu.memref_slice %arg4[%squeeze3A_1236, %dma_start3A_1240] : memref<100000x64xf32, #tpu.memory_space<hbm>> -> memref<1x64xf32, #tpu.memory_space<hbm>>
    %dma_start3A_1242 = arith.constant 97 : i32
    %dma_start3A_1243 = arith.constant 0 : i32
    %dma_start3A_1244 = tpu.memref_slice %arg8[%dma_start3A_1242, %dma_start3A_1243] : memref<128x64xf32, #tpu.memory_space<vmem>> -> memref<1x64xf32, #tpu.memory_space<vmem>>
    %dma_start3A_1245 = arith.constant 0 : i32
    %dma_start3A_1246 = tpu.memref_slice %arg4[%squeeze3A_1236, %dma_start3A_1245] : memref<100000x64xf32, #tpu.memory_space<hbm>> -> memref<1x64xf32, #tpu.memory_space<hbm>>
    tpu.enqueue_dma source(%dma_start3A_1246 : memref<1x64xf32, #tpu.memory_space<hbm>>) target(%dma_start3A_1244 : memref<1x64xf32, #tpu.memory_space<vmem>>) target_semaphore(%arg13 : memref<!tpu.dma_semaphore, #tpu.memory_space<semaphore_mem>>)
    %slice3A_1247 = vector.extract_strided_slice %gather3A_1222 {offsets = [2], sizes = [1], strides = [1]} : vector<16xi32> to vector<1xi32>
    %squeeze3A_1248 = vector.extract %slice3A_1247[0] : i32 from vector<1xi32>
    %dma_start3A_1249 = arith.constant 98 : i32
    %dma_start3A_1250 = arith.constant 0 : i32
    %dma_start3A_1251 = tpu.memref_slice %arg8[%dma_start3A_1249, %dma_start3A_1250] : memref<128x64xf32, #tpu.memory_space<vmem>> -> memref<1x64xf32, #tpu.memory_space<vmem>>
    %dma_start3A_1252 = arith.constant 0 : i32
    %dma_start3A_1253 = tpu.memref_slice %arg4[%squeeze3A_1248, %dma_start3A_1252] : memref<100000x64xf32, #tpu.memory_space<hbm>> -> memref<1x64xf32, #tpu.memory_space<hbm>>
    %dma_start3A_1254 = arith.constant 98 : i32
    %dma_start3A_1255 = arith.constant 0 : i32
    %dma_start3A_1256 = tpu.memref_slice %arg8[%dma_start3A_1254, %dma_start3A_1255] : memref<128x64xf32, #tpu.memory_space<vmem>> -> memref<1x64xf32, #tpu.memory_space<vmem>>
    %dma_start3A_1257 = arith.constant 0 : i32
    %dma_start3A_1258 = tpu.memref_slice %arg4[%squeeze3A_1248, %dma_start3A_1257] : memref<100000x64xf32, #tpu.memory_space<hbm>> -> memref<1x64xf32, #tpu.memory_space<hbm>>
    tpu.enqueue_dma source(%dma_start3A_1258 : memref<1x64xf32, #tpu.memory_space<hbm>>) target(%dma_start3A_1256 : memref<1x64xf32, #tpu.memory_space<vmem>>) target_semaphore(%arg13 : memref<!tpu.dma_semaphore, #tpu.memory_space<semaphore_mem>>)
    %slice3A_1259 = vector.extract_strided_slice %gather3A_1222 {offsets = [3], sizes = [1], strides = [1]} : vector<16xi32> to vector<1xi32>
    %squeeze3A_1260 = vector.extract %slice3A_1259[0] : i32 from vector<1xi32>
    %dma_start3A_1261 = arith.constant 99 : i32
    %dma_start3A_1262 = arith.constant 0 : i32
    %dma_start3A_1263 = tpu.memref_slice %arg8[%dma_start3A_1261, %dma_start3A_1262] : memref<128x64xf32, #tpu.memory_space<vmem>> -> memref<1x64xf32, #tpu.memory_space<vmem>>
    %dma_start3A_1264 = arith.constant 0 : i32
    %dma_start3A_1265 = tpu.memref_slice %arg4[%squeeze3A_1260, %dma_start3A_1264] : memref<100000x64xf32, #tpu.memory_space<hbm>> -> memref<1x64xf32, #tpu.memory_space<hbm>>
    %dma_start3A_1266 = arith.constant 99 : i32
    %dma_start3A_1267 = arith.constant 0 : i32
    %dma_start3A_1268 = tpu.memref_slice %arg8[%dma_start3A_1266, %dma_start3A_1267] : memref<128x64xf32, #tpu.memory_space<vmem>> -> memref<1x64xf32, #tpu.memory_space<vmem>>
    %dma_start3A_1269 = arith.constant 0 : i32
    %dma_start3A_1270 = tpu.memref_slice %arg4[%squeeze3A_1260, %dma_start3A_1269] : memref<100000x64xf32, #tpu.memory_space<hbm>> -> memref<1x64xf32, #tpu.memory_space<hbm>>
    tpu.enqueue_dma source(%dma_start3A_1270 : memref<1x64xf32, #tpu.memory_space<hbm>>) target(%dma_start3A_1268 : memref<1x64xf32, #tpu.memory_space<vmem>>) target_semaphore(%arg13 : memref<!tpu.dma_semaphore, #tpu.memory_space<semaphore_mem>>)
    %slice3A_1271 = vector.extract_strided_slice %gather3A_1222 {offsets = [4], sizes = [1], strides = [1]} : vector<16xi32> to vector<1xi32>
    %squeeze3A_1272 = vector.extract %slice3A_1271[0] : i32 from vector<1xi32>
    %dma_start3A_1273 = arith.constant 100 : i32
    %dma_start3A_1274 = arith.constant 0 : i32
    %dma_start3A_1275 = tpu.memref_slice %arg8[%dma_start3A_1273, %dma_start3A_1274] : memref<128x64xf32, #tpu.memory_space<vmem>> -> memref<1x64xf32, #tpu.memory_space<vmem>>
    %dma_start3A_1276 = arith.constant 0 : i32
    %dma_start3A_1277 = tpu.memref_slice %arg4[%squeeze3A_1272, %dma_start3A_1276] : memref<100000x64xf32, #tpu.memory_space<hbm>> -> memref<1x64xf32, #tpu.memory_space<hbm>>
    %dma_start3A_1278 = arith.constant 100 : i32
    %dma_start3A_1279 = arith.constant 0 : i32
    %dma_start3A_1280 = tpu.memref_slice %arg8[%dma_start3A_1278, %dma_start3A_1279] : memref<128x64xf32, #tpu.memory_space<vmem>> -> memref<1x64xf32, #tpu.memory_space<vmem>>
    %dma_start3A_1281 = arith.constant 0 : i32
    %dma_start3A_1282 = tpu.memref_slice %arg4[%squeeze3A_1272, %dma_start3A_1281] : memref<100000x64xf32, #tpu.memory_space<hbm>> -> memref<1x64xf32, #tpu.memory_space<hbm>>
    tpu.enqueue_dma source(%dma_start3A_1282 : memref<1x64xf32, #tpu.memory_space<hbm>>) target(%dma_start3A_1280 : memref<1x64xf32, #tpu.memory_space<vmem>>) target_semaphore(%arg13 : memref<!tpu.dma_semaphore, #tpu.memory_space<semaphore_mem>>)
    %slice3A_1283 = vector.extract_strided_slice %gather3A_1222 {offsets = [5], sizes = [1], strides = [1]} : vector<16xi32> to vector<1xi32>
    %squeeze3A_1284 = vector.extract %slice3A_1283[0] : i32 from vector<1xi32>
    %dma_start3A_1285 = arith.constant 101 : i32
    %dma_start3A_1286 = arith.constant 0 : i32
    %dma_start3A_1287 = tpu.memref_slice %arg8[%dma_start3A_1285, %dma_start3A_1286] : memref<128x64xf32, #tpu.memory_space<vmem>> -> memref<1x64xf32, #tpu.memory_space<vmem>>
    %dma_start3A_1288 = arith.constant 0 : i32
    %dma_start3A_1289 = tpu.memref_slice %arg4[%squeeze3A_1284, %dma_start3A_1288] : memref<100000x64xf32, #tpu.memory_space<hbm>> -> memref<1x64xf32, #tpu.memory_space<hbm>>
    %dma_start3A_1290 = arith.constant 101 : i32
    %dma_start3A_1291 = arith.constant 0 : i32
    %dma_start3A_1292 = tpu.memref_slice %arg8[%dma_start3A_1290, %dma_start3A_1291] : memref<128x64xf32, #tpu.memory_space<vmem>> -> memref<1x64xf32, #tpu.memory_space<vmem>>
    %dma_start3A_1293 = arith.constant 0 : i32
    %dma_start3A_1294 = tpu.memref_slice %arg4[%squeeze3A_1284, %dma_start3A_1293] : memref<100000x64xf32, #tpu.memory_space<hbm>> -> memref<1x64xf32, #tpu.memory_space<hbm>>
    tpu.enqueue_dma source(%dma_start3A_1294 : memref<1x64xf32, #tpu.memory_space<hbm>>) target(%dma_start3A_1292 : memref<1x64xf32, #tpu.memory_space<vmem>>) target_semaphore(%arg13 : memref<!tpu.dma_semaphore, #tpu.memory_space<semaphore_mem>>)
    %slice3A_1295 = vector.extract_strided_slice %gather3A_1222 {offsets = [6], sizes = [1], strides = [1]} : vector<16xi32> to vector<1xi32>
    %squeeze3A_1296 = vector.extract %slice3A_1295[0] : i32 from vector<1xi32>
    %dma_start3A_1297 = arith.constant 102 : i32
    %dma_start3A_1298 = arith.constant 0 : i32
    %dma_start3A_1299 = tpu.memref_slice %arg8[%dma_start3A_1297, %dma_start3A_1298] : memref<128x64xf32, #tpu.memory_space<vmem>> -> memref<1x64xf32, #tpu.memory_space<vmem>>
    %dma_start3A_1300 = arith.constant 0 : i32
    %dma_start3A_1301 = tpu.memref_slice %arg4[%squeeze3A_1296, %dma_start3A_1300] : memref<100000x64xf32, #tpu.memory_space<hbm>> -> memref<1x64xf32, #tpu.memory_space<hbm>>
    %dma_start3A_1302 = arith.constant 102 : i32
    %dma_start3A_1303 = arith.constant 0 : i32
    %dma_start3A_1304 = tpu.memref_slice %arg8[%dma_start3A_1302, %dma_start3A_1303] : memref<128x64xf32, #tpu.memory_space<vmem>> -> memref<1x64xf32, #tpu.memory_space<vmem>>
    %dma_start3A_1305 = arith.constant 0 : i32
    %dma_start3A_1306 = tpu.memref_slice %arg4[%squeeze3A_1296, %dma_start3A_1305] : memref<100000x64xf32, #tpu.memory_space<hbm>> -> memref<1x64xf32, #tpu.memory_space<hbm>>
    tpu.enqueue_dma source(%dma_start3A_1306 : memref<1x64xf32, #tpu.memory_space<hbm>>) target(%dma_start3A_1304 : memref<1x64xf32, #tpu.memory_space<vmem>>) target_semaphore(%arg13 : memref<!tpu.dma_semaphore, #tpu.memory_space<semaphore_mem>>)
    %slice3A_1307 = vector.extract_strided_slice %gather3A_1222 {offsets = [7], sizes = [1], strides = [1]} : vector<16xi32> to vector<1xi32>
    %squeeze3A_1308 = vector.extract %slice3A_1307[0] : i32 from vector<1xi32>
    %dma_start3A_1309 = arith.constant 103 : i32
    %dma_start3A_1310 = arith.constant 0 : i32
    %dma_start3A_1311 = tpu.memref_slice %arg8[%dma_start3A_1309, %dma_start3A_1310] : memref<128x64xf32, #tpu.memory_space<vmem>> -> memref<1x64xf32, #tpu.memory_space<vmem>>
    %dma_start3A_1312 = arith.constant 0 : i32
    %dma_start3A_1313 = tpu.memref_slice %arg4[%squeeze3A_1308, %dma_start3A_1312] : memref<100000x64xf32, #tpu.memory_space<hbm>> -> memref<1x64xf32, #tpu.memory_space<hbm>>
    %dma_start3A_1314 = arith.constant 103 : i32
    %dma_start3A_1315 = arith.constant 0 : i32
    %dma_start3A_1316 = tpu.memref_slice %arg8[%dma_start3A_1314, %dma_start3A_1315] : memref<128x64xf32, #tpu.memory_space<vmem>> -> memref<1x64xf32, #tpu.memory_space<vmem>>
    %dma_start3A_1317 = arith.constant 0 : i32
    %dma_start3A_1318 = tpu.memref_slice %arg4[%squeeze3A_1308, %dma_start3A_1317] : memref<100000x64xf32, #tpu.memory_space<hbm>> -> memref<1x64xf32, #tpu.memory_space<hbm>>
    tpu.enqueue_dma source(%dma_start3A_1318 : memref<1x64xf32, #tpu.memory_space<hbm>>) target(%dma_start3A_1316 : memref<1x64xf32, #tpu.memory_space<vmem>>) target_semaphore(%arg13 : memref<!tpu.dma_semaphore, #tpu.memory_space<semaphore_mem>>)
    %slice3A_1319 = vector.extract_strided_slice %gather3A_1222 {offsets = [8], sizes = [1], strides = [1]} : vector<16xi32> to vector<1xi32>
    %squeeze3A_1320 = vector.extract %slice3A_1319[0] : i32 from vector<1xi32>
    %dma_start3A_1321 = arith.constant 104 : i32
    %dma_start3A_1322 = arith.constant 0 : i32
    %dma_start3A_1323 = tpu.memref_slice %arg8[%dma_start3A_1321, %dma_start3A_1322] : memref<128x64xf32, #tpu.memory_space<vmem>> -> memref<1x64xf32, #tpu.memory_space<vmem>>
    %dma_start3A_1324 = arith.constant 0 : i32
    %dma_start3A_1325 = tpu.memref_slice %arg4[%squeeze3A_1320, %dma_start3A_1324] : memref<100000x64xf32, #tpu.memory_space<hbm>> -> memref<1x64xf32, #tpu.memory_space<hbm>>
    %dma_start3A_1326 = arith.constant 104 : i32
    %dma_start3A_1327 = arith.constant 0 : i32
    %dma_start3A_1328 = tpu.memref_slice %arg8[%dma_start3A_1326, %dma_start3A_1327] : memref<128x64xf32, #tpu.memory_space<vmem>> -> memref<1x64xf32, #tpu.memory_space<vmem>>
    %dma_start3A_1329 = arith.constant 0 : i32
    %dma_start3A_1330 = tpu.memref_slice %arg4[%squeeze3A_1320, %dma_start3A_1329] : memref<100000x64xf32, #tpu.memory_space<hbm>> -> memref<1x64xf32, #tpu.memory_space<hbm>>
    tpu.enqueue_dma source(%dma_start3A_1330 : memref<1x64xf32, #tpu.memory_space<hbm>>) target(%dma_start3A_1328 : memref<1x64xf32, #tpu.memory_space<vmem>>) target_semaphore(%arg13 : memref<!tpu.dma_semaphore, #tpu.memory_space<semaphore_mem>>)
    %slice3A_1331 = vector.extract_strided_slice %gather3A_1222 {offsets = [9], sizes = [1], strides = [1]} : vector<16xi32> to vector<1xi32>
    %squeeze3A_1332 = vector.extract %slice3A_1331[0] : i32 from vector<1xi32>
    %dma_start3A_1333 = arith.constant 105 : i32
    %dma_start3A_1334 = arith.constant 0 : i32
    %dma_start3A_1335 = tpu.memref_slice %arg8[%dma_start3A_1333, %dma_start3A_1334] : memref<128x64xf32, #tpu.memory_space<vmem>> -> memref<1x64xf32, #tpu.memory_space<vmem>>
    %dma_start3A_1336 = arith.constant 0 : i32
    %dma_start3A_1337 = tpu.memref_slice %arg4[%squeeze3A_1332, %dma_start3A_1336] : memref<100000x64xf32, #tpu.memory_space<hbm>> -> memref<1x64xf32, #tpu.memory_space<hbm>>
    %dma_start3A_1338 = arith.constant 105 : i32
    %dma_start3A_1339 = arith.constant 0 : i32
    %dma_start3A_1340 = tpu.memref_slice %arg8[%dma_start3A_1338, %dma_start3A_1339] : memref<128x64xf32, #tpu.memory_space<vmem>> -> memref<1x64xf32, #tpu.memory_space<vmem>>
    %dma_start3A_1341 = arith.constant 0 : i32
    %dma_start3A_1342 = tpu.memref_slice %arg4[%squeeze3A_1332, %dma_start3A_1341] : memref<100000x64xf32, #tpu.memory_space<hbm>> -> memref<1x64xf32, #tpu.memory_space<hbm>>
    tpu.enqueue_dma source(%dma_start3A_1342 : memref<1x64xf32, #tpu.memory_space<hbm>>) target(%dma_start3A_1340 : memref<1x64xf32, #tpu.memory_space<vmem>>) target_semaphore(%arg13 : memref<!tpu.dma_semaphore, #tpu.memory_space<semaphore_mem>>)
    %slice3A_1343 = vector.extract_strided_slice %gather3A_1222 {offsets = [10], sizes = [1], strides = [1]} : vector<16xi32> to vector<1xi32>
    %squeeze3A_1344 = vector.extract %slice3A_1343[0] : i32 from vector<1xi32>
    %dma_start3A_1345 = arith.constant 106 : i32
    %dma_start3A_1346 = arith.constant 0 : i32
    %dma_start3A_1347 = tpu.memref_slice %arg8[%dma_start3A_1345, %dma_start3A_1346] : memref<128x64xf32, #tpu.memory_space<vmem>> -> memref<1x64xf32, #tpu.memory_space<vmem>>
    %dma_start3A_1348 = arith.constant 0 : i32
    %dma_start3A_1349 = tpu.memref_slice %arg4[%squeeze3A_1344, %dma_start3A_1348] : memref<100000x64xf32, #tpu.memory_space<hbm>> -> memref<1x64xf32, #tpu.memory_space<hbm>>
    %dma_start3A_1350 = arith.constant 106 : i32
    %dma_start3A_1351 = arith.constant 0 : i32
    %dma_start3A_1352 = tpu.memref_slice %arg8[%dma_start3A_1350, %dma_start3A_1351] : memref<128x64xf32, #tpu.memory_space<vmem>> -> memref<1x64xf32, #tpu.memory_space<vmem>>
    %dma_start3A_1353 = arith.constant 0 : i32
    %dma_start3A_1354 = tpu.memref_slice %arg4[%squeeze3A_1344, %dma_start3A_1353] : memref<100000x64xf32, #tpu.memory_space<hbm>> -> memref<1x64xf32, #tpu.memory_space<hbm>>
    tpu.enqueue_dma source(%dma_start3A_1354 : memref<1x64xf32, #tpu.memory_space<hbm>>) target(%dma_start3A_1352 : memref<1x64xf32, #tpu.memory_space<vmem>>) target_semaphore(%arg13 : memref<!tpu.dma_semaphore, #tpu.memory_space<semaphore_mem>>)
    %slice3A_1355 = vector.extract_strided_slice %gather3A_1222 {offsets = [11], sizes = [1], strides = [1]} : vector<16xi32> to vector<1xi32>
    %squeeze3A_1356 = vector.extract %slice3A_1355[0] : i32 from vector<1xi32>
    %dma_start3A_1357 = arith.constant 107 : i32
    %dma_start3A_1358 = arith.constant 0 : i32
    %dma_start3A_1359 = tpu.memref_slice %arg8[%dma_start3A_1357, %dma_start3A_1358] : memref<128x64xf32, #tpu.memory_space<vmem>> -> memref<1x64xf32, #tpu.memory_space<vmem>>
    %dma_start3A_1360 = arith.constant 0 : i32
    %dma_start3A_1361 = tpu.memref_slice %arg4[%squeeze3A_1356, %dma_start3A_1360] : memref<100000x64xf32, #tpu.memory_space<hbm>> -> memref<1x64xf32, #tpu.memory_space<hbm>>
    %dma_start3A_1362 = arith.constant 107 : i32
    %dma_start3A_1363 = arith.constant 0 : i32
    %dma_start3A_1364 = tpu.memref_slice %arg8[%dma_start3A_1362, %dma_start3A_1363] : memref<128x64xf32, #tpu.memory_space<vmem>> -> memref<1x64xf32, #tpu.memory_space<vmem>>
    %dma_start3A_1365 = arith.constant 0 : i32
    %dma_start3A_1366 = tpu.memref_slice %arg4[%squeeze3A_1356, %dma_start3A_1365] : memref<100000x64xf32, #tpu.memory_space<hbm>> -> memref<1x64xf32, #tpu.memory_space<hbm>>
    tpu.enqueue_dma source(%dma_start3A_1366 : memref<1x64xf32, #tpu.memory_space<hbm>>) target(%dma_start3A_1364 : memref<1x64xf32, #tpu.memory_space<vmem>>) target_semaphore(%arg13 : memref<!tpu.dma_semaphore, #tpu.memory_space<semaphore_mem>>)
    %slice3A_1367 = vector.extract_strided_slice %gather3A_1222 {offsets = [12], sizes = [1], strides = [1]} : vector<16xi32> to vector<1xi32>
    %squeeze3A_1368 = vector.extract %slice3A_1367[0] : i32 from vector<1xi32>
    %dma_start3A_1369 = arith.constant 108 : i32
    %dma_start3A_1370 = arith.constant 0 : i32
    %dma_start3A_1371 = tpu.memref_slice %arg8[%dma_start3A_1369, %dma_start3A_1370] : memref<128x64xf32, #tpu.memory_space<vmem>> -> memref<1x64xf32, #tpu.memory_space<vmem>>
    %dma_start3A_1372 = arith.constant 0 : i32
    %dma_start3A_1373 = tpu.memref_slice %arg4[%squeeze3A_1368, %dma_start3A_1372] : memref<100000x64xf32, #tpu.memory_space<hbm>> -> memref<1x64xf32, #tpu.memory_space<hbm>>
    %dma_start3A_1374 = arith.constant 108 : i32
    %dma_start3A_1375 = arith.constant 0 : i32
    %dma_start3A_1376 = tpu.memref_slice %arg8[%dma_start3A_1374, %dma_start3A_1375] : memref<128x64xf32, #tpu.memory_space<vmem>> -> memref<1x64xf32, #tpu.memory_space<vmem>>
    %dma_start3A_1377 = arith.constant 0 : i32
    %dma_start3A_1378 = tpu.memref_slice %arg4[%squeeze3A_1368, %dma_start3A_1377] : memref<100000x64xf32, #tpu.memory_space<hbm>> -> memref<1x64xf32, #tpu.memory_space<hbm>>
    tpu.enqueue_dma source(%dma_start3A_1378 : memref<1x64xf32, #tpu.memory_space<hbm>>) target(%dma_start3A_1376 : memref<1x64xf32, #tpu.memory_space<vmem>>) target_semaphore(%arg13 : memref<!tpu.dma_semaphore, #tpu.memory_space<semaphore_mem>>)
    %slice3A_1379 = vector.extract_strided_slice %gather3A_1222 {offsets = [13], sizes = [1], strides = [1]} : vector<16xi32> to vector<1xi32>
    %squeeze3A_1380 = vector.extract %slice3A_1379[0] : i32 from vector<1xi32>
    %dma_start3A_1381 = arith.constant 109 : i32
    %dma_start3A_1382 = arith.constant 0 : i32
    %dma_start3A_1383 = tpu.memref_slice %arg8[%dma_start3A_1381, %dma_start3A_1382] : memref<128x64xf32, #tpu.memory_space<vmem>> -> memref<1x64xf32, #tpu.memory_space<vmem>>
    %dma_start3A_1384 = arith.constant 0 : i32
    %dma_start3A_1385 = tpu.memref_slice %arg4[%squeeze3A_1380, %dma_start3A_1384] : memref<100000x64xf32, #tpu.memory_space<hbm>> -> memref<1x64xf32, #tpu.memory_space<hbm>>
    %dma_start3A_1386 = arith.constant 109 : i32
    %dma_start3A_1387 = arith.constant 0 : i32
    %dma_start3A_1388 = tpu.memref_slice %arg8[%dma_start3A_1386, %dma_start3A_1387] : memref<128x64xf32, #tpu.memory_space<vmem>> -> memref<1x64xf32, #tpu.memory_space<vmem>>
    %dma_start3A_1389 = arith.constant 0 : i32
    %dma_start3A_1390 = tpu.memref_slice %arg4[%squeeze3A_1380, %dma_start3A_1389] : memref<100000x64xf32, #tpu.memory_space<hbm>> -> memref<1x64xf32, #tpu.memory_space<hbm>>
    tpu.enqueue_dma source(%dma_start3A_1390 : memref<1x64xf32, #tpu.memory_space<hbm>>) target(%dma_start3A_1388 : memref<1x64xf32, #tpu.memory_space<vmem>>) target_semaphore(%arg13 : memref<!tpu.dma_semaphore, #tpu.memory_space<semaphore_mem>>)
    %slice3A_1391 = vector.extract_strided_slice %gather3A_1222 {offsets = [14], sizes = [1], strides = [1]} : vector<16xi32> to vector<1xi32>
    %squeeze3A_1392 = vector.extract %slice3A_1391[0] : i32 from vector<1xi32>
    %dma_start3A_1393 = arith.constant 110 : i32
    %dma_start3A_1394 = arith.constant 0 : i32
    %dma_start3A_1395 = tpu.memref_slice %arg8[%dma_start3A_1393, %dma_start3A_1394] : memref<128x64xf32, #tpu.memory_space<vmem>> -> memref<1x64xf32, #tpu.memory_space<vmem>>
    %dma_start3A_1396 = arith.constant 0 : i32
    %dma_start3A_1397 = tpu.memref_slice %arg4[%squeeze3A_1392, %dma_start3A_1396] : memref<100000x64xf32, #tpu.memory_space<hbm>> -> memref<1x64xf32, #tpu.memory_space<hbm>>
    %dma_start3A_1398 = arith.constant 110 : i32
    %dma_start3A_1399 = arith.constant 0 : i32
    %dma_start3A_1400 = tpu.memref_slice %arg8[%dma_start3A_1398, %dma_start3A_1399] : memref<128x64xf32, #tpu.memory_space<vmem>> -> memref<1x64xf32, #tpu.memory_space<vmem>>
    %dma_start3A_1401 = arith.constant 0 : i32
    %dma_start3A_1402 = tpu.memref_slice %arg4[%squeeze3A_1392, %dma_start3A_1401] : memref<100000x64xf32, #tpu.memory_space<hbm>> -> memref<1x64xf32, #tpu.memory_space<hbm>>
    tpu.enqueue_dma source(%dma_start3A_1402 : memref<1x64xf32, #tpu.memory_space<hbm>>) target(%dma_start3A_1400 : memref<1x64xf32, #tpu.memory_space<vmem>>) target_semaphore(%arg13 : memref<!tpu.dma_semaphore, #tpu.memory_space<semaphore_mem>>)
    %slice3A_1403 = vector.extract_strided_slice %gather3A_1222 {offsets = [15], sizes = [1], strides = [1]} : vector<16xi32> to vector<1xi32>
    %squeeze3A_1404 = vector.extract %slice3A_1403[0] : i32 from vector<1xi32>
    %dma_start3A_1405 = arith.constant 111 : i32
    %dma_start3A_1406 = arith.constant 0 : i32
    %dma_start3A_1407 = tpu.memref_slice %arg8[%dma_start3A_1405, %dma_start3A_1406] : memref<128x64xf32, #tpu.memory_space<vmem>> -> memref<1x64xf32, #tpu.memory_space<vmem>>
    %dma_start3A_1408 = arith.constant 0 : i32
    %dma_start3A_1409 = tpu.memref_slice %arg4[%squeeze3A_1404, %dma_start3A_1408] : memref<100000x64xf32, #tpu.memory_space<hbm>> -> memref<1x64xf32, #tpu.memory_space<hbm>>
    %dma_start3A_1410 = arith.constant 111 : i32
    %dma_start3A_1411 = arith.constant 0 : i32
    %dma_start3A_1412 = tpu.memref_slice %arg8[%dma_start3A_1410, %dma_start3A_1411] : memref<128x64xf32, #tpu.memory_space<vmem>> -> memref<1x64xf32, #tpu.memory_space<vmem>>
    %dma_start3A_1413 = arith.constant 0 : i32
    %dma_start3A_1414 = tpu.memref_slice %arg4[%squeeze3A_1404, %dma_start3A_1413] : memref<100000x64xf32, #tpu.memory_space<hbm>> -> memref<1x64xf32, #tpu.memory_space<hbm>>
    tpu.enqueue_dma source(%dma_start3A_1414 : memref<1x64xf32, #tpu.memory_space<hbm>>) target(%dma_start3A_1412 : memref<1x64xf32, #tpu.memory_space<vmem>>) target_semaphore(%arg13 : memref<!tpu.dma_semaphore, #tpu.memory_space<semaphore_mem>>)
    %add3A_1415 = arith.constant 113 : i32
    %add3A_1416 = vector.broadcast %add3A_1415 : i32 to vector<16xi32>
    %add3A_1417 = arith.addi %iota3A, %add3A_1416 : vector<16xi32>
    %gather3A_1418 = tpu.vector_load_idx %arg6[%add3A_1417] : memref<144xi32, #tpu.memory_space<vmem>>[vector<16xi32>], vector<16xi32>,
    %slice3A_1419 = vector.extract_strided_slice %gather3A_1418 {offsets = [0], sizes = [1], strides = [1]} : vector<16xi32> to vector<1xi32>
    %squeeze3A_1420 = vector.extract %slice3A_1419[0] : i32 from vector<1xi32>
    %dma_start3A_1421 = arith.constant 112 : i32
    %dma_start3A_1422 = arith.constant 0 : i32
    %dma_start3A_1423 = tpu.memref_slice %arg8[%dma_start3A_1421, %dma_start3A_1422] : memref<128x64xf32, #tpu.memory_space<vmem>> -> memref<1x64xf32, #tpu.memory_space<vmem>>
    %dma_start3A_1424 = arith.constant 0 : i32
    %dma_start3A_1425 = tpu.memref_slice %arg4[%squeeze3A_1420, %dma_start3A_1424] : memref<100000x64xf32, #tpu.memory_space<hbm>> -> memref<1x64xf32, #tpu.memory_space<hbm>>
    %dma_start3A_1426 = arith.constant 112 : i32
    %dma_start3A_1427 = arith.constant 0 : i32
    %dma_start3A_1428 = tpu.memref_slice %arg8[%dma_start3A_1426, %dma_start3A_1427] : memref<128x64xf32, #tpu.memory_space<vmem>> -> memref<1x64xf32, #tpu.memory_space<vmem>>
    %dma_start3A_1429 = arith.constant 0 : i32
    %dma_start3A_1430 = tpu.memref_slice %arg4[%squeeze3A_1420, %dma_start3A_1429] : memref<100000x64xf32, #tpu.memory_space<hbm>> -> memref<1x64xf32, #tpu.memory_space<hbm>>
    tpu.enqueue_dma source(%dma_start3A_1430 : memref<1x64xf32, #tpu.memory_space<hbm>>) target(%dma_start3A_1428 : memref<1x64xf32, #tpu.memory_space<vmem>>) target_semaphore(%arg13 : memref<!tpu.dma_semaphore, #tpu.memory_space<semaphore_mem>>)
    %slice3A_1431 = vector.extract_strided_slice %gather3A_1418 {offsets = [1], sizes = [1], strides = [1]} : vector<16xi32> to vector<1xi32>
    %squeeze3A_1432 = vector.extract %slice3A_1431[0] : i32 from vector<1xi32>
    %dma_start3A_1433 = arith.constant 113 : i32
    %dma_start3A_1434 = arith.constant 0 : i32
    %dma_start3A_1435 = tpu.memref_slice %arg8[%dma_start3A_1433, %dma_start3A_1434] : memref<128x64xf32, #tpu.memory_space<vmem>> -> memref<1x64xf32, #tpu.memory_space<vmem>>
    %dma_start3A_1436 = arith.constant 0 : i32
    %dma_start3A_1437 = tpu.memref_slice %arg4[%squeeze3A_1432, %dma_start3A_1436] : memref<100000x64xf32, #tpu.memory_space<hbm>> -> memref<1x64xf32, #tpu.memory_space<hbm>>
    %dma_start3A_1438 = arith.constant 113 : i32
    %dma_start3A_1439 = arith.constant 0 : i32
    %dma_start3A_1440 = tpu.memref_slice %arg8[%dma_start3A_1438, %dma_start3A_1439] : memref<128x64xf32, #tpu.memory_space<vmem>> -> memref<1x64xf32, #tpu.memory_space<vmem>>
    %dma_start3A_1441 = arith.constant 0 : i32
    %dma_start3A_1442 = tpu.memref_slice %arg4[%squeeze3A_1432, %dma_start3A_1441] : memref<100000x64xf32, #tpu.memory_space<hbm>> -> memref<1x64xf32, #tpu.memory_space<hbm>>
    tpu.enqueue_dma source(%dma_start3A_1442 : memref<1x64xf32, #tpu.memory_space<hbm>>) target(%dma_start3A_1440 : memref<1x64xf32, #tpu.memory_space<vmem>>) target_semaphore(%arg13 : memref<!tpu.dma_semaphore, #tpu.memory_space<semaphore_mem>>)
    %slice3A_1443 = vector.extract_strided_slice %gather3A_1418 {offsets = [2], sizes = [1], strides = [1]} : vector<16xi32> to vector<1xi32>
    %squeeze3A_1444 = vector.extract %slice3A_1443[0] : i32 from vector<1xi32>
    %dma_start3A_1445 = arith.constant 114 : i32
    %dma_start3A_1446 = arith.constant 0 : i32
    %dma_start3A_1447 = tpu.memref_slice %arg8[%dma_start3A_1445, %dma_start3A_1446] : memref<128x64xf32, #tpu.memory_space<vmem>> -> memref<1x64xf32, #tpu.memory_space<vmem>>
    %dma_start3A_1448 = arith.constant 0 : i32
    %dma_start3A_1449 = tpu.memref_slice %arg4[%squeeze3A_1444, %dma_start3A_1448] : memref<100000x64xf32, #tpu.memory_space<hbm>> -> memref<1x64xf32, #tpu.memory_space<hbm>>
    %dma_start3A_1450 = arith.constant 114 : i32
    %dma_start3A_1451 = arith.constant 0 : i32
    %dma_start3A_1452 = tpu.memref_slice %arg8[%dma_start3A_1450, %dma_start3A_1451] : memref<128x64xf32, #tpu.memory_space<vmem>> -> memref<1x64xf32, #tpu.memory_space<vmem>>
    %dma_start3A_1453 = arith.constant 0 : i32
    %dma_start3A_1454 = tpu.memref_slice %arg4[%squeeze3A_1444, %dma_start3A_1453] : memref<100000x64xf32, #tpu.memory_space<hbm>> -> memref<1x64xf32, #tpu.memory_space<hbm>>
    tpu.enqueue_dma source(%dma_start3A_1454 : memref<1x64xf32, #tpu.memory_space<hbm>>) target(%dma_start3A_1452 : memref<1x64xf32, #tpu.memory_space<vmem>>) target_semaphore(%arg13 : memref<!tpu.dma_semaphore, #tpu.memory_space<semaphore_mem>>)
    %slice3A_1455 = vector.extract_strided_slice %gather3A_1418 {offsets = [3], sizes = [1], strides = [1]} : vector<16xi32> to vector<1xi32>
    %squeeze3A_1456 = vector.extract %slice3A_1455[0] : i32 from vector<1xi32>
    %dma_start3A_1457 = arith.constant 115 : i32
    %dma_start3A_1458 = arith.constant 0 : i32
    %dma_start3A_1459 = tpu.memref_slice %arg8[%dma_start3A_1457, %dma_start3A_1458] : memref<128x64xf32, #tpu.memory_space<vmem>> -> memref<1x64xf32, #tpu.memory_space<vmem>>
    %dma_start3A_1460 = arith.constant 0 : i32
    %dma_start3A_1461 = tpu.memref_slice %arg4[%squeeze3A_1456, %dma_start3A_1460] : memref<100000x64xf32, #tpu.memory_space<hbm>> -> memref<1x64xf32, #tpu.memory_space<hbm>>
    %dma_start3A_1462 = arith.constant 115 : i32
    %dma_start3A_1463 = arith.constant 0 : i32
    %dma_start3A_1464 = tpu.memref_slice %arg8[%dma_start3A_1462, %dma_start3A_1463] : memref<128x64xf32, #tpu.memory_space<vmem>> -> memref<1x64xf32, #tpu.memory_space<vmem>>
    %dma_start3A_1465 = arith.constant 0 : i32
    %dma_start3A_1466 = tpu.memref_slice %arg4[%squeeze3A_1456, %dma_start3A_1465] : memref<100000x64xf32, #tpu.memory_space<hbm>> -> memref<1x64xf32, #tpu.memory_space<hbm>>
    tpu.enqueue_dma source(%dma_start3A_1466 : memref<1x64xf32, #tpu.memory_space<hbm>>) target(%dma_start3A_1464 : memref<1x64xf32, #tpu.memory_space<vmem>>) target_semaphore(%arg13 : memref<!tpu.dma_semaphore, #tpu.memory_space<semaphore_mem>>)
    %slice3A_1467 = vector.extract_strided_slice %gather3A_1418 {offsets = [4], sizes = [1], strides = [1]} : vector<16xi32> to vector<1xi32>
    %squeeze3A_1468 = vector.extract %slice3A_1467[0] : i32 from vector<1xi32>
    %dma_start3A_1469 = arith.constant 116 : i32
    %dma_start3A_1470 = arith.constant 0 : i32
    %dma_start3A_1471 = tpu.memref_slice %arg8[%dma_start3A_1469, %dma_start3A_1470] : memref<128x64xf32, #tpu.memory_space<vmem>> -> memref<1x64xf32, #tpu.memory_space<vmem>>
    %dma_start3A_1472 = arith.constant 0 : i32
    %dma_start3A_1473 = tpu.memref_slice %arg4[%squeeze3A_1468, %dma_start3A_1472] : memref<100000x64xf32, #tpu.memory_space<hbm>> -> memref<1x64xf32, #tpu.memory_space<hbm>>
    %dma_start3A_1474 = arith.constant 116 : i32
    %dma_start3A_1475 = arith.constant 0 : i32
    %dma_start3A_1476 = tpu.memref_slice %arg8[%dma_start3A_1474, %dma_start3A_1475] : memref<128x64xf32, #tpu.memory_space<vmem>> -> memref<1x64xf32, #tpu.memory_space<vmem>>
    %dma_start3A_1477 = arith.constant 0 : i32
    %dma_start3A_1478 = tpu.memref_slice %arg4[%squeeze3A_1468, %dma_start3A_1477] : memref<100000x64xf32, #tpu.memory_space<hbm>> -> memref<1x64xf32, #tpu.memory_space<hbm>>
    tpu.enqueue_dma source(%dma_start3A_1478 : memref<1x64xf32, #tpu.memory_space<hbm>>) target(%dma_start3A_1476 : memref<1x64xf32, #tpu.memory_space<vmem>>) target_semaphore(%arg13 : memref<!tpu.dma_semaphore, #tpu.memory_space<semaphore_mem>>)
    %slice3A_1479 = vector.extract_strided_slice %gather3A_1418 {offsets = [5], sizes = [1], strides = [1]} : vector<16xi32> to vector<1xi32>
    %squeeze3A_1480 = vector.extract %slice3A_1479[0] : i32 from vector<1xi32>
    %dma_start3A_1481 = arith.constant 117 : i32
    %dma_start3A_1482 = arith.constant 0 : i32
    %dma_start3A_1483 = tpu.memref_slice %arg8[%dma_start3A_1481, %dma_start3A_1482] : memref<128x64xf32, #tpu.memory_space<vmem>> -> memref<1x64xf32, #tpu.memory_space<vmem>>
    %dma_start3A_1484 = arith.constant 0 : i32
    %dma_start3A_1485 = tpu.memref_slice %arg4[%squeeze3A_1480, %dma_start3A_1484] : memref<100000x64xf32, #tpu.memory_space<hbm>> -> memref<1x64xf32, #tpu.memory_space<hbm>>
    %dma_start3A_1486 = arith.constant 117 : i32
    %dma_start3A_1487 = arith.constant 0 : i32
    %dma_start3A_1488 = tpu.memref_slice %arg8[%dma_start3A_1486, %dma_start3A_1487] : memref<128x64xf32, #tpu.memory_space<vmem>> -> memref<1x64xf32, #tpu.memory_space<vmem>>
    %dma_start3A_1489 = arith.constant 0 : i32
    %dma_start3A_1490 = tpu.memref_slice %arg4[%squeeze3A_1480, %dma_start3A_1489] : memref<100000x64xf32, #tpu.memory_space<hbm>> -> memref<1x64xf32, #tpu.memory_space<hbm>>
    tpu.enqueue_dma source(%dma_start3A_1490 : memref<1x64xf32, #tpu.memory_space<hbm>>) target(%dma_start3A_1488 : memref<1x64xf32, #tpu.memory_space<vmem>>) target_semaphore(%arg13 : memref<!tpu.dma_semaphore, #tpu.memory_space<semaphore_mem>>)
    %slice3A_1491 = vector.extract_strided_slice %gather3A_1418 {offsets = [6], sizes = [1], strides = [1]} : vector<16xi32> to vector<1xi32>
    %squeeze3A_1492 = vector.extract %slice3A_1491[0] : i32 from vector<1xi32>
    %dma_start3A_1493 = arith.constant 118 : i32
    %dma_start3A_1494 = arith.constant 0 : i32
    %dma_start3A_1495 = tpu.memref_slice %arg8[%dma_start3A_1493, %dma_start3A_1494] : memref<128x64xf32, #tpu.memory_space<vmem>> -> memref<1x64xf32, #tpu.memory_space<vmem>>
    %dma_start3A_1496 = arith.constant 0 : i32
    %dma_start3A_1497 = tpu.memref_slice %arg4[%squeeze3A_1492, %dma_start3A_1496] : memref<100000x64xf32, #tpu.memory_space<hbm>> -> memref<1x64xf32, #tpu.memory_space<hbm>>
    %dma_start3A_1498 = arith.constant 118 : i32
    %dma_start3A_1499 = arith.constant 0 : i32
    %dma_start3A_1500 = tpu.memref_slice %arg8[%dma_start3A_1498, %dma_start3A_1499] : memref<128x64xf32, #tpu.memory_space<vmem>> -> memref<1x64xf32, #tpu.memory_space<vmem>>
    %dma_start3A_1501 = arith.constant 0 : i32
    %dma_start3A_1502 = tpu.memref_slice %arg4[%squeeze3A_1492, %dma_start3A_1501] : memref<100000x64xf32, #tpu.memory_space<hbm>> -> memref<1x64xf32, #tpu.memory_space<hbm>>
    tpu.enqueue_dma source(%dma_start3A_1502 : memref<1x64xf32, #tpu.memory_space<hbm>>) target(%dma_start3A_1500 : memref<1x64xf32, #tpu.memory_space<vmem>>) target_semaphore(%arg13 : memref<!tpu.dma_semaphore, #tpu.memory_space<semaphore_mem>>)
    %slice3A_1503 = vector.extract_strided_slice %gather3A_1418 {offsets = [7], sizes = [1], strides = [1]} : vector<16xi32> to vector<1xi32>
    %squeeze3A_1504 = vector.extract %slice3A_1503[0] : i32 from vector<1xi32>
    %dma_start3A_1505 = arith.constant 119 : i32
    %dma_start3A_1506 = arith.constant 0 : i32
    %dma_start3A_1507 = tpu.memref_slice %arg8[%dma_start3A_1505, %dma_start3A_1506] : memref<128x64xf32, #tpu.memory_space<vmem>> -> memref<1x64xf32, #tpu.memory_space<vmem>>
    %dma_start3A_1508 = arith.constant 0 : i32
    %dma_start3A_1509 = tpu.memref_slice %arg4[%squeeze3A_1504, %dma_start3A_1508] : memref<100000x64xf32, #tpu.memory_space<hbm>> -> memref<1x64xf32, #tpu.memory_space<hbm>>
    %dma_start3A_1510 = arith.constant 119 : i32
    %dma_start3A_1511 = arith.constant 0 : i32
    %dma_start3A_1512 = tpu.memref_slice %arg8[%dma_start3A_1510, %dma_start3A_1511] : memref<128x64xf32, #tpu.memory_space<vmem>> -> memref<1x64xf32, #tpu.memory_space<vmem>>
    %dma_start3A_1513 = arith.constant 0 : i32
    %dma_start3A_1514 = tpu.memref_slice %arg4[%squeeze3A_1504, %dma_start3A_1513] : memref<100000x64xf32, #tpu.memory_space<hbm>> -> memref<1x64xf32, #tpu.memory_space<hbm>>
    tpu.enqueue_dma source(%dma_start3A_1514 : memref<1x64xf32, #tpu.memory_space<hbm>>) target(%dma_start3A_1512 : memref<1x64xf32, #tpu.memory_space<vmem>>) target_semaphore(%arg13 : memref<!tpu.dma_semaphore, #tpu.memory_space<semaphore_mem>>)
    %slice3A_1515 = vector.extract_strided_slice %gather3A_1418 {offsets = [8], sizes = [1], strides = [1]} : vector<16xi32> to vector<1xi32>
    %squeeze3A_1516 = vector.extract %slice3A_1515[0] : i32 from vector<1xi32>
    %dma_start3A_1517 = arith.constant 120 : i32
    %dma_start3A_1518 = arith.constant 0 : i32
    %dma_start3A_1519 = tpu.memref_slice %arg8[%dma_start3A_1517, %dma_start3A_1518] : memref<128x64xf32, #tpu.memory_space<vmem>> -> memref<1x64xf32, #tpu.memory_space<vmem>>
    %dma_start3A_1520 = arith.constant 0 : i32
    %dma_start3A_1521 = tpu.memref_slice %arg4[%squeeze3A_1516, %dma_start3A_1520] : memref<100000x64xf32, #tpu.memory_space<hbm>> -> memref<1x64xf32, #tpu.memory_space<hbm>>
    %dma_start3A_1522 = arith.constant 120 : i32
    %dma_start3A_1523 = arith.constant 0 : i32
    %dma_start3A_1524 = tpu.memref_slice %arg8[%dma_start3A_1522, %dma_start3A_1523] : memref<128x64xf32, #tpu.memory_space<vmem>> -> memref<1x64xf32, #tpu.memory_space<vmem>>
    %dma_start3A_1525 = arith.constant 0 : i32
    %dma_start3A_1526 = tpu.memref_slice %arg4[%squeeze3A_1516, %dma_start3A_1525] : memref<100000x64xf32, #tpu.memory_space<hbm>> -> memref<1x64xf32, #tpu.memory_space<hbm>>
    tpu.enqueue_dma source(%dma_start3A_1526 : memref<1x64xf32, #tpu.memory_space<hbm>>) target(%dma_start3A_1524 : memref<1x64xf32, #tpu.memory_space<vmem>>) target_semaphore(%arg13 : memref<!tpu.dma_semaphore, #tpu.memory_space<semaphore_mem>>)
    %slice3A_1527 = vector.extract_strided_slice %gather3A_1418 {offsets = [9], sizes = [1], strides = [1]} : vector<16xi32> to vector<1xi32>
    %squeeze3A_1528 = vector.extract %slice3A_1527[0] : i32 from vector<1xi32>
    %dma_start3A_1529 = arith.constant 121 : i32
    %dma_start3A_1530 = arith.constant 0 : i32
    %dma_start3A_1531 = tpu.memref_slice %arg8[%dma_start3A_1529, %dma_start3A_1530] : memref<128x64xf32, #tpu.memory_space<vmem>> -> memref<1x64xf32, #tpu.memory_space<vmem>>
    %dma_start3A_1532 = arith.constant 0 : i32
    %dma_start3A_1533 = tpu.memref_slice %arg4[%squeeze3A_1528, %dma_start3A_1532] : memref<100000x64xf32, #tpu.memory_space<hbm>> -> memref<1x64xf32, #tpu.memory_space<hbm>>
    %dma_start3A_1534 = arith.constant 121 : i32
    %dma_start3A_1535 = arith.constant 0 : i32
    %dma_start3A_1536 = tpu.memref_slice %arg8[%dma_start3A_1534, %dma_start3A_1535] : memref<128x64xf32, #tpu.memory_space<vmem>> -> memref<1x64xf32, #tpu.memory_space<vmem>>
    %dma_start3A_1537 = arith.constant 0 : i32
    %dma_start3A_1538 = tpu.memref_slice %arg4[%squeeze3A_1528, %dma_start3A_1537] : memref<100000x64xf32, #tpu.memory_space<hbm>> -> memref<1x64xf32, #tpu.memory_space<hbm>>
    tpu.enqueue_dma source(%dma_start3A_1538 : memref<1x64xf32, #tpu.memory_space<hbm>>) target(%dma_start3A_1536 : memref<1x64xf32, #tpu.memory_space<vmem>>) target_semaphore(%arg13 : memref<!tpu.dma_semaphore, #tpu.memory_space<semaphore_mem>>)
    %slice3A_1539 = vector.extract_strided_slice %gather3A_1418 {offsets = [10], sizes = [1], strides = [1]} : vector<16xi32> to vector<1xi32>
    %squeeze3A_1540 = vector.extract %slice3A_1539[0] : i32 from vector<1xi32>
    %dma_start3A_1541 = arith.constant 122 : i32
    %dma_start3A_1542 = arith.constant 0 : i32
    %dma_start3A_1543 = tpu.memref_slice %arg8[%dma_start3A_1541, %dma_start3A_1542] : memref<128x64xf32, #tpu.memory_space<vmem>> -> memref<1x64xf32, #tpu.memory_space<vmem>>
    %dma_start3A_1544 = arith.constant 0 : i32
    %dma_start3A_1545 = tpu.memref_slice %arg4[%squeeze3A_1540, %dma_start3A_1544] : memref<100000x64xf32, #tpu.memory_space<hbm>> -> memref<1x64xf32, #tpu.memory_space<hbm>>
    %dma_start3A_1546 = arith.constant 122 : i32
    %dma_start3A_1547 = arith.constant 0 : i32
    %dma_start3A_1548 = tpu.memref_slice %arg8[%dma_start3A_1546, %dma_start3A_1547] : memref<128x64xf32, #tpu.memory_space<vmem>> -> memref<1x64xf32, #tpu.memory_space<vmem>>
    %dma_start3A_1549 = arith.constant 0 : i32
    %dma_start3A_1550 = tpu.memref_slice %arg4[%squeeze3A_1540, %dma_start3A_1549] : memref<100000x64xf32, #tpu.memory_space<hbm>> -> memref<1x64xf32, #tpu.memory_space<hbm>>
    tpu.enqueue_dma source(%dma_start3A_1550 : memref<1x64xf32, #tpu.memory_space<hbm>>) target(%dma_start3A_1548 : memref<1x64xf32, #tpu.memory_space<vmem>>) target_semaphore(%arg13 : memref<!tpu.dma_semaphore, #tpu.memory_space<semaphore_mem>>)
    %slice3A_1551 = vector.extract_strided_slice %gather3A_1418 {offsets = [11], sizes = [1], strides = [1]} : vector<16xi32> to vector<1xi32>
    %squeeze3A_1552 = vector.extract %slice3A_1551[0] : i32 from vector<1xi32>
    %dma_start3A_1553 = arith.constant 123 : i32
    %dma_start3A_1554 = arith.constant 0 : i32
    %dma_start3A_1555 = tpu.memref_slice %arg8[%dma_start3A_1553, %dma_start3A_1554] : memref<128x64xf32, #tpu.memory_space<vmem>> -> memref<1x64xf32, #tpu.memory_space<vmem>>
    %dma_start3A_1556 = arith.constant 0 : i32
    %dma_start3A_1557 = tpu.memref_slice %arg4[%squeeze3A_1552, %dma_start3A_1556] : memref<100000x64xf32, #tpu.memory_space<hbm>> -> memref<1x64xf32, #tpu.memory_space<hbm>>
    %dma_start3A_1558 = arith.constant 123 : i32
    %dma_start3A_1559 = arith.constant 0 : i32
    %dma_start3A_1560 = tpu.memref_slice %arg8[%dma_start3A_1558, %dma_start3A_1559] : memref<128x64xf32, #tpu.memory_space<vmem>> -> memref<1x64xf32, #tpu.memory_space<vmem>>
    %dma_start3A_1561 = arith.constant 0 : i32
    %dma_start3A_1562 = tpu.memref_slice %arg4[%squeeze3A_1552, %dma_start3A_1561] : memref<100000x64xf32, #tpu.memory_space<hbm>> -> memref<1x64xf32, #tpu.memory_space<hbm>>
    tpu.enqueue_dma source(%dma_start3A_1562 : memref<1x64xf32, #tpu.memory_space<hbm>>) target(%dma_start3A_1560 : memref<1x64xf32, #tpu.memory_space<vmem>>) target_semaphore(%arg13 : memref<!tpu.dma_semaphore, #tpu.memory_space<semaphore_mem>>)
    %slice3A_1563 = vector.extract_strided_slice %gather3A_1418 {offsets = [12], sizes = [1], strides = [1]} : vector<16xi32> to vector<1xi32>
    %squeeze3A_1564 = vector.extract %slice3A_1563[0] : i32 from vector<1xi32>
    %dma_start3A_1565 = arith.constant 124 : i32
    %dma_start3A_1566 = arith.constant 0 : i32
    %dma_start3A_1567 = tpu.memref_slice %arg8[%dma_start3A_1565, %dma_start3A_1566] : memref<128x64xf32, #tpu.memory_space<vmem>> -> memref<1x64xf32, #tpu.memory_space<vmem>>
    %dma_start3A_1568 = arith.constant 0 : i32
    %dma_start3A_1569 = tpu.memref_slice %arg4[%squeeze3A_1564, %dma_start3A_1568] : memref<100000x64xf32, #tpu.memory_space<hbm>> -> memref<1x64xf32, #tpu.memory_space<hbm>>
    %dma_start3A_1570 = arith.constant 124 : i32
    %dma_start3A_1571 = arith.constant 0 : i32
    %dma_start3A_1572 = tpu.memref_slice %arg8[%dma_start3A_1570, %dma_start3A_1571] : memref<128x64xf32, #tpu.memory_space<vmem>> -> memref<1x64xf32, #tpu.memory_space<vmem>>
    %dma_start3A_1573 = arith.constant 0 : i32
    %dma_start3A_1574 = tpu.memref_slice %arg4[%squeeze3A_1564, %dma_start3A_1573] : memref<100000x64xf32, #tpu.memory_space<hbm>> -> memref<1x64xf32, #tpu.memory_space<hbm>>
    tpu.enqueue_dma source(%dma_start3A_1574 : memref<1x64xf32, #tpu.memory_space<hbm>>) target(%dma_start3A_1572 : memref<1x64xf32, #tpu.memory_space<vmem>>) target_semaphore(%arg13 : memref<!tpu.dma_semaphore, #tpu.memory_space<semaphore_mem>>)
    %slice3A_1575 = vector.extract_strided_slice %gather3A_1418 {offsets = [13], sizes = [1], strides = [1]} : vector<16xi32> to vector<1xi32>
    %squeeze3A_1576 = vector.extract %slice3A_1575[0] : i32 from vector<1xi32>
    %dma_start3A_1577 = arith.constant 125 : i32
    %dma_start3A_1578 = arith.constant 0 : i32
    %dma_start3A_1579 = tpu.memref_slice %arg8[%dma_start3A_1577, %dma_start3A_1578] : memref<128x64xf32, #tpu.memory_space<vmem>> -> memref<1x64xf32, #tpu.memory_space<vmem>>
    %dma_start3A_1580 = arith.constant 0 : i32
    %dma_start3A_1581 = tpu.memref_slice %arg4[%squeeze3A_1576, %dma_start3A_1580] : memref<100000x64xf32, #tpu.memory_space<hbm>> -> memref<1x64xf32, #tpu.memory_space<hbm>>
    %dma_start3A_1582 = arith.constant 125 : i32
    %dma_start3A_1583 = arith.constant 0 : i32
    %dma_start3A_1584 = tpu.memref_slice %arg8[%dma_start3A_1582, %dma_start3A_1583] : memref<128x64xf32, #tpu.memory_space<vmem>> -> memref<1x64xf32, #tpu.memory_space<vmem>>
    %dma_start3A_1585 = arith.constant 0 : i32
    %dma_start3A_1586 = tpu.memref_slice %arg4[%squeeze3A_1576, %dma_start3A_1585] : memref<100000x64xf32, #tpu.memory_space<hbm>> -> memref<1x64xf32, #tpu.memory_space<hbm>>
    tpu.enqueue_dma source(%dma_start3A_1586 : memref<1x64xf32, #tpu.memory_space<hbm>>) target(%dma_start3A_1584 : memref<1x64xf32, #tpu.memory_space<vmem>>) target_semaphore(%arg13 : memref<!tpu.dma_semaphore, #tpu.memory_space<semaphore_mem>>)
    %slice3A_1587 = vector.extract_strided_slice %gather3A_1418 {offsets = [14], sizes = [1], strides = [1]} : vector<16xi32> to vector<1xi32>
    %squeeze3A_1588 = vector.extract %slice3A_1587[0] : i32 from vector<1xi32>
    %dma_start3A_1589 = arith.constant 126 : i32
    %dma_start3A_1590 = arith.constant 0 : i32
    %dma_start3A_1591 = tpu.memref_slice %arg8[%dma_start3A_1589, %dma_start3A_1590] : memref<128x64xf32, #tpu.memory_space<vmem>> -> memref<1x64xf32, #tpu.memory_space<vmem>>
    %dma_start3A_1592 = arith.constant 0 : i32
    %dma_start3A_1593 = tpu.memref_slice %arg4[%squeeze3A_1588, %dma_start3A_1592] : memref<100000x64xf32, #tpu.memory_space<hbm>> -> memref<1x64xf32, #tpu.memory_space<hbm>>
    %dma_start3A_1594 = arith.constant 126 : i32
    %dma_start3A_1595 = arith.constant 0 : i32
    %dma_start3A_1596 = tpu.memref_slice %arg8[%dma_start3A_1594, %dma_start3A_1595] : memref<128x64xf32, #tpu.memory_space<vmem>> -> memref<1x64xf32, #tpu.memory_space<vmem>>
    %dma_start3A_1597 = arith.constant 0 : i32
    %dma_start3A_1598 = tpu.memref_slice %arg4[%squeeze3A_1588, %dma_start3A_1597] : memref<100000x64xf32, #tpu.memory_space<hbm>> -> memref<1x64xf32, #tpu.memory_space<hbm>>
    tpu.enqueue_dma source(%dma_start3A_1598 : memref<1x64xf32, #tpu.memory_space<hbm>>) target(%dma_start3A_1596 : memref<1x64xf32, #tpu.memory_space<vmem>>) target_semaphore(%arg13 : memref<!tpu.dma_semaphore, #tpu.memory_space<semaphore_mem>>)
    %slice3A_1599 = vector.extract_strided_slice %gather3A_1418 {offsets = [15], sizes = [1], strides = [1]} : vector<16xi32> to vector<1xi32>
    %squeeze3A_1600 = vector.extract %slice3A_1599[0] : i32 from vector<1xi32>
    %dma_start3A_1601 = arith.constant 127 : i32
    %dma_start3A_1602 = arith.constant 0 : i32
    %dma_start3A_1603 = tpu.memref_slice %arg8[%dma_start3A_1601, %dma_start3A_1602] : memref<128x64xf32, #tpu.memory_space<vmem>> -> memref<1x64xf32, #tpu.memory_space<vmem>>
    %dma_start3A_1604 = arith.constant 0 : i32
    %dma_start3A_1605 = tpu.memref_slice %arg4[%squeeze3A_1600, %dma_start3A_1604] : memref<100000x64xf32, #tpu.memory_space<hbm>> -> memref<1x64xf32, #tpu.memory_space<hbm>>
    %dma_start3A_1606 = arith.constant 127 : i32
    %dma_start3A_1607 = arith.constant 0 : i32
    %dma_start3A_1608 = tpu.memref_slice %arg8[%dma_start3A_1606, %dma_start3A_1607] : memref<128x64xf32, #tpu.memory_space<vmem>> -> memref<1x64xf32, #tpu.memory_space<vmem>>
    %dma_start3A_1609 = arith.constant 0 : i32
    %dma_start3A_1610 = tpu.memref_slice %arg4[%squeeze3A_1600, %dma_start3A_1609] : memref<100000x64xf32, #tpu.memory_space<hbm>> -> memref<1x64xf32, #tpu.memory_space<hbm>>
    tpu.enqueue_dma source(%dma_start3A_1610 : memref<1x64xf32, #tpu.memory_space<hbm>>) target(%dma_start3A_1608 : memref<1x64xf32, #tpu.memory_space<vmem>>) target_semaphore(%arg13 : memref<!tpu.dma_semaphore, #tpu.memory_space<semaphore_mem>>)
    %dma_wait3A_1611 = arith.constant 0 : i32
    %dma_wait3A_1612 = arith.constant 0 : i32
    %dma_wait3A_1613 = tpu.memref_slice %arg3[%dma_wait3A_1611, %dma_wait3A_1612] : memref<100000x64xf32, #tpu.memory_space<hbm>> -> memref<1x64xf32, #tpu.memory_space<hbm>>
    %dma_wait3A_1614 = arith.constant 0 : i32
    %dma_wait3A_1615 = arith.constant 0 : i32
    %dma_wait3A_1616 = tpu.memref_slice %arg3[%dma_wait3A_1614, %dma_wait3A_1615] : memref<100000x64xf32, #tpu.memory_space<hbm>> -> memref<1x64xf32, #tpu.memory_space<hbm>>
    tpu.wait_dma2 semaphore(%arg14 : memref<!tpu.dma_semaphore, #tpu.memory_space<semaphore_mem>>) src(%dma_wait3A_1616 : memref<1x64xf32, #tpu.memory_space<hbm>>) dst(%arg9 : memref<1x64xf32, #tpu.memory_space<vmem>>)
    %get3A_1617 = arith.constant 0 : i32
    %get3A_1618 = arith.index_cast %get3A_1617 : i32 to index
    %get3A_1619 = arith.constant 0 : index
    %get3A_1620 = tpu.vector_load %arg9[%get3A_1618, %get3A_1619] {strides = array<i32>} : memref<1x64xf32, #tpu.memory_space<vmem>>, vector<16xf32>,
    %get3A_1621 = arith.constant 0 : i32
    %get3A_1622 = arith.index_cast %get3A_1621 : i32 to index
    %get3A_1623 = arith.constant 16 : index
    %get3A_1624 = tpu.vector_load %arg9[%get3A_1622, %get3A_1623] {strides = array<i32>} : memref<1x64xf32, #tpu.memory_space<vmem>>, vector<16xf32>,
    %get3A_1625 = arith.constant 0 : i32
    %get3A_1626 = arith.index_cast %get3A_1625 : i32 to index
    %get3A_1627 = arith.constant 32 : index
    %get3A_1628 = tpu.vector_load %arg9[%get3A_1626, %get3A_1627] {strides = array<i32>} : memref<1x64xf32, #tpu.memory_space<vmem>>, vector<16xf32>,
    %get3A_1629 = arith.constant 0 : i32
    %get3A_1630 = arith.index_cast %get3A_1629 : i32 to index
    %get3A_1631 = arith.constant 48 : index
    %get3A_1632 = tpu.vector_load %arg9[%get3A_1630, %get3A_1631] {strides = array<i32>} : memref<1x64xf32, #tpu.memory_space<vmem>>, vector<16xf32>,
    %mul3A_1633 = arith.mulf %get3A_1620, %get3A_1620 : vector<16xf32>
    %mul3A_1634 = arith.mulf %get3A_1624, %get3A_1624 : vector<16xf32>
    %add3A_1635 = arith.addf %mul3A_1633, %mul3A_1634 : vector<16xf32>
    %mul3A_1636 = arith.mulf %get3A_1628, %get3A_1628 : vector<16xf32>
    %add3A_1637 = arith.addf %add3A_1635, %mul3A_1636 : vector<16xf32>
    %mul3A_1638 = arith.mulf %get3A_1632, %get3A_1632 : vector<16xf32>
    %add3A_1639 = arith.addf %add3A_1637, %mul3A_1638 : vector<16xf32>
    %swap3A = arith.constant 0 : index
    %swap3A_1640 = tpu.vector_load %arg10[%swap3A] {strides = array<i32>} : memref<64xf32, #tpu.memory_space<vmem>>, vector<16xf32>,
    tpu.vector_store %arg10[%swap3A], %add3A_1639 {strides = array<i32>} : memref<64xf32, #tpu.memory_space<vmem>>, vector<16xf32>,
    %xor3A = arith.constant 8 : i32
    %xor3A_1641 = vector.broadcast %xor3A : i32 to vector<16xi32>
    %xor3A_1642 = arith.xori %iota3A, %xor3A_1641 : vector<16xi32>
    %gather3A_1643 = tpu.vector_load_idx %arg10[%xor3A_1642] : memref<64xf32, #tpu.memory_space<vmem>>[vector<16xi32>], vector<16xf32>,
    %add3A_1644 = arith.addf %add3A_1639, %gather3A_1643 : vector<16xf32>
    %swap3A_1645 = arith.constant 0 : index
    %swap3A_1646 = tpu.vector_load %arg10[%swap3A_1645] {strides = array<i32>} : memref<64xf32, #tpu.memory_space<vmem>>, vector<16xf32>,
    tpu.vector_store %arg10[%swap3A_1645], %add3A_1644 {strides = array<i32>} : memref<64xf32, #tpu.memory_space<vmem>>, vector<16xf32>,
    %xor3A_1647 = arith.constant 4 : i32
    %xor3A_1648 = vector.broadcast %xor3A_1647 : i32 to vector<16xi32>
    %xor3A_1649 = arith.xori %iota3A, %xor3A_1648 : vector<16xi32>
    %gather3A_1650 = tpu.vector_load_idx %arg10[%xor3A_1649] : memref<64xf32, #tpu.memory_space<vmem>>[vector<16xi32>], vector<16xf32>,
    %add3A_1651 = arith.addf %add3A_1644, %gather3A_1650 : vector<16xf32>
    %swap3A_1652 = arith.constant 0 : index
    %swap3A_1653 = tpu.vector_load %arg10[%swap3A_1652] {strides = array<i32>} : memref<64xf32, #tpu.memory_space<vmem>>, vector<16xf32>,
    tpu.vector_store %arg10[%swap3A_1652], %add3A_1651 {strides = array<i32>} : memref<64xf32, #tpu.memory_space<vmem>>, vector<16xf32>,
    %xor3A_1654 = arith.constant 2 : i32
    %xor3A_1655 = vector.broadcast %xor3A_1654 : i32 to vector<16xi32>
    %xor3A_1656 = arith.xori %iota3A, %xor3A_1655 : vector<16xi32>
    %gather3A_1657 = tpu.vector_load_idx %arg10[%xor3A_1656] : memref<64xf32, #tpu.memory_space<vmem>>[vector<16xi32>], vector<16xf32>,
    %add3A_1658 = arith.addf %add3A_1651, %gather3A_1657 : vector<16xf32>
    %swap3A_1659 = arith.constant 0 : index
    %swap3A_1660 = tpu.vector_load %arg10[%swap3A_1659] {strides = array<i32>} : memref<64xf32, #tpu.memory_space<vmem>>, vector<16xf32>,
    tpu.vector_store %arg10[%swap3A_1659], %add3A_1658 {strides = array<i32>} : memref<64xf32, #tpu.memory_space<vmem>>, vector<16xf32>,
    %xor3A_1661 = arith.constant 1 : i32
    %xor3A_1662 = vector.broadcast %xor3A_1661 : i32 to vector<16xi32>
    %xor3A_1663 = arith.xori %iota3A, %xor3A_1662 : vector<16xi32>
    %gather3A_1664 = tpu.vector_load_idx %arg10[%xor3A_1663] : memref<64xf32, #tpu.memory_space<vmem>>[vector<16xi32>], vector<16xf32>,
    %add3A_1665 = arith.addf %add3A_1658, %gather3A_1664 : vector<16xf32>
    %max3A = arith.constant 9.99999996E-13 : f32
    %max3A_1666 = vector.broadcast %max3A : f32 to vector<16xf32>
    %max3A_1667 = arith.maximumf %add3A_1665, %max3A_1666 : vector<16xf32>
    %bitcast3A = vector.bitcast %max3A_1667 : vector<16xf32> to vector<16xi32>
    %shift_right_arithmetic3A = arith.constant 1 : i32
    %shift_right_arithmetic3A_1668 = vector.broadcast %shift_right_arithmetic3A : i32 to vector<16xi32>
    %shift_right_arithmetic3A_1669 = arith.shrsi %bitcast3A, %shift_right_arithmetic3A_1668 : vector<16xi32>
    %sub3A = arith.constant 1597463007 : i32
    %sub3A_1670 = vector.broadcast %sub3A : i32 to vector<16xi32>
    %sub3A_1671 = arith.subi %sub3A_1670, %shift_right_arithmetic3A_1669 : vector<16xi32>
    %bitcast3A_1672 = vector.bitcast %sub3A_1671 : vector<16xi32> to vector<16xf32>
    %mul3A_1673 = arith.constant 5.000000e-01 : f32
    %mul3A_1674 = vector.broadcast %mul3A_1673 : f32 to vector<16xf32>
    %mul3A_1675 = arith.mulf %mul3A_1674, %max3A_1667 : vector<16xf32>
    %mul3A_1676 = arith.mulf %mul3A_1675, %bitcast3A_1672 : vector<16xf32>
    %mul3A_1677 = arith.mulf %mul3A_1676, %bitcast3A_1672 : vector<16xf32>
    %sub3A_1678 = arith.constant 1.500000e+00 : f32
    %sub3A_1679 = vector.broadcast %sub3A_1678 : f32 to vector<16xf32>
    %sub3A_1680 = arith.subf %sub3A_1679, %mul3A_1677 : vector<16xf32>
    %mul3A_1681 = arith.mulf %bitcast3A_1672, %sub3A_1680 : vector<16xf32>
    %mul3A_1682 = arith.constant 5.000000e-01 : f32
    %mul3A_1683 = vector.broadcast %mul3A_1682 : f32 to vector<16xf32>
    %mul3A_1684 = arith.mulf %mul3A_1683, %max3A_1667 : vector<16xf32>
    %mul3A_1685 = arith.mulf %mul3A_1684, %mul3A_1681 : vector<16xf32>
    %mul3A_1686 = arith.mulf %mul3A_1685, %mul3A_1681 : vector<16xf32>
    %sub3A_1687 = arith.constant 1.500000e+00 : f32
    %sub3A_1688 = vector.broadcast %sub3A_1687 : f32 to vector<16xf32>
    %sub3A_1689 = arith.subf %sub3A_1688, %mul3A_1686 : vector<16xf32>
    %mul3A_1690 = arith.mulf %mul3A_1681, %sub3A_1689 : vector<16xf32>
    %mul3A_1691 = arith.constant 5.000000e-01 : f32
    %mul3A_1692 = vector.broadcast %mul3A_1691 : f32 to vector<16xf32>
    %mul3A_1693 = arith.mulf %mul3A_1692, %max3A_1667 : vector<16xf32>
    %mul3A_1694 = arith.mulf %mul3A_1693, %mul3A_1690 : vector<16xf32>
    %mul3A_1695 = arith.mulf %mul3A_1694, %mul3A_1690 : vector<16xf32>
    %sub3A_1696 = arith.constant 1.500000e+00 : f32
    %sub3A_1697 = vector.broadcast %sub3A_1696 : f32 to vector<16xf32>
    %sub3A_1698 = arith.subf %sub3A_1697, %mul3A_1695 : vector<16xf32>
    %mul3A_1699 = arith.mulf %mul3A_1690, %sub3A_1698 : vector<16xf32>
    %mul3A_1700 = arith.mulf %get3A_1620, %mul3A_1699 : vector<16xf32>
    %swap3A_1701 = arith.constant 0 : index
    %swap3A_1702 = tpu.vector_load %arg10[%swap3A_1701] {strides = array<i32>} : memref<64xf32, #tpu.memory_space<vmem>>, vector<16xf32>,
    tpu.vector_store %arg10[%swap3A_1701], %mul3A_1700 {strides = array<i32>} : memref<64xf32, #tpu.memory_space<vmem>>, vector<16xf32>,
    %mul3A_1703 = arith.mulf %get3A_1624, %mul3A_1699 : vector<16xf32>
    %swap3A_1704 = arith.constant 16 : index
    %swap3A_1705 = tpu.vector_load %arg10[%swap3A_1704] {strides = array<i32>} : memref<64xf32, #tpu.memory_space<vmem>>, vector<16xf32>,
    tpu.vector_store %arg10[%swap3A_1704], %mul3A_1703 {strides = array<i32>} : memref<64xf32, #tpu.memory_space<vmem>>, vector<16xf32>,
    %mul3A_1706 = arith.mulf %get3A_1628, %mul3A_1699 : vector<16xf32>
    %swap3A_1707 = arith.constant 32 : index
    %swap3A_1708 = tpu.vector_load %arg10[%swap3A_1707] {strides = array<i32>} : memref<64xf32, #tpu.memory_space<vmem>>, vector<16xf32>,
    tpu.vector_store %arg10[%swap3A_1707], %mul3A_1706 {strides = array<i32>} : memref<64xf32, #tpu.memory_space<vmem>>, vector<16xf32>,
    %mul3A_1709 = arith.mulf %get3A_1632, %mul3A_1699 : vector<16xf32>
    %swap3A_1710 = arith.constant 48 : index
    %swap3A_1711 = tpu.vector_load %arg10[%swap3A_1710] {strides = array<i32>} : memref<64xf32, #tpu.memory_space<vmem>>, vector<16xf32>,
    tpu.vector_store %arg10[%swap3A_1710], %mul3A_1709 {strides = array<i32>} : memref<64xf32, #tpu.memory_space<vmem>>, vector<16xf32>,
    %broadcast_in_dim3A = arith.constant 0.000000e+00 : f32
    %broadcast_in_dim3A_1712 = vector.broadcast %broadcast_in_dim3A : f32 to vector<16xf32>
    %dma_wait3A_1713 = arith.constant 0 : i32
    %dma_wait3A_1714 = arith.constant 0 : i32
    %dma_wait3A_1715 = tpu.memref_slice %arg8[%dma_wait3A_1713, %dma_wait3A_1714] : memref<128x64xf32, #tpu.memory_space<vmem>> -> memref<64x64xf32, #tpu.memory_space<vmem>>
    %dma_wait3A_1716 = arith.constant 0 : i32
    %dma_wait3A_1717 = arith.constant 0 : i32
    %dma_wait3A_1718 = tpu.memref_slice %arg4[%dma_wait3A_1716, %dma_wait3A_1717] : memref<100000x64xf32, #tpu.memory_space<hbm>> -> memref<64x64xf32, #tpu.memory_space<hbm>>
    %dma_wait3A_1719 = arith.constant 0 : i32
    %dma_wait3A_1720 = arith.constant 0 : i32
    %dma_wait3A_1721 = tpu.memref_slice %arg8[%dma_wait3A_1719, %dma_wait3A_1720] : memref<128x64xf32, #tpu.memory_space<vmem>> -> memref<64x64xf32, #tpu.memory_space<vmem>>
    %dma_wait3A_1722 = arith.constant 0 : i32
    %dma_wait3A_1723 = arith.constant 0 : i32
    %dma_wait3A_1724 = tpu.memref_slice %arg4[%dma_wait3A_1722, %dma_wait3A_1723] : memref<100000x64xf32, #tpu.memory_space<hbm>> -> memref<64x64xf32, #tpu.memory_space<hbm>>
    tpu.wait_dma2 semaphore(%arg12 : memref<!tpu.dma_semaphore, #tpu.memory_space<semaphore_mem>>) src(%dma_wait3A_1724 : memref<64x64xf32, #tpu.memory_space<hbm>>) dst(%dma_wait3A_1721 : memref<64x64xf32, #tpu.memory_space<vmem>>)
    %add3A_1725 = arith.constant 0 : i32
    %add3A_1726 = vector.broadcast %add3A_1725 : i32 to vector<16xi32>
    %add3A_1727 = arith.addi %iota3A, %add3A_1726 : vector<16xi32>
    %add3A_1728 = arith.constant 16 : i32
    %add3A_1729 = vector.broadcast %add3A_1728 : i32 to vector<16xi32>
    %add3A_1730 = arith.addi %iota3A, %add3A_1729 : vector<16xi32>
    %add3A_1731 = arith.constant 32 : i32
    %add3A_1732 = vector.broadcast %add3A_1731 : i32 to vector<16xi32>
    %add3A_1733 = arith.addi %iota3A, %add3A_1732 : vector<16xi32>
    %add3A_1734 = arith.constant 48 : i32
    %add3A_1735 = vector.broadcast %add3A_1734 : i32 to vector<16xi32>
    %add3A_1736 = arith.addi %iota3A, %add3A_1735 : vector<16xi32>
    %broadcast_in_dim3A_1737 = arith.constant 0 : i32
    %broadcast_in_dim3A_1738 = vector.broadcast %broadcast_in_dim3A_1737 : i32 to vector<16xi32>
    %scan3A = arith.constant 0 : i32
    %scan3A_1739 = arith.constant 8 : i32
    %scan3A_1740 = arith.addi %scan3A, %scan3A_1739 : i32
    %scan3A_1741 = arith.constant 1 : i32
    %scan3A_1742:9 = scf.for %scan3A_2104 = %scan3A to %scan3A_1740 step %scan3A_1741 iter_args(%scan3A_2105 = %broadcast_in_dim3A_1712, %scan3A_2106 = %broadcast_in_dim3A_1712, %scan3A_2107 = %broadcast_in_dim3A_1712, %scan3A_2108 = %broadcast_in_dim3A_1712, %scan3A_2109 = %broadcast_in_dim3A_1712, %scan3A_2110 = %broadcast_in_dim3A_1712, %scan3A_2111 = %broadcast_in_dim3A_1712, %scan3A_2112 = %broadcast_in_dim3A_1712, %scan3A_2113 = %broadcast_in_dim3A_1738) -> (vector<16xf32>, vector<16xf32>, vector<16xf32>, vector<16xf32>, vector<16xf32>, vector<16xf32>, vector<16xf32>, vector<16xf32>, vector<16xi32>)  : i32 {
      %add3A_2114 = arith.constant 0 : i32
      %add3A_2115 = vector.broadcast %add3A_2114 : i32 to vector<16xi32>
      %add3A_2116 = arith.addi %scan3A_2113, %add3A_2115 : vector<16xi32>
      %gather3A_2117 = tpu.vector_load_idx %arg10[%add3A_2116] : memref<64xf32, #tpu.memory_space<vmem>>[vector<16xi32>], vector<16xf32>,
      %gather3A_2118 = tpu.vector_load_idx %arg8[%add3A_1727, %add3A_2116] : memref<128x64xf32, #tpu.memory_space<vmem>>[vector<16xi32>, vector<16xi32>], vector<16xf32>,
      %mul3A_2119 = arith.mulf %gather3A_2118, %gather3A_2117 : vector<16xf32>
      %add3A_2120 = arith.addf %scan3A_2105, %mul3A_2119 : vector<16xf32>
      %mul3A_2121 = arith.mulf %gather3A_2118, %gather3A_2118 : vector<16xf32>
      %add3A_2122 = arith.addf %scan3A_2109, %mul3A_2121 : vector<16xf32>
      %gather3A_2123 = tpu.vector_load_idx %arg8[%add3A_1730, %add3A_2116] : memref<128x64xf32, #tpu.memory_space<vmem>>[vector<16xi32>, vector<16xi32>], vector<16xf32>,
      %mul3A_2124 = arith.mulf %gather3A_2123, %gather3A_2117 : vector<16xf32>
      %add3A_2125 = arith.addf %scan3A_2106, %mul3A_2124 : vector<16xf32>
      %mul3A_2126 = arith.mulf %gather3A_2123, %gather3A_2123 : vector<16xf32>
      %add3A_2127 = arith.addf %scan3A_2110, %mul3A_2126 : vector<16xf32>
      %gather3A_2128 = tpu.vector_load_idx %arg8[%add3A_1733, %add3A_2116] : memref<128x64xf32, #tpu.memory_space<vmem>>[vector<16xi32>, vector<16xi32>], vector<16xf32>,
      %mul3A_2129 = arith.mulf %gather3A_2128, %gather3A_2117 : vector<16xf32>
      %add3A_2130 = arith.addf %scan3A_2107, %mul3A_2129 : vector<16xf32>
      %mul3A_2131 = arith.mulf %gather3A_2128, %gather3A_2128 : vector<16xf32>
      %add3A_2132 = arith.addf %scan3A_2111, %mul3A_2131 : vector<16xf32>
      %gather3A_2133 = tpu.vector_load_idx %arg8[%add3A_1736, %add3A_2116] : memref<128x64xf32, #tpu.memory_space<vmem>>[vector<16xi32>, vector<16xi32>], vector<16xf32>,
      %mul3A_2134 = arith.mulf %gather3A_2133, %gather3A_2117 : vector<16xf32>
      %add3A_2135 = arith.addf %scan3A_2108, %mul3A_2134 : vector<16xf32>
      %mul3A_2136 = arith.mulf %gather3A_2133, %gather3A_2133 : vector<16xf32>
      %add3A_2137 = arith.addf %scan3A_2112, %mul3A_2136 : vector<16xf32>
      %add3A_2138 = arith.constant 1 : i32
      %add3A_2139 = vector.broadcast %add3A_2138 : i32 to vector<16xi32>
      %add3A_2140 = arith.addi %scan3A_2113, %add3A_2139 : vector<16xi32>
      %gather3A_2141 = tpu.vector_load_idx %arg10[%add3A_2140] : memref<64xf32, #tpu.memory_space<vmem>>[vector<16xi32>], vector<16xf32>,
      %gather3A_2142 = tpu.vector_load_idx %arg8[%add3A_1727, %add3A_2140] : memref<128x64xf32, #tpu.memory_space<vmem>>[vector<16xi32>, vector<16xi32>], vector<16xf32>,
      %mul3A_2143 = arith.mulf %gather3A_2142, %gather3A_2141 : vector<16xf32>
      %add3A_2144 = arith.addf %add3A_2120, %mul3A_2143 : vector<16xf32>
      %mul3A_2145 = arith.mulf %gather3A_2142, %gather3A_2142 : vector<16xf32>
      %add3A_2146 = arith.addf %add3A_2122, %mul3A_2145 : vector<16xf32>
      %gather3A_2147 = tpu.vector_load_idx %arg8[%add3A_1730, %add3A_2140] : memref<128x64xf32, #tpu.memory_space<vmem>>[vector<16xi32>, vector<16xi32>], vector<16xf32>,
      %mul3A_2148 = arith.mulf %gather3A_2147, %gather3A_2141 : vector<16xf32>
      %add3A_2149 = arith.addf %add3A_2125, %mul3A_2148 : vector<16xf32>
      %mul3A_2150 = arith.mulf %gather3A_2147, %gather3A_2147 : vector<16xf32>
      %add3A_2151 = arith.addf %add3A_2127, %mul3A_2150 : vector<16xf32>
      %gather3A_2152 = tpu.vector_load_idx %arg8[%add3A_1733, %add3A_2140] : memref<128x64xf32, #tpu.memory_space<vmem>>[vector<16xi32>, vector<16xi32>], vector<16xf32>,
      %mul3A_2153 = arith.mulf %gather3A_2152, %gather3A_2141 : vector<16xf32>
      %add3A_2154 = arith.addf %add3A_2130, %mul3A_2153 : vector<16xf32>
      %mul3A_2155 = arith.mulf %gather3A_2152, %gather3A_2152 : vector<16xf32>
      %add3A_2156 = arith.addf %add3A_2132, %mul3A_2155 : vector<16xf32>
      %gather3A_2157 = tpu.vector_load_idx %arg8[%add3A_1736, %add3A_2140] : memref<128x64xf32, #tpu.memory_space<vmem>>[vector<16xi32>, vector<16xi32>], vector<16xf32>,
      %mul3A_2158 = arith.mulf %gather3A_2157, %gather3A_2141 : vector<16xf32>
      %add3A_2159 = arith.addf %add3A_2135, %mul3A_2158 : vector<16xf32>
      %mul3A_2160 = arith.mulf %gather3A_2157, %gather3A_2157 : vector<16xf32>
      %add3A_2161 = arith.addf %add3A_2137, %mul3A_2160 : vector<16xf32>
      %add3A_2162 = arith.constant 2 : i32
      %add3A_2163 = vector.broadcast %add3A_2162 : i32 to vector<16xi32>
      %add3A_2164 = arith.addi %scan3A_2113, %add3A_2163 : vector<16xi32>
      %gather3A_2165 = tpu.vector_load_idx %arg10[%add3A_2164] : memref<64xf32, #tpu.memory_space<vmem>>[vector<16xi32>], vector<16xf32>,
      %gather3A_2166 = tpu.vector_load_idx %arg8[%add3A_1727, %add3A_2164] : memref<128x64xf32, #tpu.memory_space<vmem>>[vector<16xi32>, vector<16xi32>], vector<16xf32>,
      %mul3A_2167 = arith.mulf %gather3A_2166, %gather3A_2165 : vector<16xf32>
      %add3A_2168 = arith.addf %add3A_2144, %mul3A_2167 : vector<16xf32>
      %mul3A_2169 = arith.mulf %gather3A_2166, %gather3A_2166 : vector<16xf32>
      %add3A_2170 = arith.addf %add3A_2146, %mul3A_2169 : vector<16xf32>
      %gather3A_2171 = tpu.vector_load_idx %arg8[%add3A_1730, %add3A_2164] : memref<128x64xf32, #tpu.memory_space<vmem>>[vector<16xi32>, vector<16xi32>], vector<16xf32>,
      %mul3A_2172 = arith.mulf %gather3A_2171, %gather3A_2165 : vector<16xf32>
      %add3A_2173 = arith.addf %add3A_2149, %mul3A_2172 : vector<16xf32>
      %mul3A_2174 = arith.mulf %gather3A_2171, %gather3A_2171 : vector<16xf32>
      %add3A_2175 = arith.addf %add3A_2151, %mul3A_2174 : vector<16xf32>
      %gather3A_2176 = tpu.vector_load_idx %arg8[%add3A_1733, %add3A_2164] : memref<128x64xf32, #tpu.memory_space<vmem>>[vector<16xi32>, vector<16xi32>], vector<16xf32>,
      %mul3A_2177 = arith.mulf %gather3A_2176, %gather3A_2165 : vector<16xf32>
      %add3A_2178 = arith.addf %add3A_2154, %mul3A_2177 : vector<16xf32>
      %mul3A_2179 = arith.mulf %gather3A_2176, %gather3A_2176 : vector<16xf32>
      %add3A_2180 = arith.addf %add3A_2156, %mul3A_2179 : vector<16xf32>
      %gather3A_2181 = tpu.vector_load_idx %arg8[%add3A_1736, %add3A_2164] : memref<128x64xf32, #tpu.memory_space<vmem>>[vector<16xi32>, vector<16xi32>], vector<16xf32>,
      %mul3A_2182 = arith.mulf %gather3A_2181, %gather3A_2165 : vector<16xf32>
      %add3A_2183 = arith.addf %add3A_2159, %mul3A_2182 : vector<16xf32>
      %mul3A_2184 = arith.mulf %gather3A_2181, %gather3A_2181 : vector<16xf32>
      %add3A_2185 = arith.addf %add3A_2161, %mul3A_2184 : vector<16xf32>
      %add3A_2186 = arith.constant 3 : i32
      %add3A_2187 = vector.broadcast %add3A_2186 : i32 to vector<16xi32>
      %add3A_2188 = arith.addi %scan3A_2113, %add3A_2187 : vector<16xi32>
      %gather3A_2189 = tpu.vector_load_idx %arg10[%add3A_2188] : memref<64xf32, #tpu.memory_space<vmem>>[vector<16xi32>], vector<16xf32>,
      %gather3A_2190 = tpu.vector_load_idx %arg8[%add3A_1727, %add3A_2188] : memref<128x64xf32, #tpu.memory_space<vmem>>[vector<16xi32>, vector<16xi32>], vector<16xf32>,
      %mul3A_2191 = arith.mulf %gather3A_2190, %gather3A_2189 : vector<16xf32>
      %add3A_2192 = arith.addf %add3A_2168, %mul3A_2191 : vector<16xf32>
      %mul3A_2193 = arith.mulf %gather3A_2190, %gather3A_2190 : vector<16xf32>
      %add3A_2194 = arith.addf %add3A_2170, %mul3A_2193 : vector<16xf32>
      %gather3A_2195 = tpu.vector_load_idx %arg8[%add3A_1730, %add3A_2188] : memref<128x64xf32, #tpu.memory_space<vmem>>[vector<16xi32>, vector<16xi32>], vector<16xf32>,
      %mul3A_2196 = arith.mulf %gather3A_2195, %gather3A_2189 : vector<16xf32>
      %add3A_2197 = arith.addf %add3A_2173, %mul3A_2196 : vector<16xf32>
      %mul3A_2198 = arith.mulf %gather3A_2195, %gather3A_2195 : vector<16xf32>
      %add3A_2199 = arith.addf %add3A_2175, %mul3A_2198 : vector<16xf32>
      %gather3A_2200 = tpu.vector_load_idx %arg8[%add3A_1733, %add3A_2188] : memref<128x64xf32, #tpu.memory_space<vmem>>[vector<16xi32>, vector<16xi32>], vector<16xf32>,
      %mul3A_2201 = arith.mulf %gather3A_2200, %gather3A_2189 : vector<16xf32>
      %add3A_2202 = arith.addf %add3A_2178, %mul3A_2201 : vector<16xf32>
      %mul3A_2203 = arith.mulf %gather3A_2200, %gather3A_2200 : vector<16xf32>
      %add3A_2204 = arith.addf %add3A_2180, %mul3A_2203 : vector<16xf32>
      %gather3A_2205 = tpu.vector_load_idx %arg8[%add3A_1736, %add3A_2188] : memref<128x64xf32, #tpu.memory_space<vmem>>[vector<16xi32>, vector<16xi32>], vector<16xf32>,
      %mul3A_2206 = arith.mulf %gather3A_2205, %gather3A_2189 : vector<16xf32>
      %add3A_2207 = arith.addf %add3A_2183, %mul3A_2206 : vector<16xf32>
      %mul3A_2208 = arith.mulf %gather3A_2205, %gather3A_2205 : vector<16xf32>
      %add3A_2209 = arith.addf %add3A_2185, %mul3A_2208 : vector<16xf32>
      %add3A_2210 = arith.constant 4 : i32
      %add3A_2211 = vector.broadcast %add3A_2210 : i32 to vector<16xi32>
      %add3A_2212 = arith.addi %scan3A_2113, %add3A_2211 : vector<16xi32>
      %gather3A_2213 = tpu.vector_load_idx %arg10[%add3A_2212] : memref<64xf32, #tpu.memory_space<vmem>>[vector<16xi32>], vector<16xf32>,
      %gather3A_2214 = tpu.vector_load_idx %arg8[%add3A_1727, %add3A_2212] : memref<128x64xf32, #tpu.memory_space<vmem>>[vector<16xi32>, vector<16xi32>], vector<16xf32>,
      %mul3A_2215 = arith.mulf %gather3A_2214, %gather3A_2213 : vector<16xf32>
      %add3A_2216 = arith.addf %add3A_2192, %mul3A_2215 : vector<16xf32>
      %mul3A_2217 = arith.mulf %gather3A_2214, %gather3A_2214 : vector<16xf32>
      %add3A_2218 = arith.addf %add3A_2194, %mul3A_2217 : vector<16xf32>
      %gather3A_2219 = tpu.vector_load_idx %arg8[%add3A_1730, %add3A_2212] : memref<128x64xf32, #tpu.memory_space<vmem>>[vector<16xi32>, vector<16xi32>], vector<16xf32>,
      %mul3A_2220 = arith.mulf %gather3A_2219, %gather3A_2213 : vector<16xf32>
      %add3A_2221 = arith.addf %add3A_2197, %mul3A_2220 : vector<16xf32>
      %mul3A_2222 = arith.mulf %gather3A_2219, %gather3A_2219 : vector<16xf32>
      %add3A_2223 = arith.addf %add3A_2199, %mul3A_2222 : vector<16xf32>
      %gather3A_2224 = tpu.vector_load_idx %arg8[%add3A_1733, %add3A_2212] : memref<128x64xf32, #tpu.memory_space<vmem>>[vector<16xi32>, vector<16xi32>], vector<16xf32>,
      %mul3A_2225 = arith.mulf %gather3A_2224, %gather3A_2213 : vector<16xf32>
      %add3A_2226 = arith.addf %add3A_2202, %mul3A_2225 : vector<16xf32>
      %mul3A_2227 = arith.mulf %gather3A_2224, %gather3A_2224 : vector<16xf32>
      %add3A_2228 = arith.addf %add3A_2204, %mul3A_2227 : vector<16xf32>
      %gather3A_2229 = tpu.vector_load_idx %arg8[%add3A_1736, %add3A_2212] : memref<128x64xf32, #tpu.memory_space<vmem>>[vector<16xi32>, vector<16xi32>], vector<16xf32>,
      %mul3A_2230 = arith.mulf %gather3A_2229, %gather3A_2213 : vector<16xf32>
      %add3A_2231 = arith.addf %add3A_2207, %mul3A_2230 : vector<16xf32>
      %mul3A_2232 = arith.mulf %gather3A_2229, %gather3A_2229 : vector<16xf32>
      %add3A_2233 = arith.addf %add3A_2209, %mul3A_2232 : vector<16xf32>
      %add3A_2234 = arith.constant 5 : i32
      %add3A_2235 = vector.broadcast %add3A_2234 : i32 to vector<16xi32>
      %add3A_2236 = arith.addi %scan3A_2113, %add3A_2235 : vector<16xi32>
      %gather3A_2237 = tpu.vector_load_idx %arg10[%add3A_2236] : memref<64xf32, #tpu.memory_space<vmem>>[vector<16xi32>], vector<16xf32>,
      %gather3A_2238 = tpu.vector_load_idx %arg8[%add3A_1727, %add3A_2236] : memref<128x64xf32, #tpu.memory_space<vmem>>[vector<16xi32>, vector<16xi32>], vector<16xf32>,
      %mul3A_2239 = arith.mulf %gather3A_2238, %gather3A_2237 : vector<16xf32>
      %add3A_2240 = arith.addf %add3A_2216, %mul3A_2239 : vector<16xf32>
      %mul3A_2241 = arith.mulf %gather3A_2238, %gather3A_2238 : vector<16xf32>
      %add3A_2242 = arith.addf %add3A_2218, %mul3A_2241 : vector<16xf32>
      %gather3A_2243 = tpu.vector_load_idx %arg8[%add3A_1730, %add3A_2236] : memref<128x64xf32, #tpu.memory_space<vmem>>[vector<16xi32>, vector<16xi32>], vector<16xf32>,
      %mul3A_2244 = arith.mulf %gather3A_2243, %gather3A_2237 : vector<16xf32>
      %add3A_2245 = arith.addf %add3A_2221, %mul3A_2244 : vector<16xf32>
      %mul3A_2246 = arith.mulf %gather3A_2243, %gather3A_2243 : vector<16xf32>
      %add3A_2247 = arith.addf %add3A_2223, %mul3A_2246 : vector<16xf32>
      %gather3A_2248 = tpu.vector_load_idx %arg8[%add3A_1733, %add3A_2236] : memref<128x64xf32, #tpu.memory_space<vmem>>[vector<16xi32>, vector<16xi32>], vector<16xf32>,
      %mul3A_2249 = arith.mulf %gather3A_2248, %gather3A_2237 : vector<16xf32>
      %add3A_2250 = arith.addf %add3A_2226, %mul3A_2249 : vector<16xf32>
      %mul3A_2251 = arith.mulf %gather3A_2248, %gather3A_2248 : vector<16xf32>
      %add3A_2252 = arith.addf %add3A_2228, %mul3A_2251 : vector<16xf32>
      %gather3A_2253 = tpu.vector_load_idx %arg8[%add3A_1736, %add3A_2236] : memref<128x64xf32, #tpu.memory_space<vmem>>[vector<16xi32>, vector<16xi32>], vector<16xf32>,
      %mul3A_2254 = arith.mulf %gather3A_2253, %gather3A_2237 : vector<16xf32>
      %add3A_2255 = arith.addf %add3A_2231, %mul3A_2254 : vector<16xf32>
      %mul3A_2256 = arith.mulf %gather3A_2253, %gather3A_2253 : vector<16xf32>
      %add3A_2257 = arith.addf %add3A_2233, %mul3A_2256 : vector<16xf32>
      %add3A_2258 = arith.constant 6 : i32
      %add3A_2259 = vector.broadcast %add3A_2258 : i32 to vector<16xi32>
      %add3A_2260 = arith.addi %scan3A_2113, %add3A_2259 : vector<16xi32>
      %gather3A_2261 = tpu.vector_load_idx %arg10[%add3A_2260] : memref<64xf32, #tpu.memory_space<vmem>>[vector<16xi32>], vector<16xf32>,
      %gather3A_2262 = tpu.vector_load_idx %arg8[%add3A_1727, %add3A_2260] : memref<128x64xf32, #tpu.memory_space<vmem>>[vector<16xi32>, vector<16xi32>], vector<16xf32>,
      %mul3A_2263 = arith.mulf %gather3A_2262, %gather3A_2261 : vector<16xf32>
      %add3A_2264 = arith.addf %add3A_2240, %mul3A_2263 : vector<16xf32>
      %mul3A_2265 = arith.mulf %gather3A_2262, %gather3A_2262 : vector<16xf32>
      %add3A_2266 = arith.addf %add3A_2242, %mul3A_2265 : vector<16xf32>
      %gather3A_2267 = tpu.vector_load_idx %arg8[%add3A_1730, %add3A_2260] : memref<128x64xf32, #tpu.memory_space<vmem>>[vector<16xi32>, vector<16xi32>], vector<16xf32>,
      %mul3A_2268 = arith.mulf %gather3A_2267, %gather3A_2261 : vector<16xf32>
      %add3A_2269 = arith.addf %add3A_2245, %mul3A_2268 : vector<16xf32>
      %mul3A_2270 = arith.mulf %gather3A_2267, %gather3A_2267 : vector<16xf32>
      %add3A_2271 = arith.addf %add3A_2247, %mul3A_2270 : vector<16xf32>
      %gather3A_2272 = tpu.vector_load_idx %arg8[%add3A_1733, %add3A_2260] : memref<128x64xf32, #tpu.memory_space<vmem>>[vector<16xi32>, vector<16xi32>], vector<16xf32>,
      %mul3A_2273 = arith.mulf %gather3A_2272, %gather3A_2261 : vector<16xf32>
      %add3A_2274 = arith.addf %add3A_2250, %mul3A_2273 : vector<16xf32>
      %mul3A_2275 = arith.mulf %gather3A_2272, %gather3A_2272 : vector<16xf32>
      %add3A_2276 = arith.addf %add3A_2252, %mul3A_2275 : vector<16xf32>
      %gather3A_2277 = tpu.vector_load_idx %arg8[%add3A_1736, %add3A_2260] : memref<128x64xf32, #tpu.memory_space<vmem>>[vector<16xi32>, vector<16xi32>], vector<16xf32>,
      %mul3A_2278 = arith.mulf %gather3A_2277, %gather3A_2261 : vector<16xf32>
      %add3A_2279 = arith.addf %add3A_2255, %mul3A_2278 : vector<16xf32>
      %mul3A_2280 = arith.mulf %gather3A_2277, %gather3A_2277 : vector<16xf32>
      %add3A_2281 = arith.addf %add3A_2257, %mul3A_2280 : vector<16xf32>
      %add3A_2282 = arith.constant 7 : i32
      %add3A_2283 = vector.broadcast %add3A_2282 : i32 to vector<16xi32>
      %add3A_2284 = arith.addi %scan3A_2113, %add3A_2283 : vector<16xi32>
      %gather3A_2285 = tpu.vector_load_idx %arg10[%add3A_2284] : memref<64xf32, #tpu.memory_space<vmem>>[vector<16xi32>], vector<16xf32>,
      %gather3A_2286 = tpu.vector_load_idx %arg8[%add3A_1727, %add3A_2284] : memref<128x64xf32, #tpu.memory_space<vmem>>[vector<16xi32>, vector<16xi32>], vector<16xf32>,
      %mul3A_2287 = arith.mulf %gather3A_2286, %gather3A_2285 : vector<16xf32>
      %add3A_2288 = arith.addf %add3A_2264, %mul3A_2287 : vector<16xf32>
      %mul3A_2289 = arith.mulf %gather3A_2286, %gather3A_2286 : vector<16xf32>
      %add3A_2290 = arith.addf %add3A_2266, %mul3A_2289 : vector<16xf32>
      %gather3A_2291 = tpu.vector_load_idx %arg8[%add3A_1730, %add3A_2284] : memref<128x64xf32, #tpu.memory_space<vmem>>[vector<16xi32>, vector<16xi32>], vector<16xf32>,
      %mul3A_2292 = arith.mulf %gather3A_2291, %gather3A_2285 : vector<16xf32>
      %add3A_2293 = arith.addf %add3A_2269, %mul3A_2292 : vector<16xf32>
      %mul3A_2294 = arith.mulf %gather3A_2291, %gather3A_2291 : vector<16xf32>
      %add3A_2295 = arith.addf %add3A_2271, %mul3A_2294 : vector<16xf32>
      %gather3A_2296 = tpu.vector_load_idx %arg8[%add3A_1733, %add3A_2284] : memref<128x64xf32, #tpu.memory_space<vmem>>[vector<16xi32>, vector<16xi32>], vector<16xf32>,
      %mul3A_2297 = arith.mulf %gather3A_2296, %gather3A_2285 : vector<16xf32>
      %add3A_2298 = arith.addf %add3A_2274, %mul3A_2297 : vector<16xf32>
      %mul3A_2299 = arith.mulf %gather3A_2296, %gather3A_2296 : vector<16xf32>
      %add3A_2300 = arith.addf %add3A_2276, %mul3A_2299 : vector<16xf32>
      %gather3A_2301 = tpu.vector_load_idx %arg8[%add3A_1736, %add3A_2284] : memref<128x64xf32, #tpu.memory_space<vmem>>[vector<16xi32>, vector<16xi32>], vector<16xf32>,
      %mul3A_2302 = arith.mulf %gather3A_2301, %gather3A_2285 : vector<16xf32>
      %add3A_2303 = arith.addf %add3A_2279, %mul3A_2302 : vector<16xf32>
      %mul3A_2304 = arith.mulf %gather3A_2301, %gather3A_2301 : vector<16xf32>
      %add3A_2305 = arith.addf %add3A_2281, %mul3A_2304 : vector<16xf32>
      %add3A_2306 = arith.constant 8 : i32
      %add3A_2307 = vector.broadcast %add3A_2306 : i32 to vector<16xi32>
      %add3A_2308 = arith.addi %scan3A_2113, %add3A_2307 : vector<16xi32>
      scf.yield %add3A_2288, %add3A_2293, %add3A_2298, %add3A_2303, %add3A_2290, %add3A_2295, %add3A_2300, %add3A_2305, %add3A_2308 : vector<16xf32>, vector<16xf32>, vector<16xf32>, vector<16xf32>, vector<16xf32>, vector<16xf32>, vector<16xf32>, vector<16xf32>, vector<16xi32>
    }
    %scan3A_1743 = arith.constant 8 : i32
    %max3A_1744 = arith.constant 9.99999996E-13 : f32
    %max3A_1745 = vector.broadcast %max3A_1744 : f32 to vector<16xf32>
    %max3A_1746 = arith.maximumf %scan3A_1742#4, %max3A_1745 : vector<16xf32>
    %bitcast3A_1747 = vector.bitcast %max3A_1746 : vector<16xf32> to vector<16xi32>
    %shift_right_arithmetic3A_1748 = arith.constant 1 : i32
    %shift_right_arithmetic3A_1749 = vector.broadcast %shift_right_arithmetic3A_1748 : i32 to vector<16xi32>
    %shift_right_arithmetic3A_1750 = arith.shrsi %bitcast3A_1747, %shift_right_arithmetic3A_1749 : vector<16xi32>
    %sub3A_1751 = arith.constant 1597463007 : i32
    %sub3A_1752 = vector.broadcast %sub3A_1751 : i32 to vector<16xi32>
    %sub3A_1753 = arith.subi %sub3A_1752, %shift_right_arithmetic3A_1750 : vector<16xi32>
    %bitcast3A_1754 = vector.bitcast %sub3A_1753 : vector<16xi32> to vector<16xf32>
    %mul3A_1755 = arith.constant 5.000000e-01 : f32
    %mul3A_1756 = vector.broadcast %mul3A_1755 : f32 to vector<16xf32>
    %mul3A_1757 = arith.mulf %mul3A_1756, %max3A_1746 : vector<16xf32>
    %mul3A_1758 = arith.mulf %mul3A_1757, %bitcast3A_1754 : vector<16xf32>
    %mul3A_1759 = arith.mulf %mul3A_1758, %bitcast3A_1754 : vector<16xf32>
    %sub3A_1760 = arith.constant 1.500000e+00 : f32
    %sub3A_1761 = vector.broadcast %sub3A_1760 : f32 to vector<16xf32>
    %sub3A_1762 = arith.subf %sub3A_1761, %mul3A_1759 : vector<16xf32>
    %mul3A_1763 = arith.mulf %bitcast3A_1754, %sub3A_1762 : vector<16xf32>
    %mul3A_1764 = arith.constant 5.000000e-01 : f32
    %mul3A_1765 = vector.broadcast %mul3A_1764 : f32 to vector<16xf32>
    %mul3A_1766 = arith.mulf %mul3A_1765, %max3A_1746 : vector<16xf32>
    %mul3A_1767 = arith.mulf %mul3A_1766, %mul3A_1763 : vector<16xf32>
    %mul3A_1768 = arith.mulf %mul3A_1767, %mul3A_1763 : vector<16xf32>
    %sub3A_1769 = arith.constant 1.500000e+00 : f32
    %sub3A_1770 = vector.broadcast %sub3A_1769 : f32 to vector<16xf32>
    %sub3A_1771 = arith.subf %sub3A_1770, %mul3A_1768 : vector<16xf32>
    %mul3A_1772 = arith.mulf %mul3A_1763, %sub3A_1771 : vector<16xf32>
    %mul3A_1773 = arith.constant 5.000000e-01 : f32
    %mul3A_1774 = vector.broadcast %mul3A_1773 : f32 to vector<16xf32>
    %mul3A_1775 = arith.mulf %mul3A_1774, %max3A_1746 : vector<16xf32>
    %mul3A_1776 = arith.mulf %mul3A_1775, %mul3A_1772 : vector<16xf32>
    %mul3A_1777 = arith.mulf %mul3A_1776, %mul3A_1772 : vector<16xf32>
    %sub3A_1778 = arith.constant 1.500000e+00 : f32
    %sub3A_1779 = vector.broadcast %sub3A_1778 : f32 to vector<16xf32>
    %sub3A_1780 = arith.subf %sub3A_1779, %mul3A_1777 : vector<16xf32>
    %mul3A_1781 = arith.mulf %mul3A_1772, %sub3A_1780 : vector<16xf32>
    %mul3A_1782 = arith.mulf %scan3A_1742#0, %mul3A_1781 : vector<16xf32>
    %swap3A_1783 = arith.constant 0 : index
    %swap3A_1784 = tpu.vector_load %arg11[%swap3A_1783] {strides = array<i32>} : memref<128xf32, #tpu.memory_space<vmem>>, vector<16xf32>,
    tpu.vector_store %arg11[%swap3A_1783], %mul3A_1782 {strides = array<i32>} : memref<128xf32, #tpu.memory_space<vmem>>, vector<16xf32>,
    %max3A_1785 = arith.constant 9.99999996E-13 : f32
    %max3A_1786 = vector.broadcast %max3A_1785 : f32 to vector<16xf32>
    %max3A_1787 = arith.maximumf %scan3A_1742#5, %max3A_1786 : vector<16xf32>
    %bitcast3A_1788 = vector.bitcast %max3A_1787 : vector<16xf32> to vector<16xi32>
    %shift_right_arithmetic3A_1789 = arith.constant 1 : i32
    %shift_right_arithmetic3A_1790 = vector.broadcast %shift_right_arithmetic3A_1789 : i32 to vector<16xi32>
    %shift_right_arithmetic3A_1791 = arith.shrsi %bitcast3A_1788, %shift_right_arithmetic3A_1790 : vector<16xi32>
    %sub3A_1792 = arith.constant 1597463007 : i32
    %sub3A_1793 = vector.broadcast %sub3A_1792 : i32 to vector<16xi32>
    %sub3A_1794 = arith.subi %sub3A_1793, %shift_right_arithmetic3A_1791 : vector<16xi32>
    %bitcast3A_1795 = vector.bitcast %sub3A_1794 : vector<16xi32> to vector<16xf32>
    %mul3A_1796 = arith.constant 5.000000e-01 : f32
    %mul3A_1797 = vector.broadcast %mul3A_1796 : f32 to vector<16xf32>
    %mul3A_1798 = arith.mulf %mul3A_1797, %max3A_1787 : vector<16xf32>
    %mul3A_1799 = arith.mulf %mul3A_1798, %bitcast3A_1795 : vector<16xf32>
    %mul3A_1800 = arith.mulf %mul3A_1799, %bitcast3A_1795 : vector<16xf32>
    %sub3A_1801 = arith.constant 1.500000e+00 : f32
    %sub3A_1802 = vector.broadcast %sub3A_1801 : f32 to vector<16xf32>
    %sub3A_1803 = arith.subf %sub3A_1802, %mul3A_1800 : vector<16xf32>
    %mul3A_1804 = arith.mulf %bitcast3A_1795, %sub3A_1803 : vector<16xf32>
    %mul3A_1805 = arith.constant 5.000000e-01 : f32
    %mul3A_1806 = vector.broadcast %mul3A_1805 : f32 to vector<16xf32>
    %mul3A_1807 = arith.mulf %mul3A_1806, %max3A_1787 : vector<16xf32>
    %mul3A_1808 = arith.mulf %mul3A_1807, %mul3A_1804 : vector<16xf32>
    %mul3A_1809 = arith.mulf %mul3A_1808, %mul3A_1804 : vector<16xf32>
    %sub3A_1810 = arith.constant 1.500000e+00 : f32
    %sub3A_1811 = vector.broadcast %sub3A_1810 : f32 to vector<16xf32>
    %sub3A_1812 = arith.subf %sub3A_1811, %mul3A_1809 : vector<16xf32>
    %mul3A_1813 = arith.mulf %mul3A_1804, %sub3A_1812 : vector<16xf32>
    %mul3A_1814 = arith.constant 5.000000e-01 : f32
    %mul3A_1815 = vector.broadcast %mul3A_1814 : f32 to vector<16xf32>
    %mul3A_1816 = arith.mulf %mul3A_1815, %max3A_1787 : vector<16xf32>
    %mul3A_1817 = arith.mulf %mul3A_1816, %mul3A_1813 : vector<16xf32>
    %mul3A_1818 = arith.mulf %mul3A_1817, %mul3A_1813 : vector<16xf32>
    %sub3A_1819 = arith.constant 1.500000e+00 : f32
    %sub3A_1820 = vector.broadcast %sub3A_1819 : f32 to vector<16xf32>
    %sub3A_1821 = arith.subf %sub3A_1820, %mul3A_1818 : vector<16xf32>
    %mul3A_1822 = arith.mulf %mul3A_1813, %sub3A_1821 : vector<16xf32>
    %mul3A_1823 = arith.mulf %scan3A_1742#1, %mul3A_1822 : vector<16xf32>
    %swap3A_1824 = arith.constant 16 : index
    %swap3A_1825 = tpu.vector_load %arg11[%swap3A_1824] {strides = array<i32>} : memref<128xf32, #tpu.memory_space<vmem>>, vector<16xf32>,
    tpu.vector_store %arg11[%swap3A_1824], %mul3A_1823 {strides = array<i32>} : memref<128xf32, #tpu.memory_space<vmem>>, vector<16xf32>,
    %max3A_1826 = arith.constant 9.99999996E-13 : f32
    %max3A_1827 = vector.broadcast %max3A_1826 : f32 to vector<16xf32>
    %max3A_1828 = arith.maximumf %scan3A_1742#6, %max3A_1827 : vector<16xf32>
    %bitcast3A_1829 = vector.bitcast %max3A_1828 : vector<16xf32> to vector<16xi32>
    %shift_right_arithmetic3A_1830 = arith.constant 1 : i32
    %shift_right_arithmetic3A_1831 = vector.broadcast %shift_right_arithmetic3A_1830 : i32 to vector<16xi32>
    %shift_right_arithmetic3A_1832 = arith.shrsi %bitcast3A_1829, %shift_right_arithmetic3A_1831 : vector<16xi32>
    %sub3A_1833 = arith.constant 1597463007 : i32
    %sub3A_1834 = vector.broadcast %sub3A_1833 : i32 to vector<16xi32>
    %sub3A_1835 = arith.subi %sub3A_1834, %shift_right_arithmetic3A_1832 : vector<16xi32>
    %bitcast3A_1836 = vector.bitcast %sub3A_1835 : vector<16xi32> to vector<16xf32>
    %mul3A_1837 = arith.constant 5.000000e-01 : f32
    %mul3A_1838 = vector.broadcast %mul3A_1837 : f32 to vector<16xf32>
    %mul3A_1839 = arith.mulf %mul3A_1838, %max3A_1828 : vector<16xf32>
    %mul3A_1840 = arith.mulf %mul3A_1839, %bitcast3A_1836 : vector<16xf32>
    %mul3A_1841 = arith.mulf %mul3A_1840, %bitcast3A_1836 : vector<16xf32>
    %sub3A_1842 = arith.constant 1.500000e+00 : f32
    %sub3A_1843 = vector.broadcast %sub3A_1842 : f32 to vector<16xf32>
    %sub3A_1844 = arith.subf %sub3A_1843, %mul3A_1841 : vector<16xf32>
    %mul3A_1845 = arith.mulf %bitcast3A_1836, %sub3A_1844 : vector<16xf32>
    %mul3A_1846 = arith.constant 5.000000e-01 : f32
    %mul3A_1847 = vector.broadcast %mul3A_1846 : f32 to vector<16xf32>
    %mul3A_1848 = arith.mulf %mul3A_1847, %max3A_1828 : vector<16xf32>
    %mul3A_1849 = arith.mulf %mul3A_1848, %mul3A_1845 : vector<16xf32>
    %mul3A_1850 = arith.mulf %mul3A_1849, %mul3A_1845 : vector<16xf32>
    %sub3A_1851 = arith.constant 1.500000e+00 : f32
    %sub3A_1852 = vector.broadcast %sub3A_1851 : f32 to vector<16xf32>
    %sub3A_1853 = arith.subf %sub3A_1852, %mul3A_1850 : vector<16xf32>
    %mul3A_1854 = arith.mulf %mul3A_1845, %sub3A_1853 : vector<16xf32>
    %mul3A_1855 = arith.constant 5.000000e-01 : f32
    %mul3A_1856 = vector.broadcast %mul3A_1855 : f32 to vector<16xf32>
    %mul3A_1857 = arith.mulf %mul3A_1856, %max3A_1828 : vector<16xf32>
    %mul3A_1858 = arith.mulf %mul3A_1857, %mul3A_1854 : vector<16xf32>
    %mul3A_1859 = arith.mulf %mul3A_1858, %mul3A_1854 : vector<16xf32>
    %sub3A_1860 = arith.constant 1.500000e+00 : f32
    %sub3A_1861 = vector.broadcast %sub3A_1860 : f32 to vector<16xf32>
    %sub3A_1862 = arith.subf %sub3A_1861, %mul3A_1859 : vector<16xf32>
    %mul3A_1863 = arith.mulf %mul3A_1854, %sub3A_1862 : vector<16xf32>
    %mul3A_1864 = arith.mulf %scan3A_1742#2, %mul3A_1863 : vector<16xf32>
    %swap3A_1865 = arith.constant 32 : index
    %swap3A_1866 = tpu.vector_load %arg11[%swap3A_1865] {strides = array<i32>} : memref<128xf32, #tpu.memory_space<vmem>>, vector<16xf32>,
    tpu.vector_store %arg11[%swap3A_1865], %mul3A_1864 {strides = array<i32>} : memref<128xf32, #tpu.memory_space<vmem>>, vector<16xf32>,
    %max3A_1867 = arith.constant 9.99999996E-13 : f32
    %max3A_1868 = vector.broadcast %max3A_1867 : f32 to vector<16xf32>
    %max3A_1869 = arith.maximumf %scan3A_1742#7, %max3A_1868 : vector<16xf32>
    %bitcast3A_1870 = vector.bitcast %max3A_1869 : vector<16xf32> to vector<16xi32>
    %shift_right_arithmetic3A_1871 = arith.constant 1 : i32
    %shift_right_arithmetic3A_1872 = vector.broadcast %shift_right_arithmetic3A_1871 : i32 to vector<16xi32>
    %shift_right_arithmetic3A_1873 = arith.shrsi %bitcast3A_1870, %shift_right_arithmetic3A_1872 : vector<16xi32>
    %sub3A_1874 = arith.constant 1597463007 : i32
    %sub3A_1875 = vector.broadcast %sub3A_1874 : i32 to vector<16xi32>
    %sub3A_1876 = arith.subi %sub3A_1875, %shift_right_arithmetic3A_1873 : vector<16xi32>
    %bitcast3A_1877 = vector.bitcast %sub3A_1876 : vector<16xi32> to vector<16xf32>
    %mul3A_1878 = arith.constant 5.000000e-01 : f32
    %mul3A_1879 = vector.broadcast %mul3A_1878 : f32 to vector<16xf32>
    %mul3A_1880 = arith.mulf %mul3A_1879, %max3A_1869 : vector<16xf32>
    %mul3A_1881 = arith.mulf %mul3A_1880, %bitcast3A_1877 : vector<16xf32>
    %mul3A_1882 = arith.mulf %mul3A_1881, %bitcast3A_1877 : vector<16xf32>
    %sub3A_1883 = arith.constant 1.500000e+00 : f32
    %sub3A_1884 = vector.broadcast %sub3A_1883 : f32 to vector<16xf32>
    %sub3A_1885 = arith.subf %sub3A_1884, %mul3A_1882 : vector<16xf32>
    %mul3A_1886 = arith.mulf %bitcast3A_1877, %sub3A_1885 : vector<16xf32>
    %mul3A_1887 = arith.constant 5.000000e-01 : f32
    %mul3A_1888 = vector.broadcast %mul3A_1887 : f32 to vector<16xf32>
    %mul3A_1889 = arith.mulf %mul3A_1888, %max3A_1869 : vector<16xf32>
    %mul3A_1890 = arith.mulf %mul3A_1889, %mul3A_1886 : vector<16xf32>
    %mul3A_1891 = arith.mulf %mul3A_1890, %mul3A_1886 : vector<16xf32>
    %sub3A_1892 = arith.constant 1.500000e+00 : f32
    %sub3A_1893 = vector.broadcast %sub3A_1892 : f32 to vector<16xf32>
    %sub3A_1894 = arith.subf %sub3A_1893, %mul3A_1891 : vector<16xf32>
    %mul3A_1895 = arith.mulf %mul3A_1886, %sub3A_1894 : vector<16xf32>
    %mul3A_1896 = arith.constant 5.000000e-01 : f32
    %mul3A_1897 = vector.broadcast %mul3A_1896 : f32 to vector<16xf32>
    %mul3A_1898 = arith.mulf %mul3A_1897, %max3A_1869 : vector<16xf32>
    %mul3A_1899 = arith.mulf %mul3A_1898, %mul3A_1895 : vector<16xf32>
    %mul3A_1900 = arith.mulf %mul3A_1899, %mul3A_1895 : vector<16xf32>
    %sub3A_1901 = arith.constant 1.500000e+00 : f32
    %sub3A_1902 = vector.broadcast %sub3A_1901 : f32 to vector<16xf32>
    %sub3A_1903 = arith.subf %sub3A_1902, %mul3A_1900 : vector<16xf32>
    %mul3A_1904 = arith.mulf %mul3A_1895, %sub3A_1903 : vector<16xf32>
    %mul3A_1905 = arith.mulf %scan3A_1742#3, %mul3A_1904 : vector<16xf32>
    %swap3A_1906 = arith.constant 48 : index
    %swap3A_1907 = tpu.vector_load %arg11[%swap3A_1906] {strides = array<i32>} : memref<128xf32, #tpu.memory_space<vmem>>, vector<16xf32>,
    tpu.vector_store %arg11[%swap3A_1906], %mul3A_1905 {strides = array<i32>} : memref<128xf32, #tpu.memory_space<vmem>>, vector<16xf32>,
    %dma_wait3A_1908 = arith.constant 64 : i32
    %dma_wait3A_1909 = arith.constant 0 : i32
    %dma_wait3A_1910 = tpu.memref_slice %arg8[%dma_wait3A_1908, %dma_wait3A_1909] : memref<128x64xf32, #tpu.memory_space<vmem>> -> memref<64x64xf32, #tpu.memory_space<vmem>>
    %dma_wait3A_1911 = arith.constant 0 : i32
    %dma_wait3A_1912 = arith.constant 0 : i32
    %dma_wait3A_1913 = tpu.memref_slice %arg4[%dma_wait3A_1911, %dma_wait3A_1912] : memref<100000x64xf32, #tpu.memory_space<hbm>> -> memref<64x64xf32, #tpu.memory_space<hbm>>
    %dma_wait3A_1914 = arith.constant 64 : i32
    %dma_wait3A_1915 = arith.constant 0 : i32
    %dma_wait3A_1916 = tpu.memref_slice %arg8[%dma_wait3A_1914, %dma_wait3A_1915] : memref<128x64xf32, #tpu.memory_space<vmem>> -> memref<64x64xf32, #tpu.memory_space<vmem>>
    %dma_wait3A_1917 = arith.constant 0 : i32
    %dma_wait3A_1918 = arith.constant 0 : i32
    %dma_wait3A_1919 = tpu.memref_slice %arg4[%dma_wait3A_1917, %dma_wait3A_1918] : memref<100000x64xf32, #tpu.memory_space<hbm>> -> memref<64x64xf32, #tpu.memory_space<hbm>>
    tpu.wait_dma2 semaphore(%arg13 : memref<!tpu.dma_semaphore, #tpu.memory_space<semaphore_mem>>) src(%dma_wait3A_1919 : memref<64x64xf32, #tpu.memory_space<hbm>>) dst(%dma_wait3A_1916 : memref<64x64xf32, #tpu.memory_space<vmem>>)
    %add3A_1920 = arith.constant 64 : i32
    %add3A_1921 = vector.broadcast %add3A_1920 : i32 to vector<16xi32>
    %add3A_1922 = arith.addi %iota3A, %add3A_1921 : vector<16xi32>
    %add3A_1923 = arith.constant 80 : i32
    %add3A_1924 = vector.broadcast %add3A_1923 : i32 to vector<16xi32>
    %add3A_1925 = arith.addi %iota3A, %add3A_1924 : vector<16xi32>
    %add3A_1926 = arith.constant 96 : i32
    %add3A_1927 = vector.broadcast %add3A_1926 : i32 to vector<16xi32>
    %add3A_1928 = arith.addi %iota3A, %add3A_1927 : vector<16xi32>
    %add3A_1929 = arith.constant 112 : i32
    %add3A_1930 = vector.broadcast %add3A_1929 : i32 to vector<16xi32>
    %add3A_1931 = arith.addi %iota3A, %add3A_1930 : vector<16xi32>
    %broadcast_in_dim3A_1932 = arith.constant 0 : i32
    %broadcast_in_dim3A_1933 = vector.broadcast %broadcast_in_dim3A_1932 : i32 to vector<16xi32>
    %scan3A_1934 = arith.constant 0 : i32
    %scan3A_1935 = arith.constant 8 : i32
    %scan3A_1936 = arith.addi %scan3A_1934, %scan3A_1935 : i32
    %scan3A_1937 = arith.constant 1 : i32
    %scan3A_1938:9 = scf.for %scan3A_2104 = %scan3A_1934 to %scan3A_1936 step %scan3A_1937 iter_args(%scan3A_2105 = %broadcast_in_dim3A_1712, %scan3A_2106 = %broadcast_in_dim3A_1712, %scan3A_2107 = %broadcast_in_dim3A_1712, %scan3A_2108 = %broadcast_in_dim3A_1712, %scan3A_2109 = %broadcast_in_dim3A_1712, %scan3A_2110 = %broadcast_in_dim3A_1712, %scan3A_2111 = %broadcast_in_dim3A_1712, %scan3A_2112 = %broadcast_in_dim3A_1712, %scan3A_2113 = %broadcast_in_dim3A_1933) -> (vector<16xf32>, vector<16xf32>, vector<16xf32>, vector<16xf32>, vector<16xf32>, vector<16xf32>, vector<16xf32>, vector<16xf32>, vector<16xi32>)  : i32 {
      %add3A_2114 = arith.constant 0 : i32
      %add3A_2115 = vector.broadcast %add3A_2114 : i32 to vector<16xi32>
      %add3A_2116 = arith.addi %scan3A_2113, %add3A_2115 : vector<16xi32>
      %gather3A_2117 = tpu.vector_load_idx %arg10[%add3A_2116] : memref<64xf32, #tpu.memory_space<vmem>>[vector<16xi32>], vector<16xf32>,
      %gather3A_2118 = tpu.vector_load_idx %arg8[%add3A_1922, %add3A_2116] : memref<128x64xf32, #tpu.memory_space<vmem>>[vector<16xi32>, vector<16xi32>], vector<16xf32>,
      %mul3A_2119 = arith.mulf %gather3A_2118, %gather3A_2117 : vector<16xf32>
      %add3A_2120 = arith.addf %scan3A_2105, %mul3A_2119 : vector<16xf32>
      %mul3A_2121 = arith.mulf %gather3A_2118, %gather3A_2118 : vector<16xf32>
      %add3A_2122 = arith.addf %scan3A_2109, %mul3A_2121 : vector<16xf32>
      %gather3A_2123 = tpu.vector_load_idx %arg8[%add3A_1925, %add3A_2116] : memref<128x64xf32, #tpu.memory_space<vmem>>[vector<16xi32>, vector<16xi32>], vector<16xf32>,
      %mul3A_2124 = arith.mulf %gather3A_2123, %gather3A_2117 : vector<16xf32>
      %add3A_2125 = arith.addf %scan3A_2106, %mul3A_2124 : vector<16xf32>
      %mul3A_2126 = arith.mulf %gather3A_2123, %gather3A_2123 : vector<16xf32>
      %add3A_2127 = arith.addf %scan3A_2110, %mul3A_2126 : vector<16xf32>
      %gather3A_2128 = tpu.vector_load_idx %arg8[%add3A_1928, %add3A_2116] : memref<128x64xf32, #tpu.memory_space<vmem>>[vector<16xi32>, vector<16xi32>], vector<16xf32>,
      %mul3A_2129 = arith.mulf %gather3A_2128, %gather3A_2117 : vector<16xf32>
      %add3A_2130 = arith.addf %scan3A_2107, %mul3A_2129 : vector<16xf32>
      %mul3A_2131 = arith.mulf %gather3A_2128, %gather3A_2128 : vector<16xf32>
      %add3A_2132 = arith.addf %scan3A_2111, %mul3A_2131 : vector<16xf32>
      %gather3A_2133 = tpu.vector_load_idx %arg8[%add3A_1931, %add3A_2116] : memref<128x64xf32, #tpu.memory_space<vmem>>[vector<16xi32>, vector<16xi32>], vector<16xf32>,
      %mul3A_2134 = arith.mulf %gather3A_2133, %gather3A_2117 : vector<16xf32>
      %add3A_2135 = arith.addf %scan3A_2108, %mul3A_2134 : vector<16xf32>
      %mul3A_2136 = arith.mulf %gather3A_2133, %gather3A_2133 : vector<16xf32>
      %add3A_2137 = arith.addf %scan3A_2112, %mul3A_2136 : vector<16xf32>
      %add3A_2138 = arith.constant 1 : i32
      %add3A_2139 = vector.broadcast %add3A_2138 : i32 to vector<16xi32>
      %add3A_2140 = arith.addi %scan3A_2113, %add3A_2139 : vector<16xi32>
      %gather3A_2141 = tpu.vector_load_idx %arg10[%add3A_2140] : memref<64xf32, #tpu.memory_space<vmem>>[vector<16xi32>], vector<16xf32>,
      %gather3A_2142 = tpu.vector_load_idx %arg8[%add3A_1922, %add3A_2140] : memref<128x64xf32, #tpu.memory_space<vmem>>[vector<16xi32>, vector<16xi32>], vector<16xf32>,
      %mul3A_2143 = arith.mulf %gather3A_2142, %gather3A_2141 : vector<16xf32>
      %add3A_2144 = arith.addf %add3A_2120, %mul3A_2143 : vector<16xf32>
      %mul3A_2145 = arith.mulf %gather3A_2142, %gather3A_2142 : vector<16xf32>
      %add3A_2146 = arith.addf %add3A_2122, %mul3A_2145 : vector<16xf32>
      %gather3A_2147 = tpu.vector_load_idx %arg8[%add3A_1925, %add3A_2140] : memref<128x64xf32, #tpu.memory_space<vmem>>[vector<16xi32>, vector<16xi32>], vector<16xf32>,
      %mul3A_2148 = arith.mulf %gather3A_2147, %gather3A_2141 : vector<16xf32>
      %add3A_2149 = arith.addf %add3A_2125, %mul3A_2148 : vector<16xf32>
      %mul3A_2150 = arith.mulf %gather3A_2147, %gather3A_2147 : vector<16xf32>
      %add3A_2151 = arith.addf %add3A_2127, %mul3A_2150 : vector<16xf32>
      %gather3A_2152 = tpu.vector_load_idx %arg8[%add3A_1928, %add3A_2140] : memref<128x64xf32, #tpu.memory_space<vmem>>[vector<16xi32>, vector<16xi32>], vector<16xf32>,
      %mul3A_2153 = arith.mulf %gather3A_2152, %gather3A_2141 : vector<16xf32>
      %add3A_2154 = arith.addf %add3A_2130, %mul3A_2153 : vector<16xf32>
      %mul3A_2155 = arith.mulf %gather3A_2152, %gather3A_2152 : vector<16xf32>
      %add3A_2156 = arith.addf %add3A_2132, %mul3A_2155 : vector<16xf32>
      %gather3A_2157 = tpu.vector_load_idx %arg8[%add3A_1931, %add3A_2140] : memref<128x64xf32, #tpu.memory_space<vmem>>[vector<16xi32>, vector<16xi32>], vector<16xf32>,
      %mul3A_2158 = arith.mulf %gather3A_2157, %gather3A_2141 : vector<16xf32>
      %add3A_2159 = arith.addf %add3A_2135, %mul3A_2158 : vector<16xf32>
      %mul3A_2160 = arith.mulf %gather3A_2157, %gather3A_2157 : vector<16xf32>
      %add3A_2161 = arith.addf %add3A_2137, %mul3A_2160 : vector<16xf32>
      %add3A_2162 = arith.constant 2 : i32
      %add3A_2163 = vector.broadcast %add3A_2162 : i32 to vector<16xi32>
      %add3A_2164 = arith.addi %scan3A_2113, %add3A_2163 : vector<16xi32>
      %gather3A_2165 = tpu.vector_load_idx %arg10[%add3A_2164] : memref<64xf32, #tpu.memory_space<vmem>>[vector<16xi32>], vector<16xf32>,
      %gather3A_2166 = tpu.vector_load_idx %arg8[%add3A_1922, %add3A_2164] : memref<128x64xf32, #tpu.memory_space<vmem>>[vector<16xi32>, vector<16xi32>], vector<16xf32>,
      %mul3A_2167 = arith.mulf %gather3A_2166, %gather3A_2165 : vector<16xf32>
      %add3A_2168 = arith.addf %add3A_2144, %mul3A_2167 : vector<16xf32>
      %mul3A_2169 = arith.mulf %gather3A_2166, %gather3A_2166 : vector<16xf32>
      %add3A_2170 = arith.addf %add3A_2146, %mul3A_2169 : vector<16xf32>
      %gather3A_2171 = tpu.vector_load_idx %arg8[%add3A_1925, %add3A_2164] : memref<128x64xf32, #tpu.memory_space<vmem>>[vector<16xi32>, vector<16xi32>], vector<16xf32>,
      %mul3A_2172 = arith.mulf %gather3A_2171, %gather3A_2165 : vector<16xf32>
      %add3A_2173 = arith.addf %add3A_2149, %mul3A_2172 : vector<16xf32>
      %mul3A_2174 = arith.mulf %gather3A_2171, %gather3A_2171 : vector<16xf32>
      %add3A_2175 = arith.addf %add3A_2151, %mul3A_2174 : vector<16xf32>
      %gather3A_2176 = tpu.vector_load_idx %arg8[%add3A_1928, %add3A_2164] : memref<128x64xf32, #tpu.memory_space<vmem>>[vector<16xi32>, vector<16xi32>], vector<16xf32>,
      %mul3A_2177 = arith.mulf %gather3A_2176, %gather3A_2165 : vector<16xf32>
      %add3A_2178 = arith.addf %add3A_2154, %mul3A_2177 : vector<16xf32>
      %mul3A_2179 = arith.mulf %gather3A_2176, %gather3A_2176 : vector<16xf32>
      %add3A_2180 = arith.addf %add3A_2156, %mul3A_2179 : vector<16xf32>
      %gather3A_2181 = tpu.vector_load_idx %arg8[%add3A_1931, %add3A_2164] : memref<128x64xf32, #tpu.memory_space<vmem>>[vector<16xi32>, vector<16xi32>], vector<16xf32>,
      %mul3A_2182 = arith.mulf %gather3A_2181, %gather3A_2165 : vector<16xf32>
      %add3A_2183 = arith.addf %add3A_2159, %mul3A_2182 : vector<16xf32>
      %mul3A_2184 = arith.mulf %gather3A_2181, %gather3A_2181 : vector<16xf32>
      %add3A_2185 = arith.addf %add3A_2161, %mul3A_2184 : vector<16xf32>
      %add3A_2186 = arith.constant 3 : i32
      %add3A_2187 = vector.broadcast %add3A_2186 : i32 to vector<16xi32>
      %add3A_2188 = arith.addi %scan3A_2113, %add3A_2187 : vector<16xi32>
      %gather3A_2189 = tpu.vector_load_idx %arg10[%add3A_2188] : memref<64xf32, #tpu.memory_space<vmem>>[vector<16xi32>], vector<16xf32>,
      %gather3A_2190 = tpu.vector_load_idx %arg8[%add3A_1922, %add3A_2188] : memref<128x64xf32, #tpu.memory_space<vmem>>[vector<16xi32>, vector<16xi32>], vector<16xf32>,
      %mul3A_2191 = arith.mulf %gather3A_2190, %gather3A_2189 : vector<16xf32>
      %add3A_2192 = arith.addf %add3A_2168, %mul3A_2191 : vector<16xf32>
      %mul3A_2193 = arith.mulf %gather3A_2190, %gather3A_2190 : vector<16xf32>
      %add3A_2194 = arith.addf %add3A_2170, %mul3A_2193 : vector<16xf32>
      %gather3A_2195 = tpu.vector_load_idx %arg8[%add3A_1925, %add3A_2188] : memref<128x64xf32, #tpu.memory_space<vmem>>[vector<16xi32>, vector<16xi32>], vector<16xf32>,
      %mul3A_2196 = arith.mulf %gather3A_2195, %gather3A_2189 : vector<16xf32>
      %add3A_2197 = arith.addf %add3A_2173, %mul3A_2196 : vector<16xf32>
      %mul3A_2198 = arith.mulf %gather3A_2195, %gather3A_2195 : vector<16xf32>
      %add3A_2199 = arith.addf %add3A_2175, %mul3A_2198 : vector<16xf32>
      %gather3A_2200 = tpu.vector_load_idx %arg8[%add3A_1928, %add3A_2188] : memref<128x64xf32, #tpu.memory_space<vmem>>[vector<16xi32>, vector<16xi32>], vector<16xf32>,
      %mul3A_2201 = arith.mulf %gather3A_2200, %gather3A_2189 : vector<16xf32>
      %add3A_2202 = arith.addf %add3A_2178, %mul3A_2201 : vector<16xf32>
      %mul3A_2203 = arith.mulf %gather3A_2200, %gather3A_2200 : vector<16xf32>
      %add3A_2204 = arith.addf %add3A_2180, %mul3A_2203 : vector<16xf32>
      %gather3A_2205 = tpu.vector_load_idx %arg8[%add3A_1931, %add3A_2188] : memref<128x64xf32, #tpu.memory_space<vmem>>[vector<16xi32>, vector<16xi32>], vector<16xf32>,
      %mul3A_2206 = arith.mulf %gather3A_2205, %gather3A_2189 : vector<16xf32>
      %add3A_2207 = arith.addf %add3A_2183, %mul3A_2206 : vector<16xf32>
      %mul3A_2208 = arith.mulf %gather3A_2205, %gather3A_2205 : vector<16xf32>
      %add3A_2209 = arith.addf %add3A_2185, %mul3A_2208 : vector<16xf32>
      %add3A_2210 = arith.constant 4 : i32
      %add3A_2211 = vector.broadcast %add3A_2210 : i32 to vector<16xi32>
      %add3A_2212 = arith.addi %scan3A_2113, %add3A_2211 : vector<16xi32>
      %gather3A_2213 = tpu.vector_load_idx %arg10[%add3A_2212] : memref<64xf32, #tpu.memory_space<vmem>>[vector<16xi32>], vector<16xf32>,
      %gather3A_2214 = tpu.vector_load_idx %arg8[%add3A_1922, %add3A_2212] : memref<128x64xf32, #tpu.memory_space<vmem>>[vector<16xi32>, vector<16xi32>], vector<16xf32>,
      %mul3A_2215 = arith.mulf %gather3A_2214, %gather3A_2213 : vector<16xf32>
      %add3A_2216 = arith.addf %add3A_2192, %mul3A_2215 : vector<16xf32>
      %mul3A_2217 = arith.mulf %gather3A_2214, %gather3A_2214 : vector<16xf32>
      %add3A_2218 = arith.addf %add3A_2194, %mul3A_2217 : vector<16xf32>
      %gather3A_2219 = tpu.vector_load_idx %arg8[%add3A_1925, %add3A_2212] : memref<128x64xf32, #tpu.memory_space<vmem>>[vector<16xi32>, vector<16xi32>], vector<16xf32>,
      %mul3A_2220 = arith.mulf %gather3A_2219, %gather3A_2213 : vector<16xf32>
      %add3A_2221 = arith.addf %add3A_2197, %mul3A_2220 : vector<16xf32>
      %mul3A_2222 = arith.mulf %gather3A_2219, %gather3A_2219 : vector<16xf32>
      %add3A_2223 = arith.addf %add3A_2199, %mul3A_2222 : vector<16xf32>
      %gather3A_2224 = tpu.vector_load_idx %arg8[%add3A_1928, %add3A_2212] : memref<128x64xf32, #tpu.memory_space<vmem>>[vector<16xi32>, vector<16xi32>], vector<16xf32>,
      %mul3A_2225 = arith.mulf %gather3A_2224, %gather3A_2213 : vector<16xf32>
      %add3A_2226 = arith.addf %add3A_2202, %mul3A_2225 : vector<16xf32>
      %mul3A_2227 = arith.mulf %gather3A_2224, %gather3A_2224 : vector<16xf32>
      %add3A_2228 = arith.addf %add3A_2204, %mul3A_2227 : vector<16xf32>
      %gather3A_2229 = tpu.vector_load_idx %arg8[%add3A_1931, %add3A_2212] : memref<128x64xf32, #tpu.memory_space<vmem>>[vector<16xi32>, vector<16xi32>], vector<16xf32>,
      %mul3A_2230 = arith.mulf %gather3A_2229, %gather3A_2213 : vector<16xf32>
      %add3A_2231 = arith.addf %add3A_2207, %mul3A_2230 : vector<16xf32>
      %mul3A_2232 = arith.mulf %gather3A_2229, %gather3A_2229 : vector<16xf32>
      %add3A_2233 = arith.addf %add3A_2209, %mul3A_2232 : vector<16xf32>
      %add3A_2234 = arith.constant 5 : i32
      %add3A_2235 = vector.broadcast %add3A_2234 : i32 to vector<16xi32>
      %add3A_2236 = arith.addi %scan3A_2113, %add3A_2235 : vector<16xi32>
      %gather3A_2237 = tpu.vector_load_idx %arg10[%add3A_2236] : memref<64xf32, #tpu.memory_space<vmem>>[vector<16xi32>], vector<16xf32>,
      %gather3A_2238 = tpu.vector_load_idx %arg8[%add3A_1922, %add3A_2236] : memref<128x64xf32, #tpu.memory_space<vmem>>[vector<16xi32>, vector<16xi32>], vector<16xf32>,
      %mul3A_2239 = arith.mulf %gather3A_2238, %gather3A_2237 : vector<16xf32>
      %add3A_2240 = arith.addf %add3A_2216, %mul3A_2239 : vector<16xf32>
      %mul3A_2241 = arith.mulf %gather3A_2238, %gather3A_2238 : vector<16xf32>
      %add3A_2242 = arith.addf %add3A_2218, %mul3A_2241 : vector<16xf32>
      %gather3A_2243 = tpu.vector_load_idx %arg8[%add3A_1925, %add3A_2236] : memref<128x64xf32, #tpu.memory_space<vmem>>[vector<16xi32>, vector<16xi32>], vector<16xf32>,
      %mul3A_2244 = arith.mulf %gather3A_2243, %gather3A_2237 : vector<16xf32>
      %add3A_2245 = arith.addf %add3A_2221, %mul3A_2244 : vector<16xf32>
      %mul3A_2246 = arith.mulf %gather3A_2243, %gather3A_2243 : vector<16xf32>
      %add3A_2247 = arith.addf %add3A_2223, %mul3A_2246 : vector<16xf32>
      %gather3A_2248 = tpu.vector_load_idx %arg8[%add3A_1928, %add3A_2236] : memref<128x64xf32, #tpu.memory_space<vmem>>[vector<16xi32>, vector<16xi32>], vector<16xf32>,
      %mul3A_2249 = arith.mulf %gather3A_2248, %gather3A_2237 : vector<16xf32>
      %add3A_2250 = arith.addf %add3A_2226, %mul3A_2249 : vector<16xf32>
      %mul3A_2251 = arith.mulf %gather3A_2248, %gather3A_2248 : vector<16xf32>
      %add3A_2252 = arith.addf %add3A_2228, %mul3A_2251 : vector<16xf32>
      %gather3A_2253 = tpu.vector_load_idx %arg8[%add3A_1931, %add3A_2236] : memref<128x64xf32, #tpu.memory_space<vmem>>[vector<16xi32>, vector<16xi32>], vector<16xf32>,
      %mul3A_2254 = arith.mulf %gather3A_2253, %gather3A_2237 : vector<16xf32>
      %add3A_2255 = arith.addf %add3A_2231, %mul3A_2254 : vector<16xf32>
      %mul3A_2256 = arith.mulf %gather3A_2253, %gather3A_2253 : vector<16xf32>
      %add3A_2257 = arith.addf %add3A_2233, %mul3A_2256 : vector<16xf32>
      %add3A_2258 = arith.constant 6 : i32
      %add3A_2259 = vector.broadcast %add3A_2258 : i32 to vector<16xi32>
      %add3A_2260 = arith.addi %scan3A_2113, %add3A_2259 : vector<16xi32>
      %gather3A_2261 = tpu.vector_load_idx %arg10[%add3A_2260] : memref<64xf32, #tpu.memory_space<vmem>>[vector<16xi32>], vector<16xf32>,
      %gather3A_2262 = tpu.vector_load_idx %arg8[%add3A_1922, %add3A_2260] : memref<128x64xf32, #tpu.memory_space<vmem>>[vector<16xi32>, vector<16xi32>], vector<16xf32>,
      %mul3A_2263 = arith.mulf %gather3A_2262, %gather3A_2261 : vector<16xf32>
      %add3A_2264 = arith.addf %add3A_2240, %mul3A_2263 : vector<16xf32>
      %mul3A_2265 = arith.mulf %gather3A_2262, %gather3A_2262 : vector<16xf32>
      %add3A_2266 = arith.addf %add3A_2242, %mul3A_2265 : vector<16xf32>
      %gather3A_2267 = tpu.vector_load_idx %arg8[%add3A_1925, %add3A_2260] : memref<128x64xf32, #tpu.memory_space<vmem>>[vector<16xi32>, vector<16xi32>], vector<16xf32>,
      %mul3A_2268 = arith.mulf %gather3A_2267, %gather3A_2261 : vector<16xf32>
      %add3A_2269 = arith.addf %add3A_2245, %mul3A_2268 : vector<16xf32>
      %mul3A_2270 = arith.mulf %gather3A_2267, %gather3A_2267 : vector<16xf32>
      %add3A_2271 = arith.addf %add3A_2247, %mul3A_2270 : vector<16xf32>
      %gather3A_2272 = tpu.vector_load_idx %arg8[%add3A_1928, %add3A_2260] : memref<128x64xf32, #tpu.memory_space<vmem>>[vector<16xi32>, vector<16xi32>], vector<16xf32>,
      %mul3A_2273 = arith.mulf %gather3A_2272, %gather3A_2261 : vector<16xf32>
      %add3A_2274 = arith.addf %add3A_2250, %mul3A_2273 : vector<16xf32>
      %mul3A_2275 = arith.mulf %gather3A_2272, %gather3A_2272 : vector<16xf32>
      %add3A_2276 = arith.addf %add3A_2252, %mul3A_2275 : vector<16xf32>
      %gather3A_2277 = tpu.vector_load_idx %arg8[%add3A_1931, %add3A_2260] : memref<128x64xf32, #tpu.memory_space<vmem>>[vector<16xi32>, vector<16xi32>], vector<16xf32>,
      %mul3A_2278 = arith.mulf %gather3A_2277, %gather3A_2261 : vector<16xf32>
      %add3A_2279 = arith.addf %add3A_2255, %mul3A_2278 : vector<16xf32>
      %mul3A_2280 = arith.mulf %gather3A_2277, %gather3A_2277 : vector<16xf32>
      %add3A_2281 = arith.addf %add3A_2257, %mul3A_2280 : vector<16xf32>
      %add3A_2282 = arith.constant 7 : i32
      %add3A_2283 = vector.broadcast %add3A_2282 : i32 to vector<16xi32>
      %add3A_2284 = arith.addi %scan3A_2113, %add3A_2283 : vector<16xi32>
      %gather3A_2285 = tpu.vector_load_idx %arg10[%add3A_2284] : memref<64xf32, #tpu.memory_space<vmem>>[vector<16xi32>], vector<16xf32>,
      %gather3A_2286 = tpu.vector_load_idx %arg8[%add3A_1922, %add3A_2284] : memref<128x64xf32, #tpu.memory_space<vmem>>[vector<16xi32>, vector<16xi32>], vector<16xf32>,
      %mul3A_2287 = arith.mulf %gather3A_2286, %gather3A_2285 : vector<16xf32>
      %add3A_2288 = arith.addf %add3A_2264, %mul3A_2287 : vector<16xf32>
      %mul3A_2289 = arith.mulf %gather3A_2286, %gather3A_2286 : vector<16xf32>
      %add3A_2290 = arith.addf %add3A_2266, %mul3A_2289 : vector<16xf32>
      %gather3A_2291 = tpu.vector_load_idx %arg8[%add3A_1925, %add3A_2284] : memref<128x64xf32, #tpu.memory_space<vmem>>[vector<16xi32>, vector<16xi32>], vector<16xf32>,
      %mul3A_2292 = arith.mulf %gather3A_2291, %gather3A_2285 : vector<16xf32>
      %add3A_2293 = arith.addf %add3A_2269, %mul3A_2292 : vector<16xf32>
      %mul3A_2294 = arith.mulf %gather3A_2291, %gather3A_2291 : vector<16xf32>
      %add3A_2295 = arith.addf %add3A_2271, %mul3A_2294 : vector<16xf32>
      %gather3A_2296 = tpu.vector_load_idx %arg8[%add3A_1928, %add3A_2284] : memref<128x64xf32, #tpu.memory_space<vmem>>[vector<16xi32>, vector<16xi32>], vector<16xf32>,
      %mul3A_2297 = arith.mulf %gather3A_2296, %gather3A_2285 : vector<16xf32>
      %add3A_2298 = arith.addf %add3A_2274, %mul3A_2297 : vector<16xf32>
      %mul3A_2299 = arith.mulf %gather3A_2296, %gather3A_2296 : vector<16xf32>
      %add3A_2300 = arith.addf %add3A_2276, %mul3A_2299 : vector<16xf32>
      %gather3A_2301 = tpu.vector_load_idx %arg8[%add3A_1931, %add3A_2284] : memref<128x64xf32, #tpu.memory_space<vmem>>[vector<16xi32>, vector<16xi32>], vector<16xf32>,
      %mul3A_2302 = arith.mulf %gather3A_2301, %gather3A_2285 : vector<16xf32>
      %add3A_2303 = arith.addf %add3A_2279, %mul3A_2302 : vector<16xf32>
      %mul3A_2304 = arith.mulf %gather3A_2301, %gather3A_2301 : vector<16xf32>
      %add3A_2305 = arith.addf %add3A_2281, %mul3A_2304 : vector<16xf32>
      %add3A_2306 = arith.constant 8 : i32
      %add3A_2307 = vector.broadcast %add3A_2306 : i32 to vector<16xi32>
      %add3A_2308 = arith.addi %scan3A_2113, %add3A_2307 : vector<16xi32>
      scf.yield %add3A_2288, %add3A_2293, %add3A_2298, %add3A_2303, %add3A_2290, %add3A_2295, %add3A_2300, %add3A_2305, %add3A_2308 : vector<16xf32>, vector<16xf32>, vector<16xf32>, vector<16xf32>, vector<16xf32>, vector<16xf32>, vector<16xf32>, vector<16xf32>, vector<16xi32>
    }
    %scan3A_1939 = arith.constant 8 : i32
    %max3A_1940 = arith.constant 9.99999996E-13 : f32
    %max3A_1941 = vector.broadcast %max3A_1940 : f32 to vector<16xf32>
    %max3A_1942 = arith.maximumf %scan3A_1938#4, %max3A_1941 : vector<16xf32>
    %bitcast3A_1943 = vector.bitcast %max3A_1942 : vector<16xf32> to vector<16xi32>
    %shift_right_arithmetic3A_1944 = arith.constant 1 : i32
    %shift_right_arithmetic3A_1945 = vector.broadcast %shift_right_arithmetic3A_1944 : i32 to vector<16xi32>
    %shift_right_arithmetic3A_1946 = arith.shrsi %bitcast3A_1943, %shift_right_arithmetic3A_1945 : vector<16xi32>
    %sub3A_1947 = arith.constant 1597463007 : i32
    %sub3A_1948 = vector.broadcast %sub3A_1947 : i32 to vector<16xi32>
    %sub3A_1949 = arith.subi %sub3A_1948, %shift_right_arithmetic3A_1946 : vector<16xi32>
    %bitcast3A_1950 = vector.bitcast %sub3A_1949 : vector<16xi32> to vector<16xf32>
    %mul3A_1951 = arith.constant 5.000000e-01 : f32
    %mul3A_1952 = vector.broadcast %mul3A_1951 : f32 to vector<16xf32>
    %mul3A_1953 = arith.mulf %mul3A_1952, %max3A_1942 : vector<16xf32>
    %mul3A_1954 = arith.mulf %mul3A_1953, %bitcast3A_1950 : vector<16xf32>
    %mul3A_1955 = arith.mulf %mul3A_1954, %bitcast3A_1950 : vector<16xf32>
    %sub3A_1956 = arith.constant 1.500000e+00 : f32
    %sub3A_1957 = vector.broadcast %sub3A_1956 : f32 to vector<16xf32>
    %sub3A_1958 = arith.subf %sub3A_1957, %mul3A_1955 : vector<16xf32>
    %mul3A_1959 = arith.mulf %bitcast3A_1950, %sub3A_1958 : vector<16xf32>
    %mul3A_1960 = arith.constant 5.000000e-01 : f32
    %mul3A_1961 = vector.broadcast %mul3A_1960 : f32 to vector<16xf32>
    %mul3A_1962 = arith.mulf %mul3A_1961, %max3A_1942 : vector<16xf32>
    %mul3A_1963 = arith.mulf %mul3A_1962, %mul3A_1959 : vector<16xf32>
    %mul3A_1964 = arith.mulf %mul3A_1963, %mul3A_1959 : vector<16xf32>
    %sub3A_1965 = arith.constant 1.500000e+00 : f32
    %sub3A_1966 = vector.broadcast %sub3A_1965 : f32 to vector<16xf32>
    %sub3A_1967 = arith.subf %sub3A_1966, %mul3A_1964 : vector<16xf32>
    %mul3A_1968 = arith.mulf %mul3A_1959, %sub3A_1967 : vector<16xf32>
    %mul3A_1969 = arith.constant 5.000000e-01 : f32
    %mul3A_1970 = vector.broadcast %mul3A_1969 : f32 to vector<16xf32>
    %mul3A_1971 = arith.mulf %mul3A_1970, %max3A_1942 : vector<16xf32>
    %mul3A_1972 = arith.mulf %mul3A_1971, %mul3A_1968 : vector<16xf32>
    %mul3A_1973 = arith.mulf %mul3A_1972, %mul3A_1968 : vector<16xf32>
    %sub3A_1974 = arith.constant 1.500000e+00 : f32
    %sub3A_1975 = vector.broadcast %sub3A_1974 : f32 to vector<16xf32>
    %sub3A_1976 = arith.subf %sub3A_1975, %mul3A_1973 : vector<16xf32>
    %mul3A_1977 = arith.mulf %mul3A_1968, %sub3A_1976 : vector<16xf32>
    %mul3A_1978 = arith.mulf %scan3A_1938#0, %mul3A_1977 : vector<16xf32>
    %swap3A_1979 = arith.constant 64 : index
    %swap3A_1980 = tpu.vector_load %arg11[%swap3A_1979] {strides = array<i32>} : memref<128xf32, #tpu.memory_space<vmem>>, vector<16xf32>,
    tpu.vector_store %arg11[%swap3A_1979], %mul3A_1978 {strides = array<i32>} : memref<128xf32, #tpu.memory_space<vmem>>, vector<16xf32>,
    %max3A_1981 = arith.constant 9.99999996E-13 : f32
    %max3A_1982 = vector.broadcast %max3A_1981 : f32 to vector<16xf32>
    %max3A_1983 = arith.maximumf %scan3A_1938#5, %max3A_1982 : vector<16xf32>
    %bitcast3A_1984 = vector.bitcast %max3A_1983 : vector<16xf32> to vector<16xi32>
    %shift_right_arithmetic3A_1985 = arith.constant 1 : i32
    %shift_right_arithmetic3A_1986 = vector.broadcast %shift_right_arithmetic3A_1985 : i32 to vector<16xi32>
    %shift_right_arithmetic3A_1987 = arith.shrsi %bitcast3A_1984, %shift_right_arithmetic3A_1986 : vector<16xi32>
    %sub3A_1988 = arith.constant 1597463007 : i32
    %sub3A_1989 = vector.broadcast %sub3A_1988 : i32 to vector<16xi32>
    %sub3A_1990 = arith.subi %sub3A_1989, %shift_right_arithmetic3A_1987 : vector<16xi32>
    %bitcast3A_1991 = vector.bitcast %sub3A_1990 : vector<16xi32> to vector<16xf32>
    %mul3A_1992 = arith.constant 5.000000e-01 : f32
    %mul3A_1993 = vector.broadcast %mul3A_1992 : f32 to vector<16xf32>
    %mul3A_1994 = arith.mulf %mul3A_1993, %max3A_1983 : vector<16xf32>
    %mul3A_1995 = arith.mulf %mul3A_1994, %bitcast3A_1991 : vector<16xf32>
    %mul3A_1996 = arith.mulf %mul3A_1995, %bitcast3A_1991 : vector<16xf32>
    %sub3A_1997 = arith.constant 1.500000e+00 : f32
    %sub3A_1998 = vector.broadcast %sub3A_1997 : f32 to vector<16xf32>
    %sub3A_1999 = arith.subf %sub3A_1998, %mul3A_1996 : vector<16xf32>
    %mul3A_2000 = arith.mulf %bitcast3A_1991, %sub3A_1999 : vector<16xf32>
    %mul3A_2001 = arith.constant 5.000000e-01 : f32
    %mul3A_2002 = vector.broadcast %mul3A_2001 : f32 to vector<16xf32>
    %mul3A_2003 = arith.mulf %mul3A_2002, %max3A_1983 : vector<16xf32>
    %mul3A_2004 = arith.mulf %mul3A_2003, %mul3A_2000 : vector<16xf32>
    %mul3A_2005 = arith.mulf %mul3A_2004, %mul3A_2000 : vector<16xf32>
    %sub3A_2006 = arith.constant 1.500000e+00 : f32
    %sub3A_2007 = vector.broadcast %sub3A_2006 : f32 to vector<16xf32>
    %sub3A_2008 = arith.subf %sub3A_2007, %mul3A_2005 : vector<16xf32>
    %mul3A_2009 = arith.mulf %mul3A_2000, %sub3A_2008 : vector<16xf32>
    %mul3A_2010 = arith.constant 5.000000e-01 : f32
    %mul3A_2011 = vector.broadcast %mul3A_2010 : f32 to vector<16xf32>
    %mul3A_2012 = arith.mulf %mul3A_2011, %max3A_1983 : vector<16xf32>
    %mul3A_2013 = arith.mulf %mul3A_2012, %mul3A_2009 : vector<16xf32>
    %mul3A_2014 = arith.mulf %mul3A_2013, %mul3A_2009 : vector<16xf32>
    %sub3A_2015 = arith.constant 1.500000e+00 : f32
    %sub3A_2016 = vector.broadcast %sub3A_2015 : f32 to vector<16xf32>
    %sub3A_2017 = arith.subf %sub3A_2016, %mul3A_2014 : vector<16xf32>
    %mul3A_2018 = arith.mulf %mul3A_2009, %sub3A_2017 : vector<16xf32>
    %mul3A_2019 = arith.mulf %scan3A_1938#1, %mul3A_2018 : vector<16xf32>
    %swap3A_2020 = arith.constant 80 : index
    %swap3A_2021 = tpu.vector_load %arg11[%swap3A_2020] {strides = array<i32>} : memref<128xf32, #tpu.memory_space<vmem>>, vector<16xf32>,
    tpu.vector_store %arg11[%swap3A_2020], %mul3A_2019 {strides = array<i32>} : memref<128xf32, #tpu.memory_space<vmem>>, vector<16xf32>,
    %max3A_2022 = arith.constant 9.99999996E-13 : f32
    %max3A_2023 = vector.broadcast %max3A_2022 : f32 to vector<16xf32>
    %max3A_2024 = arith.maximumf %scan3A_1938#6, %max3A_2023 : vector<16xf32>
    %bitcast3A_2025 = vector.bitcast %max3A_2024 : vector<16xf32> to vector<16xi32>
    %shift_right_arithmetic3A_2026 = arith.constant 1 : i32
    %shift_right_arithmetic3A_2027 = vector.broadcast %shift_right_arithmetic3A_2026 : i32 to vector<16xi32>
    %shift_right_arithmetic3A_2028 = arith.shrsi %bitcast3A_2025, %shift_right_arithmetic3A_2027 : vector<16xi32>
    %sub3A_2029 = arith.constant 1597463007 : i32
    %sub3A_2030 = vector.broadcast %sub3A_2029 : i32 to vector<16xi32>
    %sub3A_2031 = arith.subi %sub3A_2030, %shift_right_arithmetic3A_2028 : vector<16xi32>
    %bitcast3A_2032 = vector.bitcast %sub3A_2031 : vector<16xi32> to vector<16xf32>
    %mul3A_2033 = arith.constant 5.000000e-01 : f32
    %mul3A_2034 = vector.broadcast %mul3A_2033 : f32 to vector<16xf32>
    %mul3A_2035 = arith.mulf %mul3A_2034, %max3A_2024 : vector<16xf32>
    %mul3A_2036 = arith.mulf %mul3A_2035, %bitcast3A_2032 : vector<16xf32>
    %mul3A_2037 = arith.mulf %mul3A_2036, %bitcast3A_2032 : vector<16xf32>
    %sub3A_2038 = arith.constant 1.500000e+00 : f32
    %sub3A_2039 = vector.broadcast %sub3A_2038 : f32 to vector<16xf32>
    %sub3A_2040 = arith.subf %sub3A_2039, %mul3A_2037 : vector<16xf32>
    %mul3A_2041 = arith.mulf %bitcast3A_2032, %sub3A_2040 : vector<16xf32>
    %mul3A_2042 = arith.constant 5.000000e-01 : f32
    %mul3A_2043 = vector.broadcast %mul3A_2042 : f32 to vector<16xf32>
    %mul3A_2044 = arith.mulf %mul3A_2043, %max3A_2024 : vector<16xf32>
    %mul3A_2045 = arith.mulf %mul3A_2044, %mul3A_2041 : vector<16xf32>
    %mul3A_2046 = arith.mulf %mul3A_2045, %mul3A_2041 : vector<16xf32>
    %sub3A_2047 = arith.constant 1.500000e+00 : f32
    %sub3A_2048 = vector.broadcast %sub3A_2047 : f32 to vector<16xf32>
    %sub3A_2049 = arith.subf %sub3A_2048, %mul3A_2046 : vector<16xf32>
    %mul3A_2050 = arith.mulf %mul3A_2041, %sub3A_2049 : vector<16xf32>
    %mul3A_2051 = arith.constant 5.000000e-01 : f32
    %mul3A_2052 = vector.broadcast %mul3A_2051 : f32 to vector<16xf32>
    %mul3A_2053 = arith.mulf %mul3A_2052, %max3A_2024 : vector<16xf32>
    %mul3A_2054 = arith.mulf %mul3A_2053, %mul3A_2050 : vector<16xf32>
    %mul3A_2055 = arith.mulf %mul3A_2054, %mul3A_2050 : vector<16xf32>
    %sub3A_2056 = arith.constant 1.500000e+00 : f32
    %sub3A_2057 = vector.broadcast %sub3A_2056 : f32 to vector<16xf32>
    %sub3A_2058 = arith.subf %sub3A_2057, %mul3A_2055 : vector<16xf32>
    %mul3A_2059 = arith.mulf %mul3A_2050, %sub3A_2058 : vector<16xf32>
    %mul3A_2060 = arith.mulf %scan3A_1938#2, %mul3A_2059 : vector<16xf32>
    %swap3A_2061 = arith.constant 96 : index
    %swap3A_2062 = tpu.vector_load %arg11[%swap3A_2061] {strides = array<i32>} : memref<128xf32, #tpu.memory_space<vmem>>, vector<16xf32>,
    tpu.vector_store %arg11[%swap3A_2061], %mul3A_2060 {strides = array<i32>} : memref<128xf32, #tpu.memory_space<vmem>>, vector<16xf32>,
    %max3A_2063 = arith.constant 9.99999996E-13 : f32
    %max3A_2064 = vector.broadcast %max3A_2063 : f32 to vector<16xf32>
    %max3A_2065 = arith.maximumf %scan3A_1938#7, %max3A_2064 : vector<16xf32>
    %bitcast3A_2066 = vector.bitcast %max3A_2065 : vector<16xf32> to vector<16xi32>
    %shift_right_arithmetic3A_2067 = arith.constant 1 : i32
    %shift_right_arithmetic3A_2068 = vector.broadcast %shift_right_arithmetic3A_2067 : i32 to vector<16xi32>
    %shift_right_arithmetic3A_2069 = arith.shrsi %bitcast3A_2066, %shift_right_arithmetic3A_2068 : vector<16xi32>
    %sub3A_2070 = arith.constant 1597463007 : i32
    %sub3A_2071 = vector.broadcast %sub3A_2070 : i32 to vector<16xi32>
    %sub3A_2072 = arith.subi %sub3A_2071, %shift_right_arithmetic3A_2069 : vector<16xi32>
    %bitcast3A_2073 = vector.bitcast %sub3A_2072 : vector<16xi32> to vector<16xf32>
    %mul3A_2074 = arith.constant 5.000000e-01 : f32
    %mul3A_2075 = vector.broadcast %mul3A_2074 : f32 to vector<16xf32>
    %mul3A_2076 = arith.mulf %mul3A_2075, %max3A_2065 : vector<16xf32>
    %mul3A_2077 = arith.mulf %mul3A_2076, %bitcast3A_2073 : vector<16xf32>
    %mul3A_2078 = arith.mulf %mul3A_2077, %bitcast3A_2073 : vector<16xf32>
    %sub3A_2079 = arith.constant 1.500000e+00 : f32
    %sub3A_2080 = vector.broadcast %sub3A_2079 : f32 to vector<16xf32>
    %sub3A_2081 = arith.subf %sub3A_2080, %mul3A_2078 : vector<16xf32>
    %mul3A_2082 = arith.mulf %bitcast3A_2073, %sub3A_2081 : vector<16xf32>
    %mul3A_2083 = arith.constant 5.000000e-01 : f32
    %mul3A_2084 = vector.broadcast %mul3A_2083 : f32 to vector<16xf32>
    %mul3A_2085 = arith.mulf %mul3A_2084, %max3A_2065 : vector<16xf32>
    %mul3A_2086 = arith.mulf %mul3A_2085, %mul3A_2082 : vector<16xf32>
    %mul3A_2087 = arith.mulf %mul3A_2086, %mul3A_2082 : vector<16xf32>
    %sub3A_2088 = arith.constant 1.500000e+00 : f32
    %sub3A_2089 = vector.broadcast %sub3A_2088 : f32 to vector<16xf32>
    %sub3A_2090 = arith.subf %sub3A_2089, %mul3A_2087 : vector<16xf32>
    %mul3A_2091 = arith.mulf %mul3A_2082, %sub3A_2090 : vector<16xf32>
    %mul3A_2092 = arith.constant 5.000000e-01 : f32
    %mul3A_2093 = vector.broadcast %mul3A_2092 : f32 to vector<16xf32>
    %mul3A_2094 = arith.mulf %mul3A_2093, %max3A_2065 : vector<16xf32>
    %mul3A_2095 = arith.mulf %mul3A_2094, %mul3A_2091 : vector<16xf32>
    %mul3A_2096 = arith.mulf %mul3A_2095, %mul3A_2091 : vector<16xf32>
    %sub3A_2097 = arith.constant 1.500000e+00 : f32
    %sub3A_2098 = vector.broadcast %sub3A_2097 : f32 to vector<16xf32>
    %sub3A_2099 = arith.subf %sub3A_2098, %mul3A_2096 : vector<16xf32>
    %mul3A_2100 = arith.mulf %mul3A_2091, %sub3A_2099 : vector<16xf32>
    %mul3A_2101 = arith.mulf %scan3A_1938#3, %mul3A_2100 : vector<16xf32>
    %swap3A_2102 = arith.constant 112 : index
    %swap3A_2103 = tpu.vector_load %arg11[%swap3A_2102] {strides = array<i32>} : memref<128xf32, #tpu.memory_space<vmem>>, vector<16xf32>,
    tpu.vector_store %arg11[%swap3A_2102], %mul3A_2101 {strides = array<i32>} : memref<128xf32, #tpu.memory_space<vmem>>, vector<16xf32>,
    "tpu.region"() ({
      %run_scoped3A = tpu.sem_alloc : memref<!tpu.dma_semaphore, #tpu.memory_space<semaphore_mem>>
      %dma_start3A_2104 = tpu.memref_slice %arg5[%mul3A_2] : memref<4096xf32, #tpu.memory_space<hbm>> -> memref<128xf32, #tpu.memory_space<hbm>>
      %dma_start3A_2105 = tpu.memref_slice %arg5[%mul3A_2] : memref<4096xf32, #tpu.memory_space<hbm>> -> memref<128xf32, #tpu.memory_space<hbm>>
      tpu.enqueue_dma source(%arg11 : memref<128xf32, #tpu.memory_space<vmem>>) target(%dma_start3A_2105 : memref<128xf32, #tpu.memory_space<hbm>>) target_semaphore(%run_scoped3A : memref<!tpu.dma_semaphore, #tpu.memory_space<semaphore_mem>>)
      %dma_wait3A_2106 = tpu.memref_slice %arg5[%mul3A_2] : memref<4096xf32, #tpu.memory_space<hbm>> -> memref<128xf32, #tpu.memory_space<hbm>>
      %dma_wait3A_2107 = tpu.memref_slice %arg5[%mul3A_2] : memref<4096xf32, #tpu.memory_space<hbm>> -> memref<128xf32, #tpu.memory_space<hbm>>
      tpu.wait_dma2 semaphore(%run_scoped3A : memref<!tpu.dma_semaphore, #tpu.memory_space<semaphore_mem>>) src(%arg11 : memref<128xf32, #tpu.memory_space<vmem>>) dst(%dma_wait3A_2107 : memref<128xf32, #tpu.memory_space<hbm>>)
      tpu.yield
    }) : () -> ()
    return
  }
}

</mosaic_0001>

<sc_bundles>
// kernel: kernel.3.cloned.1.call-start
scs
__scs_entry_jumppad:
0x0: {  	(pc) =	sbr.rel $0x88, $3  }
0x1: {  	(tag) =	ssettag $0x0;
	lr =	simm.s32 $0x1  }
0x2: {  	[smem:$0x3F9E] =	sst lr;
	_ =	strace $0xD0000000  }
0x3: {  	_ = 	snop  }
0x4: {  	_ = 	snop  }
0x5: {  	_ = 	snop  }
0x6: {  	_ = 	snop  }
0x7: {  	_ = 	snop  }
__scs_overlays_trampoline_lowered:
0x8: {  	[smem:$0x3FAD] =	sst s0  }
0x9: {  	[smem:$0x3FAE] =	sst s1  }
0xa: {  	[smem:$0x3FAF] =	sst s2  }
0xb: {  	[smem:$0x3FB0] =	sst s3  }
0xc: {  	[smem:$0x3FB1] =	sst s4  }
0xd: {  	[smem:$0x3FB2] =	sst s5  }
0xe: {  	[smem:$0x3FB3] =	sst s6  }
0xf: {  	[smem:$0x3FB4] =	sst s7  }
0x10: {  	[smem:$0x3FB5] =	sst s8  }
0x11: {  	[smem:$0x3FB6] =	sst s9;
	s0 =	simm.s32 @!p0 $0x0  }
0x12: {  	s1 =	sld [smem:$0x3F9C];
	s0 =	simm.s32 @p0 $0x1  }
0x13: {  	[smem:$0x3FB7] =	sst s0;
	s0 =	simm.s32 @!p1 $0x0  }
0x14: {  	s2 =	sld [smem:$0x3F9B];
	s0 =	simm.s32 @p1 $0x1  }
0x15: {  	[smem:$0x3FB8] =	sst s0;
	s0 =	simm.s32 @!p2 $0x0  }
0x16: {  	s3 =	sld [smem:$0x3FDB];
	s0 =	simm.s32 @p2 $0x1  }
0x17: {  	s4 =	simm.s32 $0x1BF5;
	[smem:$0x3FBA] =	sst s0  }
0x18: {  	s0 =	sld [smem:$0x3F9D];
	_ =	swait.ge [sflag:s4], $0x0  }
0x19: {  	s7 =	sld [smem:$0x3F9E]  }
0x1a: {  	s8 =	sadd.s32 $0xFFFFE003, lr  }
0x1b: {  	s9 =	sadd.s32 $0xFFFFFEF7, lr;
	s5 =	simm.s32 $0xFFFFFFFF;
	p2 =	slt.u32 s8, $0xFFFFF086  }
0x1c: {  	p1 =	slt.u32 s9, $0xF7A;
	s5 =	simm.s32 @!p2 $0x0  }
0x1d: {  	s5 =	simm.s32 @p1 $0x1;
	p0 =	seq.s32 s7, s2  }
0x1e: {  	s7 =	smul.u32 @!p0 $0xF7A, s2;
	p2 =	seq.s32 @!p0 s5, $0x0  }
0x1f: {  	s9 =	smul.u32 $0xF7A, s1;
	s8 =	simm.s32 @!p0 $0x1BF5;
	p2 =	por !p2, p0  }
0x20: {  	[sflag:s8] =	ssyncset.s32 @!p0 $0xFFFFF086;
	s6 =	sadd.s32 @!p0 s3, s7;
	s7 =	simm.s32 @!p0 $0x108  }
0x21: {  	s3 =	sadd.s32 s3, s9;
	s6 =	sadd.s32 @!p0 $0x88, s6;
	s7 =	simm.s32 @p2 $0x1082  }
0x22: {  	[simem:s7], [sflag:s8] =	dma.local @!p0 [hbm:s6], $0xF7A  }
0x23: {  	s9 =	sor.u32 $0xD0000000, s2;
	s6 =	simm.s32 $0x108;
	_ =	swait.ge @!p0 [sflag:s8], $0x0  }
0x24: {  	s3 =	sadd.s32 $0x88, s3;
	s6 =	simm.s32 @!p1 $0x1082;
	[sflag:s4] =	ssyncset.s32 $0xFFFFF086  }
0x25: {  	[simem:s6], [sflag:s4] =	dma.local [hbm:s3], $0xF7A  }
0x26: {  	[smem:$0x3F9E] =	sst s1;
	(tag) =	ssettag s2;
	_ =	strace s9  }
0x27: {  	s1 =	sld [smem:$0x3FAE]  }
0x28: {  	s2 =	sld [smem:$0x3FAF]  }
0x29: {  	s4 =	sld [smem:$0x3FB1]  }
0x2a: {  	p0 =	seq.s32 s5, $0x0;
	s5 =	sld [smem:$0x3FB2]  }
0x2b: {  	s6 =	sld [smem:$0x3FB3]  }
0x2c: {  	s7 =	sld [smem:$0x3FB4]  }
0x2d: {  	s3 =	simm.s32 $0x108;
	s8 =	sld [smem:$0x3FB5]  }
0x2e: {  	s3 =	simm.s32 @!p0 $0x1082;
	s9 =	sld [smem:$0x3FB6]  }
0x2f: {  	lr =	sadd.s32 s0, s3;
	s0 =	sld [smem:$0x3FAD]  }
0x30: {  	s3 =	sld [smem:$0x3FB0]  }
0x31: {  	[smem:$0x3FB9] =	sst s10  }
0x32: {  	s10 =	sld [smem:$0x3FB7];
	_ =	sdelay $0x3  }
0x33: {  	p0 =	seq.s32 s10, $0x1;
	s10 =	sld [smem:$0x3FB9];
	_ =	sdelay $0x3  }
0x34: {  	[smem:$0x3FB9] =	sst s10  }
0x35: {  	s10 =	sld [smem:$0x3FB8];
	_ =	sdelay $0x3  }
0x36: {  	p1 =	seq.s32 s10, $0x1;
	s10 =	sld [smem:$0x3FB9];
	_ =	sdelay $0x3  }
0x37: {  	[smem:$0x3FB9] =	sst s10  }
0x38: {  	s10 =	sld [smem:$0x3FBA]  }
0x39: {  	_ = 	snop;
	(pc) =	sbr.ind lr, $3  }
0x3a: {  	_ = 	snop  }
0x3b: {  	_ = 	snop  }
0x3c: {  	p2 =	seq.s32 s10, $0x1;
	s10 =	sld [smem:$0x3FB9]  }
0x3d: {  	_ =	shalt  }
0x3e: {  	_ =	shalt  }
0x3f: {  	_ =	shalt  }
0x40: {  	_ =	shalt  }
0x41: {  	_ =	shalt  }
0x42: {  	_ =	shalt  }
0x43: {  	_ =	shalt  }
0x44: {  	_ =	shalt  }
0x45: {  	_ =	shalt  }
0x46: {  	_ =	shalt  }
0x47: {  	_ =	shalt  }
0x48: {  	_ =	shalt  }
0x49: {  	_ =	shalt  }
0x4a: {  	_ =	shalt  }
0x4b: {  	_ =	shalt  }
0x4c: {  	_ =	shalt  }
0x4d: {  	_ =	shalt  }
0x4e: {  	_ =	shalt  }
0x4f: {  	_ =	shalt  }
0x50: {  	_ =	shalt  }
0x51: {  	_ =	shalt  }
0x52: {  	_ =	shalt  }
0x53: {  	_ =	shalt  }
0x54: {  	_ =	shalt  }
0x55: {  	_ =	shalt  }
0x56: {  	_ =	shalt  }
0x57: {  	_ =	shalt  }
0x58: {  	_ =	shalt  }
0x59: {  	_ =	shalt  }
0x5a: {  	_ =	shalt  }
0x5b: {  	_ =	shalt  }
0x5c: {  	_ =	shalt  }
0x5d: {  	_ =	shalt  }
0x5e: {  	_ =	shalt  }
0x5f: {  	_ =	shalt  }
0x60: {  	_ =	shalt  }
0x61: {  	_ =	shalt  }
0x62: {  	_ =	shalt  }
0x63: {  	_ =	shalt  }
0x64: {  	_ =	shalt  }
0x65: {  	_ =	shalt  }
0x66: {  	_ =	shalt  }
0x67: {  	_ =	shalt  }
0x68: {  	_ =	shalt  }
0x69: {  	_ =	shalt  }
0x6a: {  	_ =	shalt  }
0x6b: {  	_ =	shalt  }
0x6c: {  	_ =	shalt  }
0x6d: {  	_ =	shalt  }
0x6e: {  	_ =	shalt  }
0x6f: {  	_ =	shalt  }
0x70: {  	_ =	shalt  }
0x71: {  	_ =	shalt  }
0x72: {  	_ =	shalt  }
0x73: {  	_ =	shalt  }
0x74: {  	_ =	shalt  }
0x75: {  	_ =	shalt  }
0x76: {  	_ =	shalt  }
0x77: {  	_ =	shalt  }
0x78: {  	_ =	shalt  }
0x79: {  	_ =	shalt  }
0x7a: {  	_ =	shalt  }
0x7b: {  	_ =	shalt  }
0x7c: {  	_ =	shalt  }
0x7d: {  	_ =	shalt  }
0x7e: {  	_ =	shalt  }
0x7f: {  	_ =	shalt  }
0x80: {  	_ =	shalt  }
0x81: {  	_ =	shalt  }
0x82: {  	_ =	shalt  }
0x83: {  	_ =	shalt  }
0x84: {  	_ =	shalt  }
0x85: {  	_ =	shalt  }
0x86: {  	_ =	shalt  }
0x87: {  	_ =	shalt  }
.Lfunc_end0:
.L_simem_size_0:
called_computation_lowered:
.L_overlay_start_0:
0x88: {  	s2 =	sld [smem:$0x3FD9]  }
0x89: {  	s3 =	sld [smem:$0x3FFE];
	_ =	sdelay $0x1  }
0x8a: {  	s1 =	srdreg.scid  }
0x8b: {  	s0 =	sand.u32 $0x1, s1  }
0x8c: {  	s17 =	sshll.u32 s0, $0xA;
	s2 =	sadd.s32 s3, s2  }
0x8d: {  	s2 =	sadd.s32 s2, s17  }
0x8e: {  	[smem:$0x3FC5] =	sst s2  }
0x8f: {  	_ = 	snop  }
0x90: {  	s2 =	sld [smem:$0x3FC9]  }
0x91: {  	s18 =	sld [smem:$0x3FD0];
	(tm) =	ssettm $0x1  }
0x92: {  	s4 =	sld [smem:$0x3FFB];
	_ =	sdelay $0x3  }
0x93: {  	_ =	strace s4  }
0x94: {  	s4 =	sld [smem:$0x3FFC];
	_ =	sdelay $0x3  }
0x95: {  	_ =	strace s4  }
0x96: {  	s4 =	sld [smem:$0x3FFD];
	_ =	sdelay $0x3  }
0x97: {  	_ =	strace s4  }
0x98: {  	_ =	strace $0x8FFFFFFF  }
0x99: {  	s19 =	sld [smem:$0x3FDB];
	_ =	sdelay $0x1  }
0x9a: {  	s5 =	simm.s32 $_scs_section_size  }
0x9b: {  	s6 =	simm.s32 $_size__tile_overlayer_lowered;
	s7 =	simm.s32 $_tile_overlayer_lowered  }
0x9c: {  	s22 =	simm.s32 $0x1BFF;
	s21 =	sshll.u32 s7, $0x1;
	s4 =	sadd.s32 s5, s19  }
0x9d: {  	s8 =	simm.s32 $0x0;
	s20 =	sshll.u32 s6, $0x1;
	s6 =	sadd.s32 s21, s4  }
0x9e: {  	[timem:s8], [sflag:s22] =	dma.local [hbm:s6], s20  }
0x9f: {  	_ =	swait.ge [sflag:s22], s20  }
0xa0: {  	s5 =	ssub.s32 $0x0, s20;
	[sflag:s22] =	ssyncset.done $0x0  }
0xa1: {  	[sflag:s22] =	ssyncadd.s32 s5;
	_ =	sdelay $0x1  }
0xa2: {  	s23 =	simm.s32 $0x1B8B  }
0xa3: {  	_ =	swait.ge [sflag:s23], $0x1  }
0xa4: {  	[sflag:s23] =	ssyncset.done $0x0  }
0xa5: {  	s25 =	simm.s32 $0x1B8E;
	s24 =	sld [smem:$0x3FFE];
	[sflag:s23] =	ssyncadd.s32 $0xFFFFFFFF  }
0xa6: {  	s26 =	simm.s32 $execute0_lowered;
	[smem:$0x3FD2] =	sst s25  }
0xa7: {  	s6 =	sshll.u32 s26, $0x1;
	_ =	strace $0x80000046;
	[dreg:$0x1] =	wrdreg $0xFFFFFFFF  }
0xa8: {  	s28 =	simm.s32 $_size_execute0_lowered;
	s4 =	sadd.s32 s4, s6;
	[dreg:$0x0] =	wrdreg $0x0  }
0xa9: {  	s6 =	sshll.u32 s28, $0x1;
	[dreg:$0x2] =	wrdreg s4  }
0xaa: {  	[dreg:$0x3] =	wrdreg s6  }
0xab: {  	[dreg:$0x4] =	wrdreg $0xC0  }
0xac: {  	_ =	task [dreg:s8], $0x5FFFF  }
0xad: {  	[dreg:$0x1] =	wrdreg $0xFFFFFFFF  }
0xae: {  	[dreg:$0x0] =	wrdreg $0x60  }
0xaf: {  	[dreg:$0x2] =	wrdreg s2  }
0xb0: {  	[dreg:$0x3] =	wrdreg s24  }
0xb1: {  	[dreg:$0x4] =	wrdreg s18  }
0xb2: {  	[dreg:$0x5] =	wrdreg $0x9  }
0xb3: {  	_ =	task.clear_ibuf [dreg:s8], $0x6FFFF;
	_ =	strace $0x90000046  }
0xb4: {  	s29 =	simm.s32 $0x9;
	_ =	strace $0x80000048  }
0xb5: {  	_ =	swait.ge [sflag:s29], $0x1  }
0xb6: {  	[sflag:s29] =	ssyncadd.s32 $0xFFFFFFFF  }
0xb7: {  	_ =	strace $0x90000048  }
0xb8: {  	_ =	sfence  }
0xb9: {  	s30 =	sld [smem:$0x0];
	_ =	sdelay $0x2  }
0xba: {  	s31 =	sshll.u32 s1, $0xD;
	s1 =	sshrl.u32 s1, $0x2  }
0xbb: {  	s3 =	sand.u32 $0x4000, s31;
	s1 =	sadd.s32 s1, s30  }
0xbc: {  	s0 =	sor.u32 s3, s0;
	s1 =	sshll.u32 s1, $0x11  }
0xbd: {  	s0 =	sor.u32 s1, s0  }
0xbe: {  	s0 =	sadd.s32 $0x8F2B, s0  }
0xbf: {  	[sflag:s0] =	ssyncadd.remote.s32 $0x1  }
0xc0: {  	_ =	sfence.sel $0xFFFF  }
0xc1: {  	[dreg:$0x0] =	wrdreg $0xFFFFFFFF;
	(pc) =	sbr.abs _section_cstart, $3  }
0xc2: {  	[dreg:$0x1] =	wrdreg $0xFFFFFFFF  }
0xc3: {  	_ =	task.clear_ibuf [dreg:s8], $0x2FFFF;
	_ =	strace $0x9FFFFFFF  }
0xc4: {  	(tm) =	ssettm $0x7FFFFFFF  }
0xc5: {  	_ =	shalt  }
tec
execute0_lowered:
.L_overlay_start_1:
0x0: {  	(tag) =	ssettag $0x1  }
0x1: {  	s7 =	rddreg [dreg:$0x0];
	v9 =	vlaneseq.u32  }
0x2: {  	s0 =	rddreg [dreg:$0x1];
	v6 =	vimm.s32 $0x76543210;
	v5 =	vimm.s32 $0xFEDCBA98;
	v7 =	vimm.s32 $0xBA98FEDC  }
0x3: {  	s1 =	rddreg [dreg:$0x2];
	s2 =	srdreg.scid;
	s3 =	simm.s32 $0x0;
	v8 =	vimm.s32 $0x32107654;
	v11 =	vimm.s32 $0xDCFE98BA;
	v13 =	vimm.s32 $0xEFCDAB89  }
0x4: {  	s4 =	stileid.u32;
	s12 =	simm.s32 $0x3;
	s14 =	simm.s32 $0x180;
	v14 =	vimm.s32 $0x67452301;
	v0 =	vadd.s32 $0x11, v9;
	v1 =	vadd.s32 $0x21, v9  }
0x5: {  	s19 =	simm.s32 $0x3A80;
	s20 =	simm.s32 $0x3B00;
	s21 =	simm.s32 $0x3B80;
	v2 =	vadd.s32 $0x1, v9;
	v3 =	vadd.s32 $0x31, v9;
	v4 =	vadd.s32 $0x41, v9  }
0x6: {  	s22 =	simm.s32 $0x3C00;
	s23 =	simm.s32 $0x3C80;
	s24 =	simm.s32 $0x3D00;
	v10 =	vunpack.c.l.s4.s8 v5;
	v5 =	vadd.s32 $0x51, v9;
	v12 =	vunpack.c.l.s4.s8 v6  }
0x7: {  	s25 =	simm.s32 $0x3D80;
	s28 =	simm.s32 $0x3E80;
	s29 =	simm.s32 $0x3F00;
	v6 =	vimm.s32 $0x54761032;
	v7 =	vunpack.c.l.s4.s8 v7;
	v8 =	vunpack.c.l.s4.s8 v8  }
0x8: {  	s30 =	simm.s32 $0x3F80;
	s31 =	simm.s32 $0x4000;
	s10 =	simm.s32 $0x4200;
	v11 =	vunpack.c.l.s4.s8 v11;
	v13 =	vunpack.c.l.s4.s8 v13;
	v14 =	vunpack.c.l.s4.s8 v14  }
0x9: {  	s11 =	simm.s32 $0x2;
	s13 =	simm.s32 $0x4280;
	s15 =	simm.s32 $0x4;
	v6 =	vunpack.c.l.s4.s8 v6;
	v10 =	vunpack.c.0.s8.s32 v10;
	v7 =	vunpack.c.0.s8.s32 v7  }
0xa: {  	s16 =	simm.s32 $0x0;
	s2 =	sand.u32 $0x1, s2;
	[smem:$0x7FF] =	sst s3;
	v8 =	vunpack.c.0.s8.s32 v8;
	v11 =	vunpack.c.0.s8.s32 v11;
	v13 =	vunpack.c.0.s8.s32 v13  }
0xb: {  	s4 =	sshll.u32 s4, $0x8;
	s5 =	sshll.u32 s2, $0x7;
	_ =	strace $0x80000047;
	v14 =	vunpack.c.0.s8.s32 v14;
	v12 =	vunpack.c.0.s8.s32 v12;
	v15 =	vunpack.c.0.s8.s32 v6  }
0xc: {  	s2 =	ssub.s32 $0x2, s2;
	s5 =	sor.u32 s5, s4;
	s4 =	sadd.s32 $0x2000, s0;
	v6 =	vadd.s32 $0x61, v9;
	v16 =	vcombine.low v8, v7;
	v8 =	vand.u32 $0xF, v10  }
0xd: {  	s6 =	sshrl.u32 s2, $0x1;
	s8 =	sshrl.u32 s5, $0x3;
	s5 =	sadd.s32 $0x188A00, s0;
	v13 =	vcombine.low v14, v13;
	v7 =	vadd.s32 $0x71, v9;
	v9 =	vmul.u32 $0x80, v9  }
0xe: {  	s26 =	ssub.s32 s2, s6;
	s0 =	simm.s32 $0x4080;
	s2 =	simm.s32 $0x4100;
	v11 =	vcombine.low v15, v11;
	v8 =	vcombine.low v8, v12  }
0xf: {  	s6 =	sadd.s32 s7, s8;
	s8 =	sadd.s32 s1, s8;
	s9 =	smax.u32 s26, $0x1;
	v10 =	vand.u32 $0xF, v16;
	v12 =	vand.u32 $0xF, v13;
	v13 =	vor.u32 $0x800, v9  }
0x10: {  	s26 =	simm.s32 $0x3E00;
	s1 =	simm.s32 $0x1;
	s7 =	sadd.s32 $0x10, s6;
	v14 =	vor.u32 $0x1000, v9;
	v15 =	vor.u32 $0x1800, v9;
	v11 =	vand.u32 $0xF, v11  }
.LBB2_1:
0x11: {  	[tilespmem:s3], [sflag:$0x3] =	stream.linear.gather [hbm4b:s6+s3], $0x80, $0x38;
	[tilespmem:$0x4300] =	vst v63  }
0x12: {  	s17 =	simm.s32 $0x80  }
0x13: {  	[tilespmem:s17], [sflag:$0x3] =	stream.linear.gather [hbm4b:s7+s3], $0x1, $0x38;
	[tilespmem:$0x4300] =	vst v63  }
0x14: {  	s18 =	simm.s32 $0x100;
	s17 =	rddreg [dreg:$0x0]  }
0x15: {  	[tilespmem:s18], [sflag:$0x3] =	stream.linear.gather [hbm4b:s17+s3], $0x10, $0x38;
	[tilespmem:$0x4300] =	vst v63  }
0x16: {  	_ =	swait.ge [sflag:s12], $0x80  }
0x17: {  	[sflag:s12] =	ssyncset.done $0x0  }
0x18: {  	[sflag:s12] =	ssyncadd.s32 $0xFFFFFF80  }
0x19: {  	_ =	swait.ge [sflag:s12], $0x1  }
0x1a: {  	[sflag:s12] =	ssyncset.done $0x0  }
0x1b: {  	[sflag:s12] =	ssyncadd.s32 $0xFFFFFFFF  }
0x1c: {  	_ =	swait.ge [sflag:s12], $0x10  }
0x1d: {  	[sflag:s12] =	ssyncset.done $0x0  }
0x1e: {  	[sflag:s12] =	ssyncadd.s32 $0xFFFFFFF0  }
0x1f: {  	v16 =	vld [tilespmem:$0x100];
	_ =	sdelay $0x4  }
0x20: {  	(v2sf) =	vpush v16, $0x0;
	_ =	sdelay $0xe  }
0x21: {  	s18 =	spop (v2sf)  }
0x22: {  	s17 =	sshll.u32 s18, $0x4  }
0x23: {  	s17 =	sand.u32 $0x1FFFFFF0, s17  }
0x24: {  	s18 =	simm.s32 $0x4180;
	s17 =	sadd.s32 s4, s17  }
0x25: {  	[tilespmem:s18], [sflag:$0x3] =	stream.linear.gather [hbm4b:s17+s3], $0x80, $0x38;
	[tilespmem:$0x4300] =	vst v63  }
0x26: {  	v16 =	vld.idx.msk [tilespmem:v2+s3+$0x0], $0xffff;
	_ =	sdelay $0x4  }
0x27: {  	v16 =	vshll.u32 v16, $0x4  }
0x28: {  	(v2sf) =	vpush v16, $0x0;
	_ =	sdelay $0x1  }
0x29: {  	(v2sf) =	vpush v16, $0x1;
	_ =	sdelay $0x4  }
0x2a: {  	(v2sf) =	vpush v16, $0x2;
	_ =	sdelay $0x3  }
0x2b: {  	(v2sf) =	vpush v16, $0x3;
	_ =	sdelay $0x3  }
0x2c: {  	s18 =	spop (v2sf);
	(v2sf) =	vpush v16, $0x4  }
0x2d: {  	s17 =	sand.u32 $0x1FFFFFF0, s18  }
0x2e: {  	s18 =	spop (v2sf);
	s17 =	sadd.s32 s5, s17  }
0x2f: {  	[tilespmem:s14], [sflag:$0x1] =	stream.linear.gather [hbm4b:s17+s3], $0x80, $0x38;
	[tilespmem:$0x4300] =	vst v63  }
0x30: {  	(v2sf) =	vpush v16, $0x5;
	s17 =	sand.u32 $0x1FFFFFF0, s18  }
0x31: {  	s18 =	simm.s32 $0x200;
	s17 =	sadd.s32 s5, s17  }
0x32: {  	[tilespmem:s18], [sflag:$0x1] =	stream.linear.gather [hbm4b:s17+s3], $0x80, $0x38;
	[tilespmem:$0x4300] =	vst v63  }
0x33: {  	s18 =	spop (v2sf)  }
0x34: {  	(v2sf) =	vpush v16, $0x6;
	s17 =	sand.u32 $0x1FFFFFF0, s18  }
0x35: {  	s18 =	simm.s32 $0x280;
	s17 =	sadd.s32 s5, s17  }
0x36: {  	[tilespmem:s18], [sflag:$0x1] =	stream.linear.gather [hbm4b:s17+s3], $0x80, $0x38;
	[tilespmem:$0x4300] =	vst v63  }
0x37: {  	s18 =	spop (v2sf)  }
0x38: {  	(v2sf) =	vpush v16, $0x7;
	s17 =	sand.u32 $0x1FFFFFF0, s18  }
0x39: {  	s18 =	simm.s32 $0x300;
	s17 =	sadd.s32 s5, s17  }
0x3a: {  	[tilespmem:s18], [sflag:$0x1] =	stream.linear.gather [hbm4b:s17+s3], $0x80, $0x38;
	[tilespmem:$0x4300] =	vst v63  }
0x3b: {  	s18 =	spop (v2sf)  }
0x3c: {  	(v2sf) =	vpush v16, $0x8;
	s17 =	sand.u32 $0x1FFFFFF0, s18  }
0x3d: {  	s18 =	simm.s32 $0x380;
	s17 =	sadd.s32 s5, s17  }
0x3e: {  	[tilespmem:s18], [sflag:$0x1] =	stream.linear.gather [hbm4b:s17+s3], $0x80, $0x38;
	[tilespmem:$0x4300] =	vst v63  }
0x3f: {  	s18 =	spop (v2sf)  }
0x40: {  	(v2sf) =	vpush v16, $0x9;
	s17 =	sand.u32 $0x1FFFFFF0, s18  }
0x41: {  	s18 =	simm.s32 $0x400;
	s17 =	sadd.s32 s5, s17  }
0x42: {  	[tilespmem:s18], [sflag:$0x1] =	stream.linear.gather [hbm4b:s17+s3], $0x80, $0x38;
	[tilespmem:$0x4300] =	vst v63  }
0x43: {  	s18 =	spop (v2sf)  }
0x44: {  	(v2sf) =	vpush v16, $0xA;
	s17 =	sand.u32 $0x1FFFFFF0, s18  }
0x45: {  	s18 =	simm.s32 $0x480;
	s17 =	sadd.s32 s5, s17  }
0x46: {  	[tilespmem:s18], [sflag:$0x1] =	stream.linear.gather [hbm4b:s17+s3], $0x80, $0x38;
	[tilespmem:$0x4300] =	vst v63  }
0x47: {  	s18 =	spop (v2sf)  }
0x48: {  	(v2sf) =	vpush v16, $0xB;
	s17 =	sand.u32 $0x1FFFFFF0, s18  }
0x49: {  	s18 =	simm.s32 $0x500;
	s17 =	sadd.s32 s5, s17  }
0x4a: {  	[tilespmem:s18], [sflag:$0x1] =	stream.linear.gather [hbm4b:s17+s3], $0x80, $0x38;
	[tilespmem:$0x4300] =	vst v63  }
0x4b: {  	s18 =	spop (v2sf)  }
0x4c: {  	(v2sf) =	vpush v16, $0xC;
	s17 =	sand.u32 $0x1FFFFFF0, s18  }
0x4d: {  	s18 =	simm.s32 $0x580;
	s17 =	sadd.s32 s5, s17  }
0x4e: {  	[tilespmem:s18], [sflag:$0x1] =	stream.linear.gather [hbm4b:s17+s3], $0x80, $0x38;
	[tilespmem:$0x4300] =	vst v63  }
0x4f: {  	s18 =	spop (v2sf)  }
0x50: {  	(v2sf) =	vpush v16, $0xD;
	s17 =	sand.u32 $0x1FFFFFF0, s18  }
0x51: {  	s18 =	simm.s32 $0x600;
	s17 =	sadd.s32 s5, s17  }
0x52: {  	[tilespmem:s18], [sflag:$0x1] =	stream.linear.gather [hbm4b:s17+s3], $0x80, $0x38;
	[tilespmem:$0x4300] =	vst v63  }
0x53: {  	s18 =	spop (v2sf)  }
0x54: {  	(v2sf) =	vpush v16, $0xE;
	s17 =	sand.u32 $0x1FFFFFF0, s18  }
0x55: {  	s18 =	simm.s32 $0x680;
	s17 =	sadd.s32 s5, s17  }
0x56: {  	[tilespmem:s18], [sflag:$0x1] =	stream.linear.gather [hbm4b:s17+s3], $0x80, $0x38;
	[tilespmem:$0x4300] =	vst v63  }
0x57: {  	s18 =	spop (v2sf)  }
0x58: {  	(v2sf) =	vpush v16, $0xF;
	s17 =	sand.u32 $0x1FFFFFF0, s18  }
0x59: {  	s18 =	simm.s32 $0x700;
	s17 =	sadd.s32 s5, s17  }
0x5a: {  	[tilespmem:s18], [sflag:$0x1] =	stream.linear.gather [hbm4b:s17+s3], $0x80, $0x38;
	[tilespmem:$0x4300] =	vst v63  }
0x5b: {  	s18 =	spop (v2sf)  }
0x5c: {  	s17 =	sand.u32 $0x1FFFFFF0, s18  }
0x5d: {  	s18 =	simm.s32 $0x780;
	s17 =	sadd.s32 s5, s17  }
0x5e: {  	[tilespmem:s18], [sflag:$0x1] =	stream.linear.gather [hbm4b:s17+s3], $0x80, $0x38;
	[tilespmem:$0x4300] =	vst v63  }
0x5f: {  	s18 =	spop (v2sf)  }
0x60: {  	s17 =	sand.u32 $0x1FFFFFF0, s18  }
0x61: {  	s18 =	simm.s32 $0x800;
	s17 =	sadd.s32 s5, s17  }
0x62: {  	[tilespmem:s18], [sflag:$0x1] =	stream.linear.gather [hbm4b:s17+s3], $0x80, $0x38;
	[tilespmem:$0x4300] =	vst v63  }
0x63: {  	s18 =	spop (v2sf)  }
0x64: {  	s17 =	sand.u32 $0x1FFFFFF0, s18  }
0x65: {  	s18 =	simm.s32 $0x880;
	s17 =	sadd.s32 s5, s17  }
0x66: {  	[tilespmem:s18], [sflag:$0x1] =	stream.linear.gather [hbm4b:s17+s3], $0x80, $0x38;
	[tilespmem:$0x4300] =	vst v63  }
0x67: {  	s18 =	spop (v2sf)  }
0x68: {  	s17 =	sand.u32 $0x1FFFFFF0, s18  }
0x69: {  	s18 =	simm.s32 $0x900;
	s17 =	sadd.s32 s5, s17  }
0x6a: {  	[tilespmem:s18], [sflag:$0x1] =	stream.linear.gather [hbm4b:s17+s3], $0x80, $0x38;
	[tilespmem:$0x4300] =	vst v63  }
0x6b: {  	v16 =	vld.idx.msk [tilespmem:v0+s3+$0x0], $0xffff;
	_ =	sdelay $0x4  }
0x6c: {  	v16 =	vshll.u32 v16, $0x4  }
0x6d: {  	(v2sf) =	vpush v16, $0x0;
	_ =	sdelay $0x3  }
0x6e: {  	(v2sf) =	vpush v16, $0x1;
	_ =	sdelay $0x3  }
0x6f: {  	(v2sf) =	vpush v16, $0x2;
	_ =	sdelay $0x3  }
0x70: {  	(v2sf) =	vpush v16, $0x3;
	_ =	sdelay $0x2  }
0x71: {  	s18 =	spop (v2sf)  }
0x72: {  	(v2sf) =	vpush v16, $0x4;
	s17 =	sand.u32 $0x1FFFFFF0, s18  }
0x73: {  	s18 =	simm.s32 $0x980;
	s17 =	sadd.s32 s5, s17  }
0x74: {  	[tilespmem:s18], [sflag:$0x1] =	stream.linear.gather [hbm4b:s17+s3], $0x80, $0x38;
	[tilespmem:$0x4300] =	vst v63  }
0x75: {  	s18 =	spop (v2sf)  }
0x76: {  	(v2sf) =	vpush v16, $0x5;
	s17 =	sand.u32 $0x1FFFFFF0, s18  }
0x77: {  	s18 =	simm.s32 $0xA00;
	s17 =	sadd.s32 s5, s17  }
0x78: {  	[tilespmem:s18], [sflag:$0x1] =	stream.linear.gather [hbm4b:s17+s3], $0x80, $0x38;
	[tilespmem:$0x4300] =	vst v63  }
0x79: {  	s18 =	spop (v2sf)  }
0x7a: {  	(v2sf) =	vpush v16, $0x6;
	s17 =	sand.u32 $0x1FFFFFF0, s18  }
0x7b: {  	s18 =	simm.s32 $0xA80;
	s17 =	sadd.s32 s5, s17  }
0x7c: {  	[tilespmem:s18], [sflag:$0x1] =	stream.linear.gather [hbm4b:s17+s3], $0x80, $0x38;
	[tilespmem:$0x4300] =	vst v63  }
0x7d: {  	s18 =	spop (v2sf)  }
0x7e: {  	(v2sf) =	vpush v16, $0x7;
	s17 =	sand.u32 $0x1FFFFFF0, s18  }
0x7f: {  	s18 =	simm.s32 $0xB00;
	s17 =	sadd.s32 s5, s17  }
0x80: {  	[tilespmem:s18], [sflag:$0x1] =	stream.linear.gather [hbm4b:s17+s3], $0x80, $0x38;
	[tilespmem:$0x4300] =	vst v63  }
0x81: {  	s18 =	spop (v2sf)  }
0x82: {  	(v2sf) =	vpush v16, $0x8;
	s17 =	sand.u32 $0x1FFFFFF0, s18  }
0x83: {  	s18 =	simm.s32 $0xB80;
	s17 =	sadd.s32 s5, s17  }
0x84: {  	[tilespmem:s18], [sflag:$0x1] =	stream.linear.gather [hbm4b:s17+s3], $0x80, $0x38;
	[tilespmem:$0x4300] =	vst v63  }
0x85: {  	s18 =	spop (v2sf)  }
0x86: {  	(v2sf) =	vpush v16, $0x9;
	s17 =	sand.u32 $0x1FFFFFF0, s18  }
0x87: {  	s18 =	simm.s32 $0xC00;
	s17 =	sadd.s32 s5, s17  }
0x88: {  	[tilespmem:s18], [sflag:$0x1] =	stream.linear.gather [hbm4b:s17+s3], $0x80, $0x38;
	[tilespmem:$0x4300] =	vst v63  }
0x89: {  	s18 =	spop (v2sf)  }
0x8a: {  	(v2sf) =	vpush v16, $0xA;
	s17 =	sand.u32 $0x1FFFFFF0, s18  }
0x8b: {  	s18 =	simm.s32 $0xC80;
	s17 =	sadd.s32 s5, s17  }
0x8c: {  	[tilespmem:s18], [sflag:$0x1] =	stream.linear.gather [hbm4b:s17+s3], $0x80, $0x38;
	[tilespmem:$0x4300] =	vst v63  }
0x8d: {  	s18 =	spop (v2sf)  }
0x8e: {  	(v2sf) =	vpush v16, $0xB;
	s17 =	sand.u32 $0x1FFFFFF0, s18  }
0x8f: {  	s18 =	simm.s32 $0xD00;
	s17 =	sadd.s32 s5, s17  }
0x90: {  	[tilespmem:s18], [sflag:$0x1] =	stream.linear.gather [hbm4b:s17+s3], $0x80, $0x38;
	[tilespmem:$0x4300] =	vst v63  }
0x91: {  	s18 =	spop (v2sf)  }
0x92: {  	(v2sf) =	vpush v16, $0xC;
	s17 =	sand.u32 $0x1FFFFFF0, s18  }
0x93: {  	s18 =	simm.s32 $0xD80;
	s17 =	sadd.s32 s5, s17  }
0x94: {  	[tilespmem:s18], [sflag:$0x1] =	stream.linear.gather [hbm4b:s17+s3], $0x80, $0x38;
	[tilespmem:$0x4300] =	vst v63  }
0x95: {  	s18 =	spop (v2sf)  }
0x96: {  	(v2sf) =	vpush v16, $0xD;
	s17 =	sand.u32 $0x1FFFFFF0, s18  }
0x97: {  	s18 =	simm.s32 $0xE00;
	s17 =	sadd.s32 s5, s17  }
0x98: {  	[tilespmem:s18], [sflag:$0x1] =	stream.linear.gather [hbm4b:s17+s3], $0x80, $0x38;
	[tilespmem:$0x4300] =	vst v63  }
0x99: {  	s18 =	spop (v2sf)  }
0x9a: {  	(v2sf) =	vpush v16, $0xE;
	s17 =	sand.u32 $0x1FFFFFF0, s18  }
0x9b: {  	s18 =	simm.s32 $0xE80;
	s17 =	sadd.s32 s5, s17  }
0x9c: {  	[tilespmem:s18], [sflag:$0x1] =	stream.linear.gather [hbm4b:s17+s3], $0x80, $0x38;
	[tilespmem:$0x4300] =	vst v63  }
0x9d: {  	s18 =	spop (v2sf)  }
0x9e: {  	(v2sf) =	vpush v16, $0xF;
	s17 =	sand.u32 $0x1FFFFFF0, s18  }
0x9f: {  	s18 =	simm.s32 $0xF00;
	s17 =	sadd.s32 s5, s17  }
0xa0: {  	[tilespmem:s18], [sflag:$0x1] =	stream.linear.gather [hbm4b:s17+s3], $0x80, $0x38;
	[tilespmem:$0x4300] =	vst v63  }
0xa1: {  	s18 =	spop (v2sf)  }
0xa2: {  	s17 =	sand.u32 $0x1FFFFFF0, s18  }
0xa3: {  	s18 =	simm.s32 $0xF80;
	s17 =	sadd.s32 s5, s17  }
0xa4: {  	[tilespmem:s18], [sflag:$0x1] =	stream.linear.gather [hbm4b:s17+s3], $0x80, $0x38;
	[tilespmem:$0x4300] =	vst v63  }
0xa5: {  	s18 =	spop (v2sf)  }
0xa6: {  	s17 =	sand.u32 $0x1FFFFFF0, s18  }
0xa7: {  	s18 =	simm.s32 $0x1000;
	s17 =	sadd.s32 s5, s17  }
0xa8: {  	[tilespmem:s18], [sflag:$0x1] =	stream.linear.gather [hbm4b:s17+s3], $0x80, $0x38;
	[tilespmem:$0x4300] =	vst v63  }
0xa9: {  	s18 =	spop (v2sf)  }
0xaa: {  	s17 =	sand.u32 $0x1FFFFFF0, s18  }
0xab: {  	s18 =	simm.s32 $0x1080;
	s17 =	sadd.s32 s5, s17  }
0xac: {  	[tilespmem:s18], [sflag:$0x1] =	stream.linear.gather [hbm4b:s17+s3], $0x80, $0x38;
	[tilespmem:$0x4300] =	vst v63  }
0xad: {  	s18 =	spop (v2sf)  }
0xae: {  	s17 =	sand.u32 $0x1FFFFFF0, s18  }
0xaf: {  	s18 =	simm.s32 $0x1100;
	s17 =	sadd.s32 s5, s17  }
0xb0: {  	[tilespmem:s18], [sflag:$0x1] =	stream.linear.gather [hbm4b:s17+s3], $0x80, $0x38;
	[tilespmem:$0x4300] =	vst v63  }
0xb1: {  	v16 =	vld.idx.msk [tilespmem:v1+s3+$0x0], $0xffff;
	_ =	sdelay $0x4  }
0xb2: {  	v16 =	vshll.u32 v16, $0x4  }
0xb3: {  	(v2sf) =	vpush v16, $0x0;
	_ =	sdelay $0x3  }
0xb4: {  	(v2sf) =	vpush v16, $0x1;
	_ =	sdelay $0x3  }
0xb5: {  	(v2sf) =	vpush v16, $0x2;
	_ =	sdelay $0x3  }
0xb6: {  	(v2sf) =	vpush v16, $0x3;
	_ =	sdelay $0x2  }
0xb7: {  	s18 =	spop (v2sf)  }
0xb8: {  	(v2sf) =	vpush v16, $0x4;
	s17 =	sand.u32 $0x1FFFFFF0, s18  }
0xb9: {  	s18 =	simm.s32 $0x1180;
	s17 =	sadd.s32 s5, s17  }
0xba: {  	[tilespmem:s18], [sflag:$0x1] =	stream.linear.gather [hbm4b:s17+s3], $0x80, $0x38;
	[tilespmem:$0x4300] =	vst v63  }
0xbb: {  	s18 =	spop (v2sf)  }
0xbc: {  	(v2sf) =	vpush v16, $0x5;
	s17 =	sand.u32 $0x1FFFFFF0, s18  }
0xbd: {  	s18 =	simm.s32 $0x1200;
	s17 =	sadd.s32 s5, s17  }
0xbe: {  	[tilespmem:s18], [sflag:$0x1] =	stream.linear.gather [hbm4b:s17+s3], $0x80, $0x38;
	[tilespmem:$0x4300] =	vst v63  }
0xbf: {  	s18 =	spop (v2sf)  }
0xc0: {  	(v2sf) =	vpush v16, $0x6;
	s17 =	sand.u32 $0x1FFFFFF0, s18  }
0xc1: {  	s18 =	simm.s32 $0x1280;
	s17 =	sadd.s32 s5, s17  }
0xc2: {  	[tilespmem:s18], [sflag:$0x1] =	stream.linear.gather [hbm4b:s17+s3], $0x80, $0x38;
	[tilespmem:$0x4300] =	vst v63  }
0xc3: {  	s18 =	spop (v2sf)  }
0xc4: {  	(v2sf) =	vpush v16, $0x7;
	s17 =	sand.u32 $0x1FFFFFF0, s18  }
0xc5: {  	s18 =	simm.s32 $0x1300;
	s17 =	sadd.s32 s5, s17  }
0xc6: {  	[tilespmem:s18], [sflag:$0x1] =	stream.linear.gather [hbm4b:s17+s3], $0x80, $0x38;
	[tilespmem:$0x4300] =	vst v63  }
0xc7: {  	s18 =	spop (v2sf)  }
0xc8: {  	(v2sf) =	vpush v16, $0x8;
	s17 =	sand.u32 $0x1FFFFFF0, s18  }
0xc9: {  	s18 =	simm.s32 $0x1380;
	s17 =	sadd.s32 s5, s17  }
0xca: {  	[tilespmem:s18], [sflag:$0x1] =	stream.linear.gather [hbm4b:s17+s3], $0x80, $0x38;
	[tilespmem:$0x4300] =	vst v63  }
0xcb: {  	s18 =	spop (v2sf)  }
0xcc: {  	(v2sf) =	vpush v16, $0x9;
	s17 =	sand.u32 $0x1FFFFFF0, s18  }
0xcd: {  	s18 =	simm.s32 $0x1400;
	s17 =	sadd.s32 s5, s17  }
0xce: {  	[tilespmem:s18], [sflag:$0x1] =	stream.linear.gather [hbm4b:s17+s3], $0x80, $0x38;
	[tilespmem:$0x4300] =	vst v63  }
0xcf: {  	s18 =	spop (v2sf)  }
0xd0: {  	(v2sf) =	vpush v16, $0xA;
	s17 =	sand.u32 $0x1FFFFFF0, s18  }
0xd1: {  	s18 =	simm.s32 $0x1480;
	s17 =	sadd.s32 s5, s17  }
0xd2: {  	[tilespmem:s18], [sflag:$0x1] =	stream.linear.gather [hbm4b:s17+s3], $0x80, $0x38;
	[tilespmem:$0x4300] =	vst v63  }
0xd3: {  	s18 =	spop (v2sf)  }
0xd4: {  	(v2sf) =	vpush v16, $0xB;
	s17 =	sand.u32 $0x1FFFFFF0, s18  }
0xd5: {  	s18 =	simm.s32 $0x1500;
	s17 =	sadd.s32 s5, s17  }
0xd6: {  	[tilespmem:s18], [sflag:$0x1] =	stream.linear.gather [hbm4b:s17+s3], $0x80, $0x38;
	[tilespmem:$0x4300] =	vst v63  }
0xd7: {  	s18 =	spop (v2sf)  }
0xd8: {  	(v2sf) =	vpush v16, $0xC;
	s17 =	sand.u32 $0x1FFFFFF0, s18  }
0xd9: {  	s18 =	simm.s32 $0x1580;
	s17 =	sadd.s32 s5, s17  }
0xda: {  	[tilespmem:s18], [sflag:$0x1] =	stream.linear.gather [hbm4b:s17+s3], $0x80, $0x38;
	[tilespmem:$0x4300] =	vst v63  }
0xdb: {  	s18 =	spop (v2sf)  }
0xdc: {  	(v2sf) =	vpush v16, $0xD;
	s17 =	sand.u32 $0x1FFFFFF0, s18  }
0xdd: {  	s18 =	simm.s32 $0x1600;
	s17 =	sadd.s32 s5, s17  }
0xde: {  	[tilespmem:s18], [sflag:$0x1] =	stream.linear.gather [hbm4b:s17+s3], $0x80, $0x38;
	[tilespmem:$0x4300] =	vst v63  }
0xdf: {  	s18 =	spop (v2sf)  }
0xe0: {  	(v2sf) =	vpush v16, $0xE;
	s17 =	sand.u32 $0x1FFFFFF0, s18  }
0xe1: {  	s18 =	simm.s32 $0x1680;
	s17 =	sadd.s32 s5, s17  }
0xe2: {  	[tilespmem:s18], [sflag:$0x1] =	stream.linear.gather [hbm4b:s17+s3], $0x80, $0x38;
	[tilespmem:$0x4300] =	vst v63  }
0xe3: {  	s18 =	spop (v2sf)  }
0xe4: {  	(v2sf) =	vpush v16, $0xF;
	s17 =	sand.u32 $0x1FFFFFF0, s18  }
0xe5: {  	s18 =	simm.s32 $0x1700;
	s17 =	sadd.s32 s5, s17  }
0xe6: {  	[tilespmem:s18], [sflag:$0x1] =	stream.linear.gather [hbm4b:s17+s3], $0x80, $0x38;
	[tilespmem:$0x4300] =	vst v63  }
0xe7: {  	s18 =	spop (v2sf)  }
0xe8: {  	s17 =	sand.u32 $0x1FFFFFF0, s18  }
0xe9: {  	s18 =	simm.s32 $0x1780;
	s17 =	sadd.s32 s5, s17  }
0xea: {  	[tilespmem:s18], [sflag:$0x1] =	stream.linear.gather [hbm4b:s17+s3], $0x80, $0x38;
	[tilespmem:$0x4300] =	vst v63  }
0xeb: {  	s18 =	spop (v2sf)  }
0xec: {  	s17 =	sand.u32 $0x1FFFFFF0, s18  }
0xed: {  	s18 =	simm.s32 $0x1800;
	s17 =	sadd.s32 s5, s17  }
0xee: {  	[tilespmem:s18], [sflag:$0x1] =	stream.linear.gather [hbm4b:s17+s3], $0x80, $0x38;
	[tilespmem:$0x4300] =	vst v63  }
0xef: {  	s18 =	spop (v2sf)  }
0xf0: {  	s17 =	sand.u32 $0x1FFFFFF0, s18  }
0xf1: {  	s18 =	simm.s32 $0x1880;
	s17 =	sadd.s32 s5, s17  }
0xf2: {  	[tilespmem:s18], [sflag:$0x1] =	stream.linear.gather [hbm4b:s17+s3], $0x80, $0x38;
	[tilespmem:$0x4300] =	vst v63  }
0xf3: {  	s18 =	spop (v2sf)  }
0xf4: {  	s17 =	sand.u32 $0x1FFFFFF0, s18  }
0xf5: {  	s18 =	simm.s32 $0x1900;
	s17 =	sadd.s32 s5, s17  }
0xf6: {  	[tilespmem:s18], [sflag:$0x1] =	stream.linear.gather [hbm4b:s17+s3], $0x80, $0x38;
	[tilespmem:$0x4300] =	vst v63  }
0xf7: {  	v16 =	vld.idx.msk [tilespmem:v3+s3+$0x0], $0xffff;
	_ =	sdelay $0x4  }
0xf8: {  	v16 =	vshll.u32 v16, $0x4  }
0xf9: {  	(v2sf) =	vpush v16, $0x0;
	_ =	sdelay $0x3  }
0xfa: {  	(v2sf) =	vpush v16, $0x1;
	_ =	sdelay $0x3  }
0xfb: {  	(v2sf) =	vpush v16, $0x2;
	_ =	sdelay $0x3  }
0xfc: {  	(v2sf) =	vpush v16, $0x3;
	_ =	sdelay $0x2  }
0xfd: {  	s18 =	spop (v2sf)  }
0xfe: {  	(v2sf) =	vpush v16, $0x4;
	s17 =	sand.u32 $0x1FFFFFF0, s18  }
0xff: {  	s18 =	simm.s32 $0x1980;
	s17 =	sadd.s32 s5, s17  }
0x100: {  	[tilespmem:s18], [sflag:$0x1] =	stream.linear.gather [hbm4b:s17+s3], $0x80, $0x38;
	[tilespmem:$0x4300] =	vst v63  }
0x101: {  	s18 =	spop (v2sf)  }
0x102: {  	(v2sf) =	vpush v16, $0x5;
	s17 =	sand.u32 $0x1FFFFFF0, s18  }
0x103: {  	s18 =	simm.s32 $0x1A00;
	s17 =	sadd.s32 s5, s17  }
0x104: {  	[tilespmem:s18], [sflag:$0x1] =	stream.linear.gather [hbm4b:s17+s3], $0x80, $0x38;
	[tilespmem:$0x4300] =	vst v63  }
0x105: {  	s18 =	spop (v2sf)  }
0x106: {  	(v2sf) =	vpush v16, $0x6;
	s17 =	sand.u32 $0x1FFFFFF0, s18  }
0x107: {  	s18 =	simm.s32 $0x1A80;
	s17 =	sadd.s32 s5, s17  }
0x108: {  	[tilespmem:s18], [sflag:$0x1] =	stream.linear.gather [hbm4b:s17+s3], $0x80, $0x38;
	[tilespmem:$0x4300] =	vst v63  }
0x109: {  	s18 =	spop (v2sf)  }
0x10a: {  	(v2sf) =	vpush v16, $0x7;
	s17 =	sand.u32 $0x1FFFFFF0, s18  }
0x10b: {  	s18 =	simm.s32 $0x1B00;
	s17 =	sadd.s32 s5, s17  }
0x10c: {  	[tilespmem:s18], [sflag:$0x1] =	stream.linear.gather [hbm4b:s17+s3], $0x80, $0x38;
	[tilespmem:$0x4300] =	vst v63  }
0x10d: {  	s18 =	spop (v2sf)  }
0x10e: {  	(v2sf) =	vpush v16, $0x8;
	s17 =	sand.u32 $0x1FFFFFF0, s18  }
0x10f: {  	s18 =	simm.s32 $0x1B80;
	s17 =	sadd.s32 s5, s17  }
0x110: {  	[tilespmem:s18], [sflag:$0x1] =	stream.linear.gather [hbm4b:s17+s3], $0x80, $0x38;
	[tilespmem:$0x4300] =	vst v63  }
0x111: {  	s18 =	spop (v2sf)  }
0x112: {  	(v2sf) =	vpush v16, $0x9;
	s17 =	sand.u32 $0x1FFFFFF0, s18  }
0x113: {  	s18 =	simm.s32 $0x1C00;
	s17 =	sadd.s32 s5, s17  }
0x114: {  	[tilespmem:s18], [sflag:$0x1] =	stream.linear.gather [hbm4b:s17+s3], $0x80, $0x38;
	[tilespmem:$0x4300] =	vst v63  }
0x115: {  	s18 =	spop (v2sf)  }
0x116: {  	(v2sf) =	vpush v16, $0xA;
	s17 =	sand.u32 $0x1FFFFFF0, s18  }
0x117: {  	s18 =	simm.s32 $0x1C80;
	s17 =	sadd.s32 s5, s17  }
0x118: {  	[tilespmem:s18], [sflag:$0x1] =	stream.linear.gather [hbm4b:s17+s3], $0x80, $0x38;
	[tilespmem:$0x4300] =	vst v63  }
0x119: {  	s18 =	spop (v2sf)  }
0x11a: {  	(v2sf) =	vpush v16, $0xB;
	s17 =	sand.u32 $0x1FFFFFF0, s18  }
0x11b: {  	s18 =	simm.s32 $0x1D00;
	s17 =	sadd.s32 s5, s17  }
0x11c: {  	[tilespmem:s18], [sflag:$0x1] =	stream.linear.gather [hbm4b:s17+s3], $0x80, $0x38;
	[tilespmem:$0x4300] =	vst v63  }
0x11d: {  	s18 =	spop (v2sf)  }
0x11e: {  	(v2sf) =	vpush v16, $0xC;
	s17 =	sand.u32 $0x1FFFFFF0, s18  }
0x11f: {  	s18 =	simm.s32 $0x1D80;
	s17 =	sadd.s32 s5, s17  }
0x120: {  	[tilespmem:s18], [sflag:$0x1] =	stream.linear.gather [hbm4b:s17+s3], $0x80, $0x38;
	[tilespmem:$0x4300] =	vst v63  }
0x121: {  	s18 =	spop (v2sf)  }
0x122: {  	(v2sf) =	vpush v16, $0xD;
	s17 =	sand.u32 $0x1FFFFFF0, s18  }
0x123: {  	s18 =	simm.s32 $0x1E00;
	s17 =	sadd.s32 s5, s17  }
0x124: {  	[tilespmem:s18], [sflag:$0x1] =	stream.linear.gather [hbm4b:s17+s3], $0x80, $0x38;
	[tilespmem:$0x4300] =	vst v63  }
0x125: {  	s18 =	spop (v2sf)  }
0x126: {  	(v2sf) =	vpush v16, $0xE;
	s17 =	sand.u32 $0x1FFFFFF0, s18  }
0x127: {  	s18 =	simm.s32 $0x1E80;
	s17 =	sadd.s32 s5, s17  }
0x128: {  	[tilespmem:s18], [sflag:$0x1] =	stream.linear.gather [hbm4b:s17+s3], $0x80, $0x38;
	[tilespmem:$0x4300] =	vst v63  }
0x129: {  	s18 =	spop (v2sf)  }
0x12a: {  	(v2sf) =	vpush v16, $0xF;
	s17 =	sand.u32 $0x1FFFFFF0, s18  }
0x12b: {  	s18 =	simm.s32 $0x1F00;
	s17 =	sadd.s32 s5, s17  }
0x12c: {  	[tilespmem:s18], [sflag:$0x1] =	stream.linear.gather [hbm4b:s17+s3], $0x80, $0x38;
	[tilespmem:$0x4300] =	vst v63  }
0x12d: {  	s18 =	spop (v2sf)  }
0x12e: {  	s17 =	sand.u32 $0x1FFFFFF0, s18  }
0x12f: {  	s18 =	simm.s32 $0x1F80;
	s17 =	sadd.s32 s5, s17  }
0x130: {  	[tilespmem:s18], [sflag:$0x1] =	stream.linear.gather [hbm4b:s17+s3], $0x80, $0x38;
	[tilespmem:$0x4300] =	vst v63  }
0x131: {  	s18 =	spop (v2sf)  }
0x132: {  	s17 =	sand.u32 $0x1FFFFFF0, s18  }
0x133: {  	s18 =	simm.s32 $0x2000;
	s17 =	sadd.s32 s5, s17  }
0x134: {  	[tilespmem:s18], [sflag:$0x1] =	stream.linear.gather [hbm4b:s17+s3], $0x80, $0x38;
	[tilespmem:$0x4300] =	vst v63  }
0x135: {  	s18 =	spop (v2sf)  }
0x136: {  	s17 =	sand.u32 $0x1FFFFFF0, s18  }
0x137: {  	s18 =	simm.s32 $0x2080;
	s17 =	sadd.s32 s5, s17  }
0x138: {  	[tilespmem:s18], [sflag:$0x1] =	stream.linear.gather [hbm4b:s17+s3], $0x80, $0x38;
	[tilespmem:$0x4300] =	vst v63  }
0x139: {  	s18 =	spop (v2sf)  }
0x13a: {  	s17 =	sand.u32 $0x1FFFFFF0, s18  }
0x13b: {  	s18 =	simm.s32 $0x2100;
	s17 =	sadd.s32 s5, s17  }
0x13c: {  	[tilespmem:s18], [sflag:$0x1] =	stream.linear.gather [hbm4b:s17+s3], $0x80, $0x38;
	[tilespmem:$0x4300] =	vst v63  }
0x13d: {  	v16 =	vld.idx.msk [tilespmem:v4+s3+$0x0], $0xffff;
	_ =	sdelay $0x4  }
0x13e: {  	v16 =	vshll.u32 v16, $0x4  }
0x13f: {  	(v2sf) =	vpush v16, $0x0;
	_ =	sdelay $0x3  }
0x140: {  	(v2sf) =	vpush v16, $0x1;
	_ =	sdelay $0x3  }
0x141: {  	(v2sf) =	vpush v16, $0x2;
	_ =	sdelay $0x3  }
0x142: {  	(v2sf) =	vpush v16, $0x3;
	_ =	sdelay $0x2  }
0x143: {  	s18 =	spop (v2sf)  }
0x144: {  	(v2sf) =	vpush v16, $0x4;
	s17 =	sand.u32 $0x1FFFFFF0, s18  }
0x145: {  	s18 =	simm.s32 $0x2180;
	s17 =	sadd.s32 s5, s17  }
0x146: {  	[tilespmem:s18], [sflag:$0x2] =	stream.linear.gather [hbm4b:s17+s3], $0x80, $0x38;
	[tilespmem:$0x4300] =	vst v63  }
0x147: {  	s18 =	spop (v2sf)  }
0x148: {  	(v2sf) =	vpush v16, $0x5;
	s17 =	sand.u32 $0x1FFFFFF0, s18  }
0x149: {  	s18 =	simm.s32 $0x2200;
	s17 =	sadd.s32 s5, s17  }
0x14a: {  	[tilespmem:s18], [sflag:$0x2] =	stream.linear.gather [hbm4b:s17+s3], $0x80, $0x38;
	[tilespmem:$0x4300] =	vst v63  }
0x14b: {  	s18 =	spop (v2sf)  }
0x14c: {  	(v2sf) =	vpush v16, $0x6;
	s17 =	sand.u32 $0x1FFFFFF0, s18  }
0x14d: {  	s18 =	simm.s32 $0x2280;
	s17 =	sadd.s32 s5, s17  }
0x14e: {  	[tilespmem:s18], [sflag:$0x2] =	stream.linear.gather [hbm4b:s17+s3], $0x80, $0x38;
	[tilespmem:$0x4300] =	vst v63  }
0x14f: {  	s18 =	spop (v2sf)  }
0x150: {  	(v2sf) =	vpush v16, $0x7;
	s17 =	sand.u32 $0x1FFFFFF0, s18  }
0x151: {  	s18 =	simm.s32 $0x2300;
	s17 =	sadd.s32 s5, s17  }
0x152: {  	[tilespmem:s18], [sflag:$0x2] =	stream.linear.gather [hbm4b:s17+s3], $0x80, $0x38;
	[tilespmem:$0x4300] =	vst v63  }
0x153: {  	s18 =	spop (v2sf)  }
0x154: {  	(v2sf) =	vpush v16, $0x8;
	s17 =	sand.u32 $0x1FFFFFF0, s18  }
0x155: {  	s18 =	simm.s32 $0x2380;
	s17 =	sadd.s32 s5, s17  }
0x156: {  	[tilespmem:s18], [sflag:$0x2] =	stream.linear.gather [hbm4b:s17+s3], $0x80, $0x38;
	[tilespmem:$0x4300] =	vst v63  }
0x157: {  	s18 =	spop (v2sf)  }
0x158: {  	(v2sf) =	vpush v16, $0x9;
	s17 =	sand.u32 $0x1FFFFFF0, s18  }
0x159: {  	s18 =	simm.s32 $0x2400;
	s17 =	sadd.s32 s5, s17  }
0x15a: {  	[tilespmem:s18], [sflag:$0x2] =	stream.linear.gather [hbm4b:s17+s3], $0x80, $0x38;
	[tilespmem:$0x4300] =	vst v63  }
0x15b: {  	s18 =	spop (v2sf)  }
0x15c: {  	(v2sf) =	vpush v16, $0xA;
	s17 =	sand.u32 $0x1FFFFFF0, s18  }
0x15d: {  	s18 =	simm.s32 $0x2480;
	s17 =	sadd.s32 s5, s17  }
0x15e: {  	[tilespmem:s18], [sflag:$0x2] =	stream.linear.gather [hbm4b:s17+s3], $0x80, $0x38;
	[tilespmem:$0x4300] =	vst v63  }
0x15f: {  	s18 =	spop (v2sf)  }
0x160: {  	(v2sf) =	vpush v16, $0xB;
	s17 =	sand.u32 $0x1FFFFFF0, s18  }
0x161: {  	s18 =	simm.s32 $0x2500;
	s17 =	sadd.s32 s5, s17  }
0x162: {  	[tilespmem:s18], [sflag:$0x2] =	stream.linear.gather [hbm4b:s17+s3], $0x80, $0x38;
	[tilespmem:$0x4300] =	vst v63  }
0x163: {  	s18 =	spop (v2sf)  }
0x164: {  	(v2sf) =	vpush v16, $0xC;
	s17 =	sand.u32 $0x1FFFFFF0, s18  }
0x165: {  	s18 =	simm.s32 $0x2580;
	s17 =	sadd.s32 s5, s17  }
0x166: {  	[tilespmem:s18], [sflag:$0x2] =	stream.linear.gather [hbm4b:s17+s3], $0x80, $0x38;
	[tilespmem:$0x4300] =	vst v63  }
0x167: {  	s18 =	spop (v2sf)  }
0x168: {  	(v2sf) =	vpush v16, $0xD;
	s17 =	sand.u32 $0x1FFFFFF0, s18  }
0x169: {  	s18 =	simm.s32 $0x2600;
	s17 =	sadd.s32 s5, s17  }
0x16a: {  	[tilespmem:s18], [sflag:$0x2] =	stream.linear.gather [hbm4b:s17+s3], $0x80, $0x38;
	[tilespmem:$0x4300] =	vst v63  }
0x16b: {  	s18 =	spop (v2sf)  }
0x16c: {  	(v2sf) =	vpush v16, $0xE;
	s17 =	sand.u32 $0x1FFFFFF0, s18  }
0x16d: {  	s18 =	simm.s32 $0x2680;
	s17 =	sadd.s32 s5, s17  }
0x16e: {  	[tilespmem:s18], [sflag:$0x2] =	stream.linear.gather [hbm4b:s17+s3], $0x80, $0x38;
	[tilespmem:$0x4300] =	vst v63  }
0x16f: {  	s18 =	spop (v2sf)  }
0x170: {  	(v2sf) =	vpush v16, $0xF;
	s17 =	sand.u32 $0x1FFFFFF0, s18  }
0x171: {  	s18 =	simm.s32 $0x2700;
	s17 =	sadd.s32 s5, s17  }
0x172: {  	[tilespmem:s18], [sflag:$0x2] =	stream.linear.gather [hbm4b:s17+s3], $0x80, $0x38;
	[tilespmem:$0x4300] =	vst v63  }
0x173: {  	s18 =	spop (v2sf)  }
0x174: {  	s17 =	sand.u32 $0x1FFFFFF0, s18  }
0x175: {  	s18 =	simm.s32 $0x2780;
	s17 =	sadd.s32 s5, s17  }
0x176: {  	[tilespmem:s18], [sflag:$0x2] =	stream.linear.gather [hbm4b:s17+s3], $0x80, $0x38;
	[tilespmem:$0x4300] =	vst v63  }
0x177: {  	s18 =	spop (v2sf)  }
0x178: {  	s17 =	sand.u32 $0x1FFFFFF0, s18  }
0x179: {  	s18 =	simm.s32 $0x2800;
	s17 =	sadd.s32 s5, s17  }
0x17a: {  	[tilespmem:s18], [sflag:$0x2] =	stream.linear.gather [hbm4b:s17+s3], $0x80, $0x38;
	[tilespmem:$0x4300] =	vst v63  }
0x17b: {  	s18 =	spop (v2sf)  }
0x17c: {  	s17 =	sand.u32 $0x1FFFFFF0, s18  }
0x17d: {  	s18 =	simm.s32 $0x2880;
	s17 =	sadd.s32 s5, s17  }
0x17e: {  	[tilespmem:s18], [sflag:$0x2] =	stream.linear.gather [hbm4b:s17+s3], $0x80, $0x38;
	[tilespmem:$0x4300] =	vst v63  }
0x17f: {  	s18 =	spop (v2sf)  }
0x180: {  	s17 =	sand.u32 $0x1FFFFFF0, s18  }
0x181: {  	s18 =	simm.s32 $0x2900;
	s17 =	sadd.s32 s5, s17  }
0x182: {  	[tilespmem:s18], [sflag:$0x2] =	stream.linear.gather [hbm4b:s17+s3], $0x80, $0x38;
	[tilespmem:$0x4300] =	vst v63  }
0x183: {  	v16 =	vld.idx.msk [tilespmem:v5+s3+$0x0], $0xffff;
	_ =	sdelay $0x4  }
0x184: {  	v16 =	vshll.u32 v16, $0x4  }
0x185: {  	(v2sf) =	vpush v16, $0x0;
	_ =	sdelay $0x3  }
0x186: {  	(v2sf) =	vpush v16, $0x1;
	_ =	sdelay $0x3  }
0x187: {  	(v2sf) =	vpush v16, $0x2;
	_ =	sdelay $0x3  }
0x188: {  	(v2sf) =	vpush v16, $0x3;
	_ =	sdelay $0x2  }
0x189: {  	s18 =	spop (v2sf)  }
0x18a: {  	(v2sf) =	vpush v16, $0x4;
	s17 =	sand.u32 $0x1FFFFFF0, s18  }
0x18b: {  	s18 =	simm.s32 $0x2980;
	s17 =	sadd.s32 s5, s17  }
0x18c: {  	[tilespmem:s18], [sflag:$0x2] =	stream.linear.gather [hbm4b:s17+s3], $0x80, $0x38;
	[tilespmem:$0x4300] =	vst v63  }
0x18d: {  	s18 =	spop (v2sf)  }
0x18e: {  	(v2sf) =	vpush v16, $0x5;
	s17 =	sand.u32 $0x1FFFFFF0, s18  }
0x18f: {  	s18 =	simm.s32 $0x2A00;
	s17 =	sadd.s32 s5, s17  }
0x190: {  	[tilespmem:s18], [sflag:$0x2] =	stream.linear.gather [hbm4b:s17+s3], $0x80, $0x38;
	[tilespmem:$0x4300] =	vst v63  }
0x191: {  	s18 =	spop (v2sf)  }
0x192: {  	(v2sf) =	vpush v16, $0x6;
	s17 =	sand.u32 $0x1FFFFFF0, s18  }
0x193: {  	s18 =	simm.s32 $0x2A80;
	s17 =	sadd.s32 s5, s17  }
0x194: {  	[tilespmem:s18], [sflag:$0x2] =	stream.linear.gather [hbm4b:s17+s3], $0x80, $0x38;
	[tilespmem:$0x4300] =	vst v63  }
0x195: {  	s18 =	spop (v2sf)  }
0x196: {  	(v2sf) =	vpush v16, $0x7;
	s17 =	sand.u32 $0x1FFFFFF0, s18  }
0x197: {  	s18 =	simm.s32 $0x2B00;
	s17 =	sadd.s32 s5, s17  }
0x198: {  	[tilespmem:s18], [sflag:$0x2] =	stream.linear.gather [hbm4b:s17+s3], $0x80, $0x38;
	[tilespmem:$0x4300] =	vst v63  }
0x199: {  	s18 =	spop (v2sf)  }
0x19a: {  	(v2sf) =	vpush v16, $0x8;
	s17 =	sand.u32 $0x1FFFFFF0, s18  }
0x19b: {  	s18 =	simm.s32 $0x2B80;
	s17 =	sadd.s32 s5, s17  }
0x19c: {  	[tilespmem:s18], [sflag:$0x2] =	stream.linear.gather [hbm4b:s17+s3], $0x80, $0x38;
	[tilespmem:$0x4300] =	vst v63  }
0x19d: {  	s18 =	spop (v2sf)  }
0x19e: {  	(v2sf) =	vpush v16, $0x9;
	s17 =	sand.u32 $0x1FFFFFF0, s18  }
0x19f: {  	s18 =	simm.s32 $0x2C00;
	s17 =	sadd.s32 s5, s17  }
0x1a0: {  	[tilespmem:s18], [sflag:$0x2] =	stream.linear.gather [hbm4b:s17+s3], $0x80, $0x38;
	[tilespmem:$0x4300] =	vst v63  }
0x1a1: {  	s18 =	spop (v2sf)  }
0x1a2: {  	(v2sf) =	vpush v16, $0xA;
	s17 =	sand.u32 $0x1FFFFFF0, s18  }
0x1a3: {  	s18 =	simm.s32 $0x2C80;
	s17 =	sadd.s32 s5, s17  }
0x1a4: {  	[tilespmem:s18], [sflag:$0x2] =	stream.linear.gather [hbm4b:s17+s3], $0x80, $0x38;
	[tilespmem:$0x4300] =	vst v63  }
0x1a5: {  	s18 =	spop (v2sf)  }
0x1a6: {  	(v2sf) =	vpush v16, $0xB;
	s17 =	sand.u32 $0x1FFFFFF0, s18  }
0x1a7: {  	s18 =	simm.s32 $0x2D00;
	s17 =	sadd.s32 s5, s17  }
0x1a8: {  	[tilespmem:s18], [sflag:$0x2] =	stream.linear.gather [hbm4b:s17+s3], $0x80, $0x38;
	[tilespmem:$0x4300] =	vst v63  }
0x1a9: {  	s18 =	spop (v2sf)  }
0x1aa: {  	(v2sf) =	vpush v16, $0xC;
	s17 =	sand.u32 $0x1FFFFFF0, s18  }
0x1ab: {  	s18 =	simm.s32 $0x2D80;
	s17 =	sadd.s32 s5, s17  }
0x1ac: {  	[tilespmem:s18], [sflag:$0x2] =	stream.linear.gather [hbm4b:s17+s3], $0x80, $0x38;
	[tilespmem:$0x4300] =	vst v63  }
0x1ad: {  	s18 =	spop (v2sf)  }
0x1ae: {  	(v2sf) =	vpush v16, $0xD;
	s17 =	sand.u32 $0x1FFFFFF0, s18  }
0x1af: {  	s18 =	simm.s32 $0x2E00;
	s17 =	sadd.s32 s5, s17  }
0x1b0: {  	[tilespmem:s18], [sflag:$0x2] =	stream.linear.gather [hbm4b:s17+s3], $0x80, $0x38;
	[tilespmem:$0x4300] =	vst v63  }
0x1b1: {  	s18 =	spop (v2sf)  }
0x1b2: {  	(v2sf) =	vpush v16, $0xE;
	s17 =	sand.u32 $0x1FFFFFF0, s18  }
0x1b3: {  	s18 =	simm.s32 $0x2E80;
	s17 =	sadd.s32 s5, s17  }
0x1b4: {  	[tilespmem:s18], [sflag:$0x2] =	stream.linear.gather [hbm4b:s17+s3], $0x80, $0x38;
	[tilespmem:$0x4300] =	vst v63  }
0x1b5: {  	s18 =	spop (v2sf)  }
0x1b6: {  	(v2sf) =	vpush v16, $0xF;
	s17 =	sand.u32 $0x1FFFFFF0, s18  }
0x1b7: {  	s18 =	simm.s32 $0x2F00;
	s17 =	sadd.s32 s5, s17  }
0x1b8: {  	[tilespmem:s18], [sflag:$0x2] =	stream.linear.gather [hbm4b:s17+s3], $0x80, $0x38;
	[tilespmem:$0x4300] =	vst v63  }
0x1b9: {  	s18 =	spop (v2sf)  }
0x1ba: {  	s17 =	sand.u32 $0x1FFFFFF0, s18  }
0x1bb: {  	s18 =	simm.s32 $0x2F80;
	s17 =	sadd.s32 s5, s17  }
0x1bc: {  	[tilespmem:s18], [sflag:$0x2] =	stream.linear.gather [hbm4b:s17+s3], $0x80, $0x38;
	[tilespmem:$0x4300] =	vst v63  }
0x1bd: {  	s18 =	spop (v2sf)  }
0x1be: {  	s17 =	sand.u32 $0x1FFFFFF0, s18  }
0x1bf: {  	s18 =	simm.s32 $0x3000;
	s17 =	sadd.s32 s5, s17  }
0x1c0: {  	[tilespmem:s18], [sflag:$0x2] =	stream.linear.gather [hbm4b:s17+s3], $0x80, $0x38;
	[tilespmem:$0x4300] =	vst v63  }
0x1c1: {  	s18 =	spop (v2sf)  }
0x1c2: {  	s17 =	sand.u32 $0x1FFFFFF0, s18  }
0x1c3: {  	s18 =	simm.s32 $0x3080;
	s17 =	sadd.s32 s5, s17  }
0x1c4: {  	[tilespmem:s18], [sflag:$0x2] =	stream.linear.gather [hbm4b:s17+s3], $0x80, $0x38;
	[tilespmem:$0x4300] =	vst v63  }
0x1c5: {  	s18 =	spop (v2sf)  }
0x1c6: {  	s17 =	sand.u32 $0x1FFFFFF0, s18  }
0x1c7: {  	s18 =	simm.s32 $0x3100;
	s17 =	sadd.s32 s5, s17  }
0x1c8: {  	[tilespmem:s18], [sflag:$0x2] =	stream.linear.gather [hbm4b:s17+s3], $0x80, $0x38;
	[tilespmem:$0x4300] =	vst v63  }
0x1c9: {  	v16 =	vld.idx.msk [tilespmem:v6+s3+$0x0], $0xffff;
	_ =	sdelay $0x4  }
0x1ca: {  	v16 =	vshll.u32 v16, $0x4  }
0x1cb: {  	(v2sf) =	vpush v16, $0x0;
	_ =	sdelay $0x3  }
0x1cc: {  	(v2sf) =	vpush v16, $0x1;
	_ =	sdelay $0x3  }
0x1cd: {  	(v2sf) =	vpush v16, $0x2;
	_ =	sdelay $0x3  }
0x1ce: {  	(v2sf) =	vpush v16, $0x3;
	_ =	sdelay $0x2  }
0x1cf: {  	s18 =	spop (v2sf)  }
0x1d0: {  	(v2sf) =	vpush v16, $0x4;
	s17 =	sand.u32 $0x1FFFFFF0, s18  }
0x1d1: {  	s18 =	simm.s32 $0x3180;
	s17 =	sadd.s32 s5, s17  }
0x1d2: {  	[tilespmem:s18], [sflag:$0x2] =	stream.linear.gather [hbm4b:s17+s3], $0x80, $0x38;
	[tilespmem:$0x4300] =	vst v63  }
0x1d3: {  	s18 =	spop (v2sf)  }
0x1d4: {  	(v2sf) =	vpush v16, $0x5;
	s17 =	sand.u32 $0x1FFFFFF0, s18  }
0x1d5: {  	s18 =	simm.s32 $0x3200;
	s17 =	sadd.s32 s5, s17  }
0x1d6: {  	[tilespmem:s18], [sflag:$0x2] =	stream.linear.gather [hbm4b:s17+s3], $0x80, $0x38;
	[tilespmem:$0x4300] =	vst v63  }
0x1d7: {  	s18 =	spop (v2sf)  }
0x1d8: {  	(v2sf) =	vpush v16, $0x6;
	s17 =	sand.u32 $0x1FFFFFF0, s18  }
0x1d9: {  	s18 =	simm.s32 $0x3280;
	s17 =	sadd.s32 s5, s17  }
0x1da: {  	[tilespmem:s18], [sflag:$0x2] =	stream.linear.gather [hbm4b:s17+s3], $0x80, $0x38;
	[tilespmem:$0x4300] =	vst v63  }
0x1db: {  	s18 =	spop (v2sf)  }
0x1dc: {  	(v2sf) =	vpush v16, $0x7;
	s17 =	sand.u32 $0x1FFFFFF0, s18  }
0x1dd: {  	s18 =	simm.s32 $0x3300;
	s17 =	sadd.s32 s5, s17  }
0x1de: {  	[tilespmem:s18], [sflag:$0x2] =	stream.linear.gather [hbm4b:s17+s3], $0x80, $0x38;
	[tilespmem:$0x4300] =	vst v63  }
0x1df: {  	s18 =	spop (v2sf)  }
0x1e0: {  	(v2sf) =	vpush v16, $0x8;
	s17 =	sand.u32 $0x1FFFFFF0, s18  }
0x1e1: {  	s18 =	simm.s32 $0x3380;
	s17 =	sadd.s32 s5, s17  }
0x1e2: {  	[tilespmem:s18], [sflag:$0x2] =	stream.linear.gather [hbm4b:s17+s3], $0x80, $0x38;
	[tilespmem:$0x4300] =	vst v63  }
0x1e3: {  	s18 =	spop (v2sf)  }
0x1e4: {  	(v2sf) =	vpush v16, $0x9;
	s17 =	sand.u32 $0x1FFFFFF0, s18  }
0x1e5: {  	s18 =	simm.s32 $0x3400;
	s17 =	sadd.s32 s5, s17  }
0x1e6: {  	[tilespmem:s18], [sflag:$0x2] =	stream.linear.gather [hbm4b:s17+s3], $0x80, $0x38;
	[tilespmem:$0x4300] =	vst v63  }
0x1e7: {  	s18 =	spop (v2sf)  }
0x1e8: {  	(v2sf) =	vpush v16, $0xA;
	s17 =	sand.u32 $0x1FFFFFF0, s18  }
0x1e9: {  	s18 =	simm.s32 $0x3480;
	s17 =	sadd.s32 s5, s17  }
0x1ea: {  	[tilespmem:s18], [sflag:$0x2] =	stream.linear.gather [hbm4b:s17+s3], $0x80, $0x38;
	[tilespmem:$0x4300] =	vst v63  }
0x1eb: {  	s18 =	spop (v2sf)  }
0x1ec: {  	(v2sf) =	vpush v16, $0xB;
	s17 =	sand.u32 $0x1FFFFFF0, s18  }
0x1ed: {  	s18 =	simm.s32 $0x3500;
	s17 =	sadd.s32 s5, s17  }
0x1ee: {  	[tilespmem:s18], [sflag:$0x2] =	stream.linear.gather [hbm4b:s17+s3], $0x80, $0x38;
	[tilespmem:$0x4300] =	vst v63  }
0x1ef: {  	s18 =	spop (v2sf)  }
0x1f0: {  	(v2sf) =	vpush v16, $0xC;
	s17 =	sand.u32 $0x1FFFFFF0, s18  }
0x1f1: {  	s18 =	simm.s32 $0x3580;
	s17 =	sadd.s32 s5, s17  }
0x1f2: {  	[tilespmem:s18], [sflag:$0x2] =	stream.linear.gather [hbm4b:s17+s3], $0x80, $0x38;
	[tilespmem:$0x4300] =	vst v63  }
0x1f3: {  	s18 =	spop (v2sf)  }
0x1f4: {  	(v2sf) =	vpush v16, $0xD;
	s17 =	sand.u32 $0x1FFFFFF0, s18  }
0x1f5: {  	s18 =	simm.s32 $0x3600;
	s17 =	sadd.s32 s5, s17  }
0x1f6: {  	[tilespmem:s18], [sflag:$0x2] =	stream.linear.gather [hbm4b:s17+s3], $0x80, $0x38;
	[tilespmem:$0x4300] =	vst v63  }
0x1f7: {  	s18 =	spop (v2sf)  }
0x1f8: {  	(v2sf) =	vpush v16, $0xE;
	s17 =	sand.u32 $0x1FFFFFF0, s18  }
0x1f9: {  	s18 =	simm.s32 $0x3680;
	s17 =	sadd.s32 s5, s17  }
0x1fa: {  	[tilespmem:s18], [sflag:$0x2] =	stream.linear.gather [hbm4b:s17+s3], $0x80, $0x38;
	[tilespmem:$0x4300] =	vst v63  }
0x1fb: {  	s18 =	spop (v2sf)  }
0x1fc: {  	(v2sf) =	vpush v16, $0xF;
	s17 =	sand.u32 $0x1FFFFFF0, s18  }
0x1fd: {  	s18 =	simm.s32 $0x3700;
	s17 =	sadd.s32 s5, s17  }
0x1fe: {  	[tilespmem:s18], [sflag:$0x2] =	stream.linear.gather [hbm4b:s17+s3], $0x80, $0x38;
	[tilespmem:$0x4300] =	vst v63  }
0x1ff: {  	s18 =	spop (v2sf)  }
0x200: {  	s17 =	sand.u32 $0x1FFFFFF0, s18  }
0x201: {  	s18 =	simm.s32 $0x3780;
	s17 =	sadd.s32 s5, s17  }
0x202: {  	[tilespmem:s18], [sflag:$0x2] =	stream.linear.gather [hbm4b:s17+s3], $0x80, $0x38;
	[tilespmem:$0x4300] =	vst v63  }
0x203: {  	s18 =	spop (v2sf)  }
0x204: {  	s17 =	sand.u32 $0x1FFFFFF0, s18  }
0x205: {  	s18 =	simm.s32 $0x3800;
	s17 =	sadd.s32 s5, s17  }
0x206: {  	[tilespmem:s18], [sflag:$0x2] =	stream.linear.gather [hbm4b:s17+s3], $0x80, $0x38;
	[tilespmem:$0x4300] =	vst v63  }
0x207: {  	s18 =	spop (v2sf)  }
0x208: {  	s17 =	sand.u32 $0x1FFFFFF0, s18  }
0x209: {  	s18 =	simm.s32 $0x3880;
	s17 =	sadd.s32 s5, s17  }
0x20a: {  	[tilespmem:s18], [sflag:$0x2] =	stream.linear.gather [hbm4b:s17+s3], $0x80, $0x38;
	[tilespmem:$0x4300] =	vst v63  }
0x20b: {  	s18 =	spop (v2sf)  }
0x20c: {  	s17 =	sand.u32 $0x1FFFFFF0, s18  }
0x20d: {  	s18 =	simm.s32 $0x3900;
	s17 =	sadd.s32 s5, s17  }
0x20e: {  	[tilespmem:s18], [sflag:$0x2] =	stream.linear.gather [hbm4b:s17+s3], $0x80, $0x38;
	[tilespmem:$0x4300] =	vst v63  }
0x20f: {  	v16 =	vld.idx.msk [tilespmem:v7+s3+$0x0], $0xffff;
	_ =	sdelay $0x4  }
0x210: {  	v16 =	vshll.u32 v16, $0x4  }
0x211: {  	(v2sf) =	vpush v16, $0x0;
	_ =	sdelay $0x3  }
0x212: {  	(v2sf) =	vpush v16, $0x1;
	_ =	sdelay $0x3  }
0x213: {  	(v2sf) =	vpush v16, $0x2;
	_ =	sdelay $0x1  }
0x214: {  	(v2sf) =	vpush v16, $0x3;
	_ =	sdelay $0x4  }
0x215: {  	s18 =	spop (v2sf);
	(v2sf) =	vpush v16, $0x4  }
0x216: {  	s17 =	sand.u32 $0x1FFFFFF0, s18  }
0x217: {  	s18 =	simm.s32 $0x3980;
	s17 =	sadd.s32 s5, s17  }
0x218: {  	[tilespmem:s18], [sflag:$0x2] =	stream.linear.gather [hbm4b:s17+s3], $0x80, $0x38;
	[tilespmem:$0x4300] =	vst v63  }
0x219: {  	s18 =	spop (v2sf);
	(v2sf) =	vpush v16, $0x5  }
0x21a: {  	s17 =	sand.u32 $0x1FFFFFF0, s18  }
0x21b: {  	s18 =	simm.s32 $0x3A00;
	s17 =	sadd.s32 s5, s17  }
0x21c: {  	[tilespmem:s18], [sflag:$0x2] =	stream.linear.gather [hbm4b:s17+s3], $0x80, $0x38;
	[tilespmem:$0x4300] =	vst v63  }
0x21d: {  	s18 =	spop (v2sf);
	(v2sf) =	vpush v16, $0x6  }
0x21e: {  	s17 =	sand.u32 $0x1FFFFFF0, s18  }
0x21f: {  	s18 =	spop (v2sf);
	(v2sf) =	vpush v16, $0x7;
	s17 =	sadd.s32 s5, s17  }
0x220: {  	[tilespmem:s19], [sflag:$0x2] =	stream.linear.gather [hbm4b:s17+s3], $0x80, $0x38;
	[tilespmem:$0x4300] =	vst v63  }
0x221: {  	s17 =	sand.u32 $0x1FFFFFF0, s18  }
0x222: {  	s17 =	sadd.s32 s5, s17  }
0x223: {  	[tilespmem:s20], [sflag:$0x2] =	stream.linear.gather [hbm4b:s17+s3], $0x80, $0x38;
	[tilespmem:$0x4300] =	vst v63  }
0x224: {  	s18 =	spop (v2sf);
	(v2sf) =	vpush v16, $0x8  }
0x225: {  	s17 =	sand.u32 $0x1FFFFFF0, s18  }
0x226: {  	s17 =	sadd.s32 s5, s17  }
0x227: {  	[tilespmem:s21], [sflag:$0x2] =	stream.linear.gather [hbm4b:s17+s3], $0x80, $0x38;
	[tilespmem:$0x4300] =	vst v63  }
0x228: {  	s18 =	spop (v2sf);
	(v2sf) =	vpush v16, $0x9  }
0x229: {  	s17 =	sand.u32 $0x1FFFFFF0, s18  }
0x22a: {  	s17 =	sadd.s32 s5, s17  }
0x22b: {  	[tilespmem:s22], [sflag:$0x2] =	stream.linear.gather [hbm4b:s17+s3], $0x80, $0x38;
	[tilespmem:$0x4300] =	vst v63  }
0x22c: {  	s18 =	spop (v2sf);
	(v2sf) =	vpush v16, $0xA  }
0x22d: {  	s17 =	sand.u32 $0x1FFFFFF0, s18  }
0x22e: {  	s18 =	spop (v2sf);
	(v2sf) =	vpush v16, $0xB;
	s17 =	sadd.s32 s5, s17  }
0x22f: {  	[tilespmem:s23], [sflag:$0x2] =	stream.linear.gather [hbm4b:s17+s3], $0x80, $0x38;
	[tilespmem:$0x4300] =	vst v63  }
0x230: {  	s17 =	sand.u32 $0x1FFFFFF0, s18  }
0x231: {  	s17 =	sadd.s32 s5, s17  }
0x232: {  	[tilespmem:s24], [sflag:$0x2] =	stream.linear.gather [hbm4b:s17+s3], $0x80, $0x38;
	[tilespmem:$0x4300] =	vst v63  }
0x233: {  	s18 =	spop (v2sf);
	(v2sf) =	vpush v16, $0xC  }
0x234: {  	s17 =	sand.u32 $0x1FFFFFF0, s18  }
0x235: {  	s17 =	sadd.s32 s5, s17  }
0x236: {  	[tilespmem:s25], [sflag:$0x2] =	stream.linear.gather [hbm4b:s17+s3], $0x80, $0x38;
	[tilespmem:$0x4300] =	vst v63  }
0x237: {  	s18 =	spop (v2sf);
	(v2sf) =	vpush v16, $0xD  }
0x238: {  	s17 =	sand.u32 $0x1FFFFFF0, s18  }
0x239: {  	s17 =	sadd.s32 s5, s17  }
0x23a: {  	[tilespmem:s26], [sflag:$0x2] =	stream.linear.gather [hbm4b:s17+s3], $0x80, $0x38;
	[tilespmem:$0x4300] =	vst v63  }
0x23b: {  	s18 =	spop (v2sf);
	(v2sf) =	vpush v16, $0xE  }
0x23c: {  	s17 =	sand.u32 $0x1FFFFFF0, s18  }
0x23d: {  	s18 =	spop (v2sf);
	(v2sf) =	vpush v16, $0xF;
	s17 =	sadd.s32 s5, s17  }
0x23e: {  	[tilespmem:s28], [sflag:$0x2] =	stream.linear.gather [hbm4b:s17+s3], $0x80, $0x38;
	[tilespmem:$0x4300] =	vst v63  }
0x23f: {  	s17 =	sand.u32 $0x1FFFFFF0, s18  }
0x240: {  	s17 =	sadd.s32 s5, s17  }
0x241: {  	[tilespmem:s29], [sflag:$0x2] =	stream.linear.gather [hbm4b:s17+s3], $0x80, $0x38;
	[tilespmem:$0x4300] =	vst v63  }
0x242: {  	s18 =	spop (v2sf)  }
0x243: {  	s17 =	sand.u32 $0x1FFFFFF0, s18  }
0x244: {  	s17 =	sadd.s32 s5, s17  }
0x245: {  	[tilespmem:s30], [sflag:$0x2] =	stream.linear.gather [hbm4b:s17+s3], $0x80, $0x38;
	[tilespmem:$0x4300] =	vst v63  }
0x246: {  	s18 =	spop (v2sf)  }
0x247: {  	s17 =	sand.u32 $0x1FFFFFF0, s18  }
0x248: {  	s17 =	sadd.s32 s5, s17  }
0x249: {  	[tilespmem:s31], [sflag:$0x2] =	stream.linear.gather [hbm4b:s17+s3], $0x80, $0x38;
	[tilespmem:$0x4300] =	vst v63  }
0x24a: {  	s18 =	spop (v2sf)  }
0x24b: {  	s17 =	sand.u32 $0x1FFFFFF0, s18  }
0x24c: {  	s18 =	spop (v2sf);
	s17 =	sadd.s32 s5, s17  }
0x24d: {  	[tilespmem:s0], [sflag:$0x2] =	stream.linear.gather [hbm4b:s17+s3], $0x80, $0x38;
	[tilespmem:$0x4300] =	vst v63  }
0x24e: {  	s17 =	sand.u32 $0x1FFFFFF0, s18  }
0x24f: {  	s17 =	sadd.s32 s5, s17  }
0x250: {  	[tilespmem:s2], [sflag:$0x2] =	stream.linear.gather [hbm4b:s17+s3], $0x80, $0x38;
	[tilespmem:$0x4300] =	vst v63  }
0x251: {  	_ =	swait.ge [sflag:s12], $0x80  }
0x252: {  	[sflag:s12] =	ssyncset.done $0x0  }
0x253: {  	[sflag:s12] =	ssyncadd.s32 $0xFFFFFF80  }
0x254: {  	v16 =	vld [tilespmem:$0x4180]  }
0x255: {  	v17 =	vld [tilespmem:$0x4190];
	_ =	sdelay $0x1  }
0x256: {  	v18 =	vld [tilespmem:$0x41A0];
	_ =	sdelay $0x1  }
0x257: {  	v19 =	vld [tilespmem:$0x41B0]  }
0x258: {  	v20 =	vmul.f32 v16, v16;
	v21 =	vmul.f32 v17, v17;
	_ =	sdelay $0x1  }
0x259: {  	v20 =	vadd.f32 v21, v20;
	v21 =	vmul.f32 v18, v18;
	_ =	sdelay $0x1  }
0x25a: {  	v20 =	vadd.f32 v21, v20;
	v21 =	vmul.f32 v19, v19;
	_ =	sdelay $0x1  }
0x25b: {  	v20 =	vadd.f32 v21, v20;
	_ =	sdelay $0x1  }
0x25c: {  	[tilespmem:$0x4200] =	vst v20  }
0x25d: {  	v21 =	vld.idx.msk [tilespmem:v8+s10+$0x0], $0xffff;
	_ =	sdelay $0x4  }
0x25e: {  	v20 =	vadd.f32 v21, v20;
	_ =	sdelay $0x1  }
0x25f: {  	[tilespmem:$0x4200] =	vst v20  }
0x260: {  	v21 =	vld.idx.msk [tilespmem:v10+s10+$0x0], $0xffff;
	_ =	sdelay $0x4  }
0x261: {  	v20 =	vadd.f32 v21, v20;
	_ =	sdelay $0x1  }
0x262: {  	[tilespmem:$0x4200] =	vst v20  }
0x263: {  	v21 =	vld.idx.msk [tilespmem:v11+s10+$0x0], $0xffff;
	_ =	sdelay $0x4  }
0x264: {  	v20 =	vadd.f32 v21, v20;
	_ =	sdelay $0x1  }
0x265: {  	[tilespmem:$0x4200] =	vst v20  }
0x266: {  	v21 =	vld.idx.msk [tilespmem:v12+s10+$0x0], $0xffff;
	_ =	sdelay $0x4  }
0x267: {  	v20 =	vadd.f32 v21, v20;
	_ =	sdelay $0x1  }
0x268: {  	v20 =	vmax.f32 v20, $9.999999960e-13  }
0x269: {  	v21 =	vshra.s32 v20, $0x1;
	v20 =	vmul.f32 $5.000000000e-01, v20  }
0x26a: {  	v21 =	vsub.s32 $0x5F3759DF, v21  }
0x26b: {  	v22 =	vmul.f32 v21, v20;
	_ =	sdelay $0x1  }
0x26c: {  	v22 =	vmul.f32 v21, v22;
	_ =	sdelay $0x1  }
0x26d: {  	v22 =	vsub.f32 $1.500000000e+00, v22;
	_ =	sdelay $0x1  }
0x26e: {  	v21 =	vmul.f32 v21, v22;
	_ =	sdelay $0x1  }
0x26f: {  	v22 =	vmul.f32 v21, v20;
	_ =	sdelay $0x1  }
0x270: {  	v22 =	vmul.f32 v22, v21;
	_ =	sdelay $0x1  }
0x271: {  	v22 =	vsub.f32 $1.500000000e+00, v22;
	_ =	sdelay $0x1  }
0x272: {  	v21 =	vmul.f32 v22, v21;
	_ =	sdelay $0x1  }
0x273: {  	v20 =	vmul.f32 v21, v20;
	_ =	sdelay $0x1  }
0x274: {  	v20 =	vmul.f32 v20, v21;
	_ =	sdelay $0x1  }
0x275: {  	v20 =	vsub.f32 $1.500000000e+00, v20;
	_ =	sdelay $0x1  }
0x276: {  	v20 =	vmul.f32 v20, v21;
	_ =	sdelay $0x1  }
0x277: {  	v16 =	vmul.f32 v20, v16  }
0x278: {  	v17 =	vmul.f32 v20, v17  }
0x279: {  	[tilespmem:$0x4200] =	vst v16;
	v16 =	vmul.f32 v20, v18  }
0x27a: {  	[tilespmem:$0x4210] =	vst v17;
	v17 =	vmul.f32 v20, v19  }
0x27b: {  	[tilespmem:$0x4220] =	vst v16  }
0x27c: {  	[tilespmem:$0x4230] =	vst v17  }
0x27d: {  	v27 =	vimm.f32 $0.0e+00;
	v28 =	vimm.f32 $0.0e+00;
	v29 =	vimm.f32 $0.0e+00;
	_ =	swait.ge [sflag:s1], $0x2000  }
0x27e: {  	v30 =	vimm.f32 $0.0e+00;
	v23 =	vimm.f32 $0.0e+00;
	v24 =	vimm.f32 $0.0e+00;
	[sflag:s1] =	ssyncset.done $0x0  }
0x27f: {  	v25 =	vimm.f32 $0.0e+00;
	v26 =	vimm.f32 $0.0e+00;
	s17 =	simm.s32 $0x8;
	v16 =	vimm.s32 $0x0;
	[sflag:s1] =	ssyncadd.s32 $0xFFFFE000  }
.LBB2_2:
0x280: {  	v21 =	vand.u32 $0xFFFFFF80, v16  }
0x281: {  	v22 =	vand.u32 $0x78, v16;
	v20 =	vadd.s32 v9, v21  }
0x282: {  	v19 =	vadd.s32 v13, v21;
	v31 =	vor.u32 v22, v20  }
0x283: {  	v17 =	vadd.s32 v14, v21;
	v32 =	vor.u32 v22, v19  }
0x284: {  	v18 =	vadd.s32 v15, v21;
	v34 =	vor.u32 v22, v17  }
0x285: {  	v36 =	vor.u32 $0x1, v22;
	v35 =	vor.u32 v22, v18  }
0x286: {  	v33 =	vld.idx.msk [tilespmem:v16+s10+$0x0], $0xffff;
	v37 =	vor.u32 v21, v36  }
0x287: {  	v38 =	vor.u32 v36, v20;
	v31 =	vld.idx.msk [tilespmem:v31+s14+$0x0], $0xffff  }
0x288: {  	v40 =	vor.u32 v36, v19;
	v32 =	vld.idx.msk [tilespmem:v32+s14+$0x0], $0xffff  }
0x289: {  	v34 =	vld.idx.msk [tilespmem:v34+s14+$0x0], $0xffff  }
0x28a: {  	v42 =	vor.u32 $0x2, v22;
	v35 =	vld.idx.msk [tilespmem:v35+s14+$0x0], $0xffff  }
0x28b: {  	v61 =	vor.u32 v42, v18;
	v37 =	vld.idx.msk [tilespmem:v37+s10+$0x0], $0xffff  }
0x28c: {  	v62 =	vor.u32 $0x3, v22;
	v38 =	vld.idx.msk [tilespmem:v38+s14+$0x0], $0xffff  }
0x28d: {  	v51 =	vor.u32 v36, v17;
	v36 =	vor.u32 v36, v18;
	v43 =	vor.u32 v42, v20;
	v40 =	vld.idx.msk [tilespmem:v40+s14+$0x0], $0xffff  }
0x28e: {  	v52 =	vor.u32 v21, v42;
	v60 =	vor.u32 v42, v17;
	v39 =	vmul.f32 v31, v33  }
0x28f: {  	v56 =	vor.u32 v42, v19;
	v31 =	vmul.f32 v31, v31;
	v41 =	vmul.f32 v32, v33  }
0x290: {  	v63 =	vor.u32 v21, v62;
	v49 =	vld.idx.msk [tilespmem:v61+s14+$0x0], $0xffff;
	v53 =	vmul.f32 v34, v33;
	v33 =	vmul.f32 v35, v33  }
0x291: {  	v46 =	vor.u32 v62, v20;
	v54 =	vmul.f32 v35, v35;
	v55 =	vmul.f32 v38, v37  }
0x292: {  	v47 =	vor.u32 v62, v19;
	v59 =	vld.idx.msk [tilespmem:v43+s14+$0x0], $0xffff;
	v57 =	vmul.f32 v38, v38;
	v58 =	vmul.f32 v40, v37  }
0x293: {  	v40 =	vmul.f32 v40, v40;
	v38 =	vld.idx.msk [tilespmem:v60+s14+$0x0], $0xffff;
	v26 =	vadd.f32 v39, v26;
	v30 =	vadd.f32 v31, v30  }
0x294: {  	v31 =	vmul.f32 v32, v32;
	v25 =	vadd.f32 v41, v25;
	v24 =	vadd.f32 v53, v24;
	v39 =	vld.idx.msk [tilespmem:v51+s14+$0x0], $0xffff  }
0x295: {  	v61 =	vmul.f32 v49, v49;
	v23 =	vadd.f32 v33, v23;
	v27 =	vadd.f32 v54, v27;
	v32 =	vld.idx.msk [tilespmem:v52+s10+$0x0], $0xffff  }
0x296: {  	v33 =	vld.idx.msk [tilespmem:v56+s14+$0x0], $0xffff;
	v52 =	vor.u32 v62, v17;
	v54 =	vor.u32 v62, v18;
	v29 =	vadd.f32 v31, v29  }
0x297: {  	v31 =	vmul.f32 v34, v34;
	v26 =	vadd.f32 v55, v26;
	v55 =	vor.u32 $0x4, v22  }
0x298: {  	v53 =	vld.idx.msk [tilespmem:v47+s14+$0x0], $0xffff;
	v30 =	vadd.f32 v57, v30;
	v25 =	vadd.f32 v58, v25;
	v57 =	vor.u32 v21, v55  }
0x299: {  	v58 =	vmul.f32 v38, v38;
	v28 =	vadd.f32 v31, v28;
	v31 =	vld.idx.msk [tilespmem:v36+s14+$0x0], $0xffff;
	v36 =	vmul.f32 v59, v59  }
0x29a: {  	v60 =	vor.u32 v55, v19;
	v45 =	vmul.f32 v39, v37;
	v39 =	vmul.f32 v39, v39  }
0x29b: {  	v29 =	vadd.f32 v40, v29;
	v48 =	vmul.f32 v59, v32;
	v50 =	vmul.f32 v33, v32  }
0x29c: {  	v33 =	vmul.f32 v33, v33;
	v56 =	vmul.f32 v38, v32;
	v59 =	vor.u32 v55, v20  }
0x29d: {  	v51 =	vld.idx.msk [tilespmem:v46+s14+$0x0], $0xffff;
	v32 =	vmul.f32 v49, v32;
	v47 =	vmul.f32 v53, v53;
	v30 =	vadd.f32 v36, v30  }
0x29e: {  	v49 =	vor.u32 $0x5, v22;
	v36 =	vld.idx.msk [tilespmem:v52+s14+$0x0], $0xffff;
	v24 =	vadd.f32 v45, v24;
	v28 =	vadd.f32 v39, v28  }
0x29f: {  	v52 =	vor.u32 v49, v20;
	v26 =	vadd.f32 v48, v26;
	v29 =	vadd.f32 v33, v29;
	v33 =	vld.idx.msk [tilespmem:v57+s10+$0x0], $0xffff  }
0x2a0: {  	v25 =	vadd.f32 v50, v25;
	v45 =	vor.u32 v55, v17;
	v34 =	vld.idx.msk [tilespmem:v60+s14+$0x0], $0xffff;
	v37 =	vmul.f32 v31, v37  }
0x2a1: {  	v48 =	vor.u32 v55, v18;
	v39 =	vor.u32 v49, v18;
	v31 =	vmul.f32 v31, v31  }
0x2a2: {  	v57 =	vor.u32 v49, v17;
	v24 =	vadd.f32 v56, v24;
	v46 =	vld.idx.msk [tilespmem:v59+s14+$0x0], $0xffff;
	v23 =	vadd.f32 v37, v23  }
0x2a3: {  	v28 =	vadd.f32 v58, v28;
	v27 =	vadd.f32 v31, v27;
	v31 =	vld.idx.msk [tilespmem:v63+s10+$0x0], $0xffff;
	v63 =	vmul.f32 v51, v51  }
0x2a4: {  	v29 =	vadd.f32 v47, v29;
	v56 =	vor.u32 v49, v19;
	v23 =	vadd.f32 v32, v23  }
0x2a5: {  	v40 =	vld.idx.msk [tilespmem:v54+s14+$0x0], $0xffff;
	v27 =	vadd.f32 v61, v27;
	v30 =	vadd.f32 v63, v30;
	v55 =	vmul.f32 v34, v33  }
0x2a6: {  	v59 =	vld.idx.msk [tilespmem:v52+s14+$0x0], $0xffff;
	v58 =	vmul.f32 v34, v34;
	v61 =	vor.u32 $0x6, v22;
	v22 =	vor.u32 $0x7, v22  }
0x2a7: {  	v38 =	vld.idx.msk [tilespmem:v48+s14+$0x0], $0xffff;
	v63 =	vor.u32 v21, v61;
	v48 =	vor.u32 v61, v19;
	v52 =	vor.u32 v61, v18  }
0x2a8: {  	v19 =	vor.u32 v22, v19;
	v18 =	vor.u32 v22, v18;
	v54 =	vmul.f32 v46, v33  }
0x2a9: {  	v32 =	vmul.f32 v46, v46;
	v29 =	vadd.f32 v58, v29;
	v46 =	vor.u32 v61, v20  }
0x2aa: {  	v37 =	vld.idx.msk [tilespmem:v57+s14+$0x0], $0xffff;
	v20 =	vor.u32 v22, v20;
	v62 =	vmul.f32 v51, v31;
	v44 =	vmul.f32 v53, v31  }
0x2ab: {  	v50 =	vmul.f32 v36, v31;
	v36 =	vmul.f32 v36, v36;
	v51 =	vor.u32 v21, v49  }
0x2ac: {  	v31 =	vmul.f32 v40, v31;
	v53 =	vld.idx.msk [tilespmem:v45+s14+$0x0], $0xffff;
	v21 =	vor.u32 v21, v22;
	v30 =	vadd.f32 v32, v30  }
0x2ad: {  	v47 =	vmul.f32 v38, v38;
	v26 =	vadd.f32 v62, v26;
	v25 =	vadd.f32 v44, v25  }
0x2ae: {  	v45 =	vld.idx.msk [tilespmem:v56+s14+$0x0], $0xffff;
	v24 =	vadd.f32 v50, v24;
	v23 =	vadd.f32 v31, v23;
	v31 =	vmul.f32 v40, v40  }
0x2af: {  	v28 =	vadd.f32 v36, v28;
	v50 =	vor.u32 v61, v17;
	v58 =	vmul.f32 v37, v37;
	v56 =	vld.idx.msk [tilespmem:v46+s14+$0x0], $0xffff  }
0x2b0: {  	v17 =	vor.u32 v22, v17;
	v27 =	vadd.f32 v31, v27;
	v26 =	vadd.f32 v54, v26;
	v31 =	vld.idx.msk [tilespmem:v51+s10+$0x0], $0xffff  }
0x2b1: {  	v25 =	vadd.f32 v55, v25;
	v60 =	vmul.f32 v53, v33;
	v62 =	vmul.f32 v53, v53;
	v51 =	vld.idx.msk [tilespmem:v39+s14+$0x0], $0xffff  }
0x2b2: {  	v33 =	vmul.f32 v38, v33;
	v53 =	vmul.f32 v59, v59;
	v38 =	vld.idx.msk [tilespmem:v48+s14+$0x0], $0xffff;
	v27 =	vadd.f32 v47, v27  }
0x2b3: {  	v54 =	vld.idx.msk [tilespmem:v63+s10+$0x0], $0xffff;
	v35 =	vmul.f32 v45, v45;
	v24 =	vadd.f32 v60, v24;
	v28 =	vadd.f32 v62, v28  }
0x2b4: {  	v23 =	vadd.f32 v33, v23;
	v30 =	vadd.f32 v53, v30;
	v61 =	vmul.f32 v56, v56  }
0x2b5: {  	v29 =	vadd.f32 v35, v29;
	v49 =	vmul.f32 v59, v31;
	v55 =	vmul.f32 v45, v31;
	v59 =	vld.idx.msk [tilespmem:v50+s14+$0x0], $0xffff  }
0x2b6: {  	v20 =	vld.idx.msk [tilespmem:v20+s14+$0x0], $0xffff;
	v28 =	vadd.f32 v58, v28;
	v57 =	vmul.f32 v37, v31;
	v31 =	vmul.f32 v51, v31  }
0x2b7: {  	v60 =	vld.idx.msk [tilespmem:v52+s14+$0x0], $0xffff;
	v22 =	vmul.f32 v51, v51;
	v62 =	vmul.f32 v38, v38;
	v30 =	vadd.f32 v61, v30  }
0x2b8: {  	v21 =	vld.idx.msk [tilespmem:v21+s10+$0x0], $0xffff;
	v26 =	vadd.f32 v49, v26;
	v23 =	vadd.f32 v31, v23;
	v31 =	vmul.f32 v56, v54  }
0x2b9: {  	v19 =	vld.idx.msk [tilespmem:v19+s14+$0x0], $0xffff;
	v25 =	vadd.f32 v55, v25;
	v22 =	vadd.f32 v22, v27;
	v27 =	vmul.f32 v38, v54  }
0x2ba: {  	v24 =	vadd.f32 v57, v24;
	v26 =	vadd.f32 v31, v26;
	v31 =	vmul.f32 v59, v54  }
0x2bb: {  	v17 =	vld.idx.msk [tilespmem:v17+s14+$0x0], $0xffff;
	v25 =	vadd.f32 v27, v25;
	v27 =	vadd.f32 v62, v29;
	v29 =	vmul.f32 v59, v59  }
0x2bc: {  	v18 =	vld.idx.msk [tilespmem:v18+s14+$0x0], $0xffff;
	v63 =	vmul.f32 v60, v60;
	v24 =	vadd.f32 v31, v24;
	v31 =	vmul.f32 v60, v54  }
0x2bd: {  	v28 =	vadd.f32 v29, v28;
	v29 =	vmul.f32 v20, v21;
	v20 =	vmul.f32 v20, v20  }
0x2be: {  	p0 =	sne.s32 s17, $0x1;
	v22 =	vadd.f32 v63, v22;
	v23 =	vadd.f32 v31, v23;
	v31 =	vmul.f32 v19, v21  }
.Ltmp0:
0x2bf: {  	v26 =	vadd.f32 v29, v26;
	v30 =	vadd.f32 v20, v30;
	v19 =	vmul.f32 v19, v19;
	(pc) =	sbr.rel @p0 .LBB2_2-.Ltmp0, $4  }
0x2c0: {  	v20 =	vmul.f32 v17, v21;
	v17 =	vmul.f32 v17, v17;
	v25 =	vadd.f32 v31, v25  }
0x2c1: {  	v29 =	vadd.f32 v19, v27;
	v19 =	vmul.f32 v18, v21;
	v18 =	vmul.f32 v18, v18  }
0x2c2: {  	v24 =	vadd.f32 v20, v24;
	v28 =	vadd.f32 v17, v28  }
0x2c3: {  	v16 =	vadd.s32 $0x8, v16;
	s17 =	sadd.s32 $0xFFFFFFFF, s17;
	v23 =	vadd.f32 v19, v23;
	v27 =	vadd.f32 v18, v22  }
0x2c4: {  	v16 =	vmax.f32 v30, $9.999999960e-13;
	v18 =	vmax.f32 v29, $9.999999960e-13  }
0x2c5: {  	v22 =	vmax.f32 v28, $9.999999960e-13;
	v17 =	vshra.s32 v16, $0x1;
	v16 =	vmul.f32 $5.000000000e-01, v16  }
0x2c6: {  	v19 =	vshra.s32 v18, $0x1;
	v18 =	vmul.f32 $5.000000000e-01, v18;
	v28 =	vshra.s32 v22, $0x1  }
0x2c7: {  	v22 =	vmul.f32 $5.000000000e-01, v22;
	v27 =	vmax.f32 v27, $9.999999960e-13;
	v17 =	vsub.s32 $0x5F3759DF, v17  }
0x2c8: {  	v19 =	vsub.s32 $0x5F3759DF, v19;
	v28 =	vsub.s32 $0x5F3759DF, v28;
	v20 =	vmul.f32 v17, v16  }
0x2c9: {  	v29 =	vshra.s32 v27, $0x1;
	v27 =	vmul.f32 $5.000000000e-01, v27;
	v21 =	vmul.f32 v19, v18  }
0x2ca: {  	v30 =	vmul.f32 v28, v22;
	v29 =	vsub.s32 $0x5F3759DF, v29;
	v20 =	vmul.f32 v17, v20  }
0x2cb: {  	v31 =	vmul.f32 v29, v27;
	v21 =	vmul.f32 v19, v21  }
0x2cc: {  	v30 =	vmul.f32 v28, v30;
	v20 =	vsub.f32 $1.500000000e+00, v20  }
0x2cd: {  	v31 =	vmul.f32 v29, v31;
	v21 =	vsub.f32 $1.500000000e+00, v21  }
0x2ce: {  	v17 =	vmul.f32 v17, v20;
	v20 =	vsub.f32 $1.500000000e+00, v30  }
0x2cf: {  	v19 =	vmul.f32 v19, v21;
	v21 =	vsub.f32 $1.500000000e+00, v31  }
0x2d0: {  	v30 =	vmul.f32 v17, v16;
	v20 =	vmul.f32 v28, v20  }
0x2d1: {  	v28 =	vmul.f32 v19, v18;
	v21 =	vmul.f32 v29, v21  }
0x2d2: {  	v29 =	vmul.f32 v30, v17;
	v30 =	vmul.f32 v20, v22  }
0x2d3: {  	v28 =	vmul.f32 v28, v19;
	v31 =	vmul.f32 v21, v27  }
0x2d4: {  	v29 =	vsub.f32 $1.500000000e+00, v29;
	v30 =	vmul.f32 v30, v20  }
0x2d5: {  	v28 =	vsub.f32 $1.500000000e+00, v28;
	v31 =	vmul.f32 v31, v21  }
0x2d6: {  	v17 =	vmul.f32 v29, v17;
	v29 =	vsub.f32 $1.500000000e+00, v30  }
0x2d7: {  	v19 =	vmul.f32 v28, v19;
	v28 =	vsub.f32 $1.500000000e+00, v31  }
0x2d8: {  	v20 =	vmul.f32 v29, v20;
	v16 =	vmul.f32 v17, v16  }
0x2d9: {  	v21 =	vmul.f32 v28, v21;
	v18 =	vmul.f32 v19, v18  }
0x2da: {  	v16 =	vmul.f32 v16, v17;
	v22 =	vmul.f32 v20, v22  }
0x2db: {  	v18 =	vmul.f32 v18, v19;
	v27 =	vmul.f32 v21, v27  }
0x2dc: {  	v16 =	vsub.f32 $1.500000000e+00, v16;
	v22 =	vmul.f32 v22, v20  }
0x2dd: {  	v18 =	vsub.f32 $1.500000000e+00, v18;
	v27 =	vmul.f32 v27, v21  }
0x2de: {  	v16 =	vmul.f32 v16, v17;
	v17 =	vsub.f32 $1.500000000e+00, v22  }
0x2df: {  	v18 =	vmul.f32 v18, v19;
	v19 =	vsub.f32 $1.500000000e+00, v27  }
0x2e0: {  	v16 =	vmul.f32 v16, v26;
	v17 =	vmul.f32 v17, v20  }
0x2e1: {  	v18 =	vmul.f32 v18, v25;
	v19 =	vmul.f32 v19, v21  }
0x2e2: {  	[tilespmem:$0x4280] =	vst v16;
	v16 =	vmul.f32 v17, v24  }
0x2e3: {  	[tilespmem:$0x4290] =	vst v18;
	v17 =	vmul.f32 v19, v23  }
0x2e4: {  	[tilespmem:$0x42A0] =	vst v16  }
0x2e5: {  	[tilespmem:$0x42B0] =	vst v17  }
0x2e6: {  	v30 =	vimm.f32 $0.0e+00;
	v28 =	vimm.f32 $0.0e+00;
	v29 =	vimm.f32 $0.0e+00;
	_ =	swait.ge [sflag:s11], $0x2000  }
0x2e7: {  	v27 =	vimm.f32 $0.0e+00;
	v25 =	vimm.f32 $0.0e+00;
	v26 =	vimm.f32 $0.0e+00;
	[sflag:s11] =	ssyncset.done $0x0  }
0x2e8: {  	s17 =	simm.s32 $0x8;
	v23 =	vimm.f32 $0.0e+00;
	v24 =	vimm.f32 $0.0e+00;
	v16 =	vimm.s32 $0x0;
	[sflag:s11] =	ssyncadd.s32 $0xFFFFE000  }
.LBB2_4:
0x2e9: {  	v21 =	vand.u32 $0xFFFFFF80, v16;
	v17 =	vor.u32 $0x2000, v9  }
0x2ea: {  	v22 =	vand.u32 $0x78, v16;
	v18 =	vor.u32 $0x3800, v9;
	v20 =	vadd.s32 v17, v21  }
0x2eb: {  	v18 =	vadd.s32 v18, v21;
	v31 =	vor.u32 v22, v20  }
0x2ec: {  	v36 =	vor.u32 $0x1, v22;
	v35 =	vor.u32 v22, v18  }
0x2ed: {  	v37 =	vor.u32 v21, v36  }
0x2ee: {  	v17 =	vor.u32 $0x2800, v9;
	v42 =	vor.u32 $0x2, v22;
	v38 =	vor.u32 v36, v20  }
0x2ef: {  	v33 =	vld.idx.msk [tilespmem:v16+s10+$0x0], $0xffff;
	v19 =	vadd.s32 v17, v21;
	v61 =	vor.u32 v42, v18  }
0x2f0: {  	v32 =	vor.u32 v22, v19;
	v31 =	vld.idx.msk [tilespmem:v31+s14+$0x0], $0xffff  }
0x2f1: {  	v17 =	vor.u32 $0x3000, v9;
	v40 =	vor.u32 v36, v19;
	v35 =	vld.idx.msk [tilespmem:v35+s14+$0x0], $0xffff  }
0x2f2: {  	v17 =	vadd.s32 v17, v21;
	v37 =	vld.idx.msk [tilespmem:v37+s10+$0x0], $0xffff  }
0x2f3: {  	v34 =	vor.u32 v22, v17;
	v38 =	vld.idx.msk [tilespmem:v38+s14+$0x0], $0xffff  }
0x2f4: {  	v49 =	vld.idx.msk [tilespmem:v61+s14+$0x0], $0xffff  }
0x2f5: {  	v62 =	vor.u32 $0x3, v22;
	v32 =	vld.idx.msk [tilespmem:v32+s14+$0x0], $0xffff  }
0x2f6: {  	v52 =	vor.u32 v21, v42;
	v43 =	vor.u32 v42, v20;
	v63 =	vor.u32 v21, v62;
	v40 =	vld.idx.msk [tilespmem:v40+s14+$0x0], $0xffff  }
0x2f7: {  	v46 =	vor.u32 v62, v20;
	v60 =	vor.u32 v42, v17;
	v39 =	vmul.f32 v31, v33  }
0x2f8: {  	v51 =	vor.u32 v36, v17;
	v34 =	vld.idx.msk [tilespmem:v34+s14+$0x0], $0xffff;
	v31 =	vmul.f32 v31, v31;
	v54 =	vmul.f32 v35, v35  }
0x2f9: {  	v56 =	vor.u32 v42, v19;
	v55 =	vmul.f32 v38, v37;
	v57 =	vmul.f32 v38, v38  }
0x2fa: {  	v47 =	vor.u32 v62, v19;
	v61 =	vmul.f32 v49, v49;
	v41 =	vmul.f32 v32, v33  }
0x2fb: {  	v36 =	vor.u32 v36, v18;
	v59 =	vld.idx.msk [tilespmem:v43+s14+$0x0], $0xffff;
	v58 =	vmul.f32 v40, v37;
	v40 =	vmul.f32 v40, v40  }
0x2fc: {  	v38 =	vld.idx.msk [tilespmem:v60+s14+$0x0], $0xffff;
	v26 =	vadd.f32 v39, v26;
	v30 =	vadd.f32 v31, v30;
	v31 =	vmul.f32 v32, v32  }
0x2fd: {  	v53 =	vmul.f32 v34, v33;
	v33 =	vmul.f32 v35, v33;
	v39 =	vld.idx.msk [tilespmem:v51+s14+$0x0], $0xffff;
	v27 =	vadd.f32 v54, v27  }
0x2fe: {  	v32 =	vld.idx.msk [tilespmem:v52+s10+$0x0], $0xffff;
	v52 =	vor.u32 v62, v17;
	v54 =	vor.u32 v62, v18;
	v25 =	vadd.f32 v41, v25  }
0x2ff: {  	v29 =	vadd.f32 v31, v29;
	v31 =	vmul.f32 v34, v34;
	v24 =	vadd.f32 v53, v24  }
0x300: {  	v23 =	vadd.f32 v33, v23;
	v26 =	vadd.f32 v55, v26;
	v55 =	vor.u32 $0x4, v22  }
0x301: {  	v30 =	vadd.f32 v57, v30;
	v33 =	vld.idx.msk [tilespmem:v56+s14+$0x0], $0xffff;
	v25 =	vadd.f32 v58, v25;
	v57 =	vor.u32 v21, v55  }
0x302: {  	v58 =	vmul.f32 v38, v38;
	v28 =	vadd.f32 v31, v28;
	v31 =	vld.idx.msk [tilespmem:v36+s14+$0x0], $0xffff;
	v36 =	vmul.f32 v59, v59  }
0x303: {  	v53 =	vld.idx.msk [tilespmem:v47+s14+$0x0], $0xffff;
	v60 =	vor.u32 v55, v19;
	v45 =	vmul.f32 v39, v37;
	v39 =	vmul.f32 v39, v39  }
0x304: {  	v29 =	vadd.f32 v40, v29;
	v48 =	vmul.f32 v59, v32;
	v56 =	vmul.f32 v38, v32  }
0x305: {  	v59 =	vor.u32 v55, v20;
	v30 =	vadd.f32 v36, v30;
	v24 =	vadd.f32 v45, v24  }
0x306: {  	v28 =	vadd.f32 v39, v28;
	v26 =	vadd.f32 v48, v26;
	v50 =	vmul.f32 v33, v32  }
0x307: {  	v51 =	vld.idx.msk [tilespmem:v46+s14+$0x0], $0xffff;
	v33 =	vmul.f32 v33, v33;
	v32 =	vmul.f32 v49, v32;
	v45 =	vor.u32 v55, v17  }
0x308: {  	v36 =	vld.idx.msk [tilespmem:v52+s14+$0x0], $0xffff;
	v47 =	vmul.f32 v53, v53;
	v48 =	vor.u32 v55, v18;
	v49 =	vor.u32 $0x5, v22  }
0x309: {  	v34 =	vld.idx.msk [tilespmem:v60+s14+$0x0], $0xffff;
	v52 =	vor.u32 v49, v20;
	v37 =	vmul.f32 v31, v37;
	v25 =	vadd.f32 v50, v25  }
0x30a: {  	v31 =	vmul.f32 v31, v31;
	v29 =	vadd.f32 v33, v29;
	v24 =	vadd.f32 v56, v24;
	v33 =	vld.idx.msk [tilespmem:v57+s10+$0x0], $0xffff  }
0x30b: {  	v39 =	vor.u32 v49, v18;
	v28 =	vadd.f32 v58, v28;
	v46 =	vld.idx.msk [tilespmem:v59+s14+$0x0], $0xffff;
	v23 =	vadd.f32 v37, v23  }
0x30c: {  	v56 =	vor.u32 v49, v19;
	v27 =	vadd.f32 v31, v27;
	v31 =	vld.idx.msk [tilespmem:v63+s10+$0x0], $0xffff;
	v63 =	vmul.f32 v51, v51  }
0x30d: {  	v57 =	vor.u32 v49, v17;
	v29 =	vadd.f32 v47, v29;
	v23 =	vadd.f32 v32, v23  }
0x30e: {  	v40 =	vld.idx.msk [tilespmem:v54+s14+$0x0], $0xffff;
	v27 =	vadd.f32 v61, v27;
	v30 =	vadd.f32 v63, v30;
	v58 =	vmul.f32 v34, v34  }
0x30f: {  	v38 =	vld.idx.msk [tilespmem:v48+s14+$0x0], $0xffff;
	v61 =	vor.u32 $0x6, v22;
	v22 =	vor.u32 $0x7, v22;
	v55 =	vmul.f32 v34, v33  }
0x310: {  	v59 =	vld.idx.msk [tilespmem:v52+s14+$0x0], $0xffff;
	v63 =	vor.u32 v21, v61;
	v48 =	vor.u32 v61, v19;
	v52 =	vor.u32 v61, v18  }
0x311: {  	v19 =	vor.u32 v22, v19;
	v18 =	vor.u32 v22, v18;
	v54 =	vmul.f32 v46, v33  }
0x312: {  	v32 =	vmul.f32 v46, v46;
	v29 =	vadd.f32 v58, v29;
	v46 =	vor.u32 v61, v20  }
0x313: {  	v20 =	vor.u32 v22, v20;
	v62 =	vmul.f32 v51, v31;
	v44 =	vmul.f32 v53, v31  }
0x314: {  	v37 =	vld.idx.msk [tilespmem:v57+s14+$0x0], $0xffff;
	v50 =	vmul.f32 v36, v31;
	v36 =	vmul.f32 v36, v36;
	v51 =	vor.u32 v21, v49  }
0x315: {  	v31 =	vmul.f32 v40, v31;
	v53 =	vld.idx.msk [tilespmem:v45+s14+$0x0], $0xffff;
	v21 =	vor.u32 v21, v22;
	v30 =	vadd.f32 v32, v30  }
0x316: {  	v47 =	vmul.f32 v38, v38;
	v26 =	vadd.f32 v62, v26;
	v25 =	vadd.f32 v44, v25  }
0x317: {  	v45 =	vld.idx.msk [tilespmem:v56+s14+$0x0], $0xffff;
	v24 =	vadd.f32 v50, v24;
	v23 =	vadd.f32 v31, v23;
	v31 =	vmul.f32 v40, v40  }
0x318: {  	v28 =	vadd.f32 v36, v28;
	v50 =	vor.u32 v61, v17;
	v17 =	vor.u32 v22, v17;
	v56 =	vld.idx.msk [tilespmem:v46+s14+$0x0], $0xffff  }
0x319: {  	v58 =	vmul.f32 v37, v37;
	v27 =	vadd.f32 v31, v27;
	v26 =	vadd.f32 v54, v26;
	v31 =	vld.idx.msk [tilespmem:v51+s10+$0x0], $0xffff  }
0x31a: {  	v25 =	vadd.f32 v55, v25;
	v60 =	vmul.f32 v53, v33;
	v62 =	vmul.f32 v53, v53;
	v51 =	vld.idx.msk [tilespmem:v39+s14+$0x0], $0xffff  }
0x31b: {  	v33 =	vmul.f32 v38, v33;
	v53 =	vmul.f32 v59, v59;
	v38 =	vld.idx.msk [tilespmem:v48+s14+$0x0], $0xffff;
	v27 =	vadd.f32 v47, v27  }
0x31c: {  	v54 =	vld.idx.msk [tilespmem:v63+s10+$0x0], $0xffff;
	v35 =	vmul.f32 v45, v45;
	v24 =	vadd.f32 v60, v24;
	v28 =	vadd.f32 v62, v28  }
0x31d: {  	v23 =	vadd.f32 v33, v23;
	v30 =	vadd.f32 v53, v30;
	v61 =	vmul.f32 v56, v56  }
0x31e: {  	v29 =	vadd.f32 v35, v29;
	v49 =	vmul.f32 v59, v31;
	v55 =	vmul.f32 v45, v31;
	v59 =	vld.idx.msk [tilespmem:v50+s14+$0x0], $0xffff  }
0x31f: {  	v20 =	vld.idx.msk [tilespmem:v20+s14+$0x0], $0xffff;
	v28 =	vadd.f32 v58, v28;
	v57 =	vmul.f32 v37, v31;
	v31 =	vmul.f32 v51, v31  }
0x320: {  	v60 =	vld.idx.msk [tilespmem:v52+s14+$0x0], $0xffff;
	v22 =	vmul.f32 v51, v51;
	v62 =	vmul.f32 v38, v38;
	v30 =	vadd.f32 v61, v30  }
0x321: {  	v21 =	vld.idx.msk [tilespmem:v21+s10+$0x0], $0xffff;
	v26 =	vadd.f32 v49, v26;
	v23 =	vadd.f32 v31, v23;
	v31 =	vmul.f32 v56, v54  }
0x322: {  	v19 =	vld.idx.msk [tilespmem:v19+s14+$0x0], $0xffff;
	v25 =	vadd.f32 v55, v25;
	v22 =	vadd.f32 v22, v27;
	v27 =	vmul.f32 v38, v54  }
0x323: {  	v24 =	vadd.f32 v57, v24;
	v26 =	vadd.f32 v31, v26;
	v31 =	vmul.f32 v59, v54  }
0x324: {  	v17 =	vld.idx.msk [tilespmem:v17+s14+$0x0], $0xffff;
	v25 =	vadd.f32 v27, v25;
	v27 =	vadd.f32 v62, v29;
	v29 =	vmul.f32 v59, v59  }
0x325: {  	v18 =	vld.idx.msk [tilespmem:v18+s14+$0x0], $0xffff;
	v63 =	vmul.f32 v60, v60;
	v24 =	vadd.f32 v31, v24;
	v31 =	vmul.f32 v60, v54  }
0x326: {  	v28 =	vadd.f32 v29, v28;
	v29 =	vmul.f32 v20, v21;
	v20 =	vmul.f32 v20, v20  }
0x327: {  	p0 =	sne.s32 s17, $0x1;
	v22 =	vadd.f32 v63, v22;
	v23 =	vadd.f32 v31, v23;
	v31 =	vmul.f32 v19, v21  }
.Ltmp1:
0x328: {  	v26 =	vadd.f32 v29, v26;
	v30 =	vadd.f32 v20, v30;
	v19 =	vmul.f32 v19, v19;
	(pc) =	sbr.rel @p0 .LBB2_4-.Ltmp1, $4  }
0x329: {  	v20 =	vmul.f32 v17, v21;
	v17 =	vmul.f32 v17, v17;
	v25 =	vadd.f32 v31, v25  }
0x32a: {  	v29 =	vadd.f32 v19, v27;
	v19 =	vmul.f32 v18, v21;
	v18 =	vmul.f32 v18, v18  }
0x32b: {  	v24 =	vadd.f32 v20, v24;
	v28 =	vadd.f32 v17, v28  }
0x32c: {  	v16 =	vadd.s32 $0x8, v16;
	s17 =	sadd.s32 $0xFFFFFFFF, s17;
	v23 =	vadd.f32 v19, v23;
	v27 =	vadd.f32 v18, v22  }
0x32d: {  	v16 =	vmax.f32 v30, $9.999999960e-13;
	v18 =	vmax.f32 v29, $9.999999960e-13  }
0x32e: {  	v22 =	vmax.f32 v28, $9.999999960e-13;
	v17 =	vshra.s32 v16, $0x1;
	v16 =	vmul.f32 $5.000000000e-01, v16  }
0x32f: {  	v19 =	vshra.s32 v18, $0x1;
	v18 =	vmul.f32 $5.000000000e-01, v18;
	v28 =	vshra.s32 v22, $0x1  }
0x330: {  	v22 =	vmul.f32 $5.000000000e-01, v22;
	v27 =	vmax.f32 v27, $9.999999960e-13;
	v17 =	vsub.s32 $0x5F3759DF, v17  }
0x331: {  	v19 =	vsub.s32 $0x5F3759DF, v19;
	v28 =	vsub.s32 $0x5F3759DF, v28;
	v20 =	vmul.f32 v17, v16  }
0x332: {  	v52 =	vshra.s32 v27, $0x1;
	v27 =	vmul.f32 $5.000000000e-01, v27;
	v21 =	vmul.f32 v19, v18  }
0x333: {  	v53 =	vmul.f32 v28, v22;
	v29 =	vsub.s32 $0x5F3759DF, v52;
	v20 =	vmul.f32 v17, v20  }
0x334: {  	v31 =	vmul.f32 v29, v27;
	v21 =	vmul.f32 v19, v21  }
0x335: {  	v30 =	vmul.f32 v28, v53;
	v20 =	vsub.f32 $1.500000000e+00, v20  }
0x336: {  	v31 =	vmul.f32 v29, v31;
	v21 =	vsub.f32 $1.500000000e+00, v21  }
0x337: {  	v54 =	vsub.f32 $1.500000000e+00, v30;
	v17 =	vmul.f32 v17, v20  }
0x338: {  	v55 =	vsub.f32 $1.500000000e+00, v31;
	v19 =	vmul.f32 v19, v21  }
0x339: {  	v20 =	vmul.f32 v28, v54;
	v56 =	vmul.f32 v17, v16  }
0x33a: {  	v21 =	vmul.f32 v29, v55;
	v57 =	vmul.f32 v19, v18  }
0x33b: {  	v59 =	vmul.f32 v20, v22;
	v58 =	vmul.f32 v56, v17  }
0x33c: {  	v60 =	vmul.f32 v21, v27;
	v28 =	vmul.f32 v57, v19  }
0x33d: {  	v30 =	vmul.f32 v59, v20;
	v29 =	vsub.f32 $1.500000000e+00, v58  }
0x33e: {  	v31 =	vmul.f32 v60, v21;
	v28 =	vsub.f32 $1.500000000e+00, v28  }
0x33f: {  	v61 =	vsub.f32 $1.500000000e+00, v30;
	v17 =	vmul.f32 v29, v17  }
0x340: {  	v62 =	vsub.f32 $1.500000000e+00, v31;
	v19 =	vmul.f32 v28, v19  }
0x341: {  	v20 =	vmul.f32 v61, v20;
	v16 =	vmul.f32 v17, v16  }
0x342: {  	v21 =	vmul.f32 v62, v21;
	v18 =	vmul.f32 v19, v18  }
0x343: {  	v22 =	vmul.f32 v20, v22;
	v16 =	vmul.f32 v16, v17  }
0x344: {  	v27 =	vmul.f32 v21, v27;
	v18 =	vmul.f32 v18, v19  }
0x345: {  	v22 =	vmul.f32 v22, v20;
	v16 =	vsub.f32 $1.500000000e+00, v16  }
0x346: {  	v27 =	vmul.f32 v27, v21;
	v18 =	vsub.f32 $1.500000000e+00, v18  }
0x347: {  	v16 =	vmul.f32 v16, v17;
	v17 =	vsub.f32 $1.500000000e+00, v22  }
0x348: {  	v63 =	vsub.f32 $1.500000000e+00, v27;
	v18 =	vmul.f32 v18, v19  }
0x349: {  	v16 =	vmul.f32 v16, v26;
	v17 =	vmul.f32 v17, v20  }
0x34a: {  	v19 =	vmul.f32 v63, v21;
	v18 =	vmul.f32 v18, v25  }
0x34b: {  	[tilespmem:$0x42C0] =	vst v16;
	v16 =	vmul.f32 v17, v24  }
0x34c: {  	s16 =	sadd.s32 $0x1, s16;
	[tilespmem:$0x42D0] =	vst v18;
	v17 =	vmul.f32 v19, v23  }
0x34d: {  	p0 =	sne.s32 s16, s9;
	[tilespmem:$0x42E0] =	vst v16  }
.Ltmp2:
0x34e: {  	[tilespmem:$0x42F0] =	vst v17;
	(pc) =	sbr.rel @p0 .LBB2_1-.Ltmp2, $4  }
0x34f: {  	[hbm4b:s8+s3] =	stream.linear.scatter [tilespmem:s13], [sflag:$0x4], $0x80, $0x38;
	[tilespmem:$0x4300] =	vst v63  }
0x350: {  	_ =	swait.ge [sflag:s15], $0x80  }
0x351: {  	[sflag:s15] =	ssyncset.done $0x0  }
0x352: {  	[sflag:s15] =	ssyncadd.s32 $0xFFFFFF80  }
0x353: {  	_ =	sfence.sel $0x180000  }
0x354: {  	[bflag:$0x0] =	sbarrier.arrive $0xFFFF  }
0x355: {  	_ =	strace $0x90000047  }
0x356: {  	s0 =	stileid.u32;
	[bflag:$0x2] =	sbarrier.arrive $0xFFFF  }
0x357: {  	p0 =	sne.s32 s0, $0x0;
	s0 =	rddreg [dreg:$0x3]  }
0x358: {  	s0 =	sadd.s32 @!p0 $0x100000, s0  }
0x359: {  	[sflag:s0] =	ssyncadd.tile.s32 @!p0 $0x1;
	_ =	shalt  }
.Lfunc_end2:
_tile_overlayer_lowered:
.L_overlay_start_2:
0x35a: {  	(tag) =	ssettag $0x2  }
0x35b: {  	s0 =	rddreg [dreg:$0x0];
	s2 =	stileid.u32  }
0x35c: {  	s1 =	rddreg [dreg:$0x1];
	p0 =	sne.s32 s2, $0x0  }
0x35d: {  	s3 =	rddreg [dreg:$0x2];
	[bflag:$0x3] =	sbarrier.arrive $0xFFFF;
	s2 =	simm.s32 @!p0 $0x1C04  }
0x35e: {  	[timem:s3], [sflag:s2] =	dma.local @!p0 [hbm:s0], s1  }
0x35f: {  	s0 =	simm.s32 @!p0 $0x4  }
0x360: {  	_ =	swait.ge @!p0 [sflag:s0], s1  }
0x361: {  	s1 =	ssub.s32 @!p0 $0x0, s1;
	[sflag:s0] =	ssyncset.done @!p0 $0x0  }
0x362: {  	[sflag:s0] =	ssyncadd.s32 @!p0 s1  }
0x363: {  	[bflag:$0x3] =	sbarrier.arrive $0xFFFF  }
0x364: {  	_ =	shalt  }

</sc_bundles>
